<compile_context>
chip_gen: v7x
topology: tpu7x:2x2x1
jax: 0.10.2.dev20260603
libtpu: 0.0.44.dev20260713+nightly
codegen_flags: <defaults>
</compile_context>

<pallas_src>
import functools

import jax
import jax.numpy as jnp
from jax import lax
from jax.experimental import pallas as pl
from jax.experimental.pallas import tpu as pltpu
from jax.experimental.pallas import tpu_sc as plsc

_N = 10000
_E = 320000
_FIN = 128
_H = 256
_HALF = 128
_C = 10
_EPS = 1e-5

_NC = 2
_NS = 16
_CH = 128

_RPT = 624
_RXTRA = _N - _RPT * _NS

_mesh = plsc.VectorSubcoreMesh(
    core_axis_name="c", subcore_axis_name="s", num_cores=_NC, num_subcores=_NS
)


def _zero_my_shared_slice(acc_sh, zbuf, sid):
    base = sid * _RPT
    for off, size in ((0, 128), (128, 128), (256, 128), (384, 128), (512, 112)):
        pltpu.sync_copy(zbuf.at[pl.ds(0, size)],
                        acc_sh.at[pl.ds(base + off, size)])

    @pl.when(sid == _NS - 1)
    def _():
        pltpu.sync_copy(zbuf.at[pl.ds(0, _RXTRA)],
                        acc_sh.at[pl.ds(_RPT * _NS, _RXTRA)])


def _writeout_my_shared_slice(acc_sh, out_hbm, c, sid):
    base = sid * _RPT
    pltpu.sync_copy(acc_sh.at[pl.ds(base, _RPT)],
                    out_hbm.at[c, pl.ds(base, _RPT)])

    @pl.when(sid == _NS - 1)
    def _():
        pltpu.sync_copy(acc_sh.at[pl.ds(_RPT * _NS, _RXTRA)],
                        out_hbm.at[c, pl.ds(_RPT * _NS, _RXTRA)])



_DW = 16
_DEG_CPW = (_E // _CH) // (_NC * _NS)
_DEG_XTRA = (_E // _CH) - _DEG_CPW * _NC * _NS


def _deg_body(dst_hbm, out_hbm, deg_sh, upd, dst_buf, sem):
    c = lax.axis_index("c")
    sid = lax.axis_index("s")

    def fill(i, _):
        upd[i, pl.ds(0, 16)] = jnp.zeros((16,), jnp.float32)
        return 0

    lax.fori_loop(0, _CH, fill, 0)
    _zero_my_shared_slice(deg_sh, upd, sid)

    def fill1(i, _):
        upd[i, pl.ds(0, 16)] = jnp.ones((16,), jnp.float32)
        return 0

    lax.fori_loop(0, _CH, fill1, 0)
    plsc.subcore_barrier()

    wid = c * _NS + sid
    ebase = wid * _DEG_CPW * _CH

    def chunk(i, _):
        pltpu.sync_copy(dst_hbm.at[pl.ds(ebase + i * _CH, _CH)], dst_buf)
        pltpu.sync_copy(upd, deg_sh.at[dst_buf], add=True)
        return 0

    lax.fori_loop(0, _DEG_CPW, chunk, 0)

    @pl.when(wid < _DEG_XTRA)
    def _():
        b = (_DEG_CPW * _NC * _NS + wid) * _CH
        pltpu.sync_copy(dst_hbm.at[pl.ds(b, _CH)], dst_buf)
        pltpu.sync_copy(upd, deg_sh.at[dst_buf], add=True)

    plsc.subcore_barrier()
    _writeout_my_shared_slice(deg_sh, out_hbm, c, sid)


_deg_call = pl.kernel(
    _deg_body,
    out_type=jax.ShapeDtypeStruct((_NC, _N, _DW), jnp.float32),
    mesh=_mesh,
    scratch_types=[
        pltpu.VMEM_SHARED((_N, _DW), jnp.float32),
        pltpu.VMEM((_CH, _DW), jnp.float32),
        pltpu.VMEM((_CH,), jnp.int32),
        pltpu.SemaphoreType.DMA,
    ],
)



_NCHUNK = _E // _CH
_CPT = _NCHUNK // _NS
_XTRA = _NCHUNK - _CPT * _NS


def _agg_body(p2_hbm, src_hbm, dst_hbm, out_hbm, s_sh, *rest):
    slots = [rest[5 * i: 5 * i + 5] for i in range(3)]
    c = lax.axis_index("c")
    sid = lax.axis_index("s")

    rows0 = slots[0][3]

    def zrow(i, _):
        for j in range(_HALF // 16):
            rows0[i, pl.ds(j * 16, 16)] = jnp.zeros((16,), jnp.float32)
        return 0

    lax.fori_loop(0, _CH, zrow, 0)
    _zero_my_shared_slice(s_sh, rows0, sid)
    plsc.subcore_barrier()

    ebase = sid * _CPT * _CH

    def start(s_idx, slot):
        srcb, dstb, gi, rows, gsem = slot
        b = ebase + s_idx * _CH
        pltpu.sync_copy(src_hbm.at[pl.ds(b, _CH)], srcb)
        pltpu.sync_copy(dst_hbm.at[pl.ds(b, _CH)], dstb)
        for k in range(_CH // 16):
            sl = pl.ds(k * 16, 16)
            gi[sl] = srcb[sl] * 2 + c
        return pltpu.async_copy(p2_hbm.at[gi], rows, gsem)

    def scatter(slot):
        srcb, dstb, gi, rows, gsem = slot
        pltpu.sync_copy(rows, s_sh.at[dstb], add=True)

    def window(k, _):
        descs = [start(3 * k + pi, slots[pi]) for pi in range(3)]
        for pi in range(3):
            descs[pi].wait()
            scatter(slots[pi])
        return 0

    lax.fori_loop(0, _CPT // 3, window, 0)

    @pl.when(sid < _XTRA)
    def _():
        srcb, dstb, gi, rows, gsem = slots[0]
        b = (_CPT * _NS + sid) * _CH
        pltpu.sync_copy(src_hbm.at[pl.ds(b, _CH)], srcb)
        pltpu.sync_copy(dst_hbm.at[pl.ds(b, _CH)], dstb)
        for k in range(_CH // 16):
            sl = pl.ds(k * 16, 16)
            gi[sl] = srcb[sl] * 2 + c
        pltpu.async_copy(p2_hbm.at[gi], rows, gsem).wait()
        pltpu.sync_copy(rows, s_sh.at[dstb], add=True)

    plsc.subcore_barrier()
    _writeout_my_shared_slice(s_sh, out_hbm, c, sid)


_agg_call = pl.kernel(
    _agg_body,
    out_type=jax.ShapeDtypeStruct((_NC, _N, _HALF), jnp.float32),
    mesh=_mesh,
    scratch_types=(
        [pltpu.VMEM_SHARED((_N, _HALF), jnp.float32)]
        + 3 * [
            pltpu.VMEM((_CH,), jnp.int32),
            pltpu.VMEM((_CH,), jnp.int32),
            pltpu.VMEM((_CH,), jnp.int32),
            pltpu.VMEM((_CH, _HALF), jnp.float32),
            pltpu.SemaphoreType.DMA,
        ]
    ),
)



_BS = 2000
_NG = _N // _BS


def _dinv_block(degp_ref):
    d = degp_ref[0][:, :1] + degp_ref[1][:, :1] + 1.0
    return jax.lax.rsqrt(d)


def _affine(g_ref, b_ref, be_ref):
    gs = g_ref[...][None, :] / jnp.sqrt(jnp.float32(1.0 + _EPS))
    sh = b_ref[...][None, :] * gs + be_ref[...][None, :]
    return gs, sh


def _k0_body(x_ref, w_ref, degp_ref, o_ref):
    dinv = _dinv_block(degp_ref)
    o_ref[...] = (
        jnp.dot(x_ref[...], w_ref[...], preferred_element_type=jnp.float32)
        * dinv)


def _mid_body(has_res, *refs):
    if has_res:
        (s_ref, p_ref, degp_ref, g_ref, b_ref, be_ref, res_ref, w_ref,
         z_ref, pn_ref) = refs
    else:
        (s_ref, p_ref, degp_ref, g_ref, b_ref, be_ref, w_ref,
         z_ref, pn_ref) = refs
    dinv = _dinv_block(degp_ref)
    gs, sh = _affine(g_ref, b_ref, be_ref)
    s_cat = jnp.concatenate([s_ref[0], s_ref[1]], axis=1)
    a = (s_cat + p_ref[...]) * dinv
    z = jnp.maximum(a * gs + sh, 0.0)
    if has_res:
        z = z + res_ref[...]
    z_ref[...] = z
    pn_ref[...] = (
        jnp.dot(z, w_ref[...], preferred_element_type=jnp.float32) * dinv)


def _fin_body(s_ref, p_ref, degp_ref, g_ref, b_ref, be_ref, res_ref, wc_ref,
              bc_ref, acc_ref, o_ref):
    i = pl.program_id(0)
    dinv = _dinv_block(degp_ref)
    gs, sh = _affine(g_ref, b_ref, be_ref)
    s_cat = jnp.concatenate([s_ref[0], s_ref[1]], axis=1)
    a = (s_cat + p_ref[...]) * dinv
    z = jnp.maximum(a * gs + sh, 0.0) + res_ref[...]
    part = jnp.sum(z, axis=0, keepdims=True)

    @pl.when(i == 0)
    def _():
        acc_ref[...] = part

    @pl.when(i > 0)
    def _():
        acc_ref[...] = acc_ref[...] + part

    @pl.when(i == pl.num_programs(0) - 1)
    def _():
        pooled = acc_ref[...] * (1.0 / _N)
        o_ref[...] = (
            jnp.dot(pooled, wc_ref[...], preferred_element_type=jnp.float32)
            + bc_ref[...][None, :]
        )


def _row_spec(w):
    return pl.BlockSpec((_BS, w), lambda i: (i, 0))


def _fixed_spec(r, w):
    return pl.BlockSpec((r, w), lambda i: (0, 0))


_P2_SPEC = pl.BlockSpec((_BS, _H), lambda i: (i, 0))
_S_SPEC = pl.BlockSpec((_NC, _BS, _HALF), lambda i: (0, i, 0))
_DEGP_SPEC = pl.BlockSpec((_NC, _BS, _DW), lambda i: (0, i, 0))
_VEC_SPEC = pl.BlockSpec((_H,), lambda i: (0,))

_P2_TYPE = jax.ShapeDtypeStruct((_N, _H), jnp.float32)
_Z_TYPE = jax.ShapeDtypeStruct((_N, _H), jnp.float32)

_k0 = pl.pallas_call(
    _k0_body,
    grid=(_NG,),
    in_specs=[_row_spec(_FIN), _fixed_spec(_FIN, _H), _DEGP_SPEC],
    out_specs=_P2_SPEC,
    out_shape=_P2_TYPE,
)

_k_mid1 = pl.pallas_call(
    functools.partial(_mid_body, False),
    grid=(_NG,),
    in_specs=[_S_SPEC, _P2_SPEC, _DEGP_SPEC, _VEC_SPEC, _VEC_SPEC, _VEC_SPEC,
              _fixed_spec(_H, _H)],
    out_specs=[_row_spec(_H), _P2_SPEC],
    out_shape=[_Z_TYPE, _P2_TYPE],
)

_k_mid2 = pl.pallas_call(
    functools.partial(_mid_body, True),
    grid=(_NG,),
    in_specs=[_S_SPEC, _P2_SPEC, _DEGP_SPEC, _VEC_SPEC, _VEC_SPEC, _VEC_SPEC,
              _row_spec(_H), _fixed_spec(_H, _H)],
    out_specs=[_row_spec(_H), _P2_SPEC],
    out_shape=[_Z_TYPE, _P2_TYPE],
)

_k_fin = pl.pallas_call(
    _fin_body,
    grid=(_NG,),
    in_specs=[_S_SPEC, _P2_SPEC, _DEGP_SPEC, _VEC_SPEC, _VEC_SPEC, _VEC_SPEC,
              _row_spec(_H), _fixed_spec(_H, _C),
              pl.BlockSpec((_C,), lambda i: (0,))],
    out_specs=[_fixed_spec(1, _H), _fixed_spec(1, _C)],
    out_shape=[jax.ShapeDtypeStruct((1, _H), jnp.float32),
               jax.ShapeDtypeStruct((1, _C), jnp.float32)],
)


def kernel(x, edge_index, W0, b0, W1, b1, W2, b2, g0, be0, g1, be1, g2, be2,
           Wc, bc):
    src = edge_index[0]
    dst = edge_index[1]
    degp = _deg_call(dst)
    p = _k0(x, W0, degp)
    s = _agg_call(p.reshape(2 * _N, _HALF), src, dst)
    z1, p = _k_mid1(s, p, degp, g0, b0, be0, W1)
    s = _agg_call(p.reshape(2 * _N, _HALF), src, dst)
    z2, p = _k_mid2(s, p, degp, g1, b1, be1, z1, W2)
    s = _agg_call(p.reshape(2 * _N, _HALF), src, dst)
    _, out = _k_fin(s, p, degp, g2, b2, be2, z2, Wc, bc)
    return out

# --- scband reference (transcript-rebuilt; emitter-appended) ---
"""Pipeline reference for scband-gcnmodel-74569222193457 (READ-ONLY COPY).

The authoritative reference and input builder live on the scoring server;
editing this copy changes nothing except your own understanding.
"""

import jax, jax.numpy as jnp
import numpy as np

N = 10000
E = 320000
F_IN = 128
H = 256
C = 10
EPS = 1e-5


def setup_inputs(seed: int = 0) -> dict:
    key = jax.random.key(seed)
    ks = jax.random.split(key, 8)
    inp = {}
    inp["x"] = jax.random.normal(ks[0], (N, F_IN), dtype=jnp.float32)
    inp["edge_index"] = jax.random.randint(ks[1], (2, E), 0, N, dtype=jnp.int32)
    inp["W0"] = jax.random.normal(ks[2], (F_IN, H), dtype=jnp.float32) * (1.0 / np.sqrt(F_IN))
    inp["b0"] = jnp.zeros((H,), dtype=jnp.float32)
    inp["W1"] = jax.random.normal(ks[3], (H, H), dtype=jnp.float32) * (1.0 / np.sqrt(H))
    inp["b1"] = jnp.zeros((H,), dtype=jnp.float32)
    inp["W2"] = jax.random.normal(ks[4], (H, H), dtype=jnp.float32) * (1.0 / np.sqrt(H))
    inp["b2"] = jnp.zeros((H,), dtype=jnp.float32)
    inp["g0"] = jnp.ones((H,), dtype=jnp.float32)
    inp["be0"] = jnp.zeros((H,), dtype=jnp.float32)
    inp["g1"] = jnp.ones((H,), dtype=jnp.float32)
    inp["be1"] = jnp.zeros((H,), dtype=jnp.float32)
    inp["g2"] = jnp.ones((H,), dtype=jnp.float32)
    inp["be2"] = jnp.zeros((H,), dtype=jnp.float32)
    inp["Wc"] = jax.random.normal(ks[5], (H, C), dtype=jnp.float32) * (1.0 / np.sqrt(H))
    inp["bc"] = jnp.zeros((C,), dtype=jnp.float32)
    return inp


def reference(x, edge_index, W0, b0, W1, b1, W2, b2, g0, be0, g1, be1, g2, be2, Wc, bc):
    # GCNConv with self-loops and symmetric D^{-1/2} (A+I) D^{-1/2} normalization.
    loop = jnp.arange(N, dtype=edge_index.dtype)
    src = jnp.concatenate([edge_index[0], loop])
    dst = jnp.concatenate([edge_index[1], loop])
    deg = jax.ops.segment_sum(jnp.ones(src.shape[0], dtype=jnp.float32), dst, num_segments=N)
    dinv = jnp.where(deg > 0, 1.0 / jnp.sqrt(deg), 0.0)
    norm = dinv[src] * dinv[dst]

    def gcn(h, W, b):
        h = h @ W
        msg = h[src] * norm[:, None]
        agg = jax.ops.segment_sum(msg, dst, num_segments=N)
        return agg + b

    def bn(h, g, bb):
        # BatchNorm1d in eval mode with initial running stats (mean=0, var=1)
        return (h / jnp.sqrt(1.0 + EPS)) * g + bb

    h = jax.nn.relu(bn(gcn(x, W0, b0), g0, be0))
    for (W, b, g, bb) in ((W1, b1, g1, be1), (W2, b2, g2, be2)):
        h_res = h
        h = jax.nn.relu(bn(gcn(h, W, b), g, bb))
        h = h + h_res
    # global_mean_pool with batch = zeros -> mean over all nodes
    pooled = jnp.mean(h, axis=0, keepdims=True)
    out = pooled @ Wc + bc
    return out

if __name__ == "__main__":
    import jax
    _d = setup_inputs()
    print(jax.jit(kernel)(*tuple(_d.values())))

</pallas_src>

<mosaic_0001>
#map = affine_map<(d0, d1) -> (0)>
#map1 = affine_map<(d0, d1) -> (0, 0, 0)>
module attributes {stable_mosaic.version = 14 : i64} {
  func.func @_deg_body(%arg0: i32, %arg1: i32, %arg2: memref<320000xi32, #tpu.memory_space<hbm>>, %arg3: memref<2x10000x16xf32, #tpu.memory_space<hbm>>, %arg4: memref<10000x16xf32, #tpu.memory_space<vmem_shared>>, %arg5: memref<128x16xf32, #tpu.memory_space<vmem>>, %arg6: memref<128xi32, #tpu.memory_space<vmem>>, %arg7: memref<!tpu.dma_semaphore, #tpu.memory_space<semaphore_mem>>) attributes {dimension_semantics = [#tpu.dimension_semantics<core_parallel>, #tpu.dimension_semantics<subcore_parallel>], iteration_bounds = array<i64: 2, 16>, scalar_prefetch = 0 : i64, scratch_operands = 4 : i64, tpu.core_type = #tpu.core_type<sc_vector_subcore>, window_params = [{transform_indices = #map}, {transform_indices = #map1}]} {
    %scan3A = arith.constant 0 : i32
    %scan3A_0 = arith.constant 0 : i32
    %scan3A_1 = arith.constant 128 : i32
    %scan3A_2 = arith.addi %scan3A_0, %scan3A_1 : i32
    %scan3A_3 = arith.constant 1 : i32
    %scan3A_4 = scf.for %scan3A_51 = %scan3A_0 to %scan3A_2 step %scan3A_3 iter_args(%scan3A_52 = %scan3A) -> (i32)  : i32 {
      %broadcast_in_dim3A = arith.constant 0.000000e+00 : f32
      %broadcast_in_dim3A_53 = vector.broadcast %broadcast_in_dim3A : f32 to vector<16xf32>
      %swap3A = arith.index_cast %scan3A_51 : i32 to index
      %swap3A_54 = arith.constant 0 : index
      %swap3A_55 = tpu.vector_load %arg5[%swap3A, %swap3A_54] {strides = array<i32>} : memref<128x16xf32, #tpu.memory_space<vmem>>, vector<1x16xf32>,
      %swap3A_56 = vector.shape_cast %swap3A_55 : vector<1x16xf32> to vector<16xf32>
      %swap3A_57 = vector.shape_cast %broadcast_in_dim3A_53 : vector<16xf32> to vector<1x16xf32>
      tpu.vector_store %arg5[%swap3A, %swap3A_54], %swap3A_57 {strides = array<i32>} : memref<128x16xf32, #tpu.memory_space<vmem>>, vector<1x16xf32>,
      %scan3A_58 = arith.constant 0 : i32
      scf.yield %scan3A_58 : i32
    }
    %scan3A_5 = arith.constant 128 : i32
    %mul3A = arith.constant 624 : i32
    %mul3A_6 = arith.muli %arg1, %mul3A : i32
    %add3A = arith.constant 0 : i32
    %add3A_7 = arith.addi %mul3A_6, %add3A : i32
    "tpu.region"() ({
      %run_scoped3A = tpu.sem_alloc : memref<!tpu.dma_semaphore, #tpu.memory_space<semaphore_mem>>
      %dma_start3A = arith.constant 0 : i32
      %dma_start3A_51 = arith.constant 0 : i32
      %dma_start3A_52 = tpu.memref_slice %arg5[%dma_start3A, %dma_start3A_51] : memref<128x16xf32, #tpu.memory_space<vmem>> -> memref<128x16xf32, #tpu.memory_space<vmem>>
      %dma_start3A_53 = arith.constant 0 : i32
      %dma_start3A_54 = tpu.memref_slice %arg4[%add3A_7, %dma_start3A_53] : memref<10000x16xf32, #tpu.memory_space<vmem_shared>> -> memref<128x16xf32, #tpu.memory_space<vmem_shared>>
      %dma_start3A_55 = arith.constant 0 : i32
      %dma_start3A_56 = tpu.memref_slice %arg4[%add3A_7, %dma_start3A_55] : memref<10000x16xf32, #tpu.memory_space<vmem_shared>> -> memref<128x16xf32, #tpu.memory_space<vmem_shared>>
      %dma_start3A_57 = arith.constant 0 : i32
      %dma_start3A_58 = arith.constant 0 : i32
      %dma_start3A_59 = tpu.memref_slice %arg5[%dma_start3A_57, %dma_start3A_58] : memref<128x16xf32, #tpu.memory_space<vmem>> -> memref<128x16xf32, #tpu.memory_space<vmem>>
      tpu.enqueue_dma source(%dma_start3A_59 : memref<128x16xf32, #tpu.memory_space<vmem>>) target(%dma_start3A_56 : memref<128x16xf32, #tpu.memory_space<vmem_shared>>) target_semaphore(%run_scoped3A : memref<!tpu.dma_semaphore, #tpu.memory_space<semaphore_mem>>)
      %dma_wait3A = arith.constant 0 : i32
      %dma_wait3A_60 = arith.constant 0 : i32
      %dma_wait3A_61 = tpu.memref_slice %arg5[%dma_wait3A, %dma_wait3A_60] : memref<128x16xf32, #tpu.memory_space<vmem>> -> memref<128x16xf32, #tpu.memory_space<vmem>>
      %dma_wait3A_62 = arith.constant 0 : i32
      %dma_wait3A_63 = tpu.memref_slice %arg4[%add3A_7, %dma_wait3A_62] : memref<10000x16xf32, #tpu.memory_space<vmem_shared>> -> memref<128x16xf32, #tpu.memory_space<vmem_shared>>
      %dma_wait3A_64 = arith.constant 0 : i32
      %dma_wait3A_65 = tpu.memref_slice %arg4[%add3A_7, %dma_wait3A_64] : memref<10000x16xf32, #tpu.memory_space<vmem_shared>> -> memref<128x16xf32, #tpu.memory_space<vmem_shared>>
      %dma_wait3A_66 = arith.constant 0 : i32
      %dma_wait3A_67 = arith.constant 0 : i32
      %dma_wait3A_68 = tpu.memref_slice %arg5[%dma_wait3A_66, %dma_wait3A_67] : memref<128x16xf32, #tpu.memory_space<vmem>> -> memref<128x16xf32, #tpu.memory_space<vmem>>
      tpu.wait_dma2 semaphore(%run_scoped3A : memref<!tpu.dma_semaphore, #tpu.memory_space<semaphore_mem>>) src(%dma_wait3A_68 : memref<128x16xf32, #tpu.memory_space<vmem>>) dst(%dma_wait3A_65 : memref<128x16xf32, #tpu.memory_space<vmem_shared>>)
      tpu.yield
    }) : () -> ()
    %add3A_8 = arith.constant 128 : i32
    %add3A_9 = arith.addi %mul3A_6, %add3A_8 : i32
    "tpu.region"() ({
      %run_scoped3A = tpu.sem_alloc : memref<!tpu.dma_semaphore, #tpu.memory_space<semaphore_mem>>
      %dma_start3A = arith.constant 0 : i32
      %dma_start3A_51 = arith.constant 0 : i32
      %dma_start3A_52 = tpu.memref_slice %arg5[%dma_start3A, %dma_start3A_51] : memref<128x16xf32, #tpu.memory_space<vmem>> -> memref<128x16xf32, #tpu.memory_space<vmem>>
      %dma_start3A_53 = arith.constant 0 : i32
      %dma_start3A_54 = tpu.memref_slice %arg4[%add3A_9, %dma_start3A_53] : memref<10000x16xf32, #tpu.memory_space<vmem_shared>> -> memref<128x16xf32, #tpu.memory_space<vmem_shared>>
      %dma_start3A_55 = arith.constant 0 : i32
      %dma_start3A_56 = tpu.memref_slice %arg4[%add3A_9, %dma_start3A_55] : memref<10000x16xf32, #tpu.memory_space<vmem_shared>> -> memref<128x16xf32, #tpu.memory_space<vmem_shared>>
      %dma_start3A_57 = arith.constant 0 : i32
      %dma_start3A_58 = arith.constant 0 : i32
      %dma_start3A_59 = tpu.memref_slice %arg5[%dma_start3A_57, %dma_start3A_58] : memref<128x16xf32, #tpu.memory_space<vmem>> -> memref<128x16xf32, #tpu.memory_space<vmem>>
      tpu.enqueue_dma source(%dma_start3A_59 : memref<128x16xf32, #tpu.memory_space<vmem>>) target(%dma_start3A_56 : memref<128x16xf32, #tpu.memory_space<vmem_shared>>) target_semaphore(%run_scoped3A : memref<!tpu.dma_semaphore, #tpu.memory_space<semaphore_mem>>)
      %dma_wait3A = arith.constant 0 : i32
      %dma_wait3A_60 = arith.constant 0 : i32
      %dma_wait3A_61 = tpu.memref_slice %arg5[%dma_wait3A, %dma_wait3A_60] : memref<128x16xf32, #tpu.memory_space<vmem>> -> memref<128x16xf32, #tpu.memory_space<vmem>>
      %dma_wait3A_62 = arith.constant 0 : i32
      %dma_wait3A_63 = tpu.memref_slice %arg4[%add3A_9, %dma_wait3A_62] : memref<10000x16xf32, #tpu.memory_space<vmem_shared>> -> memref<128x16xf32, #tpu.memory_space<vmem_shared>>
      %dma_wait3A_64 = arith.constant 0 : i32
      %dma_wait3A_65 = tpu.memref_slice %arg4[%add3A_9, %dma_wait3A_64] : memref<10000x16xf32, #tpu.memory_space<vmem_shared>> -> memref<128x16xf32, #tpu.memory_space<vmem_shared>>
      %dma_wait3A_66 = arith.constant 0 : i32
      %dma_wait3A_67 = arith.constant 0 : i32
      %dma_wait3A_68 = tpu.memref_slice %arg5[%dma_wait3A_66, %dma_wait3A_67] : memref<128x16xf32, #tpu.memory_space<vmem>> -> memref<128x16xf32, #tpu.memory_space<vmem>>
      tpu.wait_dma2 semaphore(%run_scoped3A : memref<!tpu.dma_semaphore, #tpu.memory_space<semaphore_mem>>) src(%dma_wait3A_68 : memref<128x16xf32, #tpu.memory_space<vmem>>) dst(%dma_wait3A_65 : memref<128x16xf32, #tpu.memory_space<vmem_shared>>)
      tpu.yield
    }) : () -> ()
    %add3A_10 = arith.constant 256 : i32
    %add3A_11 = arith.addi %mul3A_6, %add3A_10 : i32
    "tpu.region"() ({
      %run_scoped3A = tpu.sem_alloc : memref<!tpu.dma_semaphore, #tpu.memory_space<semaphore_mem>>
      %dma_start3A = arith.constant 0 : i32
      %dma_start3A_51 = arith.constant 0 : i32
      %dma_start3A_52 = tpu.memref_slice %arg5[%dma_start3A, %dma_start3A_51] : memref<128x16xf32, #tpu.memory_space<vmem>> -> memref<128x16xf32, #tpu.memory_space<vmem>>
      %dma_start3A_53 = arith.constant 0 : i32
      %dma_start3A_54 = tpu.memref_slice %arg4[%add3A_11, %dma_start3A_53] : memref<10000x16xf32, #tpu.memory_space<vmem_shared>> -> memref<128x16xf32, #tpu.memory_space<vmem_shared>>
      %dma_start3A_55 = arith.constant 0 : i32
      %dma_start3A_56 = tpu.memref_slice %arg4[%add3A_11, %dma_start3A_55] : memref<10000x16xf32, #tpu.memory_space<vmem_shared>> -> memref<128x16xf32, #tpu.memory_space<vmem_shared>>
      %dma_start3A_57 = arith.constant 0 : i32
      %dma_start3A_58 = arith.constant 0 : i32
      %dma_start3A_59 = tpu.memref_slice %arg5[%dma_start3A_57, %dma_start3A_58] : memref<128x16xf32, #tpu.memory_space<vmem>> -> memref<128x16xf32, #tpu.memory_space<vmem>>
      tpu.enqueue_dma source(%dma_start3A_59 : memref<128x16xf32, #tpu.memory_space<vmem>>) target(%dma_start3A_56 : memref<128x16xf32, #tpu.memory_space<vmem_shared>>) target_semaphore(%run_scoped3A : memref<!tpu.dma_semaphore, #tpu.memory_space<semaphore_mem>>)
      %dma_wait3A = arith.constant 0 : i32
      %dma_wait3A_60 = arith.constant 0 : i32
      %dma_wait3A_61 = tpu.memref_slice %arg5[%dma_wait3A, %dma_wait3A_60] : memref<128x16xf32, #tpu.memory_space<vmem>> -> memref<128x16xf32, #tpu.memory_space<vmem>>
      %dma_wait3A_62 = arith.constant 0 : i32
      %dma_wait3A_63 = tpu.memref_slice %arg4[%add3A_11, %dma_wait3A_62] : memref<10000x16xf32, #tpu.memory_space<vmem_shared>> -> memref<128x16xf32, #tpu.memory_space<vmem_shared>>
      %dma_wait3A_64 = arith.constant 0 : i32
      %dma_wait3A_65 = tpu.memref_slice %arg4[%add3A_11, %dma_wait3A_64] : memref<10000x16xf32, #tpu.memory_space<vmem_shared>> -> memref<128x16xf32, #tpu.memory_space<vmem_shared>>
      %dma_wait3A_66 = arith.constant 0 : i32
      %dma_wait3A_67 = arith.constant 0 : i32
      %dma_wait3A_68 = tpu.memref_slice %arg5[%dma_wait3A_66, %dma_wait3A_67] : memref<128x16xf32, #tpu.memory_space<vmem>> -> memref<128x16xf32, #tpu.memory_space<vmem>>
      tpu.wait_dma2 semaphore(%run_scoped3A : memref<!tpu.dma_semaphore, #tpu.memory_space<semaphore_mem>>) src(%dma_wait3A_68 : memref<128x16xf32, #tpu.memory_space<vmem>>) dst(%dma_wait3A_65 : memref<128x16xf32, #tpu.memory_space<vmem_shared>>)
      tpu.yield
    }) : () -> ()
    %add3A_12 = arith.constant 384 : i32
    %add3A_13 = arith.addi %mul3A_6, %add3A_12 : i32
    "tpu.region"() ({
      %run_scoped3A = tpu.sem_alloc : memref<!tpu.dma_semaphore, #tpu.memory_space<semaphore_mem>>
      %dma_start3A = arith.constant 0 : i32
      %dma_start3A_51 = arith.constant 0 : i32
      %dma_start3A_52 = tpu.memref_slice %arg5[%dma_start3A, %dma_start3A_51] : memref<128x16xf32, #tpu.memory_space<vmem>> -> memref<128x16xf32, #tpu.memory_space<vmem>>
      %dma_start3A_53 = arith.constant 0 : i32
      %dma_start3A_54 = tpu.memref_slice %arg4[%add3A_13, %dma_start3A_53] : memref<10000x16xf32, #tpu.memory_space<vmem_shared>> -> memref<128x16xf32, #tpu.memory_space<vmem_shared>>
      %dma_start3A_55 = arith.constant 0 : i32
      %dma_start3A_56 = tpu.memref_slice %arg4[%add3A_13, %dma_start3A_55] : memref<10000x16xf32, #tpu.memory_space<vmem_shared>> -> memref<128x16xf32, #tpu.memory_space<vmem_shared>>
      %dma_start3A_57 = arith.constant 0 : i32
      %dma_start3A_58 = arith.constant 0 : i32
      %dma_start3A_59 = tpu.memref_slice %arg5[%dma_start3A_57, %dma_start3A_58] : memref<128x16xf32, #tpu.memory_space<vmem>> -> memref<128x16xf32, #tpu.memory_space<vmem>>
      tpu.enqueue_dma source(%dma_start3A_59 : memref<128x16xf32, #tpu.memory_space<vmem>>) target(%dma_start3A_56 : memref<128x16xf32, #tpu.memory_space<vmem_shared>>) target_semaphore(%run_scoped3A : memref<!tpu.dma_semaphore, #tpu.memory_space<semaphore_mem>>)
      %dma_wait3A = arith.constant 0 : i32
      %dma_wait3A_60 = arith.constant 0 : i32
      %dma_wait3A_61 = tpu.memref_slice %arg5[%dma_wait3A, %dma_wait3A_60] : memref<128x16xf32, #tpu.memory_space<vmem>> -> memref<128x16xf32, #tpu.memory_space<vmem>>
      %dma_wait3A_62 = arith.constant 0 : i32
      %dma_wait3A_63 = tpu.memref_slice %arg4[%add3A_13, %dma_wait3A_62] : memref<10000x16xf32, #tpu.memory_space<vmem_shared>> -> memref<128x16xf32, #tpu.memory_space<vmem_shared>>
      %dma_wait3A_64 = arith.constant 0 : i32
      %dma_wait3A_65 = tpu.memref_slice %arg4[%add3A_13, %dma_wait3A_64] : memref<10000x16xf32, #tpu.memory_space<vmem_shared>> -> memref<128x16xf32, #tpu.memory_space<vmem_shared>>
      %dma_wait3A_66 = arith.constant 0 : i32
      %dma_wait3A_67 = arith.constant 0 : i32
      %dma_wait3A_68 = tpu.memref_slice %arg5[%dma_wait3A_66, %dma_wait3A_67] : memref<128x16xf32, #tpu.memory_space<vmem>> -> memref<128x16xf32, #tpu.memory_space<vmem>>
      tpu.wait_dma2 semaphore(%run_scoped3A : memref<!tpu.dma_semaphore, #tpu.memory_space<semaphore_mem>>) src(%dma_wait3A_68 : memref<128x16xf32, #tpu.memory_space<vmem>>) dst(%dma_wait3A_65 : memref<128x16xf32, #tpu.memory_space<vmem_shared>>)
      tpu.yield
    }) : () -> ()
    %add3A_14 = arith.constant 512 : i32
    %add3A_15 = arith.addi %mul3A_6, %add3A_14 : i32
    "tpu.region"() ({
      %run_scoped3A = tpu.sem_alloc : memref<!tpu.dma_semaphore, #tpu.memory_space<semaphore_mem>>
      %dma_start3A = arith.constant 0 : i32
      %dma_start3A_51 = arith.constant 0 : i32
      %dma_start3A_52 = tpu.memref_slice %arg5[%dma_start3A, %dma_start3A_51] : memref<128x16xf32, #tpu.memory_space<vmem>> -> memref<112x16xf32, #tpu.memory_space<vmem>>
      %dma_start3A_53 = arith.constant 0 : i32
      %dma_start3A_54 = tpu.memref_slice %arg4[%add3A_15, %dma_start3A_53] : memref<10000x16xf32, #tpu.memory_space<vmem_shared>> -> memref<112x16xf32, #tpu.memory_space<vmem_shared>>
      %dma_start3A_55 = arith.constant 0 : i32
      %dma_start3A_56 = tpu.memref_slice %arg4[%add3A_15, %dma_start3A_55] : memref<10000x16xf32, #tpu.memory_space<vmem_shared>> -> memref<112x16xf32, #tpu.memory_space<vmem_shared>>
      %dma_start3A_57 = arith.constant 0 : i32
      %dma_start3A_58 = arith.constant 0 : i32
      %dma_start3A_59 = tpu.memref_slice %arg5[%dma_start3A_57, %dma_start3A_58] : memref<128x16xf32, #tpu.memory_space<vmem>> -> memref<112x16xf32, #tpu.memory_space<vmem>>
      tpu.enqueue_dma source(%dma_start3A_59 : memref<112x16xf32, #tpu.memory_space<vmem>>) target(%dma_start3A_56 : memref<112x16xf32, #tpu.memory_space<vmem_shared>>) target_semaphore(%run_scoped3A : memref<!tpu.dma_semaphore, #tpu.memory_space<semaphore_mem>>)
      %dma_wait3A = arith.constant 0 : i32
      %dma_wait3A_60 = arith.constant 0 : i32
      %dma_wait3A_61 = tpu.memref_slice %arg5[%dma_wait3A, %dma_wait3A_60] : memref<128x16xf32, #tpu.memory_space<vmem>> -> memref<112x16xf32, #tpu.memory_space<vmem>>
      %dma_wait3A_62 = arith.constant 0 : i32
      %dma_wait3A_63 = tpu.memref_slice %arg4[%add3A_15, %dma_wait3A_62] : memref<10000x16xf32, #tpu.memory_space<vmem_shared>> -> memref<112x16xf32, #tpu.memory_space<vmem_shared>>
      %dma_wait3A_64 = arith.constant 0 : i32
      %dma_wait3A_65 = tpu.memref_slice %arg4[%add3A_15, %dma_wait3A_64] : memref<10000x16xf32, #tpu.memory_space<vmem_shared>> -> memref<112x16xf32, #tpu.memory_space<vmem_shared>>
      %dma_wait3A_66 = arith.constant 0 : i32
      %dma_wait3A_67 = arith.constant 0 : i32
      %dma_wait3A_68 = tpu.memref_slice %arg5[%dma_wait3A_66, %dma_wait3A_67] : memref<128x16xf32, #tpu.memory_space<vmem>> -> memref<112x16xf32, #tpu.memory_space<vmem>>
      tpu.wait_dma2 semaphore(%run_scoped3A : memref<!tpu.dma_semaphore, #tpu.memory_space<semaphore_mem>>) src(%dma_wait3A_68 : memref<112x16xf32, #tpu.memory_space<vmem>>) dst(%dma_wait3A_65 : memref<112x16xf32, #tpu.memory_space<vmem_shared>>)
      tpu.yield
    }) : () -> ()
    %eq3A = arith.constant 15 : i32
    %eq3A_16 = arith.cmpi eq, %arg1, %eq3A : i32
    %convert_element_type3A = arith.extui %eq3A_16 : i1 to i32
    %cond3A = arith.constant 0 : i32
    %cond3A_17 = arith.cmpi ne, %convert_element_type3A, %cond3A : i32
    scf.if %cond3A_17 {
      "tpu.region"() ({
        %run_scoped3A = tpu.sem_alloc : memref<!tpu.dma_semaphore, #tpu.memory_space<semaphore_mem>>
        %dma_start3A = arith.constant 0 : i32
        %dma_start3A_51 = arith.constant 0 : i32
        %dma_start3A_52 = tpu.memref_slice %arg5[%dma_start3A, %dma_start3A_51] : memref<128x16xf32, #tpu.memory_space<vmem>> -> memref<16x16xf32, #tpu.memory_space<vmem>>
        %dma_start3A_53 = arith.constant 9984 : i32
        %dma_start3A_54 = arith.constant 0 : i32
        %dma_start3A_55 = tpu.memref_slice %arg4[%dma_start3A_53, %dma_start3A_54] : memref<10000x16xf32, #tpu.memory_space<vmem_shared>> -> memref<16x16xf32, #tpu.memory_space<vmem_shared>>
        %dma_start3A_56 = arith.constant 9984 : i32
        %dma_start3A_57 = arith.constant 0 : i32
        %dma_start3A_58 = tpu.memref_slice %arg4[%dma_start3A_56, %dma_start3A_57] : memref<10000x16xf32, #tpu.memory_space<vmem_shared>> -> memref<16x16xf32, #tpu.memory_space<vmem_shared>>
        %dma_start3A_59 = arith.constant 0 : i32
        %dma_start3A_60 = arith.constant 0 : i32
        %dma_start3A_61 = tpu.memref_slice %arg5[%dma_start3A_59, %dma_start3A_60] : memref<128x16xf32, #tpu.memory_space<vmem>> -> memref<16x16xf32, #tpu.memory_space<vmem>>
        tpu.enqueue_dma source(%dma_start3A_61 : memref<16x16xf32, #tpu.memory_space<vmem>>) target(%dma_start3A_58 : memref<16x16xf32, #tpu.memory_space<vmem_shared>>) target_semaphore(%run_scoped3A : memref<!tpu.dma_semaphore, #tpu.memory_space<semaphore_mem>>)
        %dma_wait3A = arith.constant 0 : i32
        %dma_wait3A_62 = arith.constant 0 : i32
        %dma_wait3A_63 = tpu.memref_slice %arg5[%dma_wait3A, %dma_wait3A_62] : memref<128x16xf32, #tpu.memory_space<vmem>> -> memref<16x16xf32, #tpu.memory_space<vmem>>
        %dma_wait3A_64 = arith.constant 9984 : i32
        %dma_wait3A_65 = arith.constant 0 : i32
        %dma_wait3A_66 = tpu.memref_slice %arg4[%dma_wait3A_64, %dma_wait3A_65] : memref<10000x16xf32, #tpu.memory_space<vmem_shared>> -> memref<16x16xf32, #tpu.memory_space<vmem_shared>>
        %dma_wait3A_67 = arith.constant 9984 : i32
        %dma_wait3A_68 = arith.constant 0 : i32
        %dma_wait3A_69 = tpu.memref_slice %arg4[%dma_wait3A_67, %dma_wait3A_68] : memref<10000x16xf32, #tpu.memory_space<vmem_shared>> -> memref<16x16xf32, #tpu.memory_space<vmem_shared>>
        %dma_wait3A_70 = arith.constant 0 : i32
        %dma_wait3A_71 = arith.constant 0 : i32
        %dma_wait3A_72 = tpu.memref_slice %arg5[%dma_wait3A_70, %dma_wait3A_71] : memref<128x16xf32, #tpu.memory_space<vmem>> -> memref<16x16xf32, #tpu.memory_space<vmem>>
        tpu.wait_dma2 semaphore(%run_scoped3A : memref<!tpu.dma_semaphore, #tpu.memory_space<semaphore_mem>>) src(%dma_wait3A_72 : memref<16x16xf32, #tpu.memory_space<vmem>>) dst(%dma_wait3A_69 : memref<16x16xf32, #tpu.memory_space<vmem_shared>>)
        tpu.yield
      }) : () -> ()
    } else {
    }
    %scan3A_18 = arith.constant 0 : i32
    %scan3A_19 = arith.constant 0 : i32
    %scan3A_20 = arith.constant 128 : i32
    %scan3A_21 = arith.addi %scan3A_19, %scan3A_20 : i32
    %scan3A_22 = arith.constant 1 : i32
    %scan3A_23 = scf.for %scan3A_51 = %scan3A_19 to %scan3A_21 step %scan3A_22 iter_args(%scan3A_52 = %scan3A_18) -> (i32)  : i32 {
      %broadcast_in_dim3A = arith.constant 1.000000e+00 : f32
      %broadcast_in_dim3A_53 = vector.broadcast %broadcast_in_dim3A : f32 to vector<16xf32>
      %swap3A = arith.index_cast %scan3A_51 : i32 to index
      %swap3A_54 = arith.constant 0 : index
      %swap3A_55 = tpu.vector_load %arg5[%swap3A, %swap3A_54] {strides = array<i32>} : memref<128x16xf32, #tpu.memory_space<vmem>>, vector<1x16xf32>,
      %swap3A_56 = vector.shape_cast %swap3A_55 : vector<1x16xf32> to vector<16xf32>
      %swap3A_57 = vector.shape_cast %broadcast_in_dim3A_53 : vector<16xf32> to vector<1x16xf32>
      tpu.vector_store %arg5[%swap3A, %swap3A_54], %swap3A_57 {strides = array<i32>} : memref<128x16xf32, #tpu.memory_space<vmem>>, vector<1x16xf32>,
      %scan3A_58 = arith.constant 0 : i32
      scf.yield %scan3A_58 : i32
    }
    %scan3A_24 = arith.constant 128 : i32
    %barrier3A = arith.constant 0 : index
    tpu.barrier barrier_id(%barrier3A)
    %mul3A_25 = arith.constant 16 : i32
    %mul3A_26 = arith.muli %arg0, %mul3A_25 : i32
    %add3A_27 = arith.addi %mul3A_26, %arg1 : i32
    %mul3A_28 = arith.constant 78 : i32
    %mul3A_29 = arith.muli %add3A_27, %mul3A_28 : i32
    %mul3A_30 = arith.constant 128 : i32
    %mul3A_31 = arith.muli %mul3A_29, %mul3A_30 : i32
    %scan3A_32 = arith.constant 0 : i32
    %scan3A_33 = arith.constant 0 : i32
    %scan3A_34 = arith.constant 78 : i32
    %scan3A_35 = arith.addi %scan3A_33, %scan3A_34 : i32
    %scan3A_36 = arith.constant 1 : i32
    %scan3A_37 = scf.for %scan3A_51 = %scan3A_33 to %scan3A_35 step %scan3A_36 iter_args(%scan3A_52 = %scan3A_32) -> (i32)  : i32 {
      %mul3A_53 = arith.constant 128 : i32
      %mul3A_54 = arith.muli %scan3A_51, %mul3A_53 : i32
      %add3A_55 = arith.addi %mul3A_31, %mul3A_54 : i32
      "tpu.region"() ({
        %run_scoped3A = tpu.sem_alloc : memref<!tpu.dma_semaphore, #tpu.memory_space<semaphore_mem>>
        %dma_start3A = tpu.memref_slice %arg2[%add3A_55] : memref<320000xi32, #tpu.memory_space<hbm>> -> memref<128xi32, #tpu.memory_space<hbm>>
        %dma_start3A_57 = tpu.memref_slice %arg2[%add3A_55] : memref<320000xi32, #tpu.memory_space<hbm>> -> memref<128xi32, #tpu.memory_space<hbm>>
        tpu.enqueue_dma source(%dma_start3A_57 : memref<128xi32, #tpu.memory_space<hbm>>) target(%arg6 : memref<128xi32, #tpu.memory_space<vmem>>) target_semaphore(%run_scoped3A : memref<!tpu.dma_semaphore, #tpu.memory_space<semaphore_mem>>)
        %dma_wait3A = tpu.memref_slice %arg2[%add3A_55] : memref<320000xi32, #tpu.memory_space<hbm>> -> memref<128xi32, #tpu.memory_space<hbm>>
        %dma_wait3A_58 = tpu.memref_slice %arg2[%add3A_55] : memref<320000xi32, #tpu.memory_space<hbm>> -> memref<128xi32, #tpu.memory_space<hbm>>
        tpu.wait_dma2 semaphore(%run_scoped3A : memref<!tpu.dma_semaphore, #tpu.memory_space<semaphore_mem>>) src(%dma_wait3A_58 : memref<128xi32, #tpu.memory_space<hbm>>) dst(%arg6 : memref<128xi32, #tpu.memory_space<vmem>>)
        tpu.yield
      }) : () -> ()
      "tpu.region"() ({
        %run_scoped3A = tpu.sem_alloc : memref<!tpu.dma_semaphore, #tpu.memory_space<semaphore_mem>>
        %dma_start3A = arith.constant 0 : i32
        %dma_start3A_57 = arith.constant 0 : i32
        %dma_start3A_58 = tpu.memref_slice %arg4[%dma_start3A, %dma_start3A_57] : memref<10000x16xf32, #tpu.memory_space<vmem_shared>> -> memref<10000x16xf32, #tpu.memory_space<vmem_shared>>
        tpu.enqueue_indirect_dma source(%arg5 : memref<128x16xf32, #tpu.memory_space<vmem>>) target(%dma_start3A_58 : memref<10000x16xf32, #tpu.memory_space<vmem_shared>>) offsets(%arg6 : memref<128xi32, #tpu.memory_space<vmem>>) semaphore(%run_scoped3A : memref<!tpu.dma_semaphore, #tpu.memory_space<semaphore_mem>>) {add = true}
        %dma_wait3A = arith.constant 0 : i32
        %dma_wait3A_59 = arith.constant 0 : i32
        %dma_wait3A_60 = tpu.memref_slice %arg4[%dma_wait3A, %dma_wait3A_59] : memref<10000x16xf32, #tpu.memory_space<vmem_shared>> -> memref<10000x16xf32, #tpu.memory_space<vmem_shared>>
        tpu.wait_indirect_dma semaphore(%run_scoped3A : memref<!tpu.dma_semaphore, #tpu.memory_space<semaphore_mem>>) src(%arg5 : memref<128x16xf32, #tpu.memory_space<vmem>>) dst(%dma_wait3A_60 : memref<10000x16xf32, #tpu.memory_space<vmem_shared>>)
        tpu.yield
      }) : () -> ()
      %scan3A_56 = arith.constant 0 : i32
      scf.yield %scan3A_56 : i32
    }
    %scan3A_38 = arith.constant 78 : i32
    %lt3A = arith.constant 4 : i32
    %lt3A_39 = arith.cmpi slt, %add3A_27, %lt3A : i32
    %convert_element_type3A_40 = arith.extui %lt3A_39 : i1 to i32
    %cond3A_41 = arith.constant 0 : i32
    %cond3A_42 = arith.cmpi ne, %convert_element_type3A_40, %cond3A_41 : i32
    scf.if %cond3A_42 {
      %add3A_51 = arith.constant 2496 : i32
      %add3A_52 = arith.addi %add3A_51, %add3A_27 : i32
      %mul3A_53 = arith.constant 128 : i32
      %mul3A_54 = arith.muli %add3A_52, %mul3A_53 : i32
      "tpu.region"() ({
        %run_scoped3A = tpu.sem_alloc : memref<!tpu.dma_semaphore, #tpu.memory_space<semaphore_mem>>
        %dma_start3A = tpu.memref_slice %arg2[%mul3A_54] : memref<320000xi32, #tpu.memory_space<hbm>> -> memref<128xi32, #tpu.memory_space<hbm>>
        %dma_start3A_55 = tpu.memref_slice %arg2[%mul3A_54] : memref<320000xi32, #tpu.memory_space<hbm>> -> memref<128xi32, #tpu.memory_space<hbm>>
        tpu.enqueue_dma source(%dma_start3A_55 : memref<128xi32, #tpu.memory_space<hbm>>) target(%arg6 : memref<128xi32, #tpu.memory_space<vmem>>) target_semaphore(%run_scoped3A : memref<!tpu.dma_semaphore, #tpu.memory_space<semaphore_mem>>)
        %dma_wait3A = tpu.memref_slice %arg2[%mul3A_54] : memref<320000xi32, #tpu.memory_space<hbm>> -> memref<128xi32, #tpu.memory_space<hbm>>
        %dma_wait3A_56 = tpu.memref_slice %arg2[%mul3A_54] : memref<320000xi32, #tpu.memory_space<hbm>> -> memref<128xi32, #tpu.memory_space<hbm>>
        tpu.wait_dma2 semaphore(%run_scoped3A : memref<!tpu.dma_semaphore, #tpu.memory_space<semaphore_mem>>) src(%dma_wait3A_56 : memref<128xi32, #tpu.memory_space<hbm>>) dst(%arg6 : memref<128xi32, #tpu.memory_space<vmem>>)
        tpu.yield
      }) : () -> ()
      "tpu.region"() ({
        %run_scoped3A = tpu.sem_alloc : memref<!tpu.dma_semaphore, #tpu.memory_space<semaphore_mem>>
        %dma_start3A = arith.constant 0 : i32
        %dma_start3A_55 = arith.constant 0 : i32
        %dma_start3A_56 = tpu.memref_slice %arg4[%dma_start3A, %dma_start3A_55] : memref<10000x16xf32, #tpu.memory_space<vmem_shared>> -> memref<10000x16xf32, #tpu.memory_space<vmem_shared>>
        tpu.enqueue_indirect_dma source(%arg5 : memref<128x16xf32, #tpu.memory_space<vmem>>) target(%dma_start3A_56 : memref<10000x16xf32, #tpu.memory_space<vmem_shared>>) offsets(%arg6 : memref<128xi32, #tpu.memory_space<vmem>>) semaphore(%run_scoped3A : memref<!tpu.dma_semaphore, #tpu.memory_space<semaphore_mem>>) {add = true}
        %dma_wait3A = arith.constant 0 : i32
        %dma_wait3A_57 = arith.constant 0 : i32
        %dma_wait3A_58 = tpu.memref_slice %arg4[%dma_wait3A, %dma_wait3A_57] : memref<10000x16xf32, #tpu.memory_space<vmem_shared>> -> memref<10000x16xf32, #tpu.memory_space<vmem_shared>>
        tpu.wait_indirect_dma semaphore(%run_scoped3A : memref<!tpu.dma_semaphore, #tpu.memory_space<semaphore_mem>>) src(%arg5 : memref<128x16xf32, #tpu.memory_space<vmem>>) dst(%dma_wait3A_58 : memref<10000x16xf32, #tpu.memory_space<vmem_shared>>)
        tpu.yield
      }) : () -> ()
    } else {
    }
    %barrier3A_43 = arith.constant 0 : index
    tpu.barrier barrier_id(%barrier3A_43)
    %mul3A_44 = arith.constant 624 : i32
    %mul3A_45 = arith.muli %arg1, %mul3A_44 : i32
    "tpu.region"() ({
      %run_scoped3A = tpu.sem_alloc : memref<!tpu.dma_semaphore, #tpu.memory_space<semaphore_mem>>
      %dma_start3A = arith.constant 0 : i32
      %dma_start3A_51 = tpu.memref_slice %arg3[%arg0, %mul3A_45, %dma_start3A] : memref<2x10000x16xf32, #tpu.memory_space<hbm>> -> memref<1x624x16xf32, #tpu.memory_space<hbm>>
      %dma_start3A_52 = tpu.memref_squeeze %dma_start3A_51 : memref<1x624x16xf32, #tpu.memory_space<hbm>> -> memref<624x16xf32, #tpu.memory_space<hbm>>
      %dma_start3A_53 = arith.constant 0 : i32
      %dma_start3A_54 = tpu.memref_slice %arg4[%mul3A_45, %dma_start3A_53] : memref<10000x16xf32, #tpu.memory_space<vmem_shared>> -> memref<624x16xf32, #tpu.memory_space<vmem_shared>>
      tpu.enqueue_dma source(%dma_start3A_54 : memref<624x16xf32, #tpu.memory_space<vmem_shared>>) target(%dma_start3A_52 : memref<624x16xf32, #tpu.memory_space<hbm>>) target_semaphore(%run_scoped3A : memref<!tpu.dma_semaphore, #tpu.memory_space<semaphore_mem>>)
      %dma_wait3A = arith.constant 0 : i32
      %dma_wait3A_55 = tpu.memref_slice %arg3[%arg0, %mul3A_45, %dma_wait3A] : memref<2x10000x16xf32, #tpu.memory_space<hbm>> -> memref<1x624x16xf32, #tpu.memory_space<hbm>>
      %dma_wait3A_56 = tpu.memref_squeeze %dma_wait3A_55 : memref<1x624x16xf32, #tpu.memory_space<hbm>> -> memref<624x16xf32, #tpu.memory_space<hbm>>
      %dma_wait3A_57 = arith.constant 0 : i32
      %dma_wait3A_58 = tpu.memref_slice %arg4[%mul3A_45, %dma_wait3A_57] : memref<10000x16xf32, #tpu.memory_space<vmem_shared>> -> memref<624x16xf32, #tpu.memory_space<vmem_shared>>
      tpu.wait_dma2 semaphore(%run_scoped3A : memref<!tpu.dma_semaphore, #tpu.memory_space<semaphore_mem>>) src(%dma_wait3A_58 : memref<624x16xf32, #tpu.memory_space<vmem_shared>>) dst(%dma_wait3A_56 : memref<624x16xf32, #tpu.memory_space<hbm>>)
      tpu.yield
    }) : () -> ()
    %eq3A_46 = arith.constant 15 : i32
    %eq3A_47 = arith.cmpi eq, %arg1, %eq3A_46 : i32
    %convert_element_type3A_48 = arith.extui %eq3A_47 : i1 to i32
    %cond3A_49 = arith.constant 0 : i32
    %cond3A_50 = arith.cmpi ne, %convert_element_type3A_48, %cond3A_49 : i32
    scf.if %cond3A_50 {
      "tpu.region"() ({
        %run_scoped3A = tpu.sem_alloc : memref<!tpu.dma_semaphore, #tpu.memory_space<semaphore_mem>>
        %dma_start3A = arith.constant 9984 : i32
        %dma_start3A_51 = arith.constant 0 : i32
        %dma_start3A_52 = tpu.memref_slice %arg3[%arg0, %dma_start3A, %dma_start3A_51] : memref<2x10000x16xf32, #tpu.memory_space<hbm>> -> memref<1x16x16xf32, #tpu.memory_space<hbm>>
        %dma_start3A_53 = tpu.memref_squeeze %dma_start3A_52 : memref<1x16x16xf32, #tpu.memory_space<hbm>> -> memref<16x16xf32, #tpu.memory_space<hbm>>
        %dma_start3A_54 = arith.constant 9984 : i32
        %dma_start3A_55 = arith.constant 0 : i32
        %dma_start3A_56 = tpu.memref_slice %arg4[%dma_start3A_54, %dma_start3A_55] : memref<10000x16xf32, #tpu.memory_space<vmem_shared>> -> memref<16x16xf32, #tpu.memory_space<vmem_shared>>
        tpu.enqueue_dma source(%dma_start3A_56 : memref<16x16xf32, #tpu.memory_space<vmem_shared>>) target(%dma_start3A_53 : memref<16x16xf32, #tpu.memory_space<hbm>>) target_semaphore(%run_scoped3A : memref<!tpu.dma_semaphore, #tpu.memory_space<semaphore_mem>>)
        %dma_wait3A = arith.constant 9984 : i32
        %dma_wait3A_57 = arith.constant 0 : i32
        %dma_wait3A_58 = tpu.memref_slice %arg3[%arg0, %dma_wait3A, %dma_wait3A_57] : memref<2x10000x16xf32, #tpu.memory_space<hbm>> -> memref<1x16x16xf32, #tpu.memory_space<hbm>>
        %dma_wait3A_59 = tpu.memref_squeeze %dma_wait3A_58 : memref<1x16x16xf32, #tpu.memory_space<hbm>> -> memref<16x16xf32, #tpu.memory_space<hbm>>
        %dma_wait3A_60 = arith.constant 9984 : i32
        %dma_wait3A_61 = arith.constant 0 : i32
        %dma_wait3A_62 = tpu.memref_slice %arg4[%dma_wait3A_60, %dma_wait3A_61] : memref<10000x16xf32, #tpu.memory_space<vmem_shared>> -> memref<16x16xf32, #tpu.memory_space<vmem_shared>>
        tpu.wait_dma2 semaphore(%run_scoped3A : memref<!tpu.dma_semaphore, #tpu.memory_space<semaphore_mem>>) src(%dma_wait3A_62 : memref<16x16xf32, #tpu.memory_space<vmem_shared>>) dst(%dma_wait3A_59 : memref<16x16xf32, #tpu.memory_space<hbm>>)
        tpu.yield
      }) : () -> ()
    } else {
    }
    return
  }
}

#map = affine_map<(d0, d1) -> (0, 0)>
#map1 = affine_map<(d0, d1) -> (0)>
#map2 = affine_map<(d0, d1) -> (0, 0, 0)>
module attributes {stable_mosaic.version = 14 : i64} {
  func.func @_agg_body(%arg0: i32, %arg1: i32, %arg2: memref<20000x128xf32, #tpu.memory_space<hbm>>, %arg3: memref<320000xi32, #tpu.memory_space<hbm>>, %arg4: memref<320000xi32, #tpu.memory_space<hbm>>, %arg5: memref<2x10000x128xf32, #tpu.memory_space<hbm>>, %arg6: memref<10000x128xf32, #tpu.memory_space<vmem_shared>>, %arg7: memref<128xi32, #tpu.memory_space<vmem>>, %arg8: memref<128xi32, #tpu.memory_space<vmem>>, %arg9: memref<128xi32, #tpu.memory_space<vmem>>, %arg10: memref<128x128xf32, #tpu.memory_space<vmem>>, %arg11: memref<!tpu.dma_semaphore, #tpu.memory_space<semaphore_mem>>, %arg12: memref<128xi32, #tpu.memory_space<vmem>>, %arg13: memref<128xi32, #tpu.memory_space<vmem>>, %arg14: memref<128xi32, #tpu.memory_space<vmem>>, %arg15: memref<128x128xf32, #tpu.memory_space<vmem>>, %arg16: memref<!tpu.dma_semaphore, #tpu.memory_space<semaphore_mem>>, %arg17: memref<128xi32, #tpu.memory_space<vmem>>, %arg18: memref<128xi32, #tpu.memory_space<vmem>>, %arg19: memref<128xi32, #tpu.memory_space<vmem>>, %arg20: memref<128x128xf32, #tpu.memory_space<vmem>>, %arg21: memref<!tpu.dma_semaphore, #tpu.memory_space<semaphore_mem>>) attributes {dimension_semantics = [#tpu.dimension_semantics<core_parallel>, #tpu.dimension_semantics<subcore_parallel>], iteration_bounds = array<i64: 2, 16>, scalar_prefetch = 0 : i64, scratch_operands = 16 : i64, tpu.core_type = #tpu.core_type<sc_vector_subcore>, window_params = [{transform_indices = #map}, {transform_indices = #map1}, {transform_indices = #map1}, {transform_indices = #map2}]} {
    %scan3A = arith.constant 0 : i32
    %scan3A_0 = arith.constant 0 : i32
    %scan3A_1 = arith.constant 128 : i32
    %scan3A_2 = arith.addi %scan3A_0, %scan3A_1 : i32
    %scan3A_3 = arith.constant 1 : i32
    %scan3A_4 = scf.for %scan3A_41 = %scan3A_0 to %scan3A_2 step %scan3A_3 iter_args(%scan3A_42 = %scan3A) -> (i32)  : i32 {
      %broadcast_in_dim3A = arith.constant 0.000000e+00 : f32
      %broadcast_in_dim3A_43 = vector.broadcast %broadcast_in_dim3A : f32 to vector<16xf32>
      %swap3A = arith.index_cast %scan3A_41 : i32 to index
      %swap3A_44 = arith.constant 0 : index
      %swap3A_45 = tpu.vector_load %arg10[%swap3A, %swap3A_44] {strides = array<i32>} : memref<128x128xf32, #tpu.memory_space<vmem>>, vector<1x16xf32>,
      %swap3A_46 = vector.shape_cast %swap3A_45 : vector<1x16xf32> to vector<16xf32>
      %swap3A_47 = vector.shape_cast %broadcast_in_dim3A_43 : vector<16xf32> to vector<1x16xf32>
      tpu.vector_store %arg10[%swap3A, %swap3A_44], %swap3A_47 {strides = array<i32>} : memref<128x128xf32, #tpu.memory_space<vmem>>, vector<1x16xf32>,
      %broadcast_in_dim3A_48 = arith.constant 0.000000e+00 : f32
      %broadcast_in_dim3A_49 = vector.broadcast %broadcast_in_dim3A_48 : f32 to vector<16xf32>
      %swap3A_50 = arith.index_cast %scan3A_41 : i32 to index
      %swap3A_51 = arith.constant 16 : index
      %swap3A_52 = tpu.vector_load %arg10[%swap3A_50, %swap3A_51] {strides = array<i32>} : memref<128x128xf32, #tpu.memory_space<vmem>>, vector<1x16xf32>,
      %swap3A_53 = vector.shape_cast %swap3A_52 : vector<1x16xf32> to vector<16xf32>
      %swap3A_54 = vector.shape_cast %broadcast_in_dim3A_49 : vector<16xf32> to vector<1x16xf32>
      tpu.vector_store %arg10[%swap3A_50, %swap3A_51], %swap3A_54 {strides = array<i32>} : memref<128x128xf32, #tpu.memory_space<vmem>>, vector<1x16xf32>,
      %broadcast_in_dim3A_55 = arith.constant 0.000000e+00 : f32
      %broadcast_in_dim3A_56 = vector.broadcast %broadcast_in_dim3A_55 : f32 to vector<16xf32>
      %swap3A_57 = arith.index_cast %scan3A_41 : i32 to index
      %swap3A_58 = arith.constant 32 : index
      %swap3A_59 = tpu.vector_load %arg10[%swap3A_57, %swap3A_58] {strides = array<i32>} : memref<128x128xf32, #tpu.memory_space<vmem>>, vector<1x16xf32>,
      %swap3A_60 = vector.shape_cast %swap3A_59 : vector<1x16xf32> to vector<16xf32>
      %swap3A_61 = vector.shape_cast %broadcast_in_dim3A_56 : vector<16xf32> to vector<1x16xf32>
      tpu.vector_store %arg10[%swap3A_57, %swap3A_58], %swap3A_61 {strides = array<i32>} : memref<128x128xf32, #tpu.memory_space<vmem>>, vector<1x16xf32>,
      %broadcast_in_dim3A_62 = arith.constant 0.000000e+00 : f32
      %broadcast_in_dim3A_63 = vector.broadcast %broadcast_in_dim3A_62 : f32 to vector<16xf32>
      %swap3A_64 = arith.index_cast %scan3A_41 : i32 to index
      %swap3A_65 = arith.constant 48 : index
      %swap3A_66 = tpu.vector_load %arg10[%swap3A_64, %swap3A_65] {strides = array<i32>} : memref<128x128xf32, #tpu.memory_space<vmem>>, vector<1x16xf32>,
      %swap3A_67 = vector.shape_cast %swap3A_66 : vector<1x16xf32> to vector<16xf32>
      %swap3A_68 = vector.shape_cast %broadcast_in_dim3A_63 : vector<16xf32> to vector<1x16xf32>
      tpu.vector_store %arg10[%swap3A_64, %swap3A_65], %swap3A_68 {strides = array<i32>} : memref<128x128xf32, #tpu.memory_space<vmem>>, vector<1x16xf32>,
      %broadcast_in_dim3A_69 = arith.constant 0.000000e+00 : f32
      %broadcast_in_dim3A_70 = vector.broadcast %broadcast_in_dim3A_69 : f32 to vector<16xf32>
      %swap3A_71 = arith.index_cast %scan3A_41 : i32 to index
      %swap3A_72 = arith.constant 64 : index
      %swap3A_73 = tpu.vector_load %arg10[%swap3A_71, %swap3A_72] {strides = array<i32>} : memref<128x128xf32, #tpu.memory_space<vmem>>, vector<1x16xf32>,
      %swap3A_74 = vector.shape_cast %swap3A_73 : vector<1x16xf32> to vector<16xf32>
      %swap3A_75 = vector.shape_cast %broadcast_in_dim3A_70 : vector<16xf32> to vector<1x16xf32>
      tpu.vector_store %arg10[%swap3A_71, %swap3A_72], %swap3A_75 {strides = array<i32>} : memref<128x128xf32, #tpu.memory_space<vmem>>, vector<1x16xf32>,
      %broadcast_in_dim3A_76 = arith.constant 0.000000e+00 : f32
      %broadcast_in_dim3A_77 = vector.broadcast %broadcast_in_dim3A_76 : f32 to vector<16xf32>
      %swap3A_78 = arith.index_cast %scan3A_41 : i32 to index
      %swap3A_79 = arith.constant 80 : index
      %swap3A_80 = tpu.vector_load %arg10[%swap3A_78, %swap3A_79] {strides = array<i32>} : memref<128x128xf32, #tpu.memory_space<vmem>>, vector<1x16xf32>,
      %swap3A_81 = vector.shape_cast %swap3A_80 : vector<1x16xf32> to vector<16xf32>
      %swap3A_82 = vector.shape_cast %broadcast_in_dim3A_77 : vector<16xf32> to vector<1x16xf32>
      tpu.vector_store %arg10[%swap3A_78, %swap3A_79], %swap3A_82 {strides = array<i32>} : memref<128x128xf32, #tpu.memory_space<vmem>>, vector<1x16xf32>,
      %broadcast_in_dim3A_83 = arith.constant 0.000000e+00 : f32
      %broadcast_in_dim3A_84 = vector.broadcast %broadcast_in_dim3A_83 : f32 to vector<16xf32>
      %swap3A_85 = arith.index_cast %scan3A_41 : i32 to index
      %swap3A_86 = arith.constant 96 : index
      %swap3A_87 = tpu.vector_load %arg10[%swap3A_85, %swap3A_86] {strides = array<i32>} : memref<128x128xf32, #tpu.memory_space<vmem>>, vector<1x16xf32>,
      %swap3A_88 = vector.shape_cast %swap3A_87 : vector<1x16xf32> to vector<16xf32>
      %swap3A_89 = vector.shape_cast %broadcast_in_dim3A_84 : vector<16xf32> to vector<1x16xf32>
      tpu.vector_store %arg10[%swap3A_85, %swap3A_86], %swap3A_89 {strides = array<i32>} : memref<128x128xf32, #tpu.memory_space<vmem>>, vector<1x16xf32>,
      %broadcast_in_dim3A_90 = arith.constant 0.000000e+00 : f32
      %broadcast_in_dim3A_91 = vector.broadcast %broadcast_in_dim3A_90 : f32 to vector<16xf32>
      %swap3A_92 = arith.index_cast %scan3A_41 : i32 to index
      %swap3A_93 = arith.constant 112 : index
      %swap3A_94 = tpu.vector_load %arg10[%swap3A_92, %swap3A_93] {strides = array<i32>} : memref<128x128xf32, #tpu.memory_space<vmem>>, vector<1x16xf32>,
      %swap3A_95 = vector.shape_cast %swap3A_94 : vector<1x16xf32> to vector<16xf32>
      %swap3A_96 = vector.shape_cast %broadcast_in_dim3A_91 : vector<16xf32> to vector<1x16xf32>
      tpu.vector_store %arg10[%swap3A_92, %swap3A_93], %swap3A_96 {strides = array<i32>} : memref<128x128xf32, #tpu.memory_space<vmem>>, vector<1x16xf32>,
      %scan3A_97 = arith.constant 0 : i32
      scf.yield %scan3A_97 : i32
    }
    %scan3A_5 = arith.constant 128 : i32
    %mul3A = arith.constant 624 : i32
    %mul3A_6 = arith.muli %arg1, %mul3A : i32
    %add3A = arith.constant 0 : i32
    %add3A_7 = arith.addi %mul3A_6, %add3A : i32
    "tpu.region"() ({
      %run_scoped3A = tpu.sem_alloc : memref<!tpu.dma_semaphore, #tpu.memory_space<semaphore_mem>>
      %dma_start3A = arith.constant 0 : i32
      %dma_start3A_41 = arith.constant 0 : i32
      %dma_start3A_42 = tpu.memref_slice %arg10[%dma_start3A, %dma_start3A_41] : memref<128x128xf32, #tpu.memory_space<vmem>> -> memref<128x128xf32, #tpu.memory_space<vmem>>
      %dma_start3A_43 = arith.constant 0 : i32
      %dma_start3A_44 = tpu.memref_slice %arg6[%add3A_7, %dma_start3A_43] : memref<10000x128xf32, #tpu.memory_space<vmem_shared>> -> memref<128x128xf32, #tpu.memory_space<vmem_shared>>
      %dma_start3A_45 = arith.constant 0 : i32
      %dma_start3A_46 = tpu.memref_slice %arg6[%add3A_7, %dma_start3A_45] : memref<10000x128xf32, #tpu.memory_space<vmem_shared>> -> memref<128x128xf32, #tpu.memory_space<vmem_shared>>
      %dma_start3A_47 = arith.constant 0 : i32
      %dma_start3A_48 = arith.constant 0 : i32
      %dma_start3A_49 = tpu.memref_slice %arg10[%dma_start3A_47, %dma_start3A_48] : memref<128x128xf32, #tpu.memory_space<vmem>> -> memref<128x128xf32, #tpu.memory_space<vmem>>
      tpu.enqueue_dma source(%dma_start3A_49 : memref<128x128xf32, #tpu.memory_space<vmem>>) target(%dma_start3A_46 : memref<128x128xf32, #tpu.memory_space<vmem_shared>>) target_semaphore(%run_scoped3A : memref<!tpu.dma_semaphore, #tpu.memory_space<semaphore_mem>>)
      %dma_wait3A = arith.constant 0 : i32
      %dma_wait3A_50 = arith.constant 0 : i32
      %dma_wait3A_51 = tpu.memref_slice %arg10[%dma_wait3A, %dma_wait3A_50] : memref<128x128xf32, #tpu.memory_space<vmem>> -> memref<128x128xf32, #tpu.memory_space<vmem>>
      %dma_wait3A_52 = arith.constant 0 : i32
      %dma_wait3A_53 = tpu.memref_slice %arg6[%add3A_7, %dma_wait3A_52] : memref<10000x128xf32, #tpu.memory_space<vmem_shared>> -> memref<128x128xf32, #tpu.memory_space<vmem_shared>>
      %dma_wait3A_54 = arith.constant 0 : i32
      %dma_wait3A_55 = tpu.memref_slice %arg6[%add3A_7, %dma_wait3A_54] : memref<10000x128xf32, #tpu.memory_space<vmem_shared>> -> memref<128x128xf32, #tpu.memory_space<vmem_shared>>
      %dma_wait3A_56 = arith.constant 0 : i32
      %dma_wait3A_57 = arith.constant 0 : i32
      %dma_wait3A_58 = tpu.memref_slice %arg10[%dma_wait3A_56, %dma_wait3A_57] : memref<128x128xf32, #tpu.memory_space<vmem>> -> memref<128x128xf32, #tpu.memory_space<vmem>>
      tpu.wait_dma2 semaphore(%run_scoped3A : memref<!tpu.dma_semaphore, #tpu.memory_space<semaphore_mem>>) src(%dma_wait3A_58 : memref<128x128xf32, #tpu.memory_space<vmem>>) dst(%dma_wait3A_55 : memref<128x128xf32, #tpu.memory_space<vmem_shared>>)
      tpu.yield
    }) : () -> ()
    %add3A_8 = arith.constant 128 : i32
    %add3A_9 = arith.addi %mul3A_6, %add3A_8 : i32
    "tpu.region"() ({
      %run_scoped3A = tpu.sem_alloc : memref<!tpu.dma_semaphore, #tpu.memory_space<semaphore_mem>>
      %dma_start3A = arith.constant 0 : i32
      %dma_start3A_41 = arith.constant 0 : i32
      %dma_start3A_42 = tpu.memref_slice %arg10[%dma_start3A, %dma_start3A_41] : memref<128x128xf32, #tpu.memory_space<vmem>> -> memref<128x128xf32, #tpu.memory_space<vmem>>
      %dma_start3A_43 = arith.constant 0 : i32
      %dma_start3A_44 = tpu.memref_slice %arg6[%add3A_9, %dma_start3A_43] : memref<10000x128xf32, #tpu.memory_space<vmem_shared>> -> memref<128x128xf32, #tpu.memory_space<vmem_shared>>
      %dma_start3A_45 = arith.constant 0 : i32
      %dma_start3A_46 = tpu.memref_slice %arg6[%add3A_9, %dma_start3A_45] : memref<10000x128xf32, #tpu.memory_space<vmem_shared>> -> memref<128x128xf32, #tpu.memory_space<vmem_shared>>
      %dma_start3A_47 = arith.constant 0 : i32
      %dma_start3A_48 = arith.constant 0 : i32
      %dma_start3A_49 = tpu.memref_slice %arg10[%dma_start3A_47, %dma_start3A_48] : memref<128x128xf32, #tpu.memory_space<vmem>> -> memref<128x128xf32, #tpu.memory_space<vmem>>
      tpu.enqueue_dma source(%dma_start3A_49 : memref<128x128xf32, #tpu.memory_space<vmem>>) target(%dma_start3A_46 : memref<128x128xf32, #tpu.memory_space<vmem_shared>>) target_semaphore(%run_scoped3A : memref<!tpu.dma_semaphore, #tpu.memory_space<semaphore_mem>>)
      %dma_wait3A = arith.constant 0 : i32
      %dma_wait3A_50 = arith.constant 0 : i32
      %dma_wait3A_51 = tpu.memref_slice %arg10[%dma_wait3A, %dma_wait3A_50] : memref<128x128xf32, #tpu.memory_space<vmem>> -> memref<128x128xf32, #tpu.memory_space<vmem>>
      %dma_wait3A_52 = arith.constant 0 : i32
      %dma_wait3A_53 = tpu.memref_slice %arg6[%add3A_9, %dma_wait3A_52] : memref<10000x128xf32, #tpu.memory_space<vmem_shared>> -> memref<128x128xf32, #tpu.memory_space<vmem_shared>>
      %dma_wait3A_54 = arith.constant 0 : i32
      %dma_wait3A_55 = tpu.memref_slice %arg6[%add3A_9, %dma_wait3A_54] : memref<10000x128xf32, #tpu.memory_space<vmem_shared>> -> memref<128x128xf32, #tpu.memory_space<vmem_shared>>
      %dma_wait3A_56 = arith.constant 0 : i32
      %dma_wait3A_57 = arith.constant 0 : i32
      %dma_wait3A_58 = tpu.memref_slice %arg10[%dma_wait3A_56, %dma_wait3A_57] : memref<128x128xf32, #tpu.memory_space<vmem>> -> memref<128x128xf32, #tpu.memory_space<vmem>>
      tpu.wait_dma2 semaphore(%run_scoped3A : memref<!tpu.dma_semaphore, #tpu.memory_space<semaphore_mem>>) src(%dma_wait3A_58 : memref<128x128xf32, #tpu.memory_space<vmem>>) dst(%dma_wait3A_55 : memref<128x128xf32, #tpu.memory_space<vmem_shared>>)
      tpu.yield
    }) : () -> ()
    %add3A_10 = arith.constant 256 : i32
    %add3A_11 = arith.addi %mul3A_6, %add3A_10 : i32
    "tpu.region"() ({
      %run_scoped3A = tpu.sem_alloc : memref<!tpu.dma_semaphore, #tpu.memory_space<semaphore_mem>>
      %dma_start3A = arith.constant 0 : i32
      %dma_start3A_41 = arith.constant 0 : i32
      %dma_start3A_42 = tpu.memref_slice %arg10[%dma_start3A, %dma_start3A_41] : memref<128x128xf32, #tpu.memory_space<vmem>> -> memref<128x128xf32, #tpu.memory_space<vmem>>
      %dma_start3A_43 = arith.constant 0 : i32
      %dma_start3A_44 = tpu.memref_slice %arg6[%add3A_11, %dma_start3A_43] : memref<10000x128xf32, #tpu.memory_space<vmem_shared>> -> memref<128x128xf32, #tpu.memory_space<vmem_shared>>
      %dma_start3A_45 = arith.constant 0 : i32
      %dma_start3A_46 = tpu.memref_slice %arg6[%add3A_11, %dma_start3A_45] : memref<10000x128xf32, #tpu.memory_space<vmem_shared>> -> memref<128x128xf32, #tpu.memory_space<vmem_shared>>
      %dma_start3A_47 = arith.constant 0 : i32
      %dma_start3A_48 = arith.constant 0 : i32
      %dma_start3A_49 = tpu.memref_slice %arg10[%dma_start3A_47, %dma_start3A_48] : memref<128x128xf32, #tpu.memory_space<vmem>> -> memref<128x128xf32, #tpu.memory_space<vmem>>
      tpu.enqueue_dma source(%dma_start3A_49 : memref<128x128xf32, #tpu.memory_space<vmem>>) target(%dma_start3A_46 : memref<128x128xf32, #tpu.memory_space<vmem_shared>>) target_semaphore(%run_scoped3A : memref<!tpu.dma_semaphore, #tpu.memory_space<semaphore_mem>>)
      %dma_wait3A = arith.constant 0 : i32
      %dma_wait3A_50 = arith.constant 0 : i32
      %dma_wait3A_51 = tpu.memref_slice %arg10[%dma_wait3A, %dma_wait3A_50] : memref<128x128xf32, #tpu.memory_space<vmem>> -> memref<128x128xf32, #tpu.memory_space<vmem>>
      %dma_wait3A_52 = arith.constant 0 : i32
      %dma_wait3A_53 = tpu.memref_slice %arg6[%add3A_11, %dma_wait3A_52] : memref<10000x128xf32, #tpu.memory_space<vmem_shared>> -> memref<128x128xf32, #tpu.memory_space<vmem_shared>>
      %dma_wait3A_54 = arith.constant 0 : i32
      %dma_wait3A_55 = tpu.memref_slice %arg6[%add3A_11, %dma_wait3A_54] : memref<10000x128xf32, #tpu.memory_space<vmem_shared>> -> memref<128x128xf32, #tpu.memory_space<vmem_shared>>
      %dma_wait3A_56 = arith.constant 0 : i32
      %dma_wait3A_57 = arith.constant 0 : i32
      %dma_wait3A_58 = tpu.memref_slice %arg10[%dma_wait3A_56, %dma_wait3A_57] : memref<128x128xf32, #tpu.memory_space<vmem>> -> memref<128x128xf32, #tpu.memory_space<vmem>>
      tpu.wait_dma2 semaphore(%run_scoped3A : memref<!tpu.dma_semaphore, #tpu.memory_space<semaphore_mem>>) src(%dma_wait3A_58 : memref<128x128xf32, #tpu.memory_space<vmem>>) dst(%dma_wait3A_55 : memref<128x128xf32, #tpu.memory_space<vmem_shared>>)
      tpu.yield
    }) : () -> ()
    %add3A_12 = arith.constant 384 : i32
    %add3A_13 = arith.addi %mul3A_6, %add3A_12 : i32
    "tpu.region"() ({
      %run_scoped3A = tpu.sem_alloc : memref<!tpu.dma_semaphore, #tpu.memory_space<semaphore_mem>>
      %dma_start3A = arith.constant 0 : i32
      %dma_start3A_41 = arith.constant 0 : i32
      %dma_start3A_42 = tpu.memref_slice %arg10[%dma_start3A, %dma_start3A_41] : memref<128x128xf32, #tpu.memory_space<vmem>> -> memref<128x128xf32, #tpu.memory_space<vmem>>
      %dma_start3A_43 = arith.constant 0 : i32
      %dma_start3A_44 = tpu.memref_slice %arg6[%add3A_13, %dma_start3A_43] : memref<10000x128xf32, #tpu.memory_space<vmem_shared>> -> memref<128x128xf32, #tpu.memory_space<vmem_shared>>
      %dma_start3A_45 = arith.constant 0 : i32
      %dma_start3A_46 = tpu.memref_slice %arg6[%add3A_13, %dma_start3A_45] : memref<10000x128xf32, #tpu.memory_space<vmem_shared>> -> memref<128x128xf32, #tpu.memory_space<vmem_shared>>
      %dma_start3A_47 = arith.constant 0 : i32
      %dma_start3A_48 = arith.constant 0 : i32
      %dma_start3A_49 = tpu.memref_slice %arg10[%dma_start3A_47, %dma_start3A_48] : memref<128x128xf32, #tpu.memory_space<vmem>> -> memref<128x128xf32, #tpu.memory_space<vmem>>
      tpu.enqueue_dma source(%dma_start3A_49 : memref<128x128xf32, #tpu.memory_space<vmem>>) target(%dma_start3A_46 : memref<128x128xf32, #tpu.memory_space<vmem_shared>>) target_semaphore(%run_scoped3A : memref<!tpu.dma_semaphore, #tpu.memory_space<semaphore_mem>>)
      %dma_wait3A = arith.constant 0 : i32
      %dma_wait3A_50 = arith.constant 0 : i32
      %dma_wait3A_51 = tpu.memref_slice %arg10[%dma_wait3A, %dma_wait3A_50] : memref<128x128xf32, #tpu.memory_space<vmem>> -> memref<128x128xf32, #tpu.memory_space<vmem>>
      %dma_wait3A_52 = arith.constant 0 : i32
      %dma_wait3A_53 = tpu.memref_slice %arg6[%add3A_13, %dma_wait3A_52] : memref<10000x128xf32, #tpu.memory_space<vmem_shared>> -> memref<128x128xf32, #tpu.memory_space<vmem_shared>>
      %dma_wait3A_54 = arith.constant 0 : i32
      %dma_wait3A_55 = tpu.memref_slice %arg6[%add3A_13, %dma_wait3A_54] : memref<10000x128xf32, #tpu.memory_space<vmem_shared>> -> memref<128x128xf32, #tpu.memory_space<vmem_shared>>
      %dma_wait3A_56 = arith.constant 0 : i32
      %dma_wait3A_57 = arith.constant 0 : i32
      %dma_wait3A_58 = tpu.memref_slice %arg10[%dma_wait3A_56, %dma_wait3A_57] : memref<128x128xf32, #tpu.memory_space<vmem>> -> memref<128x128xf32, #tpu.memory_space<vmem>>
      tpu.wait_dma2 semaphore(%run_scoped3A : memref<!tpu.dma_semaphore, #tpu.memory_space<semaphore_mem>>) src(%dma_wait3A_58 : memref<128x128xf32, #tpu.memory_space<vmem>>) dst(%dma_wait3A_55 : memref<128x128xf32, #tpu.memory_space<vmem_shared>>)
      tpu.yield
    }) : () -> ()
    %add3A_14 = arith.constant 512 : i32
    %add3A_15 = arith.addi %mul3A_6, %add3A_14 : i32
    "tpu.region"() ({
      %run_scoped3A = tpu.sem_alloc : memref<!tpu.dma_semaphore, #tpu.memory_space<semaphore_mem>>
      %dma_start3A = arith.constant 0 : i32
      %dma_start3A_41 = arith.constant 0 : i32
      %dma_start3A_42 = tpu.memref_slice %arg10[%dma_start3A, %dma_start3A_41] : memref<128x128xf32, #tpu.memory_space<vmem>> -> memref<112x128xf32, #tpu.memory_space<vmem>>
      %dma_start3A_43 = arith.constant 0 : i32
      %dma_start3A_44 = tpu.memref_slice %arg6[%add3A_15, %dma_start3A_43] : memref<10000x128xf32, #tpu.memory_space<vmem_shared>> -> memref<112x128xf32, #tpu.memory_space<vmem_shared>>
      %dma_start3A_45 = arith.constant 0 : i32
      %dma_start3A_46 = tpu.memref_slice %arg6[%add3A_15, %dma_start3A_45] : memref<10000x128xf32, #tpu.memory_space<vmem_shared>> -> memref<112x128xf32, #tpu.memory_space<vmem_shared>>
      %dma_start3A_47 = arith.constant 0 : i32
      %dma_start3A_48 = arith.constant 0 : i32
      %dma_start3A_49 = tpu.memref_slice %arg10[%dma_start3A_47, %dma_start3A_48] : memref<128x128xf32, #tpu.memory_space<vmem>> -> memref<112x128xf32, #tpu.memory_space<vmem>>
      tpu.enqueue_dma source(%dma_start3A_49 : memref<112x128xf32, #tpu.memory_space<vmem>>) target(%dma_start3A_46 : memref<112x128xf32, #tpu.memory_space<vmem_shared>>) target_semaphore(%run_scoped3A : memref<!tpu.dma_semaphore, #tpu.memory_space<semaphore_mem>>)
      %dma_wait3A = arith.constant 0 : i32
      %dma_wait3A_50 = arith.constant 0 : i32
      %dma_wait3A_51 = tpu.memref_slice %arg10[%dma_wait3A, %dma_wait3A_50] : memref<128x128xf32, #tpu.memory_space<vmem>> -> memref<112x128xf32, #tpu.memory_space<vmem>>
      %dma_wait3A_52 = arith.constant 0 : i32
      %dma_wait3A_53 = tpu.memref_slice %arg6[%add3A_15, %dma_wait3A_52] : memref<10000x128xf32, #tpu.memory_space<vmem_shared>> -> memref<112x128xf32, #tpu.memory_space<vmem_shared>>
      %dma_wait3A_54 = arith.constant 0 : i32
      %dma_wait3A_55 = tpu.memref_slice %arg6[%add3A_15, %dma_wait3A_54] : memref<10000x128xf32, #tpu.memory_space<vmem_shared>> -> memref<112x128xf32, #tpu.memory_space<vmem_shared>>
      %dma_wait3A_56 = arith.constant 0 : i32
      %dma_wait3A_57 = arith.constant 0 : i32
      %dma_wait3A_58 = tpu.memref_slice %arg10[%dma_wait3A_56, %dma_wait3A_57] : memref<128x128xf32, #tpu.memory_space<vmem>> -> memref<112x128xf32, #tpu.memory_space<vmem>>
      tpu.wait_dma2 semaphore(%run_scoped3A : memref<!tpu.dma_semaphore, #tpu.memory_space<semaphore_mem>>) src(%dma_wait3A_58 : memref<112x128xf32, #tpu.memory_space<vmem>>) dst(%dma_wait3A_55 : memref<112x128xf32, #tpu.memory_space<vmem_shared>>)
      tpu.yield
    }) : () -> ()
    %eq3A = arith.constant 15 : i32
    %eq3A_16 = arith.cmpi eq, %arg1, %eq3A : i32
    %convert_element_type3A = arith.extui %eq3A_16 : i1 to i32
    %cond3A = arith.constant 0 : i32
    %cond3A_17 = arith.cmpi ne, %convert_element_type3A, %cond3A : i32
    scf.if %cond3A_17 {
      "tpu.region"() ({
        %run_scoped3A = tpu.sem_alloc : memref<!tpu.dma_semaphore, #tpu.memory_space<semaphore_mem>>
        %dma_start3A = arith.constant 0 : i32
        %dma_start3A_41 = arith.constant 0 : i32
        %dma_start3A_42 = tpu.memref_slice %arg10[%dma_start3A, %dma_start3A_41] : memref<128x128xf32, #tpu.memory_space<vmem>> -> memref<16x128xf32, #tpu.memory_space<vmem>>
        %dma_start3A_43 = arith.constant 9984 : i32
        %dma_start3A_44 = arith.constant 0 : i32
        %dma_start3A_45 = tpu.memref_slice %arg6[%dma_start3A_43, %dma_start3A_44] : memref<10000x128xf32, #tpu.memory_space<vmem_shared>> -> memref<16x128xf32, #tpu.memory_space<vmem_shared>>
        %dma_start3A_46 = arith.constant 9984 : i32
        %dma_start3A_47 = arith.constant 0 : i32
        %dma_start3A_48 = tpu.memref_slice %arg6[%dma_start3A_46, %dma_start3A_47] : memref<10000x128xf32, #tpu.memory_space<vmem_shared>> -> memref<16x128xf32, #tpu.memory_space<vmem_shared>>
        %dma_start3A_49 = arith.constant 0 : i32
        %dma_start3A_50 = arith.constant 0 : i32
        %dma_start3A_51 = tpu.memref_slice %arg10[%dma_start3A_49, %dma_start3A_50] : memref<128x128xf32, #tpu.memory_space<vmem>> -> memref<16x128xf32, #tpu.memory_space<vmem>>
        tpu.enqueue_dma source(%dma_start3A_51 : memref<16x128xf32, #tpu.memory_space<vmem>>) target(%dma_start3A_48 : memref<16x128xf32, #tpu.memory_space<vmem_shared>>) target_semaphore(%run_scoped3A : memref<!tpu.dma_semaphore, #tpu.memory_space<semaphore_mem>>)
        %dma_wait3A = arith.constant 0 : i32
        %dma_wait3A_52 = arith.constant 0 : i32
        %dma_wait3A_53 = tpu.memref_slice %arg10[%dma_wait3A, %dma_wait3A_52] : memref<128x128xf32, #tpu.memory_space<vmem>> -> memref<16x128xf32, #tpu.memory_space<vmem>>
        %dma_wait3A_54 = arith.constant 9984 : i32
        %dma_wait3A_55 = arith.constant 0 : i32
        %dma_wait3A_56 = tpu.memref_slice %arg6[%dma_wait3A_54, %dma_wait3A_55] : memref<10000x128xf32, #tpu.memory_space<vmem_shared>> -> memref<16x128xf32, #tpu.memory_space<vmem_shared>>
        %dma_wait3A_57 = arith.constant 9984 : i32
        %dma_wait3A_58 = arith.constant 0 : i32
        %dma_wait3A_59 = tpu.memref_slice %arg6[%dma_wait3A_57, %dma_wait3A_58] : memref<10000x128xf32, #tpu.memory_space<vmem_shared>> -> memref<16x128xf32, #tpu.memory_space<vmem_shared>>
        %dma_wait3A_60 = arith.constant 0 : i32
        %dma_wait3A_61 = arith.constant 0 : i32
        %dma_wait3A_62 = tpu.memref_slice %arg10[%dma_wait3A_60, %dma_wait3A_61] : memref<128x128xf32, #tpu.memory_space<vmem>> -> memref<16x128xf32, #tpu.memory_space<vmem>>
        tpu.wait_dma2 semaphore(%run_scoped3A : memref<!tpu.dma_semaphore, #tpu.memory_space<semaphore_mem>>) src(%dma_wait3A_62 : memref<16x128xf32, #tpu.memory_space<vmem>>) dst(%dma_wait3A_59 : memref<16x128xf32, #tpu.memory_space<vmem_shared>>)
        tpu.yield
      }) : () -> ()
    } else {
    }
    %barrier3A = arith.constant 0 : index
    tpu.barrier barrier_id(%barrier3A)
    %mul3A_18 = arith.constant 156 : i32
    %mul3A_19 = arith.muli %arg1, %mul3A_18 : i32
    %mul3A_20 = arith.constant 128 : i32
    %mul3A_21 = arith.muli %mul3A_19, %mul3A_20 : i32
    %scan3A_22 = arith.constant 0 : i32
    %scan3A_23 = arith.constant 0 : i32
    %scan3A_24 = arith.constant 52 : i32
    %scan3A_25 = arith.addi %scan3A_23, %scan3A_24 : i32
    %scan3A_26 = arith.constant 1 : i32
    %scan3A_27 = scf.for %scan3A_41 = %scan3A_23 to %scan3A_25 step %scan3A_26 iter_args(%scan3A_42 = %scan3A_22) -> (i32)  : i32 {
      %mul3A_43 = arith.constant 3 : i32
      %mul3A_44 = arith.muli %mul3A_43, %scan3A_41 : i32
      %add3A_45 = arith.constant 0 : i32
      %add3A_46 = arith.addi %mul3A_44, %add3A_45 : i32
      %mul3A_47 = arith.constant 128 : i32
      %mul3A_48 = arith.muli %add3A_46, %mul3A_47 : i32
      %add3A_49 = arith.addi %mul3A_21, %mul3A_48 : i32
      "tpu.region"() ({
        %run_scoped3A = tpu.sem_alloc : memref<!tpu.dma_semaphore, #tpu.memory_space<semaphore_mem>>
        %dma_start3A_367 = tpu.memref_slice %arg3[%add3A_49] : memref<320000xi32, #tpu.memory_space<hbm>> -> memref<128xi32, #tpu.memory_space<hbm>>
        %dma_start3A_368 = tpu.memref_slice %arg3[%add3A_49] : memref<320000xi32, #tpu.memory_space<hbm>> -> memref<128xi32, #tpu.memory_space<hbm>>
        tpu.enqueue_dma source(%dma_start3A_368 : memref<128xi32, #tpu.memory_space<hbm>>) target(%arg7 : memref<128xi32, #tpu.memory_space<vmem>>) target_semaphore(%run_scoped3A : memref<!tpu.dma_semaphore, #tpu.memory_space<semaphore_mem>>)
        %dma_wait3A_369 = tpu.memref_slice %arg3[%add3A_49] : memref<320000xi32, #tpu.memory_space<hbm>> -> memref<128xi32, #tpu.memory_space<hbm>>
        %dma_wait3A_370 = tpu.memref_slice %arg3[%add3A_49] : memref<320000xi32, #tpu.memory_space<hbm>> -> memref<128xi32, #tpu.memory_space<hbm>>
        tpu.wait_dma2 semaphore(%run_scoped3A : memref<!tpu.dma_semaphore, #tpu.memory_space<semaphore_mem>>) src(%dma_wait3A_370 : memref<128xi32, #tpu.memory_space<hbm>>) dst(%arg7 : memref<128xi32, #tpu.memory_space<vmem>>)
        tpu.yield
      }) : () -> ()
      "tpu.region"() ({
        %run_scoped3A = tpu.sem_alloc : memref<!tpu.dma_semaphore, #tpu.memory_space<semaphore_mem>>
        %dma_start3A_367 = tpu.memref_slice %arg4[%add3A_49] : memref<320000xi32, #tpu.memory_space<hbm>> -> memref<128xi32, #tpu.memory_space<hbm>>
        %dma_start3A_368 = tpu.memref_slice %arg4[%add3A_49] : memref<320000xi32, #tpu.memory_space<hbm>> -> memref<128xi32, #tpu.memory_space<hbm>>
        tpu.enqueue_dma source(%dma_start3A_368 : memref<128xi32, #tpu.memory_space<hbm>>) target(%arg8 : memref<128xi32, #tpu.memory_space<vmem>>) target_semaphore(%run_scoped3A : memref<!tpu.dma_semaphore, #tpu.memory_space<semaphore_mem>>)
        %dma_wait3A_369 = tpu.memref_slice %arg4[%add3A_49] : memref<320000xi32, #tpu.memory_space<hbm>> -> memref<128xi32, #tpu.memory_space<hbm>>
        %dma_wait3A_370 = tpu.memref_slice %arg4[%add3A_49] : memref<320000xi32, #tpu.memory_space<hbm>> -> memref<128xi32, #tpu.memory_space<hbm>>
        tpu.wait_dma2 semaphore(%run_scoped3A : memref<!tpu.dma_semaphore, #tpu.memory_space<semaphore_mem>>) src(%dma_wait3A_370 : memref<128xi32, #tpu.memory_space<hbm>>) dst(%arg8 : memref<128xi32, #tpu.memory_space<vmem>>)
        tpu.yield
      }) : () -> ()
      %get3A = arith.constant 0 : index
      %get3A_50 = tpu.vector_load %arg7[%get3A] {strides = array<i32>} : memref<128xi32, #tpu.memory_space<vmem>>, vector<16xi32>,
      %get3A_51 = vector.shape_cast %get3A_50 : vector<16xi32> to vector<16xi32>
      %mul3A_52 = arith.constant 2 : i32
      %mul3A_53 = vector.broadcast %mul3A_52 : i32 to vector<16xi32>
      %mul3A_54 = arith.muli %get3A_51, %mul3A_53 : vector<16xi32>
      %add3A_55 = vector.broadcast %arg0 : i32 to vector<16xi32>
      %add3A_56 = arith.addi %mul3A_54, %add3A_55 : vector<16xi32>
      %swap3A = arith.constant 0 : index
      %swap3A_57 = tpu.vector_load %arg9[%swap3A] {strides = array<i32>} : memref<128xi32, #tpu.memory_space<vmem>>, vector<16xi32>,
      %swap3A_58 = vector.shape_cast %swap3A_57 : vector<16xi32> to vector<16xi32>
      %swap3A_59 = vector.shape_cast %add3A_56 : vector<16xi32> to vector<16xi32>
      tpu.vector_store %arg9[%swap3A], %swap3A_59 {strides = array<i32>} : memref<128xi32, #tpu.memory_space<vmem>>, vector<16xi32>,
      %get3A_60 = arith.constant 16 : index
      %get3A_61 = tpu.vector_load %arg7[%get3A_60] {strides = array<i32>} : memref<128xi32, #tpu.memory_space<vmem>>, vector<16xi32>,
      %get3A_62 = vector.shape_cast %get3A_61 : vector<16xi32> to vector<16xi32>
      %mul3A_63 = arith.constant 2 : i32
      %mul3A_64 = vector.broadcast %mul3A_63 : i32 to vector<16xi32>
      %mul3A_65 = arith.muli %get3A_62, %mul3A_64 : vector<16xi32>
      %add3A_66 = vector.broadcast %arg0 : i32 to vector<16xi32>
      %add3A_67 = arith.addi %mul3A_65, %add3A_66 : vector<16xi32>
      %swap3A_68 = arith.constant 16 : index
      %swap3A_69 = tpu.vector_load %arg9[%swap3A_68] {strides = array<i32>} : memref<128xi32, #tpu.memory_space<vmem>>, vector<16xi32>,
      %swap3A_70 = vector.shape_cast %swap3A_69 : vector<16xi32> to vector<16xi32>
      %swap3A_71 = vector.shape_cast %add3A_67 : vector<16xi32> to vector<16xi32>
      tpu.vector_store %arg9[%swap3A_68], %swap3A_71 {strides = array<i32>} : memref<128xi32, #tpu.memory_space<vmem>>, vector<16xi32>,
      %get3A_72 = arith.constant 32 : index
      %get3A_73 = tpu.vector_load %arg7[%get3A_72] {strides = array<i32>} : memref<128xi32, #tpu.memory_space<vmem>>, vector<16xi32>,
      %get3A_74 = vector.shape_cast %get3A_73 : vector<16xi32> to vector<16xi32>
      %mul3A_75 = arith.constant 2 : i32
      %mul3A_76 = vector.broadcast %mul3A_75 : i32 to vector<16xi32>
      %mul3A_77 = arith.muli %get3A_74, %mul3A_76 : vector<16xi32>
      %add3A_78 = vector.broadcast %arg0 : i32 to vector<16xi32>
      %add3A_79 = arith.addi %mul3A_77, %add3A_78 : vector<16xi32>
      %swap3A_80 = arith.constant 32 : index
      %swap3A_81 = tpu.vector_load %arg9[%swap3A_80] {strides = array<i32>} : memref<128xi32, #tpu.memory_space<vmem>>, vector<16xi32>,
      %swap3A_82 = vector.shape_cast %swap3A_81 : vector<16xi32> to vector<16xi32>
      %swap3A_83 = vector.shape_cast %add3A_79 : vector<16xi32> to vector<16xi32>
      tpu.vector_store %arg9[%swap3A_80], %swap3A_83 {strides = array<i32>} : memref<128xi32, #tpu.memory_space<vmem>>, vector<16xi32>,
      %get3A_84 = arith.constant 48 : index
      %get3A_85 = tpu.vector_load %arg7[%get3A_84] {strides = array<i32>} : memref<128xi32, #tpu.memory_space<vmem>>, vector<16xi32>,
      %get3A_86 = vector.shape_cast %get3A_85 : vector<16xi32> to vector<16xi32>
      %mul3A_87 = arith.constant 2 : i32
      %mul3A_88 = vector.broadcast %mul3A_87 : i32 to vector<16xi32>
      %mul3A_89 = arith.muli %get3A_86, %mul3A_88 : vector<16xi32>
      %add3A_90 = vector.broadcast %arg0 : i32 to vector<16xi32>
      %add3A_91 = arith.addi %mul3A_89, %add3A_90 : vector<16xi32>
      %swap3A_92 = arith.constant 48 : index
      %swap3A_93 = tpu.vector_load %arg9[%swap3A_92] {strides = array<i32>} : memref<128xi32, #tpu.memory_space<vmem>>, vector<16xi32>,
      %swap3A_94 = vector.shape_cast %swap3A_93 : vector<16xi32> to vector<16xi32>
      %swap3A_95 = vector.shape_cast %add3A_91 : vector<16xi32> to vector<16xi32>
      tpu.vector_store %arg9[%swap3A_92], %swap3A_95 {strides = array<i32>} : memref<128xi32, #tpu.memory_space<vmem>>, vector<16xi32>,
      %get3A_96 = arith.constant 64 : index
      %get3A_97 = tpu.vector_load %arg7[%get3A_96] {strides = array<i32>} : memref<128xi32, #tpu.memory_space<vmem>>, vector<16xi32>,
      %get3A_98 = vector.shape_cast %get3A_97 : vector<16xi32> to vector<16xi32>
      %mul3A_99 = arith.constant 2 : i32
      %mul3A_100 = vector.broadcast %mul3A_99 : i32 to vector<16xi32>
      %mul3A_101 = arith.muli %get3A_98, %mul3A_100 : vector<16xi32>
      %add3A_102 = vector.broadcast %arg0 : i32 to vector<16xi32>
      %add3A_103 = arith.addi %mul3A_101, %add3A_102 : vector<16xi32>
      %swap3A_104 = arith.constant 64 : index
      %swap3A_105 = tpu.vector_load %arg9[%swap3A_104] {strides = array<i32>} : memref<128xi32, #tpu.memory_space<vmem>>, vector<16xi32>,
      %swap3A_106 = vector.shape_cast %swap3A_105 : vector<16xi32> to vector<16xi32>
      %swap3A_107 = vector.shape_cast %add3A_103 : vector<16xi32> to vector<16xi32>
      tpu.vector_store %arg9[%swap3A_104], %swap3A_107 {strides = array<i32>} : memref<128xi32, #tpu.memory_space<vmem>>, vector<16xi32>,
      %get3A_108 = arith.constant 80 : index
      %get3A_109 = tpu.vector_load %arg7[%get3A_108] {strides = array<i32>} : memref<128xi32, #tpu.memory_space<vmem>>, vector<16xi32>,
      %get3A_110 = vector.shape_cast %get3A_109 : vector<16xi32> to vector<16xi32>
      %mul3A_111 = arith.constant 2 : i32
      %mul3A_112 = vector.broadcast %mul3A_111 : i32 to vector<16xi32>
      %mul3A_113 = arith.muli %get3A_110, %mul3A_112 : vector<16xi32>
      %add3A_114 = vector.broadcast %arg0 : i32 to vector<16xi32>
      %add3A_115 = arith.addi %mul3A_113, %add3A_114 : vector<16xi32>
      %swap3A_116 = arith.constant 80 : index
      %swap3A_117 = tpu.vector_load %arg9[%swap3A_116] {strides = array<i32>} : memref<128xi32, #tpu.memory_space<vmem>>, vector<16xi32>,
      %swap3A_118 = vector.shape_cast %swap3A_117 : vector<16xi32> to vector<16xi32>
      %swap3A_119 = vector.shape_cast %add3A_115 : vector<16xi32> to vector<16xi32>
      tpu.vector_store %arg9[%swap3A_116], %swap3A_119 {strides = array<i32>} : memref<128xi32, #tpu.memory_space<vmem>>, vector<16xi32>,
      %get3A_120 = arith.constant 96 : index
      %get3A_121 = tpu.vector_load %arg7[%get3A_120] {strides = array<i32>} : memref<128xi32, #tpu.memory_space<vmem>>, vector<16xi32>,
      %get3A_122 = vector.shape_cast %get3A_121 : vector<16xi32> to vector<16xi32>
      %mul3A_123 = arith.constant 2 : i32
      %mul3A_124 = vector.broadcast %mul3A_123 : i32 to vector<16xi32>
      %mul3A_125 = arith.muli %get3A_122, %mul3A_124 : vector<16xi32>
      %add3A_126 = vector.broadcast %arg0 : i32 to vector<16xi32>
      %add3A_127 = arith.addi %mul3A_125, %add3A_126 : vector<16xi32>
      %swap3A_128 = arith.constant 96 : index
      %swap3A_129 = tpu.vector_load %arg9[%swap3A_128] {strides = array<i32>} : memref<128xi32, #tpu.memory_space<vmem>>, vector<16xi32>,
      %swap3A_130 = vector.shape_cast %swap3A_129 : vector<16xi32> to vector<16xi32>
      %swap3A_131 = vector.shape_cast %add3A_127 : vector<16xi32> to vector<16xi32>
      tpu.vector_store %arg9[%swap3A_128], %swap3A_131 {strides = array<i32>} : memref<128xi32, #tpu.memory_space<vmem>>, vector<16xi32>,
      %get3A_132 = arith.constant 112 : index
      %get3A_133 = tpu.vector_load %arg7[%get3A_132] {strides = array<i32>} : memref<128xi32, #tpu.memory_space<vmem>>, vector<16xi32>,
      %get3A_134 = vector.shape_cast %get3A_133 : vector<16xi32> to vector<16xi32>
      %mul3A_135 = arith.constant 2 : i32
      %mul3A_136 = vector.broadcast %mul3A_135 : i32 to vector<16xi32>
      %mul3A_137 = arith.muli %get3A_134, %mul3A_136 : vector<16xi32>
      %add3A_138 = vector.broadcast %arg0 : i32 to vector<16xi32>
      %add3A_139 = arith.addi %mul3A_137, %add3A_138 : vector<16xi32>
      %swap3A_140 = arith.constant 112 : index
      %swap3A_141 = tpu.vector_load %arg9[%swap3A_140] {strides = array<i32>} : memref<128xi32, #tpu.memory_space<vmem>>, vector<16xi32>,
      %swap3A_142 = vector.shape_cast %swap3A_141 : vector<16xi32> to vector<16xi32>
      %swap3A_143 = vector.shape_cast %add3A_139 : vector<16xi32> to vector<16xi32>
      tpu.vector_store %arg9[%swap3A_140], %swap3A_143 {strides = array<i32>} : memref<128xi32, #tpu.memory_space<vmem>>, vector<16xi32>,
      %dma_start3A = arith.constant 0 : i32
      %dma_start3A_144 = arith.constant 0 : i32
      %dma_start3A_145 = tpu.memref_slice %arg2[%dma_start3A, %dma_start3A_144] : memref<20000x128xf32, #tpu.memory_space<hbm>> -> memref<20000x128xf32, #tpu.memory_space<hbm>>
      tpu.enqueue_indirect_dma source(%dma_start3A_145 : memref<20000x128xf32, #tpu.memory_space<hbm>>) target(%arg10 : memref<128x128xf32, #tpu.memory_space<vmem>>) offsets(%arg9 : memref<128xi32, #tpu.memory_space<vmem>>) semaphore(%arg11 : memref<!tpu.dma_semaphore, #tpu.memory_space<semaphore_mem>>)
      %mul3A_146 = arith.constant 3 : i32
      %mul3A_147 = arith.muli %mul3A_146, %scan3A_41 : i32
      %add3A_148 = arith.constant 1 : i32
      %add3A_149 = arith.addi %mul3A_147, %add3A_148 : i32
      %mul3A_150 = arith.constant 128 : i32
      %mul3A_151 = arith.muli %add3A_149, %mul3A_150 : i32
      %add3A_152 = arith.addi %mul3A_21, %mul3A_151 : i32
      "tpu.region"() ({
        %run_scoped3A = tpu.sem_alloc : memref<!tpu.dma_semaphore, #tpu.memory_space<semaphore_mem>>
        %dma_start3A_367 = tpu.memref_slice %arg3[%add3A_152] : memref<320000xi32, #tpu.memory_space<hbm>> -> memref<128xi32, #tpu.memory_space<hbm>>
        %dma_start3A_368 = tpu.memref_slice %arg3[%add3A_152] : memref<320000xi32, #tpu.memory_space<hbm>> -> memref<128xi32, #tpu.memory_space<hbm>>
        tpu.enqueue_dma source(%dma_start3A_368 : memref<128xi32, #tpu.memory_space<hbm>>) target(%arg12 : memref<128xi32, #tpu.memory_space<vmem>>) target_semaphore(%run_scoped3A : memref<!tpu.dma_semaphore, #tpu.memory_space<semaphore_mem>>)
        %dma_wait3A_369 = tpu.memref_slice %arg3[%add3A_152] : memref<320000xi32, #tpu.memory_space<hbm>> -> memref<128xi32, #tpu.memory_space<hbm>>
        %dma_wait3A_370 = tpu.memref_slice %arg3[%add3A_152] : memref<320000xi32, #tpu.memory_space<hbm>> -> memref<128xi32, #tpu.memory_space<hbm>>
        tpu.wait_dma2 semaphore(%run_scoped3A : memref<!tpu.dma_semaphore, #tpu.memory_space<semaphore_mem>>) src(%dma_wait3A_370 : memref<128xi32, #tpu.memory_space<hbm>>) dst(%arg12 : memref<128xi32, #tpu.memory_space<vmem>>)
        tpu.yield
      }) : () -> ()
      "tpu.region"() ({
        %run_scoped3A = tpu.sem_alloc : memref<!tpu.dma_semaphore, #tpu.memory_space<semaphore_mem>>
        %dma_start3A_367 = tpu.memref_slice %arg4[%add3A_152] : memref<320000xi32, #tpu.memory_space<hbm>> -> memref<128xi32, #tpu.memory_space<hbm>>
        %dma_start3A_368 = tpu.memref_slice %arg4[%add3A_152] : memref<320000xi32, #tpu.memory_space<hbm>> -> memref<128xi32, #tpu.memory_space<hbm>>
        tpu.enqueue_dma source(%dma_start3A_368 : memref<128xi32, #tpu.memory_space<hbm>>) target(%arg13 : memref<128xi32, #tpu.memory_space<vmem>>) target_semaphore(%run_scoped3A : memref<!tpu.dma_semaphore, #tpu.memory_space<semaphore_mem>>)
        %dma_wait3A_369 = tpu.memref_slice %arg4[%add3A_152] : memref<320000xi32, #tpu.memory_space<hbm>> -> memref<128xi32, #tpu.memory_space<hbm>>
        %dma_wait3A_370 = tpu.memref_slice %arg4[%add3A_152] : memref<320000xi32, #tpu.memory_space<hbm>> -> memref<128xi32, #tpu.memory_space<hbm>>
        tpu.wait_dma2 semaphore(%run_scoped3A : memref<!tpu.dma_semaphore, #tpu.memory_space<semaphore_mem>>) src(%dma_wait3A_370 : memref<128xi32, #tpu.memory_space<hbm>>) dst(%arg13 : memref<128xi32, #tpu.memory_space<vmem>>)
        tpu.yield
      }) : () -> ()
      %get3A_153 = arith.constant 0 : index
      %get3A_154 = tpu.vector_load %arg12[%get3A_153] {strides = array<i32>} : memref<128xi32, #tpu.memory_space<vmem>>, vector<16xi32>,
      %get3A_155 = vector.shape_cast %get3A_154 : vector<16xi32> to vector<16xi32>
      %mul3A_156 = arith.constant 2 : i32
      %mul3A_157 = vector.broadcast %mul3A_156 : i32 to vector<16xi32>
      %mul3A_158 = arith.muli %get3A_155, %mul3A_157 : vector<16xi32>
      %add3A_159 = vector.broadcast %arg0 : i32 to vector<16xi32>
      %add3A_160 = arith.addi %mul3A_158, %add3A_159 : vector<16xi32>
      %swap3A_161 = arith.constant 0 : index
      %swap3A_162 = tpu.vector_load %arg14[%swap3A_161] {strides = array<i32>} : memref<128xi32, #tpu.memory_space<vmem>>, vector<16xi32>,
      %swap3A_163 = vector.shape_cast %swap3A_162 : vector<16xi32> to vector<16xi32>
      %swap3A_164 = vector.shape_cast %add3A_160 : vector<16xi32> to vector<16xi32>
      tpu.vector_store %arg14[%swap3A_161], %swap3A_164 {strides = array<i32>} : memref<128xi32, #tpu.memory_space<vmem>>, vector<16xi32>,
      %get3A_165 = arith.constant 16 : index
      %get3A_166 = tpu.vector_load %arg12[%get3A_165] {strides = array<i32>} : memref<128xi32, #tpu.memory_space<vmem>>, vector<16xi32>,
      %get3A_167 = vector.shape_cast %get3A_166 : vector<16xi32> to vector<16xi32>
      %mul3A_168 = arith.constant 2 : i32
      %mul3A_169 = vector.broadcast %mul3A_168 : i32 to vector<16xi32>
      %mul3A_170 = arith.muli %get3A_167, %mul3A_169 : vector<16xi32>
      %add3A_171 = vector.broadcast %arg0 : i32 to vector<16xi32>
      %add3A_172 = arith.addi %mul3A_170, %add3A_171 : vector<16xi32>
      %swap3A_173 = arith.constant 16 : index
      %swap3A_174 = tpu.vector_load %arg14[%swap3A_173] {strides = array<i32>} : memref<128xi32, #tpu.memory_space<vmem>>, vector<16xi32>,
      %swap3A_175 = vector.shape_cast %swap3A_174 : vector<16xi32> to vector<16xi32>
      %swap3A_176 = vector.shape_cast %add3A_172 : vector<16xi32> to vector<16xi32>
      tpu.vector_store %arg14[%swap3A_173], %swap3A_176 {strides = array<i32>} : memref<128xi32, #tpu.memory_space<vmem>>, vector<16xi32>,
      %get3A_177 = arith.constant 32 : index
      %get3A_178 = tpu.vector_load %arg12[%get3A_177] {strides = array<i32>} : memref<128xi32, #tpu.memory_space<vmem>>, vector<16xi32>,
      %get3A_179 = vector.shape_cast %get3A_178 : vector<16xi32> to vector<16xi32>
      %mul3A_180 = arith.constant 2 : i32
      %mul3A_181 = vector.broadcast %mul3A_180 : i32 to vector<16xi32>
      %mul3A_182 = arith.muli %get3A_179, %mul3A_181 : vector<16xi32>
      %add3A_183 = vector.broadcast %arg0 : i32 to vector<16xi32>
      %add3A_184 = arith.addi %mul3A_182, %add3A_183 : vector<16xi32>
      %swap3A_185 = arith.constant 32 : index
      %swap3A_186 = tpu.vector_load %arg14[%swap3A_185] {strides = array<i32>} : memref<128xi32, #tpu.memory_space<vmem>>, vector<16xi32>,
      %swap3A_187 = vector.shape_cast %swap3A_186 : vector<16xi32> to vector<16xi32>
      %swap3A_188 = vector.shape_cast %add3A_184 : vector<16xi32> to vector<16xi32>
      tpu.vector_store %arg14[%swap3A_185], %swap3A_188 {strides = array<i32>} : memref<128xi32, #tpu.memory_space<vmem>>, vector<16xi32>,
      %get3A_189 = arith.constant 48 : index
      %get3A_190 = tpu.vector_load %arg12[%get3A_189] {strides = array<i32>} : memref<128xi32, #tpu.memory_space<vmem>>, vector<16xi32>,
      %get3A_191 = vector.shape_cast %get3A_190 : vector<16xi32> to vector<16xi32>
      %mul3A_192 = arith.constant 2 : i32
      %mul3A_193 = vector.broadcast %mul3A_192 : i32 to vector<16xi32>
      %mul3A_194 = arith.muli %get3A_191, %mul3A_193 : vector<16xi32>
      %add3A_195 = vector.broadcast %arg0 : i32 to vector<16xi32>
      %add3A_196 = arith.addi %mul3A_194, %add3A_195 : vector<16xi32>
      %swap3A_197 = arith.constant 48 : index
      %swap3A_198 = tpu.vector_load %arg14[%swap3A_197] {strides = array<i32>} : memref<128xi32, #tpu.memory_space<vmem>>, vector<16xi32>,
      %swap3A_199 = vector.shape_cast %swap3A_198 : vector<16xi32> to vector<16xi32>
      %swap3A_200 = vector.shape_cast %add3A_196 : vector<16xi32> to vector<16xi32>
      tpu.vector_store %arg14[%swap3A_197], %swap3A_200 {strides = array<i32>} : memref<128xi32, #tpu.memory_space<vmem>>, vector<16xi32>,
      %get3A_201 = arith.constant 64 : index
      %get3A_202 = tpu.vector_load %arg12[%get3A_201] {strides = array<i32>} : memref<128xi32, #tpu.memory_space<vmem>>, vector<16xi32>,
      %get3A_203 = vector.shape_cast %get3A_202 : vector<16xi32> to vector<16xi32>
      %mul3A_204 = arith.constant 2 : i32
      %mul3A_205 = vector.broadcast %mul3A_204 : i32 to vector<16xi32>
      %mul3A_206 = arith.muli %get3A_203, %mul3A_205 : vector<16xi32>
      %add3A_207 = vector.broadcast %arg0 : i32 to vector<16xi32>
      %add3A_208 = arith.addi %mul3A_206, %add3A_207 : vector<16xi32>
      %swap3A_209 = arith.constant 64 : index
      %swap3A_210 = tpu.vector_load %arg14[%swap3A_209] {strides = array<i32>} : memref<128xi32, #tpu.memory_space<vmem>>, vector<16xi32>,
      %swap3A_211 = vector.shape_cast %swap3A_210 : vector<16xi32> to vector<16xi32>
      %swap3A_212 = vector.shape_cast %add3A_208 : vector<16xi32> to vector<16xi32>
      tpu.vector_store %arg14[%swap3A_209], %swap3A_212 {strides = array<i32>} : memref<128xi32, #tpu.memory_space<vmem>>, vector<16xi32>,
      %get3A_213 = arith.constant 80 : index
      %get3A_214 = tpu.vector_load %arg12[%get3A_213] {strides = array<i32>} : memref<128xi32, #tpu.memory_space<vmem>>, vector<16xi32>,
      %get3A_215 = vector.shape_cast %get3A_214 : vector<16xi32> to vector<16xi32>
      %mul3A_216 = arith.constant 2 : i32
      %mul3A_217 = vector.broadcast %mul3A_216 : i32 to vector<16xi32>
      %mul3A_218 = arith.muli %get3A_215, %mul3A_217 : vector<16xi32>
      %add3A_219 = vector.broadcast %arg0 : i32 to vector<16xi32>
      %add3A_220 = arith.addi %mul3A_218, %add3A_219 : vector<16xi32>
      %swap3A_221 = arith.constant 80 : index
      %swap3A_222 = tpu.vector_load %arg14[%swap3A_221] {strides = array<i32>} : memref<128xi32, #tpu.memory_space<vmem>>, vector<16xi32>,
      %swap3A_223 = vector.shape_cast %swap3A_222 : vector<16xi32> to vector<16xi32>
      %swap3A_224 = vector.shape_cast %add3A_220 : vector<16xi32> to vector<16xi32>
      tpu.vector_store %arg14[%swap3A_221], %swap3A_224 {strides = array<i32>} : memref<128xi32, #tpu.memory_space<vmem>>, vector<16xi32>,
      %get3A_225 = arith.constant 96 : index
      %get3A_226 = tpu.vector_load %arg12[%get3A_225] {strides = array<i32>} : memref<128xi32, #tpu.memory_space<vmem>>, vector<16xi32>,
      %get3A_227 = vector.shape_cast %get3A_226 : vector<16xi32> to vector<16xi32>
      %mul3A_228 = arith.constant 2 : i32
      %mul3A_229 = vector.broadcast %mul3A_228 : i32 to vector<16xi32>
      %mul3A_230 = arith.muli %get3A_227, %mul3A_229 : vector<16xi32>
      %add3A_231 = vector.broadcast %arg0 : i32 to vector<16xi32>
      %add3A_232 = arith.addi %mul3A_230, %add3A_231 : vector<16xi32>
      %swap3A_233 = arith.constant 96 : index
      %swap3A_234 = tpu.vector_load %arg14[%swap3A_233] {strides = array<i32>} : memref<128xi32, #tpu.memory_space<vmem>>, vector<16xi32>,
      %swap3A_235 = vector.shape_cast %swap3A_234 : vector<16xi32> to vector<16xi32>
      %swap3A_236 = vector.shape_cast %add3A_232 : vector<16xi32> to vector<16xi32>
      tpu.vector_store %arg14[%swap3A_233], %swap3A_236 {strides = array<i32>} : memref<128xi32, #tpu.memory_space<vmem>>, vector<16xi32>,
      %get3A_237 = arith.constant 112 : index
      %get3A_238 = tpu.vector_load %arg12[%get3A_237] {strides = array<i32>} : memref<128xi32, #tpu.memory_space<vmem>>, vector<16xi32>,
      %get3A_239 = vector.shape_cast %get3A_238 : vector<16xi32> to vector<16xi32>
      %mul3A_240 = arith.constant 2 : i32
      %mul3A_241 = vector.broadcast %mul3A_240 : i32 to vector<16xi32>
      %mul3A_242 = arith.muli %get3A_239, %mul3A_241 : vector<16xi32>
      %add3A_243 = vector.broadcast %arg0 : i32 to vector<16xi32>
      %add3A_244 = arith.addi %mul3A_242, %add3A_243 : vector<16xi32>
      %swap3A_245 = arith.constant 112 : index
      %swap3A_246 = tpu.vector_load %arg14[%swap3A_245] {strides = array<i32>} : memref<128xi32, #tpu.memory_space<vmem>>, vector<16xi32>,
      %swap3A_247 = vector.shape_cast %swap3A_246 : vector<16xi32> to vector<16xi32>
      %swap3A_248 = vector.shape_cast %add3A_244 : vector<16xi32> to vector<16xi32>
      tpu.vector_store %arg14[%swap3A_245], %swap3A_248 {strides = array<i32>} : memref<128xi32, #tpu.memory_space<vmem>>, vector<16xi32>,
      %dma_start3A_249 = arith.constant 0 : i32
      %dma_start3A_250 = arith.constant 0 : i32
      %dma_start3A_251 = tpu.memref_slice %arg2[%dma_start3A_249, %dma_start3A_250] : memref<20000x128xf32, #tpu.memory_space<hbm>> -> memref<20000x128xf32, #tpu.memory_space<hbm>>
      tpu.enqueue_indirect_dma source(%dma_start3A_251 : memref<20000x128xf32, #tpu.memory_space<hbm>>) target(%arg15 : memref<128x128xf32, #tpu.memory_space<vmem>>) offsets(%arg14 : memref<128xi32, #tpu.memory_space<vmem>>) semaphore(%arg16 : memref<!tpu.dma_semaphore, #tpu.memory_space<semaphore_mem>>)
      %mul3A_252 = arith.constant 3 : i32
      %mul3A_253 = arith.muli %mul3A_252, %scan3A_41 : i32
      %add3A_254 = arith.constant 2 : i32
      %add3A_255 = arith.addi %mul3A_253, %add3A_254 : i32
      %mul3A_256 = arith.constant 128 : i32
      %mul3A_257 = arith.muli %add3A_255, %mul3A_256 : i32
      %add3A_258 = arith.addi %mul3A_21, %mul3A_257 : i32
      "tpu.region"() ({
        %run_scoped3A = tpu.sem_alloc : memref<!tpu.dma_semaphore, #tpu.memory_space<semaphore_mem>>
        %dma_start3A_367 = tpu.memref_slice %arg3[%add3A_258] : memref<320000xi32, #tpu.memory_space<hbm>> -> memref<128xi32, #tpu.memory_space<hbm>>
        %dma_start3A_368 = tpu.memref_slice %arg3[%add3A_258] : memref<320000xi32, #tpu.memory_space<hbm>> -> memref<128xi32, #tpu.memory_space<hbm>>
        tpu.enqueue_dma source(%dma_start3A_368 : memref<128xi32, #tpu.memory_space<hbm>>) target(%arg17 : memref<128xi32, #tpu.memory_space<vmem>>) target_semaphore(%run_scoped3A : memref<!tpu.dma_semaphore, #tpu.memory_space<semaphore_mem>>)
        %dma_wait3A_369 = tpu.memref_slice %arg3[%add3A_258] : memref<320000xi32, #tpu.memory_space<hbm>> -> memref<128xi32, #tpu.memory_space<hbm>>
        %dma_wait3A_370 = tpu.memref_slice %arg3[%add3A_258] : memref<320000xi32, #tpu.memory_space<hbm>> -> memref<128xi32, #tpu.memory_space<hbm>>
        tpu.wait_dma2 semaphore(%run_scoped3A : memref<!tpu.dma_semaphore, #tpu.memory_space<semaphore_mem>>) src(%dma_wait3A_370 : memref<128xi32, #tpu.memory_space<hbm>>) dst(%arg17 : memref<128xi32, #tpu.memory_space<vmem>>)
        tpu.yield
      }) : () -> ()
      "tpu.region"() ({
        %run_scoped3A = tpu.sem_alloc : memref<!tpu.dma_semaphore, #tpu.memory_space<semaphore_mem>>
        %dma_start3A_367 = tpu.memref_slice %arg4[%add3A_258] : memref<320000xi32, #tpu.memory_space<hbm>> -> memref<128xi32, #tpu.memory_space<hbm>>
        %dma_start3A_368 = tpu.memref_slice %arg4[%add3A_258] : memref<320000xi32, #tpu.memory_space<hbm>> -> memref<128xi32, #tpu.memory_space<hbm>>
        tpu.enqueue_dma source(%dma_start3A_368 : memref<128xi32, #tpu.memory_space<hbm>>) target(%arg18 : memref<128xi32, #tpu.memory_space<vmem>>) target_semaphore(%run_scoped3A : memref<!tpu.dma_semaphore, #tpu.memory_space<semaphore_mem>>)
        %dma_wait3A_369 = tpu.memref_slice %arg4[%add3A_258] : memref<320000xi32, #tpu.memory_space<hbm>> -> memref<128xi32, #tpu.memory_space<hbm>>
        %dma_wait3A_370 = tpu.memref_slice %arg4[%add3A_258] : memref<320000xi32, #tpu.memory_space<hbm>> -> memref<128xi32, #tpu.memory_space<hbm>>
        tpu.wait_dma2 semaphore(%run_scoped3A : memref<!tpu.dma_semaphore, #tpu.memory_space<semaphore_mem>>) src(%dma_wait3A_370 : memref<128xi32, #tpu.memory_space<hbm>>) dst(%arg18 : memref<128xi32, #tpu.memory_space<vmem>>)
        tpu.yield
      }) : () -> ()
      %get3A_259 = arith.constant 0 : index
      %get3A_260 = tpu.vector_load %arg17[%get3A_259] {strides = array<i32>} : memref<128xi32, #tpu.memory_space<vmem>>, vector<16xi32>,
      %get3A_261 = vector.shape_cast %get3A_260 : vector<16xi32> to vector<16xi32>
      %mul3A_262 = arith.constant 2 : i32
      %mul3A_263 = vector.broadcast %mul3A_262 : i32 to vector<16xi32>
      %mul3A_264 = arith.muli %get3A_261, %mul3A_263 : vector<16xi32>
      %add3A_265 = vector.broadcast %arg0 : i32 to vector<16xi32>
      %add3A_266 = arith.addi %mul3A_264, %add3A_265 : vector<16xi32>
      %swap3A_267 = arith.constant 0 : index
      %swap3A_268 = tpu.vector_load %arg19[%swap3A_267] {strides = array<i32>} : memref<128xi32, #tpu.memory_space<vmem>>, vector<16xi32>,
      %swap3A_269 = vector.shape_cast %swap3A_268 : vector<16xi32> to vector<16xi32>
      %swap3A_270 = vector.shape_cast %add3A_266 : vector<16xi32> to vector<16xi32>
      tpu.vector_store %arg19[%swap3A_267], %swap3A_270 {strides = array<i32>} : memref<128xi32, #tpu.memory_space<vmem>>, vector<16xi32>,
      %get3A_271 = arith.constant 16 : index
      %get3A_272 = tpu.vector_load %arg17[%get3A_271] {strides = array<i32>} : memref<128xi32, #tpu.memory_space<vmem>>, vector<16xi32>,
      %get3A_273 = vector.shape_cast %get3A_272 : vector<16xi32> to vector<16xi32>
      %mul3A_274 = arith.constant 2 : i32
      %mul3A_275 = vector.broadcast %mul3A_274 : i32 to vector<16xi32>
      %mul3A_276 = arith.muli %get3A_273, %mul3A_275 : vector<16xi32>
      %add3A_277 = vector.broadcast %arg0 : i32 to vector<16xi32>
      %add3A_278 = arith.addi %mul3A_276, %add3A_277 : vector<16xi32>
      %swap3A_279 = arith.constant 16 : index
      %swap3A_280 = tpu.vector_load %arg19[%swap3A_279] {strides = array<i32>} : memref<128xi32, #tpu.memory_space<vmem>>, vector<16xi32>,
      %swap3A_281 = vector.shape_cast %swap3A_280 : vector<16xi32> to vector<16xi32>
      %swap3A_282 = vector.shape_cast %add3A_278 : vector<16xi32> to vector<16xi32>
      tpu.vector_store %arg19[%swap3A_279], %swap3A_282 {strides = array<i32>} : memref<128xi32, #tpu.memory_space<vmem>>, vector<16xi32>,
      %get3A_283 = arith.constant 32 : index
      %get3A_284 = tpu.vector_load %arg17[%get3A_283] {strides = array<i32>} : memref<128xi32, #tpu.memory_space<vmem>>, vector<16xi32>,
      %get3A_285 = vector.shape_cast %get3A_284 : vector<16xi32> to vector<16xi32>
      %mul3A_286 = arith.constant 2 : i32
      %mul3A_287 = vector.broadcast %mul3A_286 : i32 to vector<16xi32>
      %mul3A_288 = arith.muli %get3A_285, %mul3A_287 : vector<16xi32>
      %add3A_289 = vector.broadcast %arg0 : i32 to vector<16xi32>
      %add3A_290 = arith.addi %mul3A_288, %add3A_289 : vector<16xi32>
      %swap3A_291 = arith.constant 32 : index
      %swap3A_292 = tpu.vector_load %arg19[%swap3A_291] {strides = array<i32>} : memref<128xi32, #tpu.memory_space<vmem>>, vector<16xi32>,
      %swap3A_293 = vector.shape_cast %swap3A_292 : vector<16xi32> to vector<16xi32>
      %swap3A_294 = vector.shape_cast %add3A_290 : vector<16xi32> to vector<16xi32>
      tpu.vector_store %arg19[%swap3A_291], %swap3A_294 {strides = array<i32>} : memref<128xi32, #tpu.memory_space<vmem>>, vector<16xi32>,
      %get3A_295 = arith.constant 48 : index
      %get3A_296 = tpu.vector_load %arg17[%get3A_295] {strides = array<i32>} : memref<128xi32, #tpu.memory_space<vmem>>, vector<16xi32>,
      %get3A_297 = vector.shape_cast %get3A_296 : vector<16xi32> to vector<16xi32>
      %mul3A_298 = arith.constant 2 : i32
      %mul3A_299 = vector.broadcast %mul3A_298 : i32 to vector<16xi32>
      %mul3A_300 = arith.muli %get3A_297, %mul3A_299 : vector<16xi32>
      %add3A_301 = vector.broadcast %arg0 : i32 to vector<16xi32>
      %add3A_302 = arith.addi %mul3A_300, %add3A_301 : vector<16xi32>
      %swap3A_303 = arith.constant 48 : index
      %swap3A_304 = tpu.vector_load %arg19[%swap3A_303] {strides = array<i32>} : memref<128xi32, #tpu.memory_space<vmem>>, vector<16xi32>,
      %swap3A_305 = vector.shape_cast %swap3A_304 : vector<16xi32> to vector<16xi32>
      %swap3A_306 = vector.shape_cast %add3A_302 : vector<16xi32> to vector<16xi32>
      tpu.vector_store %arg19[%swap3A_303], %swap3A_306 {strides = array<i32>} : memref<128xi32, #tpu.memory_space<vmem>>, vector<16xi32>,
      %get3A_307 = arith.constant 64 : index
      %get3A_308 = tpu.vector_load %arg17[%get3A_307] {strides = array<i32>} : memref<128xi32, #tpu.memory_space<vmem>>, vector<16xi32>,
      %get3A_309 = vector.shape_cast %get3A_308 : vector<16xi32> to vector<16xi32>
      %mul3A_310 = arith.constant 2 : i32
      %mul3A_311 = vector.broadcast %mul3A_310 : i32 to vector<16xi32>
      %mul3A_312 = arith.muli %get3A_309, %mul3A_311 : vector<16xi32>
      %add3A_313 = vector.broadcast %arg0 : i32 to vector<16xi32>
      %add3A_314 = arith.addi %mul3A_312, %add3A_313 : vector<16xi32>
      %swap3A_315 = arith.constant 64 : index
      %swap3A_316 = tpu.vector_load %arg19[%swap3A_315] {strides = array<i32>} : memref<128xi32, #tpu.memory_space<vmem>>, vector<16xi32>,
      %swap3A_317 = vector.shape_cast %swap3A_316 : vector<16xi32> to vector<16xi32>
      %swap3A_318 = vector.shape_cast %add3A_314 : vector<16xi32> to vector<16xi32>
      tpu.vector_store %arg19[%swap3A_315], %swap3A_318 {strides = array<i32>} : memref<128xi32, #tpu.memory_space<vmem>>, vector<16xi32>,
      %get3A_319 = arith.constant 80 : index
      %get3A_320 = tpu.vector_load %arg17[%get3A_319] {strides = array<i32>} : memref<128xi32, #tpu.memory_space<vmem>>, vector<16xi32>,
      %get3A_321 = vector.shape_cast %get3A_320 : vector<16xi32> to vector<16xi32>
      %mul3A_322 = arith.constant 2 : i32
      %mul3A_323 = vector.broadcast %mul3A_322 : i32 to vector<16xi32>
      %mul3A_324 = arith.muli %get3A_321, %mul3A_323 : vector<16xi32>
      %add3A_325 = vector.broadcast %arg0 : i32 to vector<16xi32>
      %add3A_326 = arith.addi %mul3A_324, %add3A_325 : vector<16xi32>
      %swap3A_327 = arith.constant 80 : index
      %swap3A_328 = tpu.vector_load %arg19[%swap3A_327] {strides = array<i32>} : memref<128xi32, #tpu.memory_space<vmem>>, vector<16xi32>,
      %swap3A_329 = vector.shape_cast %swap3A_328 : vector<16xi32> to vector<16xi32>
      %swap3A_330 = vector.shape_cast %add3A_326 : vector<16xi32> to vector<16xi32>
      tpu.vector_store %arg19[%swap3A_327], %swap3A_330 {strides = array<i32>} : memref<128xi32, #tpu.memory_space<vmem>>, vector<16xi32>,
      %get3A_331 = arith.constant 96 : index
      %get3A_332 = tpu.vector_load %arg17[%get3A_331] {strides = array<i32>} : memref<128xi32, #tpu.memory_space<vmem>>, vector<16xi32>,
      %get3A_333 = vector.shape_cast %get3A_332 : vector<16xi32> to vector<16xi32>
      %mul3A_334 = arith.constant 2 : i32
      %mul3A_335 = vector.broadcast %mul3A_334 : i32 to vector<16xi32>
      %mul3A_336 = arith.muli %get3A_333, %mul3A_335 : vector<16xi32>
      %add3A_337 = vector.broadcast %arg0 : i32 to vector<16xi32>
      %add3A_338 = arith.addi %mul3A_336, %add3A_337 : vector<16xi32>
      %swap3A_339 = arith.constant 96 : index
      %swap3A_340 = tpu.vector_load %arg19[%swap3A_339] {strides = array<i32>} : memref<128xi32, #tpu.memory_space<vmem>>, vector<16xi32>,
      %swap3A_341 = vector.shape_cast %swap3A_340 : vector<16xi32> to vector<16xi32>
      %swap3A_342 = vector.shape_cast %add3A_338 : vector<16xi32> to vector<16xi32>
      tpu.vector_store %arg19[%swap3A_339], %swap3A_342 {strides = array<i32>} : memref<128xi32, #tpu.memory_space<vmem>>, vector<16xi32>,
      %get3A_343 = arith.constant 112 : index
      %get3A_344 = tpu.vector_load %arg17[%get3A_343] {strides = array<i32>} : memref<128xi32, #tpu.memory_space<vmem>>, vector<16xi32>,
      %get3A_345 = vector.shape_cast %get3A_344 : vector<16xi32> to vector<16xi32>
      %mul3A_346 = arith.constant 2 : i32
      %mul3A_347 = vector.broadcast %mul3A_346 : i32 to vector<16xi32>
      %mul3A_348 = arith.muli %get3A_345, %mul3A_347 : vector<16xi32>
      %add3A_349 = vector.broadcast %arg0 : i32 to vector<16xi32>
      %add3A_350 = arith.addi %mul3A_348, %add3A_349 : vector<16xi32>
      %swap3A_351 = arith.constant 112 : index
      %swap3A_352 = tpu.vector_load %arg19[%swap3A_351] {strides = array<i32>} : memref<128xi32, #tpu.memory_space<vmem>>, vector<16xi32>,
      %swap3A_353 = vector.shape_cast %swap3A_352 : vector<16xi32> to vector<16xi32>
      %swap3A_354 = vector.shape_cast %add3A_350 : vector<16xi32> to vector<16xi32>
      tpu.vector_store %arg19[%swap3A_351], %swap3A_354 {strides = array<i32>} : memref<128xi32, #tpu.memory_space<vmem>>, vector<16xi32>,
      %dma_start3A_355 = arith.constant 0 : i32
      %dma_start3A_356 = arith.constant 0 : i32
      %dma_start3A_357 = tpu.memref_slice %arg2[%dma_start3A_355, %dma_start3A_356] : memref<20000x128xf32, #tpu.memory_space<hbm>> -> memref<20000x128xf32, #tpu.memory_space<hbm>>
      tpu.enqueue_indirect_dma source(%dma_start3A_357 : memref<20000x128xf32, #tpu.memory_space<hbm>>) target(%arg20 : memref<128x128xf32, #tpu.memory_space<vmem>>) offsets(%arg19 : memref<128xi32, #tpu.memory_space<vmem>>) semaphore(%arg21 : memref<!tpu.dma_semaphore, #tpu.memory_space<semaphore_mem>>)
      %dma_wait3A = arith.constant 0 : i32
      %dma_wait3A_358 = arith.constant 0 : i32
      %dma_wait3A_359 = tpu.memref_slice %arg2[%dma_wait3A, %dma_wait3A_358] : memref<20000x128xf32, #tpu.memory_space<hbm>> -> memref<20000x128xf32, #tpu.memory_space<hbm>>
      tpu.wait_indirect_dma semaphore(%arg11 : memref<!tpu.dma_semaphore, #tpu.memory_space<semaphore_mem>>) src(%dma_wait3A_359 : memref<20000x128xf32, #tpu.memory_space<hbm>>) dst(%arg10 : memref<128x128xf32, #tpu.memory_space<vmem>>)
      "tpu.region"() ({
        %run_scoped3A = tpu.sem_alloc : memref<!tpu.dma_semaphore, #tpu.memory_space<semaphore_mem>>
        %dma_start3A_367 = arith.constant 0 : i32
        %dma_start3A_368 = arith.constant 0 : i32
        %dma_start3A_369 = tpu.memref_slice %arg6[%dma_start3A_367, %dma_start3A_368] : memref<10000x128xf32, #tpu.memory_space<vmem_shared>> -> memref<10000x128xf32, #tpu.memory_space<vmem_shared>>
        tpu.enqueue_indirect_dma source(%arg10 : memref<128x128xf32, #tpu.memory_space<vmem>>) target(%dma_start3A_369 : memref<10000x128xf32, #tpu.memory_space<vmem_shared>>) offsets(%arg8 : memref<128xi32, #tpu.memory_space<vmem>>) semaphore(%run_scoped3A : memref<!tpu.dma_semaphore, #tpu.memory_space<semaphore_mem>>) {add = true}
        %dma_wait3A_370 = arith.constant 0 : i32
        %dma_wait3A_371 = arith.constant 0 : i32
        %dma_wait3A_372 = tpu.memref_slice %arg6[%dma_wait3A_370, %dma_wait3A_371] : memref<10000x128xf32, #tpu.memory_space<vmem_shared>> -> memref<10000x128xf32, #tpu.memory_space<vmem_shared>>
        tpu.wait_indirect_dma semaphore(%run_scoped3A : memref<!tpu.dma_semaphore, #tpu.memory_space<semaphore_mem>>) src(%arg10 : memref<128x128xf32, #tpu.memory_space<vmem>>) dst(%dma_wait3A_372 : memref<10000x128xf32, #tpu.memory_space<vmem_shared>>)
        tpu.yield
      }) : () -> ()
      %dma_wait3A_360 = arith.constant 0 : i32
      %dma_wait3A_361 = arith.constant 0 : i32
      %dma_wait3A_362 = tpu.memref_slice %arg2[%dma_wait3A_360, %dma_wait3A_361] : memref<20000x128xf32, #tpu.memory_space<hbm>> -> memref<20000x128xf32, #tpu.memory_space<hbm>>
      tpu.wait_indirect_dma semaphore(%arg16 : memref<!tpu.dma_semaphore, #tpu.memory_space<semaphore_mem>>) src(%dma_wait3A_362 : memref<20000x128xf32, #tpu.memory_space<hbm>>) dst(%arg15 : memref<128x128xf32, #tpu.memory_space<vmem>>)
      "tpu.region"() ({
        %run_scoped3A = tpu.sem_alloc : memref<!tpu.dma_semaphore, #tpu.memory_space<semaphore_mem>>
        %dma_start3A_367 = arith.constant 0 : i32
        %dma_start3A_368 = arith.constant 0 : i32
        %dma_start3A_369 = tpu.memref_slice %arg6[%dma_start3A_367, %dma_start3A_368] : memref<10000x128xf32, #tpu.memory_space<vmem_shared>> -> memref<10000x128xf32, #tpu.memory_space<vmem_shared>>
        tpu.enqueue_indirect_dma source(%arg15 : memref<128x128xf32, #tpu.memory_space<vmem>>) target(%dma_start3A_369 : memref<10000x128xf32, #tpu.memory_space<vmem_shared>>) offsets(%arg13 : memref<128xi32, #tpu.memory_space<vmem>>) semaphore(%run_scoped3A : memref<!tpu.dma_semaphore, #tpu.memory_space<semaphore_mem>>) {add = true}
        %dma_wait3A_370 = arith.constant 0 : i32
        %dma_wait3A_371 = arith.constant 0 : i32
        %dma_wait3A_372 = tpu.memref_slice %arg6[%dma_wait3A_370, %dma_wait3A_371] : memref<10000x128xf32, #tpu.memory_space<vmem_shared>> -> memref<10000x128xf32, #tpu.memory_space<vmem_shared>>
        tpu.wait_indirect_dma semaphore(%run_scoped3A : memref<!tpu.dma_semaphore, #tpu.memory_space<semaphore_mem>>) src(%arg15 : memref<128x128xf32, #tpu.memory_space<vmem>>) dst(%dma_wait3A_372 : memref<10000x128xf32, #tpu.memory_space<vmem_shared>>)
        tpu.yield
      }) : () -> ()
      %dma_wait3A_363 = arith.constant 0 : i32
      %dma_wait3A_364 = arith.constant 0 : i32
      %dma_wait3A_365 = tpu.memref_slice %arg2[%dma_wait3A_363, %dma_wait3A_364] : memref<20000x128xf32, #tpu.memory_space<hbm>> -> memref<20000x128xf32, #tpu.memory_space<hbm>>
      tpu.wait_indirect_dma semaphore(%arg21 : memref<!tpu.dma_semaphore, #tpu.memory_space<semaphore_mem>>) src(%dma_wait3A_365 : memref<20000x128xf32, #tpu.memory_space<hbm>>) dst(%arg20 : memref<128x128xf32, #tpu.memory_space<vmem>>)
      "tpu.region"() ({
        %run_scoped3A = tpu.sem_alloc : memref<!tpu.dma_semaphore, #tpu.memory_space<semaphore_mem>>
        %dma_start3A_367 = arith.constant 0 : i32
        %dma_start3A_368 = arith.constant 0 : i32
        %dma_start3A_369 = tpu.memref_slice %arg6[%dma_start3A_367, %dma_start3A_368] : memref<10000x128xf32, #tpu.memory_space<vmem_shared>> -> memref<10000x128xf32, #tpu.memory_space<vmem_shared>>
        tpu.enqueue_indirect_dma source(%arg20 : memref<128x128xf32, #tpu.memory_space<vmem>>) target(%dma_start3A_369 : memref<10000x128xf32, #tpu.memory_space<vmem_shared>>) offsets(%arg18 : memref<128xi32, #tpu.memory_space<vmem>>) semaphore(%run_scoped3A : memref<!tpu.dma_semaphore, #tpu.memory_space<semaphore_mem>>) {add = true}
        %dma_wait3A_370 = arith.constant 0 : i32
        %dma_wait3A_371 = arith.constant 0 : i32
        %dma_wait3A_372 = tpu.memref_slice %arg6[%dma_wait3A_370, %dma_wait3A_371] : memref<10000x128xf32, #tpu.memory_space<vmem_shared>> -> memref<10000x128xf32, #tpu.memory_space<vmem_shared>>
        tpu.wait_indirect_dma semaphore(%run_scoped3A : memref<!tpu.dma_semaphore, #tpu.memory_space<semaphore_mem>>) src(%arg20 : memref<128x128xf32, #tpu.memory_space<vmem>>) dst(%dma_wait3A_372 : memref<10000x128xf32, #tpu.memory_space<vmem_shared>>)
        tpu.yield
      }) : () -> ()
      %scan3A_366 = arith.constant 0 : i32
      scf.yield %scan3A_366 : i32
    }
    %scan3A_28 = arith.constant 52 : i32
    %lt3A = arith.constant 4 : i32
    %lt3A_29 = arith.cmpi slt, %arg1, %lt3A : i32
    %convert_element_type3A_30 = arith.extui %lt3A_29 : i1 to i32
    %cond3A_31 = arith.constant 0 : i32
    %cond3A_32 = arith.cmpi ne, %convert_element_type3A_30, %cond3A_31 : i32
    scf.if %cond3A_32 {
      %add3A_41 = arith.constant 2496 : i32
      %add3A_42 = arith.addi %add3A_41, %arg1 : i32
      %mul3A_43 = arith.constant 128 : i32
      %mul3A_44 = arith.muli %add3A_42, %mul3A_43 : i32
      "tpu.region"() ({
        %run_scoped3A = tpu.sem_alloc : memref<!tpu.dma_semaphore, #tpu.memory_space<semaphore_mem>>
        %dma_start3A_143 = tpu.memref_slice %arg3[%mul3A_44] : memref<320000xi32, #tpu.memory_space<hbm>> -> memref<128xi32, #tpu.memory_space<hbm>>
        %dma_start3A_144 = tpu.memref_slice %arg3[%mul3A_44] : memref<320000xi32, #tpu.memory_space<hbm>> -> memref<128xi32, #tpu.memory_space<hbm>>
        tpu.enqueue_dma source(%dma_start3A_144 : memref<128xi32, #tpu.memory_space<hbm>>) target(%arg7 : memref<128xi32, #tpu.memory_space<vmem>>) target_semaphore(%run_scoped3A : memref<!tpu.dma_semaphore, #tpu.memory_space<semaphore_mem>>)
        %dma_wait3A_145 = tpu.memref_slice %arg3[%mul3A_44] : memref<320000xi32, #tpu.memory_space<hbm>> -> memref<128xi32, #tpu.memory_space<hbm>>
        %dma_wait3A_146 = tpu.memref_slice %arg3[%mul3A_44] : memref<320000xi32, #tpu.memory_space<hbm>> -> memref<128xi32, #tpu.memory_space<hbm>>
        tpu.wait_dma2 semaphore(%run_scoped3A : memref<!tpu.dma_semaphore, #tpu.memory_space<semaphore_mem>>) src(%dma_wait3A_146 : memref<128xi32, #tpu.memory_space<hbm>>) dst(%arg7 : memref<128xi32, #tpu.memory_space<vmem>>)
        tpu.yield
      }) : () -> ()
      "tpu.region"() ({
        %run_scoped3A = tpu.sem_alloc : memref<!tpu.dma_semaphore, #tpu.memory_space<semaphore_mem>>
        %dma_start3A_143 = tpu.memref_slice %arg4[%mul3A_44] : memref<320000xi32, #tpu.memory_space<hbm>> -> memref<128xi32, #tpu.memory_space<hbm>>
        %dma_start3A_144 = tpu.memref_slice %arg4[%mul3A_44] : memref<320000xi32, #tpu.memory_space<hbm>> -> memref<128xi32, #tpu.memory_space<hbm>>
        tpu.enqueue_dma source(%dma_start3A_144 : memref<128xi32, #tpu.memory_space<hbm>>) target(%arg8 : memref<128xi32, #tpu.memory_space<vmem>>) target_semaphore(%run_scoped3A : memref<!tpu.dma_semaphore, #tpu.memory_space<semaphore_mem>>)
        %dma_wait3A_145 = tpu.memref_slice %arg4[%mul3A_44] : memref<320000xi32, #tpu.memory_space<hbm>> -> memref<128xi32, #tpu.memory_space<hbm>>
        %dma_wait3A_146 = tpu.memref_slice %arg4[%mul3A_44] : memref<320000xi32, #tpu.memory_space<hbm>> -> memref<128xi32, #tpu.memory_space<hbm>>
        tpu.wait_dma2 semaphore(%run_scoped3A : memref<!tpu.dma_semaphore, #tpu.memory_space<semaphore_mem>>) src(%dma_wait3A_146 : memref<128xi32, #tpu.memory_space<hbm>>) dst(%arg8 : memref<128xi32, #tpu.memory_space<vmem>>)
        tpu.yield
      }) : () -> ()
      %get3A = arith.constant 0 : index
      %get3A_45 = tpu.vector_load %arg7[%get3A] {strides = array<i32>} : memref<128xi32, #tpu.memory_space<vmem>>, vector<16xi32>,
      %get3A_46 = vector.shape_cast %get3A_45 : vector<16xi32> to vector<16xi32>
      %mul3A_47 = arith.constant 2 : i32
      %mul3A_48 = vector.broadcast %mul3A_47 : i32 to vector<16xi32>
      %mul3A_49 = arith.muli %get3A_46, %mul3A_48 : vector<16xi32>
      %add3A_50 = vector.broadcast %arg0 : i32 to vector<16xi32>
      %add3A_51 = arith.addi %mul3A_49, %add3A_50 : vector<16xi32>
      %swap3A = arith.constant 0 : index
      %swap3A_52 = tpu.vector_load %arg9[%swap3A] {strides = array<i32>} : memref<128xi32, #tpu.memory_space<vmem>>, vector<16xi32>,
      %swap3A_53 = vector.shape_cast %swap3A_52 : vector<16xi32> to vector<16xi32>
      %swap3A_54 = vector.shape_cast %add3A_51 : vector<16xi32> to vector<16xi32>
      tpu.vector_store %arg9[%swap3A], %swap3A_54 {strides = array<i32>} : memref<128xi32, #tpu.memory_space<vmem>>, vector<16xi32>,
      %get3A_55 = arith.constant 16 : index
      %get3A_56 = tpu.vector_load %arg7[%get3A_55] {strides = array<i32>} : memref<128xi32, #tpu.memory_space<vmem>>, vector<16xi32>,
      %get3A_57 = vector.shape_cast %get3A_56 : vector<16xi32> to vector<16xi32>
      %mul3A_58 = arith.constant 2 : i32
      %mul3A_59 = vector.broadcast %mul3A_58 : i32 to vector<16xi32>
      %mul3A_60 = arith.muli %get3A_57, %mul3A_59 : vector<16xi32>
      %add3A_61 = vector.broadcast %arg0 : i32 to vector<16xi32>
      %add3A_62 = arith.addi %mul3A_60, %add3A_61 : vector<16xi32>
      %swap3A_63 = arith.constant 16 : index
      %swap3A_64 = tpu.vector_load %arg9[%swap3A_63] {strides = array<i32>} : memref<128xi32, #tpu.memory_space<vmem>>, vector<16xi32>,
      %swap3A_65 = vector.shape_cast %swap3A_64 : vector<16xi32> to vector<16xi32>
      %swap3A_66 = vector.shape_cast %add3A_62 : vector<16xi32> to vector<16xi32>
      tpu.vector_store %arg9[%swap3A_63], %swap3A_66 {strides = array<i32>} : memref<128xi32, #tpu.memory_space<vmem>>, vector<16xi32>,
      %get3A_67 = arith.constant 32 : index
      %get3A_68 = tpu.vector_load %arg7[%get3A_67] {strides = array<i32>} : memref<128xi32, #tpu.memory_space<vmem>>, vector<16xi32>,
      %get3A_69 = vector.shape_cast %get3A_68 : vector<16xi32> to vector<16xi32>
      %mul3A_70 = arith.constant 2 : i32
      %mul3A_71 = vector.broadcast %mul3A_70 : i32 to vector<16xi32>
      %mul3A_72 = arith.muli %get3A_69, %mul3A_71 : vector<16xi32>
      %add3A_73 = vector.broadcast %arg0 : i32 to vector<16xi32>
      %add3A_74 = arith.addi %mul3A_72, %add3A_73 : vector<16xi32>
      %swap3A_75 = arith.constant 32 : index
      %swap3A_76 = tpu.vector_load %arg9[%swap3A_75] {strides = array<i32>} : memref<128xi32, #tpu.memory_space<vmem>>, vector<16xi32>,
      %swap3A_77 = vector.shape_cast %swap3A_76 : vector<16xi32> to vector<16xi32>
      %swap3A_78 = vector.shape_cast %add3A_74 : vector<16xi32> to vector<16xi32>
      tpu.vector_store %arg9[%swap3A_75], %swap3A_78 {strides = array<i32>} : memref<128xi32, #tpu.memory_space<vmem>>, vector<16xi32>,
      %get3A_79 = arith.constant 48 : index
      %get3A_80 = tpu.vector_load %arg7[%get3A_79] {strides = array<i32>} : memref<128xi32, #tpu.memory_space<vmem>>, vector<16xi32>,
      %get3A_81 = vector.shape_cast %get3A_80 : vector<16xi32> to vector<16xi32>
      %mul3A_82 = arith.constant 2 : i32
      %mul3A_83 = vector.broadcast %mul3A_82 : i32 to vector<16xi32>
      %mul3A_84 = arith.muli %get3A_81, %mul3A_83 : vector<16xi32>
      %add3A_85 = vector.broadcast %arg0 : i32 to vector<16xi32>
      %add3A_86 = arith.addi %mul3A_84, %add3A_85 : vector<16xi32>
      %swap3A_87 = arith.constant 48 : index
      %swap3A_88 = tpu.vector_load %arg9[%swap3A_87] {strides = array<i32>} : memref<128xi32, #tpu.memory_space<vmem>>, vector<16xi32>,
      %swap3A_89 = vector.shape_cast %swap3A_88 : vector<16xi32> to vector<16xi32>
      %swap3A_90 = vector.shape_cast %add3A_86 : vector<16xi32> to vector<16xi32>
      tpu.vector_store %arg9[%swap3A_87], %swap3A_90 {strides = array<i32>} : memref<128xi32, #tpu.memory_space<vmem>>, vector<16xi32>,
      %get3A_91 = arith.constant 64 : index
      %get3A_92 = tpu.vector_load %arg7[%get3A_91] {strides = array<i32>} : memref<128xi32, #tpu.memory_space<vmem>>, vector<16xi32>,
      %get3A_93 = vector.shape_cast %get3A_92 : vector<16xi32> to vector<16xi32>
      %mul3A_94 = arith.constant 2 : i32
      %mul3A_95 = vector.broadcast %mul3A_94 : i32 to vector<16xi32>
      %mul3A_96 = arith.muli %get3A_93, %mul3A_95 : vector<16xi32>
      %add3A_97 = vector.broadcast %arg0 : i32 to vector<16xi32>
      %add3A_98 = arith.addi %mul3A_96, %add3A_97 : vector<16xi32>
      %swap3A_99 = arith.constant 64 : index
      %swap3A_100 = tpu.vector_load %arg9[%swap3A_99] {strides = array<i32>} : memref<128xi32, #tpu.memory_space<vmem>>, vector<16xi32>,
      %swap3A_101 = vector.shape_cast %swap3A_100 : vector<16xi32> to vector<16xi32>
      %swap3A_102 = vector.shape_cast %add3A_98 : vector<16xi32> to vector<16xi32>
      tpu.vector_store %arg9[%swap3A_99], %swap3A_102 {strides = array<i32>} : memref<128xi32, #tpu.memory_space<vmem>>, vector<16xi32>,
      %get3A_103 = arith.constant 80 : index
      %get3A_104 = tpu.vector_load %arg7[%get3A_103] {strides = array<i32>} : memref<128xi32, #tpu.memory_space<vmem>>, vector<16xi32>,
      %get3A_105 = vector.shape_cast %get3A_104 : vector<16xi32> to vector<16xi32>
      %mul3A_106 = arith.constant 2 : i32
      %mul3A_107 = vector.broadcast %mul3A_106 : i32 to vector<16xi32>
      %mul3A_108 = arith.muli %get3A_105, %mul3A_107 : vector<16xi32>
      %add3A_109 = vector.broadcast %arg0 : i32 to vector<16xi32>
      %add3A_110 = arith.addi %mul3A_108, %add3A_109 : vector<16xi32>
      %swap3A_111 = arith.constant 80 : index
      %swap3A_112 = tpu.vector_load %arg9[%swap3A_111] {strides = array<i32>} : memref<128xi32, #tpu.memory_space<vmem>>, vector<16xi32>,
      %swap3A_113 = vector.shape_cast %swap3A_112 : vector<16xi32> to vector<16xi32>
      %swap3A_114 = vector.shape_cast %add3A_110 : vector<16xi32> to vector<16xi32>
      tpu.vector_store %arg9[%swap3A_111], %swap3A_114 {strides = array<i32>} : memref<128xi32, #tpu.memory_space<vmem>>, vector<16xi32>,
      %get3A_115 = arith.constant 96 : index
      %get3A_116 = tpu.vector_load %arg7[%get3A_115] {strides = array<i32>} : memref<128xi32, #tpu.memory_space<vmem>>, vector<16xi32>,
      %get3A_117 = vector.shape_cast %get3A_116 : vector<16xi32> to vector<16xi32>
      %mul3A_118 = arith.constant 2 : i32
      %mul3A_119 = vector.broadcast %mul3A_118 : i32 to vector<16xi32>
      %mul3A_120 = arith.muli %get3A_117, %mul3A_119 : vector<16xi32>
      %add3A_121 = vector.broadcast %arg0 : i32 to vector<16xi32>
      %add3A_122 = arith.addi %mul3A_120, %add3A_121 : vector<16xi32>
      %swap3A_123 = arith.constant 96 : index
      %swap3A_124 = tpu.vector_load %arg9[%swap3A_123] {strides = array<i32>} : memref<128xi32, #tpu.memory_space<vmem>>, vector<16xi32>,
      %swap3A_125 = vector.shape_cast %swap3A_124 : vector<16xi32> to vector<16xi32>
      %swap3A_126 = vector.shape_cast %add3A_122 : vector<16xi32> to vector<16xi32>
      tpu.vector_store %arg9[%swap3A_123], %swap3A_126 {strides = array<i32>} : memref<128xi32, #tpu.memory_space<vmem>>, vector<16xi32>,
      %get3A_127 = arith.constant 112 : index
      %get3A_128 = tpu.vector_load %arg7[%get3A_127] {strides = array<i32>} : memref<128xi32, #tpu.memory_space<vmem>>, vector<16xi32>,
      %get3A_129 = vector.shape_cast %get3A_128 : vector<16xi32> to vector<16xi32>
      %mul3A_130 = arith.constant 2 : i32
      %mul3A_131 = vector.broadcast %mul3A_130 : i32 to vector<16xi32>
      %mul3A_132 = arith.muli %get3A_129, %mul3A_131 : vector<16xi32>
      %add3A_133 = vector.broadcast %arg0 : i32 to vector<16xi32>
      %add3A_134 = arith.addi %mul3A_132, %add3A_133 : vector<16xi32>
      %swap3A_135 = arith.constant 112 : index
      %swap3A_136 = tpu.vector_load %arg9[%swap3A_135] {strides = array<i32>} : memref<128xi32, #tpu.memory_space<vmem>>, vector<16xi32>,
      %swap3A_137 = vector.shape_cast %swap3A_136 : vector<16xi32> to vector<16xi32>
      %swap3A_138 = vector.shape_cast %add3A_134 : vector<16xi32> to vector<16xi32>
      tpu.vector_store %arg9[%swap3A_135], %swap3A_138 {strides = array<i32>} : memref<128xi32, #tpu.memory_space<vmem>>, vector<16xi32>,
      %dma_start3A = arith.constant 0 : i32
      %dma_start3A_139 = arith.constant 0 : i32
      %dma_start3A_140 = tpu.memref_slice %arg2[%dma_start3A, %dma_start3A_139] : memref<20000x128xf32, #tpu.memory_space<hbm>> -> memref<20000x128xf32, #tpu.memory_space<hbm>>
      tpu.enqueue_indirect_dma source(%dma_start3A_140 : memref<20000x128xf32, #tpu.memory_space<hbm>>) target(%arg10 : memref<128x128xf32, #tpu.memory_space<vmem>>) offsets(%arg9 : memref<128xi32, #tpu.memory_space<vmem>>) semaphore(%arg11 : memref<!tpu.dma_semaphore, #tpu.memory_space<semaphore_mem>>)
      %dma_wait3A = arith.constant 0 : i32
      %dma_wait3A_141 = arith.constant 0 : i32
      %dma_wait3A_142 = tpu.memref_slice %arg2[%dma_wait3A, %dma_wait3A_141] : memref<20000x128xf32, #tpu.memory_space<hbm>> -> memref<20000x128xf32, #tpu.memory_space<hbm>>
      tpu.wait_indirect_dma semaphore(%arg11 : memref<!tpu.dma_semaphore, #tpu.memory_space<semaphore_mem>>) src(%dma_wait3A_142 : memref<20000x128xf32, #tpu.memory_space<hbm>>) dst(%arg10 : memref<128x128xf32, #tpu.memory_space<vmem>>)
      "tpu.region"() ({
        %run_scoped3A = tpu.sem_alloc : memref<!tpu.dma_semaphore, #tpu.memory_space<semaphore_mem>>
        %dma_start3A_143 = arith.constant 0 : i32
        %dma_start3A_144 = arith.constant 0 : i32
        %dma_start3A_145 = tpu.memref_slice %arg6[%dma_start3A_143, %dma_start3A_144] : memref<10000x128xf32, #tpu.memory_space<vmem_shared>> -> memref<10000x128xf32, #tpu.memory_space<vmem_shared>>
        tpu.enqueue_indirect_dma source(%arg10 : memref<128x128xf32, #tpu.memory_space<vmem>>) target(%dma_start3A_145 : memref<10000x128xf32, #tpu.memory_space<vmem_shared>>) offsets(%arg8 : memref<128xi32, #tpu.memory_space<vmem>>) semaphore(%run_scoped3A : memref<!tpu.dma_semaphore, #tpu.memory_space<semaphore_mem>>) {add = true}
        %dma_wait3A_146 = arith.constant 0 : i32
        %dma_wait3A_147 = arith.constant 0 : i32
        %dma_wait3A_148 = tpu.memref_slice %arg6[%dma_wait3A_146, %dma_wait3A_147] : memref<10000x128xf32, #tpu.memory_space<vmem_shared>> -> memref<10000x128xf32, #tpu.memory_space<vmem_shared>>
        tpu.wait_indirect_dma semaphore(%run_scoped3A : memref<!tpu.dma_semaphore, #tpu.memory_space<semaphore_mem>>) src(%arg10 : memref<128x128xf32, #tpu.memory_space<vmem>>) dst(%dma_wait3A_148 : memref<10000x128xf32, #tpu.memory_space<vmem_shared>>)
        tpu.yield
      }) : () -> ()
    } else {
    }
    %barrier3A_33 = arith.constant 0 : index
    tpu.barrier barrier_id(%barrier3A_33)
    %mul3A_34 = arith.constant 624 : i32
    %mul3A_35 = arith.muli %arg1, %mul3A_34 : i32
    "tpu.region"() ({
      %run_scoped3A = tpu.sem_alloc : memref<!tpu.dma_semaphore, #tpu.memory_space<semaphore_mem>>
      %dma_start3A = arith.constant 0 : i32
      %dma_start3A_41 = tpu.memref_slice %arg5[%arg0, %mul3A_35, %dma_start3A] : memref<2x10000x128xf32, #tpu.memory_space<hbm>> -> memref<1x624x128xf32, #tpu.memory_space<hbm>>
      %dma_start3A_42 = tpu.memref_squeeze %dma_start3A_41 : memref<1x624x128xf32, #tpu.memory_space<hbm>> -> memref<624x128xf32, #tpu.memory_space<hbm>>
      %dma_start3A_43 = arith.constant 0 : i32
      %dma_start3A_44 = tpu.memref_slice %arg6[%mul3A_35, %dma_start3A_43] : memref<10000x128xf32, #tpu.memory_space<vmem_shared>> -> memref<624x128xf32, #tpu.memory_space<vmem_shared>>
      tpu.enqueue_dma source(%dma_start3A_44 : memref<624x128xf32, #tpu.memory_space<vmem_shared>>) target(%dma_start3A_42 : memref<624x128xf32, #tpu.memory_space<hbm>>) target_semaphore(%run_scoped3A : memref<!tpu.dma_semaphore, #tpu.memory_space<semaphore_mem>>)
      %dma_wait3A = arith.constant 0 : i32
      %dma_wait3A_45 = tpu.memref_slice %arg5[%arg0, %mul3A_35, %dma_wait3A] : memref<2x10000x128xf32, #tpu.memory_space<hbm>> -> memref<1x624x128xf32, #tpu.memory_space<hbm>>
      %dma_wait3A_46 = tpu.memref_squeeze %dma_wait3A_45 : memref<1x624x128xf32, #tpu.memory_space<hbm>> -> memref<624x128xf32, #tpu.memory_space<hbm>>
      %dma_wait3A_47 = arith.constant 0 : i32
      %dma_wait3A_48 = tpu.memref_slice %arg6[%mul3A_35, %dma_wait3A_47] : memref<10000x128xf32, #tpu.memory_space<vmem_shared>> -> memref<624x128xf32, #tpu.memory_space<vmem_shared>>
      tpu.wait_dma2 semaphore(%run_scoped3A : memref<!tpu.dma_semaphore, #tpu.memory_space<semaphore_mem>>) src(%dma_wait3A_48 : memref<624x128xf32, #tpu.memory_space<vmem_shared>>) dst(%dma_wait3A_46 : memref<624x128xf32, #tpu.memory_space<hbm>>)
      tpu.yield
    }) : () -> ()
    %eq3A_36 = arith.constant 15 : i32
    %eq3A_37 = arith.cmpi eq, %arg1, %eq3A_36 : i32
    %convert_element_type3A_38 = arith.extui %eq3A_37 : i1 to i32
    %cond3A_39 = arith.constant 0 : i32
    %cond3A_40 = arith.cmpi ne, %convert_element_type3A_38, %cond3A_39 : i32
    scf.if %cond3A_40 {
      "tpu.region"() ({
        %run_scoped3A = tpu.sem_alloc : memref<!tpu.dma_semaphore, #tpu.memory_space<semaphore_mem>>
        %dma_start3A = arith.constant 9984 : i32
        %dma_start3A_41 = arith.constant 0 : i32
        %dma_start3A_42 = tpu.memref_slice %arg5[%arg0, %dma_start3A, %dma_start3A_41] : memref<2x10000x128xf32, #tpu.memory_space<hbm>> -> memref<1x16x128xf32, #tpu.memory_space<hbm>>
        %dma_start3A_43 = tpu.memref_squeeze %dma_start3A_42 : memref<1x16x128xf32, #tpu.memory_space<hbm>> -> memref<16x128xf32, #tpu.memory_space<hbm>>
        %dma_start3A_44 = arith.constant 9984 : i32
        %dma_start3A_45 = arith.constant 0 : i32
        %dma_start3A_46 = tpu.memref_slice %arg6[%dma_start3A_44, %dma_start3A_45] : memref<10000x128xf32, #tpu.memory_space<vmem_shared>> -> memref<16x128xf32, #tpu.memory_space<vmem_shared>>
        tpu.enqueue_dma source(%dma_start3A_46 : memref<16x128xf32, #tpu.memory_space<vmem_shared>>) target(%dma_start3A_43 : memref<16x128xf32, #tpu.memory_space<hbm>>) target_semaphore(%run_scoped3A : memref<!tpu.dma_semaphore, #tpu.memory_space<semaphore_mem>>)
        %dma_wait3A = arith.constant 9984 : i32
        %dma_wait3A_47 = arith.constant 0 : i32
        %dma_wait3A_48 = tpu.memref_slice %arg5[%arg0, %dma_wait3A, %dma_wait3A_47] : memref<2x10000x128xf32, #tpu.memory_space<hbm>> -> memref<1x16x128xf32, #tpu.memory_space<hbm>>
        %dma_wait3A_49 = tpu.memref_squeeze %dma_wait3A_48 : memref<1x16x128xf32, #tpu.memory_space<hbm>> -> memref<16x128xf32, #tpu.memory_space<hbm>>
        %dma_wait3A_50 = arith.constant 9984 : i32
        %dma_wait3A_51 = arith.constant 0 : i32
        %dma_wait3A_52 = tpu.memref_slice %arg6[%dma_wait3A_50, %dma_wait3A_51] : memref<10000x128xf32, #tpu.memory_space<vmem_shared>> -> memref<16x128xf32, #tpu.memory_space<vmem_shared>>
        tpu.wait_dma2 semaphore(%run_scoped3A : memref<!tpu.dma_semaphore, #tpu.memory_space<semaphore_mem>>) src(%dma_wait3A_52 : memref<16x128xf32, #tpu.memory_space<vmem_shared>>) dst(%dma_wait3A_49 : memref<16x128xf32, #tpu.memory_space<hbm>>)
        tpu.yield
      }) : () -> ()
    } else {
    }
    return
  }
}

#map = affine_map<(d0, d1) -> (0, 0)>
#map1 = affine_map<(d0, d1) -> (0)>
#map2 = affine_map<(d0, d1) -> (0, 0, 0)>
module attributes {stable_mosaic.version = 14 : i64} {
  func.func @_agg_body(%arg0: i32, %arg1: i32, %arg2: memref<20000x128xf32, #tpu.memory_space<hbm>>, %arg3: memref<320000xi32, #tpu.memory_space<hbm>>, %arg4: memref<320000xi32, #tpu.memory_space<hbm>>, %arg5: memref<2x10000x128xf32, #tpu.memory_space<hbm>>, %arg6: memref<10000x128xf32, #tpu.memory_space<vmem_shared>>, %arg7: memref<128xi32, #tpu.memory_space<vmem>>, %arg8: memref<128xi32, #tpu.memory_space<vmem>>, %arg9: memref<128xi32, #tpu.memory_space<vmem>>, %arg10: memref<128x128xf32, #tpu.memory_space<vmem>>, %arg11: memref<!tpu.dma_semaphore, #tpu.memory_space<semaphore_mem>>, %arg12: memref<128xi32, #tpu.memory_space<vmem>>, %arg13: memref<128xi32, #tpu.memory_space<vmem>>, %arg14: memref<128xi32, #tpu.memory_space<vmem>>, %arg15: memref<128x128xf32, #tpu.memory_space<vmem>>, %arg16: memref<!tpu.dma_semaphore, #tpu.memory_space<semaphore_mem>>, %arg17: memref<128xi32, #tpu.memory_space<vmem>>, %arg18: memref<128xi32, #tpu.memory_space<vmem>>, %arg19: memref<128xi32, #tpu.memory_space<vmem>>, %arg20: memref<128x128xf32, #tpu.memory_space<vmem>>, %arg21: memref<!tpu.dma_semaphore, #tpu.memory_space<semaphore_mem>>) attributes {dimension_semantics = [#tpu.dimension_semantics<core_parallel>, #tpu.dimension_semantics<subcore_parallel>], iteration_bounds = array<i64: 2, 16>, scalar_prefetch = 0 : i64, scratch_operands = 16 : i64, tpu.core_type = #tpu.core_type<sc_vector_subcore>, window_params = [{transform_indices = #map}, {transform_indices = #map1}, {transform_indices = #map1}, {transform_indices = #map2}]} {
    %scan3A = arith.constant 0 : i32
    %scan3A_0 = arith.constant 0 : i32
    %scan3A_1 = arith.constant 128 : i32
    %scan3A_2 = arith.addi %scan3A_0, %scan3A_1 : i32
    %scan3A_3 = arith.constant 1 : i32
    %scan3A_4 = scf.for %scan3A_41 = %scan3A_0 to %scan3A_2 step %scan3A_3 iter_args(%scan3A_42 = %scan3A) -> (i32)  : i32 {
      %broadcast_in_dim3A = arith.constant 0.000000e+00 : f32
      %broadcast_in_dim3A_43 = vector.broadcast %broadcast_in_dim3A : f32 to vector<16xf32>
      %swap3A = arith.index_cast %scan3A_41 : i32 to index
      %swap3A_44 = arith.constant 0 : index
      %swap3A_45 = tpu.vector_load %arg10[%swap3A, %swap3A_44] {strides = array<i32>} : memref<128x128xf32, #tpu.memory_space<vmem>>, vector<1x16xf32>,
      %swap3A_46 = vector.shape_cast %swap3A_45 : vector<1x16xf32> to vector<16xf32>
      %swap3A_47 = vector.shape_cast %broadcast_in_dim3A_43 : vector<16xf32> to vector<1x16xf32>
      tpu.vector_store %arg10[%swap3A, %swap3A_44], %swap3A_47 {strides = array<i32>} : memref<128x128xf32, #tpu.memory_space<vmem>>, vector<1x16xf32>,
      %broadcast_in_dim3A_48 = arith.constant 0.000000e+00 : f32
      %broadcast_in_dim3A_49 = vector.broadcast %broadcast_in_dim3A_48 : f32 to vector<16xf32>
      %swap3A_50 = arith.index_cast %scan3A_41 : i32 to index
      %swap3A_51 = arith.constant 16 : index
      %swap3A_52 = tpu.vector_load %arg10[%swap3A_50, %swap3A_51] {strides = array<i32>} : memref<128x128xf32, #tpu.memory_space<vmem>>, vector<1x16xf32>,
      %swap3A_53 = vector.shape_cast %swap3A_52 : vector<1x16xf32> to vector<16xf32>
      %swap3A_54 = vector.shape_cast %broadcast_in_dim3A_49 : vector<16xf32> to vector<1x16xf32>
      tpu.vector_store %arg10[%swap3A_50, %swap3A_51], %swap3A_54 {strides = array<i32>} : memref<128x128xf32, #tpu.memory_space<vmem>>, vector<1x16xf32>,
      %broadcast_in_dim3A_55 = arith.constant 0.000000e+00 : f32
      %broadcast_in_dim3A_56 = vector.broadcast %broadcast_in_dim3A_55 : f32 to vector<16xf32>
      %swap3A_57 = arith.index_cast %scan3A_41 : i32 to index
      %swap3A_58 = arith.constant 32 : index
      %swap3A_59 = tpu.vector_load %arg10[%swap3A_57, %swap3A_58] {strides = array<i32>} : memref<128x128xf32, #tpu.memory_space<vmem>>, vector<1x16xf32>,
      %swap3A_60 = vector.shape_cast %swap3A_59 : vector<1x16xf32> to vector<16xf32>
      %swap3A_61 = vector.shape_cast %broadcast_in_dim3A_56 : vector<16xf32> to vector<1x16xf32>
      tpu.vector_store %arg10[%swap3A_57, %swap3A_58], %swap3A_61 {strides = array<i32>} : memref<128x128xf32, #tpu.memory_space<vmem>>, vector<1x16xf32>,
      %broadcast_in_dim3A_62 = arith.constant 0.000000e+00 : f32
      %broadcast_in_dim3A_63 = vector.broadcast %broadcast_in_dim3A_62 : f32 to vector<16xf32>
      %swap3A_64 = arith.index_cast %scan3A_41 : i32 to index
      %swap3A_65 = arith.constant 48 : index
      %swap3A_66 = tpu.vector_load %arg10[%swap3A_64, %swap3A_65] {strides = array<i32>} : memref<128x128xf32, #tpu.memory_space<vmem>>, vector<1x16xf32>,
      %swap3A_67 = vector.shape_cast %swap3A_66 : vector<1x16xf32> to vector<16xf32>
      %swap3A_68 = vector.shape_cast %broadcast_in_dim3A_63 : vector<16xf32> to vector<1x16xf32>
      tpu.vector_store %arg10[%swap3A_64, %swap3A_65], %swap3A_68 {strides = array<i32>} : memref<128x128xf32, #tpu.memory_space<vmem>>, vector<1x16xf32>,
      %broadcast_in_dim3A_69 = arith.constant 0.000000e+00 : f32
      %broadcast_in_dim3A_70 = vector.broadcast %broadcast_in_dim3A_69 : f32 to vector<16xf32>
      %swap3A_71 = arith.index_cast %scan3A_41 : i32 to index
      %swap3A_72 = arith.constant 64 : index
      %swap3A_73 = tpu.vector_load %arg10[%swap3A_71, %swap3A_72] {strides = array<i32>} : memref<128x128xf32, #tpu.memory_space<vmem>>, vector<1x16xf32>,
      %swap3A_74 = vector.shape_cast %swap3A_73 : vector<1x16xf32> to vector<16xf32>
      %swap3A_75 = vector.shape_cast %broadcast_in_dim3A_70 : vector<16xf32> to vector<1x16xf32>
      tpu.vector_store %arg10[%swap3A_71, %swap3A_72], %swap3A_75 {strides = array<i32>} : memref<128x128xf32, #tpu.memory_space<vmem>>, vector<1x16xf32>,
      %broadcast_in_dim3A_76 = arith.constant 0.000000e+00 : f32
      %broadcast_in_dim3A_77 = vector.broadcast %broadcast_in_dim3A_76 : f32 to vector<16xf32>
      %swap3A_78 = arith.index_cast %scan3A_41 : i32 to index
      %swap3A_79 = arith.constant 80 : index
      %swap3A_80 = tpu.vector_load %arg10[%swap3A_78, %swap3A_79] {strides = array<i32>} : memref<128x128xf32, #tpu.memory_space<vmem>>, vector<1x16xf32>,
      %swap3A_81 = vector.shape_cast %swap3A_80 : vector<1x16xf32> to vector<16xf32>
      %swap3A_82 = vector.shape_cast %broadcast_in_dim3A_77 : vector<16xf32> to vector<1x16xf32>
      tpu.vector_store %arg10[%swap3A_78, %swap3A_79], %swap3A_82 {strides = array<i32>} : memref<128x128xf32, #tpu.memory_space<vmem>>, vector<1x16xf32>,
      %broadcast_in_dim3A_83 = arith.constant 0.000000e+00 : f32
      %broadcast_in_dim3A_84 = vector.broadcast %broadcast_in_dim3A_83 : f32 to vector<16xf32>
      %swap3A_85 = arith.index_cast %scan3A_41 : i32 to index
      %swap3A_86 = arith.constant 96 : index
      %swap3A_87 = tpu.vector_load %arg10[%swap3A_85, %swap3A_86] {strides = array<i32>} : memref<128x128xf32, #tpu.memory_space<vmem>>, vector<1x16xf32>,
      %swap3A_88 = vector.shape_cast %swap3A_87 : vector<1x16xf32> to vector<16xf32>
      %swap3A_89 = vector.shape_cast %broadcast_in_dim3A_84 : vector<16xf32> to vector<1x16xf32>
      tpu.vector_store %arg10[%swap3A_85, %swap3A_86], %swap3A_89 {strides = array<i32>} : memref<128x128xf32, #tpu.memory_space<vmem>>, vector<1x16xf32>,
      %broadcast_in_dim3A_90 = arith.constant 0.000000e+00 : f32
      %broadcast_in_dim3A_91 = vector.broadcast %broadcast_in_dim3A_90 : f32 to vector<16xf32>
      %swap3A_92 = arith.index_cast %scan3A_41 : i32 to index
      %swap3A_93 = arith.constant 112 : index
      %swap3A_94 = tpu.vector_load %arg10[%swap3A_92, %swap3A_93] {strides = array<i32>} : memref<128x128xf32, #tpu.memory_space<vmem>>, vector<1x16xf32>,
      %swap3A_95 = vector.shape_cast %swap3A_94 : vector<1x16xf32> to vector<16xf32>
      %swap3A_96 = vector.shape_cast %broadcast_in_dim3A_91 : vector<16xf32> to vector<1x16xf32>
      tpu.vector_store %arg10[%swap3A_92, %swap3A_93], %swap3A_96 {strides = array<i32>} : memref<128x128xf32, #tpu.memory_space<vmem>>, vector<1x16xf32>,
      %scan3A_97 = arith.constant 0 : i32
      scf.yield %scan3A_97 : i32
    }
    %scan3A_5 = arith.constant 128 : i32
    %mul3A = arith.constant 624 : i32
    %mul3A_6 = arith.muli %arg1, %mul3A : i32
    %add3A = arith.constant 0 : i32
    %add3A_7 = arith.addi %mul3A_6, %add3A : i32
    "tpu.region"() ({
      %run_scoped3A = tpu.sem_alloc : memref<!tpu.dma_semaphore, #tpu.memory_space<semaphore_mem>>
      %dma_start3A = arith.constant 0 : i32
      %dma_start3A_41 = arith.constant 0 : i32
      %dma_start3A_42 = tpu.memref_slice %arg10[%dma_start3A, %dma_start3A_41] : memref<128x128xf32, #tpu.memory_space<vmem>> -> memref<128x128xf32, #tpu.memory_space<vmem>>
      %dma_start3A_43 = arith.constant 0 : i32
      %dma_start3A_44 = tpu.memref_slice %arg6[%add3A_7, %dma_start3A_43] : memref<10000x128xf32, #tpu.memory_space<vmem_shared>> -> memref<128x128xf32, #tpu.memory_space<vmem_shared>>
      %dma_start3A_45 = arith.constant 0 : i32
      %dma_start3A_46 = tpu.memref_slice %arg6[%add3A_7, %dma_start3A_45] : memref<10000x128xf32, #tpu.memory_space<vmem_shared>> -> memref<128x128xf32, #tpu.memory_space<vmem_shared>>
      %dma_start3A_47 = arith.constant 0 : i32
      %dma_start3A_48 = arith.constant 0 : i32
      %dma_start3A_49 = tpu.memref_slice %arg10[%dma_start3A_47, %dma_start3A_48] : memref<128x128xf32, #tpu.memory_space<vmem>> -> memref<128x128xf32, #tpu.memory_space<vmem>>
      tpu.enqueue_dma source(%dma_start3A_49 : memref<128x128xf32, #tpu.memory_space<vmem>>) target(%dma_start3A_46 : memref<128x128xf32, #tpu.memory_space<vmem_shared>>) target_semaphore(%run_scoped3A : memref<!tpu.dma_semaphore, #tpu.memory_space<semaphore_mem>>)
      %dma_wait3A = arith.constant 0 : i32
      %dma_wait3A_50 = arith.constant 0 : i32
      %dma_wait3A_51 = tpu.memref_slice %arg10[%dma_wait3A, %dma_wait3A_50] : memref<128x128xf32, #tpu.memory_space<vmem>> -> memref<128x128xf32, #tpu.memory_space<vmem>>
      %dma_wait3A_52 = arith.constant 0 : i32
      %dma_wait3A_53 = tpu.memref_slice %arg6[%add3A_7, %dma_wait3A_52] : memref<10000x128xf32, #tpu.memory_space<vmem_shared>> -> memref<128x128xf32, #tpu.memory_space<vmem_shared>>
      %dma_wait3A_54 = arith.constant 0 : i32
      %dma_wait3A_55 = tpu.memref_slice %arg6[%add3A_7, %dma_wait3A_54] : memref<10000x128xf32, #tpu.memory_space<vmem_shared>> -> memref<128x128xf32, #tpu.memory_space<vmem_shared>>
      %dma_wait3A_56 = arith.constant 0 : i32
      %dma_wait3A_57 = arith.constant 0 : i32
      %dma_wait3A_58 = tpu.memref_slice %arg10[%dma_wait3A_56, %dma_wait3A_57] : memref<128x128xf32, #tpu.memory_space<vmem>> -> memref<128x128xf32, #tpu.memory_space<vmem>>
      tpu.wait_dma2 semaphore(%run_scoped3A : memref<!tpu.dma_semaphore, #tpu.memory_space<semaphore_mem>>) src(%dma_wait3A_58 : memref<128x128xf32, #tpu.memory_space<vmem>>) dst(%dma_wait3A_55 : memref<128x128xf32, #tpu.memory_space<vmem_shared>>)
      tpu.yield
    }) : () -> ()
    %add3A_8 = arith.constant 128 : i32
    %add3A_9 = arith.addi %mul3A_6, %add3A_8 : i32
    "tpu.region"() ({
      %run_scoped3A = tpu.sem_alloc : memref<!tpu.dma_semaphore, #tpu.memory_space<semaphore_mem>>
      %dma_start3A = arith.constant 0 : i32
      %dma_start3A_41 = arith.constant 0 : i32
      %dma_start3A_42 = tpu.memref_slice %arg10[%dma_start3A, %dma_start3A_41] : memref<128x128xf32, #tpu.memory_space<vmem>> -> memref<128x128xf32, #tpu.memory_space<vmem>>
      %dma_start3A_43 = arith.constant 0 : i32
      %dma_start3A_44 = tpu.memref_slice %arg6[%add3A_9, %dma_start3A_43] : memref<10000x128xf32, #tpu.memory_space<vmem_shared>> -> memref<128x128xf32, #tpu.memory_space<vmem_shared>>
      %dma_start3A_45 = arith.constant 0 : i32
      %dma_start3A_46 = tpu.memref_slice %arg6[%add3A_9, %dma_start3A_45] : memref<10000x128xf32, #tpu.memory_space<vmem_shared>> -> memref<128x128xf32, #tpu.memory_space<vmem_shared>>
      %dma_start3A_47 = arith.constant 0 : i32
      %dma_start3A_48 = arith.constant 0 : i32
      %dma_start3A_49 = tpu.memref_slice %arg10[%dma_start3A_47, %dma_start3A_48] : memref<128x128xf32, #tpu.memory_space<vmem>> -> memref<128x128xf32, #tpu.memory_space<vmem>>
      tpu.enqueue_dma source(%dma_start3A_49 : memref<128x128xf32, #tpu.memory_space<vmem>>) target(%dma_start3A_46 : memref<128x128xf32, #tpu.memory_space<vmem_shared>>) target_semaphore(%run_scoped3A : memref<!tpu.dma_semaphore, #tpu.memory_space<semaphore_mem>>)
      %dma_wait3A = arith.constant 0 : i32
      %dma_wait3A_50 = arith.constant 0 : i32
      %dma_wait3A_51 = tpu.memref_slice %arg10[%dma_wait3A, %dma_wait3A_50] : memref<128x128xf32, #tpu.memory_space<vmem>> -> memref<128x128xf32, #tpu.memory_space<vmem>>
      %dma_wait3A_52 = arith.constant 0 : i32
      %dma_wait3A_53 = tpu.memref_slice %arg6[%add3A_9, %dma_wait3A_52] : memref<10000x128xf32, #tpu.memory_space<vmem_shared>> -> memref<128x128xf32, #tpu.memory_space<vmem_shared>>
      %dma_wait3A_54 = arith.constant 0 : i32
      %dma_wait3A_55 = tpu.memref_slice %arg6[%add3A_9, %dma_wait3A_54] : memref<10000x128xf32, #tpu.memory_space<vmem_shared>> -> memref<128x128xf32, #tpu.memory_space<vmem_shared>>
      %dma_wait3A_56 = arith.constant 0 : i32
      %dma_wait3A_57 = arith.constant 0 : i32
      %dma_wait3A_58 = tpu.memref_slice %arg10[%dma_wait3A_56, %dma_wait3A_57] : memref<128x128xf32, #tpu.memory_space<vmem>> -> memref<128x128xf32, #tpu.memory_space<vmem>>
      tpu.wait_dma2 semaphore(%run_scoped3A : memref<!tpu.dma_semaphore, #tpu.memory_space<semaphore_mem>>) src(%dma_wait3A_58 : memref<128x128xf32, #tpu.memory_space<vmem>>) dst(%dma_wait3A_55 : memref<128x128xf32, #tpu.memory_space<vmem_shared>>)
      tpu.yield
    }) : () -> ()
    %add3A_10 = arith.constant 256 : i32
    %add3A_11 = arith.addi %mul3A_6, %add3A_10 : i32
    "tpu.region"() ({
      %run_scoped3A = tpu.sem_alloc : memref<!tpu.dma_semaphore, #tpu.memory_space<semaphore_mem>>
      %dma_start3A = arith.constant 0 : i32
      %dma_start3A_41 = arith.constant 0 : i32
      %dma_start3A_42 = tpu.memref_slice %arg10[%dma_start3A, %dma_start3A_41] : memref<128x128xf32, #tpu.memory_space<vmem>> -> memref<128x128xf32, #tpu.memory_space<vmem>>
      %dma_start3A_43 = arith.constant 0 : i32
      %dma_start3A_44 = tpu.memref_slice %arg6[%add3A_11, %dma_start3A_43] : memref<10000x128xf32, #tpu.memory_space<vmem_shared>> -> memref<128x128xf32, #tpu.memory_space<vmem_shared>>
      %dma_start3A_45 = arith.constant 0 : i32
      %dma_start3A_46 = tpu.memref_slice %arg6[%add3A_11, %dma_start3A_45] : memref<10000x128xf32, #tpu.memory_space<vmem_shared>> -> memref<128x128xf32, #tpu.memory_space<vmem_shared>>
      %dma_start3A_47 = arith.constant 0 : i32
      %dma_start3A_48 = arith.constant 0 : i32
      %dma_start3A_49 = tpu.memref_slice %arg10[%dma_start3A_47, %dma_start3A_48] : memref<128x128xf32, #tpu.memory_space<vmem>> -> memref<128x128xf32, #tpu.memory_space<vmem>>
      tpu.enqueue_dma source(%dma_start3A_49 : memref<128x128xf32, #tpu.memory_space<vmem>>) target(%dma_start3A_46 : memref<128x128xf32, #tpu.memory_space<vmem_shared>>) target_semaphore(%run_scoped3A : memref<!tpu.dma_semaphore, #tpu.memory_space<semaphore_mem>>)
      %dma_wait3A = arith.constant 0 : i32
      %dma_wait3A_50 = arith.constant 0 : i32
      %dma_wait3A_51 = tpu.memref_slice %arg10[%dma_wait3A, %dma_wait3A_50] : memref<128x128xf32, #tpu.memory_space<vmem>> -> memref<128x128xf32, #tpu.memory_space<vmem>>
      %dma_wait3A_52 = arith.constant 0 : i32
      %dma_wait3A_53 = tpu.memref_slice %arg6[%add3A_11, %dma_wait3A_52] : memref<10000x128xf32, #tpu.memory_space<vmem_shared>> -> memref<128x128xf32, #tpu.memory_space<vmem_shared>>
      %dma_wait3A_54 = arith.constant 0 : i32
      %dma_wait3A_55 = tpu.memref_slice %arg6[%add3A_11, %dma_wait3A_54] : memref<10000x128xf32, #tpu.memory_space<vmem_shared>> -> memref<128x128xf32, #tpu.memory_space<vmem_shared>>
      %dma_wait3A_56 = arith.constant 0 : i32
      %dma_wait3A_57 = arith.constant 0 : i32
      %dma_wait3A_58 = tpu.memref_slice %arg10[%dma_wait3A_56, %dma_wait3A_57] : memref<128x128xf32, #tpu.memory_space<vmem>> -> memref<128x128xf32, #tpu.memory_space<vmem>>
      tpu.wait_dma2 semaphore(%run_scoped3A : memref<!tpu.dma_semaphore, #tpu.memory_space<semaphore_mem>>) src(%dma_wait3A_58 : memref<128x128xf32, #tpu.memory_space<vmem>>) dst(%dma_wait3A_55 : memref<128x128xf32, #tpu.memory_space<vmem_shared>>)
      tpu.yield
    }) : () -> ()
    %add3A_12 = arith.constant 384 : i32
    %add3A_13 = arith.addi %mul3A_6, %add3A_12 : i32
    "tpu.region"() ({
      %run_scoped3A = tpu.sem_alloc : memref<!tpu.dma_semaphore, #tpu.memory_space<semaphore_mem>>
      %dma_start3A = arith.constant 0 : i32
      %dma_start3A_41 = arith.constant 0 : i32
      %dma_start3A_42 = tpu.memref_slice %arg10[%dma_start3A, %dma_start3A_41] : memref<128x128xf32, #tpu.memory_space<vmem>> -> memref<128x128xf32, #tpu.memory_space<vmem>>
      %dma_start3A_43 = arith.constant 0 : i32
      %dma_start3A_44 = tpu.memref_slice %arg6[%add3A_13, %dma_start3A_43] : memref<10000x128xf32, #tpu.memory_space<vmem_shared>> -> memref<128x128xf32, #tpu.memory_space<vmem_shared>>
      %dma_start3A_45 = arith.constant 0 : i32
      %dma_start3A_46 = tpu.memref_slice %arg6[%add3A_13, %dma_start3A_45] : memref<10000x128xf32, #tpu.memory_space<vmem_shared>> -> memref<128x128xf32, #tpu.memory_space<vmem_shared>>
      %dma_start3A_47 = arith.constant 0 : i32
      %dma_start3A_48 = arith.constant 0 : i32
      %dma_start3A_49 = tpu.memref_slice %arg10[%dma_start3A_47, %dma_start3A_48] : memref<128x128xf32, #tpu.memory_space<vmem>> -> memref<128x128xf32, #tpu.memory_space<vmem>>
      tpu.enqueue_dma source(%dma_start3A_49 : memref<128x128xf32, #tpu.memory_space<vmem>>) target(%dma_start3A_46 : memref<128x128xf32, #tpu.memory_space<vmem_shared>>) target_semaphore(%run_scoped3A : memref<!tpu.dma_semaphore, #tpu.memory_space<semaphore_mem>>)
      %dma_wait3A = arith.constant 0 : i32
      %dma_wait3A_50 = arith.constant 0 : i32
      %dma_wait3A_51 = tpu.memref_slice %arg10[%dma_wait3A, %dma_wait3A_50] : memref<128x128xf32, #tpu.memory_space<vmem>> -> memref<128x128xf32, #tpu.memory_space<vmem>>
      %dma_wait3A_52 = arith.constant 0 : i32
      %dma_wait3A_53 = tpu.memref_slice %arg6[%add3A_13, %dma_wait3A_52] : memref<10000x128xf32, #tpu.memory_space<vmem_shared>> -> memref<128x128xf32, #tpu.memory_space<vmem_shared>>
      %dma_wait3A_54 = arith.constant 0 : i32
      %dma_wait3A_55 = tpu.memref_slice %arg6[%add3A_13, %dma_wait3A_54] : memref<10000x128xf32, #tpu.memory_space<vmem_shared>> -> memref<128x128xf32, #tpu.memory_space<vmem_shared>>
      %dma_wait3A_56 = arith.constant 0 : i32
      %dma_wait3A_57 = arith.constant 0 : i32
      %dma_wait3A_58 = tpu.memref_slice %arg10[%dma_wait3A_56, %dma_wait3A_57] : memref<128x128xf32, #tpu.memory_space<vmem>> -> memref<128x128xf32, #tpu.memory_space<vmem>>
      tpu.wait_dma2 semaphore(%run_scoped3A : memref<!tpu.dma_semaphore, #tpu.memory_space<semaphore_mem>>) src(%dma_wait3A_58 : memref<128x128xf32, #tpu.memory_space<vmem>>) dst(%dma_wait3A_55 : memref<128x128xf32, #tpu.memory_space<vmem_shared>>)
      tpu.yield
    }) : () -> ()
    %add3A_14 = arith.constant 512 : i32
    %add3A_15 = arith.addi %mul3A_6, %add3A_14 : i32
    "tpu.region"() ({
      %run_scoped3A = tpu.sem_alloc : memref<!tpu.dma_semaphore, #tpu.memory_space<semaphore_mem>>
      %dma_start3A = arith.constant 0 : i32
      %dma_start3A_41 = arith.constant 0 : i32
      %dma_start3A_42 = tpu.memref_slice %arg10[%dma_start3A, %dma_start3A_41] : memref<128x128xf32, #tpu.memory_space<vmem>> -> memref<112x128xf32, #tpu.memory_space<vmem>>
      %dma_start3A_43 = arith.constant 0 : i32
      %dma_start3A_44 = tpu.memref_slice %arg6[%add3A_15, %dma_start3A_43] : memref<10000x128xf32, #tpu.memory_space<vmem_shared>> -> memref<112x128xf32, #tpu.memory_space<vmem_shared>>
      %dma_start3A_45 = arith.constant 0 : i32
      %dma_start3A_46 = tpu.memref_slice %arg6[%add3A_15, %dma_start3A_45] : memref<10000x128xf32, #tpu.memory_space<vmem_shared>> -> memref<112x128xf32, #tpu.memory_space<vmem_shared>>
      %dma_start3A_47 = arith.constant 0 : i32
      %dma_start3A_48 = arith.constant 0 : i32
      %dma_start3A_49 = tpu.memref_slice %arg10[%dma_start3A_47, %dma_start3A_48] : memref<128x128xf32, #tpu.memory_space<vmem>> -> memref<112x128xf32, #tpu.memory_space<vmem>>
      tpu.enqueue_dma source(%dma_start3A_49 : memref<112x128xf32, #tpu.memory_space<vmem>>) target(%dma_start3A_46 : memref<112x128xf32, #tpu.memory_space<vmem_shared>>) target_semaphore(%run_scoped3A : memref<!tpu.dma_semaphore, #tpu.memory_space<semaphore_mem>>)
      %dma_wait3A = arith.constant 0 : i32
      %dma_wait3A_50 = arith.constant 0 : i32
      %dma_wait3A_51 = tpu.memref_slice %arg10[%dma_wait3A, %dma_wait3A_50] : memref<128x128xf32, #tpu.memory_space<vmem>> -> memref<112x128xf32, #tpu.memory_space<vmem>>
      %dma_wait3A_52 = arith.constant 0 : i32
      %dma_wait3A_53 = tpu.memref_slice %arg6[%add3A_15, %dma_wait3A_52] : memref<10000x128xf32, #tpu.memory_space<vmem_shared>> -> memref<112x128xf32, #tpu.memory_space<vmem_shared>>
      %dma_wait3A_54 = arith.constant 0 : i32
      %dma_wait3A_55 = tpu.memref_slice %arg6[%add3A_15, %dma_wait3A_54] : memref<10000x128xf32, #tpu.memory_space<vmem_shared>> -> memref<112x128xf32, #tpu.memory_space<vmem_shared>>
      %dma_wait3A_56 = arith.constant 0 : i32
      %dma_wait3A_57 = arith.constant 0 : i32
      %dma_wait3A_58 = tpu.memref_slice %arg10[%dma_wait3A_56, %dma_wait3A_57] : memref<128x128xf32, #tpu.memory_space<vmem>> -> memref<112x128xf32, #tpu.memory_space<vmem>>
      tpu.wait_dma2 semaphore(%run_scoped3A : memref<!tpu.dma_semaphore, #tpu.memory_space<semaphore_mem>>) src(%dma_wait3A_58 : memref<112x128xf32, #tpu.memory_space<vmem>>) dst(%dma_wait3A_55 : memref<112x128xf32, #tpu.memory_space<vmem_shared>>)
      tpu.yield
    }) : () -> ()
    %eq3A = arith.constant 15 : i32
    %eq3A_16 = arith.cmpi eq, %arg1, %eq3A : i32
    %convert_element_type3A = arith.extui %eq3A_16 : i1 to i32
    %cond3A = arith.constant 0 : i32
    %cond3A_17 = arith.cmpi ne, %convert_element_type3A, %cond3A : i32
    scf.if %cond3A_17 {
      "tpu.region"() ({
        %run_scoped3A = tpu.sem_alloc : memref<!tpu.dma_semaphore, #tpu.memory_space<semaphore_mem>>
        %dma_start3A = arith.constant 0 : i32
        %dma_start3A_41 = arith.constant 0 : i32
        %dma_start3A_42 = tpu.memref_slice %arg10[%dma_start3A, %dma_start3A_41] : memref<128x128xf32, #tpu.memory_space<vmem>> -> memref<16x128xf32, #tpu.memory_space<vmem>>
        %dma_start3A_43 = arith.constant 9984 : i32
        %dma_start3A_44 = arith.constant 0 : i32
        %dma_start3A_45 = tpu.memref_slice %arg6[%dma_start3A_43, %dma_start3A_44] : memref<10000x128xf32, #tpu.memory_space<vmem_shared>> -> memref<16x128xf32, #tpu.memory_space<vmem_shared>>
        %dma_start3A_46 = arith.constant 9984 : i32
        %dma_start3A_47 = arith.constant 0 : i32
        %dma_start3A_48 = tpu.memref_slice %arg6[%dma_start3A_46, %dma_start3A_47] : memref<10000x128xf32, #tpu.memory_space<vmem_shared>> -> memref<16x128xf32, #tpu.memory_space<vmem_shared>>
        %dma_start3A_49 = arith.constant 0 : i32
        %dma_start3A_50 = arith.constant 0 : i32
        %dma_start3A_51 = tpu.memref_slice %arg10[%dma_start3A_49, %dma_start3A_50] : memref<128x128xf32, #tpu.memory_space<vmem>> -> memref<16x128xf32, #tpu.memory_space<vmem>>
        tpu.enqueue_dma source(%dma_start3A_51 : memref<16x128xf32, #tpu.memory_space<vmem>>) target(%dma_start3A_48 : memref<16x128xf32, #tpu.memory_space<vmem_shared>>) target_semaphore(%run_scoped3A : memref<!tpu.dma_semaphore, #tpu.memory_space<semaphore_mem>>)
        %dma_wait3A = arith.constant 0 : i32
        %dma_wait3A_52 = arith.constant 0 : i32
        %dma_wait3A_53 = tpu.memref_slice %arg10[%dma_wait3A, %dma_wait3A_52] : memref<128x128xf32, #tpu.memory_space<vmem>> -> memref<16x128xf32, #tpu.memory_space<vmem>>
        %dma_wait3A_54 = arith.constant 9984 : i32
        %dma_wait3A_55 = arith.constant 0 : i32
        %dma_wait3A_56 = tpu.memref_slice %arg6[%dma_wait3A_54, %dma_wait3A_55] : memref<10000x128xf32, #tpu.memory_space<vmem_shared>> -> memref<16x128xf32, #tpu.memory_space<vmem_shared>>
        %dma_wait3A_57 = arith.constant 9984 : i32
        %dma_wait3A_58 = arith.constant 0 : i32
        %dma_wait3A_59 = tpu.memref_slice %arg6[%dma_wait3A_57, %dma_wait3A_58] : memref<10000x128xf32, #tpu.memory_space<vmem_shared>> -> memref<16x128xf32, #tpu.memory_space<vmem_shared>>
        %dma_wait3A_60 = arith.constant 0 : i32
        %dma_wait3A_61 = arith.constant 0 : i32
        %dma_wait3A_62 = tpu.memref_slice %arg10[%dma_wait3A_60, %dma_wait3A_61] : memref<128x128xf32, #tpu.memory_space<vmem>> -> memref<16x128xf32, #tpu.memory_space<vmem>>
        tpu.wait_dma2 semaphore(%run_scoped3A : memref<!tpu.dma_semaphore, #tpu.memory_space<semaphore_mem>>) src(%dma_wait3A_62 : memref<16x128xf32, #tpu.memory_space<vmem>>) dst(%dma_wait3A_59 : memref<16x128xf32, #tpu.memory_space<vmem_shared>>)
        tpu.yield
      }) : () -> ()
    } else {
    }
    %barrier3A = arith.constant 0 : index
    tpu.barrier barrier_id(%barrier3A)
    %mul3A_18 = arith.constant 156 : i32
    %mul3A_19 = arith.muli %arg1, %mul3A_18 : i32
    %mul3A_20 = arith.constant 128 : i32
    %mul3A_21 = arith.muli %mul3A_19, %mul3A_20 : i32
    %scan3A_22 = arith.constant 0 : i32
    %scan3A_23 = arith.constant 0 : i32
    %scan3A_24 = arith.constant 52 : i32
    %scan3A_25 = arith.addi %scan3A_23, %scan3A_24 : i32
    %scan3A_26 = arith.constant 1 : i32
    %scan3A_27 = scf.for %scan3A_41 = %scan3A_23 to %scan3A_25 step %scan3A_26 iter_args(%scan3A_42 = %scan3A_22) -> (i32)  : i32 {
      %mul3A_43 = arith.constant 3 : i32
      %mul3A_44 = arith.muli %mul3A_43, %scan3A_41 : i32
      %add3A_45 = arith.constant 0 : i32
      %add3A_46 = arith.addi %mul3A_44, %add3A_45 : i32
      %mul3A_47 = arith.constant 128 : i32
      %mul3A_48 = arith.muli %add3A_46, %mul3A_47 : i32
      %add3A_49 = arith.addi %mul3A_21, %mul3A_48 : i32
      "tpu.region"() ({
        %run_scoped3A = tpu.sem_alloc : memref<!tpu.dma_semaphore, #tpu.memory_space<semaphore_mem>>
        %dma_start3A_367 = tpu.memref_slice %arg3[%add3A_49] : memref<320000xi32, #tpu.memory_space<hbm>> -> memref<128xi32, #tpu.memory_space<hbm>>
        %dma_start3A_368 = tpu.memref_slice %arg3[%add3A_49] : memref<320000xi32, #tpu.memory_space<hbm>> -> memref<128xi32, #tpu.memory_space<hbm>>
        tpu.enqueue_dma source(%dma_start3A_368 : memref<128xi32, #tpu.memory_space<hbm>>) target(%arg7 : memref<128xi32, #tpu.memory_space<vmem>>) target_semaphore(%run_scoped3A : memref<!tpu.dma_semaphore, #tpu.memory_space<semaphore_mem>>)
        %dma_wait3A_369 = tpu.memref_slice %arg3[%add3A_49] : memref<320000xi32, #tpu.memory_space<hbm>> -> memref<128xi32, #tpu.memory_space<hbm>>
        %dma_wait3A_370 = tpu.memref_slice %arg3[%add3A_49] : memref<320000xi32, #tpu.memory_space<hbm>> -> memref<128xi32, #tpu.memory_space<hbm>>
        tpu.wait_dma2 semaphore(%run_scoped3A : memref<!tpu.dma_semaphore, #tpu.memory_space<semaphore_mem>>) src(%dma_wait3A_370 : memref<128xi32, #tpu.memory_space<hbm>>) dst(%arg7 : memref<128xi32, #tpu.memory_space<vmem>>)
        tpu.yield
      }) : () -> ()
      "tpu.region"() ({
        %run_scoped3A = tpu.sem_alloc : memref<!tpu.dma_semaphore, #tpu.memory_space<semaphore_mem>>
        %dma_start3A_367 = tpu.memref_slice %arg4[%add3A_49] : memref<320000xi32, #tpu.memory_space<hbm>> -> memref<128xi32, #tpu.memory_space<hbm>>
        %dma_start3A_368 = tpu.memref_slice %arg4[%add3A_49] : memref<320000xi32, #tpu.memory_space<hbm>> -> memref<128xi32, #tpu.memory_space<hbm>>
        tpu.enqueue_dma source(%dma_start3A_368 : memref<128xi32, #tpu.memory_space<hbm>>) target(%arg8 : memref<128xi32, #tpu.memory_space<vmem>>) target_semaphore(%run_scoped3A : memref<!tpu.dma_semaphore, #tpu.memory_space<semaphore_mem>>)
        %dma_wait3A_369 = tpu.memref_slice %arg4[%add3A_49] : memref<320000xi32, #tpu.memory_space<hbm>> -> memref<128xi32, #tpu.memory_space<hbm>>
        %dma_wait3A_370 = tpu.memref_slice %arg4[%add3A_49] : memref<320000xi32, #tpu.memory_space<hbm>> -> memref<128xi32, #tpu.memory_space<hbm>>
        tpu.wait_dma2 semaphore(%run_scoped3A : memref<!tpu.dma_semaphore, #tpu.memory_space<semaphore_mem>>) src(%dma_wait3A_370 : memref<128xi32, #tpu.memory_space<hbm>>) dst(%arg8 : memref<128xi32, #tpu.memory_space<vmem>>)
        tpu.yield
      }) : () -> ()
      %get3A = arith.constant 0 : index
      %get3A_50 = tpu.vector_load %arg7[%get3A] {strides = array<i32>} : memref<128xi32, #tpu.memory_space<vmem>>, vector<16xi32>,
      %get3A_51 = vector.shape_cast %get3A_50 : vector<16xi32> to vector<16xi32>
      %mul3A_52 = arith.constant 2 : i32
      %mul3A_53 = vector.broadcast %mul3A_52 : i32 to vector<16xi32>
      %mul3A_54 = arith.muli %get3A_51, %mul3A_53 : vector<16xi32>
      %add3A_55 = vector.broadcast %arg0 : i32 to vector<16xi32>
      %add3A_56 = arith.addi %mul3A_54, %add3A_55 : vector<16xi32>
      %swap3A = arith.constant 0 : index
      %swap3A_57 = tpu.vector_load %arg9[%swap3A] {strides = array<i32>} : memref<128xi32, #tpu.memory_space<vmem>>, vector<16xi32>,
      %swap3A_58 = vector.shape_cast %swap3A_57 : vector<16xi32> to vector<16xi32>
      %swap3A_59 = vector.shape_cast %add3A_56 : vector<16xi32> to vector<16xi32>
      tpu.vector_store %arg9[%swap3A], %swap3A_59 {strides = array<i32>} : memref<128xi32, #tpu.memory_space<vmem>>, vector<16xi32>,
      %get3A_60 = arith.constant 16 : index
      %get3A_61 = tpu.vector_load %arg7[%get3A_60] {strides = array<i32>} : memref<128xi32, #tpu.memory_space<vmem>>, vector<16xi32>,
      %get3A_62 = vector.shape_cast %get3A_61 : vector<16xi32> to vector<16xi32>
      %mul3A_63 = arith.constant 2 : i32
      %mul3A_64 = vector.broadcast %mul3A_63 : i32 to vector<16xi32>
      %mul3A_65 = arith.muli %get3A_62, %mul3A_64 : vector<16xi32>
      %add3A_66 = vector.broadcast %arg0 : i32 to vector<16xi32>
      %add3A_67 = arith.addi %mul3A_65, %add3A_66 : vector<16xi32>
      %swap3A_68 = arith.constant 16 : index
      %swap3A_69 = tpu.vector_load %arg9[%swap3A_68] {strides = array<i32>} : memref<128xi32, #tpu.memory_space<vmem>>, vector<16xi32>,
      %swap3A_70 = vector.shape_cast %swap3A_69 : vector<16xi32> to vector<16xi32>
      %swap3A_71 = vector.shape_cast %add3A_67 : vector<16xi32> to vector<16xi32>
      tpu.vector_store %arg9[%swap3A_68], %swap3A_71 {strides = array<i32>} : memref<128xi32, #tpu.memory_space<vmem>>, vector<16xi32>,
      %get3A_72 = arith.constant 32 : index
      %get3A_73 = tpu.vector_load %arg7[%get3A_72] {strides = array<i32>} : memref<128xi32, #tpu.memory_space<vmem>>, vector<16xi32>,
      %get3A_74 = vector.shape_cast %get3A_73 : vector<16xi32> to vector<16xi32>
      %mul3A_75 = arith.constant 2 : i32
      %mul3A_76 = vector.broadcast %mul3A_75 : i32 to vector<16xi32>
      %mul3A_77 = arith.muli %get3A_74, %mul3A_76 : vector<16xi32>
      %add3A_78 = vector.broadcast %arg0 : i32 to vector<16xi32>
      %add3A_79 = arith.addi %mul3A_77, %add3A_78 : vector<16xi32>
      %swap3A_80 = arith.constant 32 : index
      %swap3A_81 = tpu.vector_load %arg9[%swap3A_80] {strides = array<i32>} : memref<128xi32, #tpu.memory_space<vmem>>, vector<16xi32>,
      %swap3A_82 = vector.shape_cast %swap3A_81 : vector<16xi32> to vector<16xi32>
      %swap3A_83 = vector.shape_cast %add3A_79 : vector<16xi32> to vector<16xi32>
      tpu.vector_store %arg9[%swap3A_80], %swap3A_83 {strides = array<i32>} : memref<128xi32, #tpu.memory_space<vmem>>, vector<16xi32>,
      %get3A_84 = arith.constant 48 : index
      %get3A_85 = tpu.vector_load %arg7[%get3A_84] {strides = array<i32>} : memref<128xi32, #tpu.memory_space<vmem>>, vector<16xi32>,
      %get3A_86 = vector.shape_cast %get3A_85 : vector<16xi32> to vector<16xi32>
      %mul3A_87 = arith.constant 2 : i32
      %mul3A_88 = vector.broadcast %mul3A_87 : i32 to vector<16xi32>
      %mul3A_89 = arith.muli %get3A_86, %mul3A_88 : vector<16xi32>
      %add3A_90 = vector.broadcast %arg0 : i32 to vector<16xi32>
      %add3A_91 = arith.addi %mul3A_89, %add3A_90 : vector<16xi32>
      %swap3A_92 = arith.constant 48 : index
      %swap3A_93 = tpu.vector_load %arg9[%swap3A_92] {strides = array<i32>} : memref<128xi32, #tpu.memory_space<vmem>>, vector<16xi32>,
      %swap3A_94 = vector.shape_cast %swap3A_93 : vector<16xi32> to vector<16xi32>
      %swap3A_95 = vector.shape_cast %add3A_91 : vector<16xi32> to vector<16xi32>
      tpu.vector_store %arg9[%swap3A_92], %swap3A_95 {strides = array<i32>} : memref<128xi32, #tpu.memory_space<vmem>>, vector<16xi32>,
      %get3A_96 = arith.constant 64 : index
      %get3A_97 = tpu.vector_load %arg7[%get3A_96] {strides = array<i32>} : memref<128xi32, #tpu.memory_space<vmem>>, vector<16xi32>,
      %get3A_98 = vector.shape_cast %get3A_97 : vector<16xi32> to vector<16xi32>
      %mul3A_99 = arith.constant 2 : i32
      %mul3A_100 = vector.broadcast %mul3A_99 : i32 to vector<16xi32>
      %mul3A_101 = arith.muli %get3A_98, %mul3A_100 : vector<16xi32>
      %add3A_102 = vector.broadcast %arg0 : i32 to vector<16xi32>
      %add3A_103 = arith.addi %mul3A_101, %add3A_102 : vector<16xi32>
      %swap3A_104 = arith.constant 64 : index
      %swap3A_105 = tpu.vector_load %arg9[%swap3A_104] {strides = array<i32>} : memref<128xi32, #tpu.memory_space<vmem>>, vector<16xi32>,
      %swap3A_106 = vector.shape_cast %swap3A_105 : vector<16xi32> to vector<16xi32>
      %swap3A_107 = vector.shape_cast %add3A_103 : vector<16xi32> to vector<16xi32>
      tpu.vector_store %arg9[%swap3A_104], %swap3A_107 {strides = array<i32>} : memref<128xi32, #tpu.memory_space<vmem>>, vector<16xi32>,
      %get3A_108 = arith.constant 80 : index
      %get3A_109 = tpu.vector_load %arg7[%get3A_108] {strides = array<i32>} : memref<128xi32, #tpu.memory_space<vmem>>, vector<16xi32>,
      %get3A_110 = vector.shape_cast %get3A_109 : vector<16xi32> to vector<16xi32>
      %mul3A_111 = arith.constant 2 : i32
      %mul3A_112 = vector.broadcast %mul3A_111 : i32 to vector<16xi32>
      %mul3A_113 = arith.muli %get3A_110, %mul3A_112 : vector<16xi32>
      %add3A_114 = vector.broadcast %arg0 : i32 to vector<16xi32>
      %add3A_115 = arith.addi %mul3A_113, %add3A_114 : vector<16xi32>
      %swap3A_116 = arith.constant 80 : index
      %swap3A_117 = tpu.vector_load %arg9[%swap3A_116] {strides = array<i32>} : memref<128xi32, #tpu.memory_space<vmem>>, vector<16xi32>,
      %swap3A_118 = vector.shape_cast %swap3A_117 : vector<16xi32> to vector<16xi32>
      %swap3A_119 = vector.shape_cast %add3A_115 : vector<16xi32> to vector<16xi32>
      tpu.vector_store %arg9[%swap3A_116], %swap3A_119 {strides = array<i32>} : memref<128xi32, #tpu.memory_space<vmem>>, vector<16xi32>,
      %get3A_120 = arith.constant 96 : index
      %get3A_121 = tpu.vector_load %arg7[%get3A_120] {strides = array<i32>} : memref<128xi32, #tpu.memory_space<vmem>>, vector<16xi32>,
      %get3A_122 = vector.shape_cast %get3A_121 : vector<16xi32> to vector<16xi32>
      %mul3A_123 = arith.constant 2 : i32
      %mul3A_124 = vector.broadcast %mul3A_123 : i32 to vector<16xi32>
      %mul3A_125 = arith.muli %get3A_122, %mul3A_124 : vector<16xi32>
      %add3A_126 = vector.broadcast %arg0 : i32 to vector<16xi32>
      %add3A_127 = arith.addi %mul3A_125, %add3A_126 : vector<16xi32>
      %swap3A_128 = arith.constant 96 : index
      %swap3A_129 = tpu.vector_load %arg9[%swap3A_128] {strides = array<i32>} : memref<128xi32, #tpu.memory_space<vmem>>, vector<16xi32>,
      %swap3A_130 = vector.shape_cast %swap3A_129 : vector<16xi32> to vector<16xi32>
      %swap3A_131 = vector.shape_cast %add3A_127 : vector<16xi32> to vector<16xi32>
      tpu.vector_store %arg9[%swap3A_128], %swap3A_131 {strides = array<i32>} : memref<128xi32, #tpu.memory_space<vmem>>, vector<16xi32>,
      %get3A_132 = arith.constant 112 : index
      %get3A_133 = tpu.vector_load %arg7[%get3A_132] {strides = array<i32>} : memref<128xi32, #tpu.memory_space<vmem>>, vector<16xi32>,
      %get3A_134 = vector.shape_cast %get3A_133 : vector<16xi32> to vector<16xi32>
      %mul3A_135 = arith.constant 2 : i32
      %mul3A_136 = vector.broadcast %mul3A_135 : i32 to vector<16xi32>
      %mul3A_137 = arith.muli %get3A_134, %mul3A_136 : vector<16xi32>
      %add3A_138 = vector.broadcast %arg0 : i32 to vector<16xi32>
      %add3A_139 = arith.addi %mul3A_137, %add3A_138 : vector<16xi32>
      %swap3A_140 = arith.constant 112 : index
      %swap3A_141 = tpu.vector_load %arg9[%swap3A_140] {strides = array<i32>} : memref<128xi32, #tpu.memory_space<vmem>>, vector<16xi32>,
      %swap3A_142 = vector.shape_cast %swap3A_141 : vector<16xi32> to vector<16xi32>
      %swap3A_143 = vector.shape_cast %add3A_139 : vector<16xi32> to vector<16xi32>
      tpu.vector_store %arg9[%swap3A_140], %swap3A_143 {strides = array<i32>} : memref<128xi32, #tpu.memory_space<vmem>>, vector<16xi32>,
      %dma_start3A = arith.constant 0 : i32
      %dma_start3A_144 = arith.constant 0 : i32
      %dma_start3A_145 = tpu.memref_slice %arg2[%dma_start3A, %dma_start3A_144] : memref<20000x128xf32, #tpu.memory_space<hbm>> -> memref<20000x128xf32, #tpu.memory_space<hbm>>
      tpu.enqueue_indirect_dma source(%dma_start3A_145 : memref<20000x128xf32, #tpu.memory_space<hbm>>) target(%arg10 : memref<128x128xf32, #tpu.memory_space<vmem>>) offsets(%arg9 : memref<128xi32, #tpu.memory_space<vmem>>) semaphore(%arg11 : memref<!tpu.dma_semaphore, #tpu.memory_space<semaphore_mem>>)
      %mul3A_146 = arith.constant 3 : i32
      %mul3A_147 = arith.muli %mul3A_146, %scan3A_41 : i32
      %add3A_148 = arith.constant 1 : i32
      %add3A_149 = arith.addi %mul3A_147, %add3A_148 : i32
      %mul3A_150 = arith.constant 128 : i32
      %mul3A_151 = arith.muli %add3A_149, %mul3A_150 : i32
      %add3A_152 = arith.addi %mul3A_21, %mul3A_151 : i32
      "tpu.region"() ({
        %run_scoped3A = tpu.sem_alloc : memref<!tpu.dma_semaphore, #tpu.memory_space<semaphore_mem>>
        %dma_start3A_367 = tpu.memref_slice %arg3[%add3A_152] : memref<320000xi32, #tpu.memory_space<hbm>> -> memref<128xi32, #tpu.memory_space<hbm>>
        %dma_start3A_368 = tpu.memref_slice %arg3[%add3A_152] : memref<320000xi32, #tpu.memory_space<hbm>> -> memref<128xi32, #tpu.memory_space<hbm>>
        tpu.enqueue_dma source(%dma_start3A_368 : memref<128xi32, #tpu.memory_space<hbm>>) target(%arg12 : memref<128xi32, #tpu.memory_space<vmem>>) target_semaphore(%run_scoped3A : memref<!tpu.dma_semaphore, #tpu.memory_space<semaphore_mem>>)
        %dma_wait3A_369 = tpu.memref_slice %arg3[%add3A_152] : memref<320000xi32, #tpu.memory_space<hbm>> -> memref<128xi32, #tpu.memory_space<hbm>>
        %dma_wait3A_370 = tpu.memref_slice %arg3[%add3A_152] : memref<320000xi32, #tpu.memory_space<hbm>> -> memref<128xi32, #tpu.memory_space<hbm>>
        tpu.wait_dma2 semaphore(%run_scoped3A : memref<!tpu.dma_semaphore, #tpu.memory_space<semaphore_mem>>) src(%dma_wait3A_370 : memref<128xi32, #tpu.memory_space<hbm>>) dst(%arg12 : memref<128xi32, #tpu.memory_space<vmem>>)
        tpu.yield
      }) : () -> ()
      "tpu.region"() ({
        %run_scoped3A = tpu.sem_alloc : memref<!tpu.dma_semaphore, #tpu.memory_space<semaphore_mem>>
        %dma_start3A_367 = tpu.memref_slice %arg4[%add3A_152] : memref<320000xi32, #tpu.memory_space<hbm>> -> memref<128xi32, #tpu.memory_space<hbm>>
        %dma_start3A_368 = tpu.memref_slice %arg4[%add3A_152] : memref<320000xi32, #tpu.memory_space<hbm>> -> memref<128xi32, #tpu.memory_space<hbm>>
        tpu.enqueue_dma source(%dma_start3A_368 : memref<128xi32, #tpu.memory_space<hbm>>) target(%arg13 : memref<128xi32, #tpu.memory_space<vmem>>) target_semaphore(%run_scoped3A : memref<!tpu.dma_semaphore, #tpu.memory_space<semaphore_mem>>)
        %dma_wait3A_369 = tpu.memref_slice %arg4[%add3A_152] : memref<320000xi32, #tpu.memory_space<hbm>> -> memref<128xi32, #tpu.memory_space<hbm>>
        %dma_wait3A_370 = tpu.memref_slice %arg4[%add3A_152] : memref<320000xi32, #tpu.memory_space<hbm>> -> memref<128xi32, #tpu.memory_space<hbm>>
        tpu.wait_dma2 semaphore(%run_scoped3A : memref<!tpu.dma_semaphore, #tpu.memory_space<semaphore_mem>>) src(%dma_wait3A_370 : memref<128xi32, #tpu.memory_space<hbm>>) dst(%arg13 : memref<128xi32, #tpu.memory_space<vmem>>)
        tpu.yield
      }) : () -> ()
      %get3A_153 = arith.constant 0 : index
      %get3A_154 = tpu.vector_load %arg12[%get3A_153] {strides = array<i32>} : memref<128xi32, #tpu.memory_space<vmem>>, vector<16xi32>,
      %get3A_155 = vector.shape_cast %get3A_154 : vector<16xi32> to vector<16xi32>
      %mul3A_156 = arith.constant 2 : i32
      %mul3A_157 = vector.broadcast %mul3A_156 : i32 to vector<16xi32>
      %mul3A_158 = arith.muli %get3A_155, %mul3A_157 : vector<16xi32>
      %add3A_159 = vector.broadcast %arg0 : i32 to vector<16xi32>
      %add3A_160 = arith.addi %mul3A_158, %add3A_159 : vector<16xi32>
      %swap3A_161 = arith.constant 0 : index
      %swap3A_162 = tpu.vector_load %arg14[%swap3A_161] {strides = array<i32>} : memref<128xi32, #tpu.memory_space<vmem>>, vector<16xi32>,
      %swap3A_163 = vector.shape_cast %swap3A_162 : vector<16xi32> to vector<16xi32>
      %swap3A_164 = vector.shape_cast %add3A_160 : vector<16xi32> to vector<16xi32>
      tpu.vector_store %arg14[%swap3A_161], %swap3A_164 {strides = array<i32>} : memref<128xi32, #tpu.memory_space<vmem>>, vector<16xi32>,
      %get3A_165 = arith.constant 16 : index
      %get3A_166 = tpu.vector_load %arg12[%get3A_165] {strides = array<i32>} : memref<128xi32, #tpu.memory_space<vmem>>, vector<16xi32>,
      %get3A_167 = vector.shape_cast %get3A_166 : vector<16xi32> to vector<16xi32>
      %mul3A_168 = arith.constant 2 : i32
      %mul3A_169 = vector.broadcast %mul3A_168 : i32 to vector<16xi32>
      %mul3A_170 = arith.muli %get3A_167, %mul3A_169 : vector<16xi32>
      %add3A_171 = vector.broadcast %arg0 : i32 to vector<16xi32>
      %add3A_172 = arith.addi %mul3A_170, %add3A_171 : vector<16xi32>
      %swap3A_173 = arith.constant 16 : index
      %swap3A_174 = tpu.vector_load %arg14[%swap3A_173] {strides = array<i32>} : memref<128xi32, #tpu.memory_space<vmem>>, vector<16xi32>,
      %swap3A_175 = vector.shape_cast %swap3A_174 : vector<16xi32> to vector<16xi32>
      %swap3A_176 = vector.shape_cast %add3A_172 : vector<16xi32> to vector<16xi32>
      tpu.vector_store %arg14[%swap3A_173], %swap3A_176 {strides = array<i32>} : memref<128xi32, #tpu.memory_space<vmem>>, vector<16xi32>,
      %get3A_177 = arith.constant 32 : index
      %get3A_178 = tpu.vector_load %arg12[%get3A_177] {strides = array<i32>} : memref<128xi32, #tpu.memory_space<vmem>>, vector<16xi32>,
      %get3A_179 = vector.shape_cast %get3A_178 : vector<16xi32> to vector<16xi32>
      %mul3A_180 = arith.constant 2 : i32
      %mul3A_181 = vector.broadcast %mul3A_180 : i32 to vector<16xi32>
      %mul3A_182 = arith.muli %get3A_179, %mul3A_181 : vector<16xi32>
      %add3A_183 = vector.broadcast %arg0 : i32 to vector<16xi32>
      %add3A_184 = arith.addi %mul3A_182, %add3A_183 : vector<16xi32>
      %swap3A_185 = arith.constant 32 : index
      %swap3A_186 = tpu.vector_load %arg14[%swap3A_185] {strides = array<i32>} : memref<128xi32, #tpu.memory_space<vmem>>, vector<16xi32>,
      %swap3A_187 = vector.shape_cast %swap3A_186 : vector<16xi32> to vector<16xi32>
      %swap3A_188 = vector.shape_cast %add3A_184 : vector<16xi32> to vector<16xi32>
      tpu.vector_store %arg14[%swap3A_185], %swap3A_188 {strides = array<i32>} : memref<128xi32, #tpu.memory_space<vmem>>, vector<16xi32>,
      %get3A_189 = arith.constant 48 : index
      %get3A_190 = tpu.vector_load %arg12[%get3A_189] {strides = array<i32>} : memref<128xi32, #tpu.memory_space<vmem>>, vector<16xi32>,
      %get3A_191 = vector.shape_cast %get3A_190 : vector<16xi32> to vector<16xi32>
      %mul3A_192 = arith.constant 2 : i32
      %mul3A_193 = vector.broadcast %mul3A_192 : i32 to vector<16xi32>
      %mul3A_194 = arith.muli %get3A_191, %mul3A_193 : vector<16xi32>
      %add3A_195 = vector.broadcast %arg0 : i32 to vector<16xi32>
      %add3A_196 = arith.addi %mul3A_194, %add3A_195 : vector<16xi32>
      %swap3A_197 = arith.constant 48 : index
      %swap3A_198 = tpu.vector_load %arg14[%swap3A_197] {strides = array<i32>} : memref<128xi32, #tpu.memory_space<vmem>>, vector<16xi32>,
      %swap3A_199 = vector.shape_cast %swap3A_198 : vector<16xi32> to vector<16xi32>
      %swap3A_200 = vector.shape_cast %add3A_196 : vector<16xi32> to vector<16xi32>
      tpu.vector_store %arg14[%swap3A_197], %swap3A_200 {strides = array<i32>} : memref<128xi32, #tpu.memory_space<vmem>>, vector<16xi32>,
      %get3A_201 = arith.constant 64 : index
      %get3A_202 = tpu.vector_load %arg12[%get3A_201] {strides = array<i32>} : memref<128xi32, #tpu.memory_space<vmem>>, vector<16xi32>,
      %get3A_203 = vector.shape_cast %get3A_202 : vector<16xi32> to vector<16xi32>
      %mul3A_204 = arith.constant 2 : i32
      %mul3A_205 = vector.broadcast %mul3A_204 : i32 to vector<16xi32>
      %mul3A_206 = arith.muli %get3A_203, %mul3A_205 : vector<16xi32>
      %add3A_207 = vector.broadcast %arg0 : i32 to vector<16xi32>
      %add3A_208 = arith.addi %mul3A_206, %add3A_207 : vector<16xi32>
      %swap3A_209 = arith.constant 64 : index
      %swap3A_210 = tpu.vector_load %arg14[%swap3A_209] {strides = array<i32>} : memref<128xi32, #tpu.memory_space<vmem>>, vector<16xi32>,
      %swap3A_211 = vector.shape_cast %swap3A_210 : vector<16xi32> to vector<16xi32>
      %swap3A_212 = vector.shape_cast %add3A_208 : vector<16xi32> to vector<16xi32>
      tpu.vector_store %arg14[%swap3A_209], %swap3A_212 {strides = array<i32>} : memref<128xi32, #tpu.memory_space<vmem>>, vector<16xi32>,
      %get3A_213 = arith.constant 80 : index
      %get3A_214 = tpu.vector_load %arg12[%get3A_213] {strides = array<i32>} : memref<128xi32, #tpu.memory_space<vmem>>, vector<16xi32>,
      %get3A_215 = vector.shape_cast %get3A_214 : vector<16xi32> to vector<16xi32>
      %mul3A_216 = arith.constant 2 : i32
      %mul3A_217 = vector.broadcast %mul3A_216 : i32 to vector<16xi32>
      %mul3A_218 = arith.muli %get3A_215, %mul3A_217 : vector<16xi32>
      %add3A_219 = vector.broadcast %arg0 : i32 to vector<16xi32>
      %add3A_220 = arith.addi %mul3A_218, %add3A_219 : vector<16xi32>
      %swap3A_221 = arith.constant 80 : index
      %swap3A_222 = tpu.vector_load %arg14[%swap3A_221] {strides = array<i32>} : memref<128xi32, #tpu.memory_space<vmem>>, vector<16xi32>,
      %swap3A_223 = vector.shape_cast %swap3A_222 : vector<16xi32> to vector<16xi32>
      %swap3A_224 = vector.shape_cast %add3A_220 : vector<16xi32> to vector<16xi32>
      tpu.vector_store %arg14[%swap3A_221], %swap3A_224 {strides = array<i32>} : memref<128xi32, #tpu.memory_space<vmem>>, vector<16xi32>,
      %get3A_225 = arith.constant 96 : index
      %get3A_226 = tpu.vector_load %arg12[%get3A_225] {strides = array<i32>} : memref<128xi32, #tpu.memory_space<vmem>>, vector<16xi32>,
      %get3A_227 = vector.shape_cast %get3A_226 : vector<16xi32> to vector<16xi32>
      %mul3A_228 = arith.constant 2 : i32
      %mul3A_229 = vector.broadcast %mul3A_228 : i32 to vector<16xi32>
      %mul3A_230 = arith.muli %get3A_227, %mul3A_229 : vector<16xi32>
      %add3A_231 = vector.broadcast %arg0 : i32 to vector<16xi32>
      %add3A_232 = arith.addi %mul3A_230, %add3A_231 : vector<16xi32>
      %swap3A_233 = arith.constant 96 : index
      %swap3A_234 = tpu.vector_load %arg14[%swap3A_233] {strides = array<i32>} : memref<128xi32, #tpu.memory_space<vmem>>, vector<16xi32>,
      %swap3A_235 = vector.shape_cast %swap3A_234 : vector<16xi32> to vector<16xi32>
      %swap3A_236 = vector.shape_cast %add3A_232 : vector<16xi32> to vector<16xi32>
      tpu.vector_store %arg14[%swap3A_233], %swap3A_236 {strides = array<i32>} : memref<128xi32, #tpu.memory_space<vmem>>, vector<16xi32>,
      %get3A_237 = arith.constant 112 : index
      %get3A_238 = tpu.vector_load %arg12[%get3A_237] {strides = array<i32>} : memref<128xi32, #tpu.memory_space<vmem>>, vector<16xi32>,
      %get3A_239 = vector.shape_cast %get3A_238 : vector<16xi32> to vector<16xi32>
      %mul3A_240 = arith.constant 2 : i32
      %mul3A_241 = vector.broadcast %mul3A_240 : i32 to vector<16xi32>
      %mul3A_242 = arith.muli %get3A_239, %mul3A_241 : vector<16xi32>
      %add3A_243 = vector.broadcast %arg0 : i32 to vector<16xi32>
      %add3A_244 = arith.addi %mul3A_242, %add3A_243 : vector<16xi32>
      %swap3A_245 = arith.constant 112 : index
      %swap3A_246 = tpu.vector_load %arg14[%swap3A_245] {strides = array<i32>} : memref<128xi32, #tpu.memory_space<vmem>>, vector<16xi32>,
      %swap3A_247 = vector.shape_cast %swap3A_246 : vector<16xi32> to vector<16xi32>
      %swap3A_248 = vector.shape_cast %add3A_244 : vector<16xi32> to vector<16xi32>
      tpu.vector_store %arg14[%swap3A_245], %swap3A_248 {strides = array<i32>} : memref<128xi32, #tpu.memory_space<vmem>>, vector<16xi32>,
      %dma_start3A_249 = arith.constant 0 : i32
      %dma_start3A_250 = arith.constant 0 : i32
      %dma_start3A_251 = tpu.memref_slice %arg2[%dma_start3A_249, %dma_start3A_250] : memref<20000x128xf32, #tpu.memory_space<hbm>> -> memref<20000x128xf32, #tpu.memory_space<hbm>>
      tpu.enqueue_indirect_dma source(%dma_start3A_251 : memref<20000x128xf32, #tpu.memory_space<hbm>>) target(%arg15 : memref<128x128xf32, #tpu.memory_space<vmem>>) offsets(%arg14 : memref<128xi32, #tpu.memory_space<vmem>>) semaphore(%arg16 : memref<!tpu.dma_semaphore, #tpu.memory_space<semaphore_mem>>)
      %mul3A_252 = arith.constant 3 : i32
      %mul3A_253 = arith.muli %mul3A_252, %scan3A_41 : i32
      %add3A_254 = arith.constant 2 : i32
      %add3A_255 = arith.addi %mul3A_253, %add3A_254 : i32
      %mul3A_256 = arith.constant 128 : i32
      %mul3A_257 = arith.muli %add3A_255, %mul3A_256 : i32
      %add3A_258 = arith.addi %mul3A_21, %mul3A_257 : i32
      "tpu.region"() ({
        %run_scoped3A = tpu.sem_alloc : memref<!tpu.dma_semaphore, #tpu.memory_space<semaphore_mem>>
        %dma_start3A_367 = tpu.memref_slice %arg3[%add3A_258] : memref<320000xi32, #tpu.memory_space<hbm>> -> memref<128xi32, #tpu.memory_space<hbm>>
        %dma_start3A_368 = tpu.memref_slice %arg3[%add3A_258] : memref<320000xi32, #tpu.memory_space<hbm>> -> memref<128xi32, #tpu.memory_space<hbm>>
        tpu.enqueue_dma source(%dma_start3A_368 : memref<128xi32, #tpu.memory_space<hbm>>) target(%arg17 : memref<128xi32, #tpu.memory_space<vmem>>) target_semaphore(%run_scoped3A : memref<!tpu.dma_semaphore, #tpu.memory_space<semaphore_mem>>)
        %dma_wait3A_369 = tpu.memref_slice %arg3[%add3A_258] : memref<320000xi32, #tpu.memory_space<hbm>> -> memref<128xi32, #tpu.memory_space<hbm>>
        %dma_wait3A_370 = tpu.memref_slice %arg3[%add3A_258] : memref<320000xi32, #tpu.memory_space<hbm>> -> memref<128xi32, #tpu.memory_space<hbm>>
        tpu.wait_dma2 semaphore(%run_scoped3A : memref<!tpu.dma_semaphore, #tpu.memory_space<semaphore_mem>>) src(%dma_wait3A_370 : memref<128xi32, #tpu.memory_space<hbm>>) dst(%arg17 : memref<128xi32, #tpu.memory_space<vmem>>)
        tpu.yield
      }) : () -> ()
      "tpu.region"() ({
        %run_scoped3A = tpu.sem_alloc : memref<!tpu.dma_semaphore, #tpu.memory_space<semaphore_mem>>
        %dma_start3A_367 = tpu.memref_slice %arg4[%add3A_258] : memref<320000xi32, #tpu.memory_space<hbm>> -> memref<128xi32, #tpu.memory_space<hbm>>
        %dma_start3A_368 = tpu.memref_slice %arg4[%add3A_258] : memref<320000xi32, #tpu.memory_space<hbm>> -> memref<128xi32, #tpu.memory_space<hbm>>
        tpu.enqueue_dma source(%dma_start3A_368 : memref<128xi32, #tpu.memory_space<hbm>>) target(%arg18 : memref<128xi32, #tpu.memory_space<vmem>>) target_semaphore(%run_scoped3A : memref<!tpu.dma_semaphore, #tpu.memory_space<semaphore_mem>>)
        %dma_wait3A_369 = tpu.memref_slice %arg4[%add3A_258] : memref<320000xi32, #tpu.memory_space<hbm>> -> memref<128xi32, #tpu.memory_space<hbm>>
        %dma_wait3A_370 = tpu.memref_slice %arg4[%add3A_258] : memref<320000xi32, #tpu.memory_space<hbm>> -> memref<128xi32, #tpu.memory_space<hbm>>
        tpu.wait_dma2 semaphore(%run_scoped3A : memref<!tpu.dma_semaphore, #tpu.memory_space<semaphore_mem>>) src(%dma_wait3A_370 : memref<128xi32, #tpu.memory_space<hbm>>) dst(%arg18 : memref<128xi32, #tpu.memory_space<vmem>>)
        tpu.yield
      }) : () -> ()
      %get3A_259 = arith.constant 0 : index
      %get3A_260 = tpu.vector_load %arg17[%get3A_259] {strides = array<i32>} : memref<128xi32, #tpu.memory_space<vmem>>, vector<16xi32>,
      %get3A_261 = vector.shape_cast %get3A_260 : vector<16xi32> to vector<16xi32>
      %mul3A_262 = arith.constant 2 : i32
      %mul3A_263 = vector.broadcast %mul3A_262 : i32 to vector<16xi32>
      %mul3A_264 = arith.muli %get3A_261, %mul3A_263 : vector<16xi32>
      %add3A_265 = vector.broadcast %arg0 : i32 to vector<16xi32>
      %add3A_266 = arith.addi %mul3A_264, %add3A_265 : vector<16xi32>
      %swap3A_267 = arith.constant 0 : index
      %swap3A_268 = tpu.vector_load %arg19[%swap3A_267] {strides = array<i32>} : memref<128xi32, #tpu.memory_space<vmem>>, vector<16xi32>,
      %swap3A_269 = vector.shape_cast %swap3A_268 : vector<16xi32> to vector<16xi32>
      %swap3A_270 = vector.shape_cast %add3A_266 : vector<16xi32> to vector<16xi32>
      tpu.vector_store %arg19[%swap3A_267], %swap3A_270 {strides = array<i32>} : memref<128xi32, #tpu.memory_space<vmem>>, vector<16xi32>,
      %get3A_271 = arith.constant 16 : index
      %get3A_272 = tpu.vector_load %arg17[%get3A_271] {strides = array<i32>} : memref<128xi32, #tpu.memory_space<vmem>>, vector<16xi32>,
      %get3A_273 = vector.shape_cast %get3A_272 : vector<16xi32> to vector<16xi32>
      %mul3A_274 = arith.constant 2 : i32
      %mul3A_275 = vector.broadcast %mul3A_274 : i32 to vector<16xi32>
      %mul3A_276 = arith.muli %get3A_273, %mul3A_275 : vector<16xi32>
      %add3A_277 = vector.broadcast %arg0 : i32 to vector<16xi32>
      %add3A_278 = arith.addi %mul3A_276, %add3A_277 : vector<16xi32>
      %swap3A_279 = arith.constant 16 : index
      %swap3A_280 = tpu.vector_load %arg19[%swap3A_279] {strides = array<i32>} : memref<128xi32, #tpu.memory_space<vmem>>, vector<16xi32>,
      %swap3A_281 = vector.shape_cast %swap3A_280 : vector<16xi32> to vector<16xi32>
      %swap3A_282 = vector.shape_cast %add3A_278 : vector<16xi32> to vector<16xi32>
      tpu.vector_store %arg19[%swap3A_279], %swap3A_282 {strides = array<i32>} : memref<128xi32, #tpu.memory_space<vmem>>, vector<16xi32>,
      %get3A_283 = arith.constant 32 : index
      %get3A_284 = tpu.vector_load %arg17[%get3A_283] {strides = array<i32>} : memref<128xi32, #tpu.memory_space<vmem>>, vector<16xi32>,
      %get3A_285 = vector.shape_cast %get3A_284 : vector<16xi32> to vector<16xi32>
      %mul3A_286 = arith.constant 2 : i32
      %mul3A_287 = vector.broadcast %mul3A_286 : i32 to vector<16xi32>
      %mul3A_288 = arith.muli %get3A_285, %mul3A_287 : vector<16xi32>
      %add3A_289 = vector.broadcast %arg0 : i32 to vector<16xi32>
      %add3A_290 = arith.addi %mul3A_288, %add3A_289 : vector<16xi32>
      %swap3A_291 = arith.constant 32 : index
      %swap3A_292 = tpu.vector_load %arg19[%swap3A_291] {strides = array<i32>} : memref<128xi32, #tpu.memory_space<vmem>>, vector<16xi32>,
      %swap3A_293 = vector.shape_cast %swap3A_292 : vector<16xi32> to vector<16xi32>
      %swap3A_294 = vector.shape_cast %add3A_290 : vector<16xi32> to vector<16xi32>
      tpu.vector_store %arg19[%swap3A_291], %swap3A_294 {strides = array<i32>} : memref<128xi32, #tpu.memory_space<vmem>>, vector<16xi32>,
      %get3A_295 = arith.constant 48 : index
      %get3A_296 = tpu.vector_load %arg17[%get3A_295] {strides = array<i32>} : memref<128xi32, #tpu.memory_space<vmem>>, vector<16xi32>,
      %get3A_297 = vector.shape_cast %get3A_296 : vector<16xi32> to vector<16xi32>
      %mul3A_298 = arith.constant 2 : i32
      %mul3A_299 = vector.broadcast %mul3A_298 : i32 to vector<16xi32>
      %mul3A_300 = arith.muli %get3A_297, %mul3A_299 : vector<16xi32>
      %add3A_301 = vector.broadcast %arg0 : i32 to vector<16xi32>
      %add3A_302 = arith.addi %mul3A_300, %add3A_301 : vector<16xi32>
      %swap3A_303 = arith.constant 48 : index
      %swap3A_304 = tpu.vector_load %arg19[%swap3A_303] {strides = array<i32>} : memref<128xi32, #tpu.memory_space<vmem>>, vector<16xi32>,
      %swap3A_305 = vector.shape_cast %swap3A_304 : vector<16xi32> to vector<16xi32>
      %swap3A_306 = vector.shape_cast %add3A_302 : vector<16xi32> to vector<16xi32>
      tpu.vector_store %arg19[%swap3A_303], %swap3A_306 {strides = array<i32>} : memref<128xi32, #tpu.memory_space<vmem>>, vector<16xi32>,
      %get3A_307 = arith.constant 64 : index
      %get3A_308 = tpu.vector_load %arg17[%get3A_307] {strides = array<i32>} : memref<128xi32, #tpu.memory_space<vmem>>, vector<16xi32>,
      %get3A_309 = vector.shape_cast %get3A_308 : vector<16xi32> to vector<16xi32>
      %mul3A_310 = arith.constant 2 : i32
      %mul3A_311 = vector.broadcast %mul3A_310 : i32 to vector<16xi32>
      %mul3A_312 = arith.muli %get3A_309, %mul3A_311 : vector<16xi32>
      %add3A_313 = vector.broadcast %arg0 : i32 to vector<16xi32>
      %add3A_314 = arith.addi %mul3A_312, %add3A_313 : vector<16xi32>
      %swap3A_315 = arith.constant 64 : index
      %swap3A_316 = tpu.vector_load %arg19[%swap3A_315] {strides = array<i32>} : memref<128xi32, #tpu.memory_space<vmem>>, vector<16xi32>,
      %swap3A_317 = vector.shape_cast %swap3A_316 : vector<16xi32> to vector<16xi32>
      %swap3A_318 = vector.shape_cast %add3A_314 : vector<16xi32> to vector<16xi32>
      tpu.vector_store %arg19[%swap3A_315], %swap3A_318 {strides = array<i32>} : memref<128xi32, #tpu.memory_space<vmem>>, vector<16xi32>,
      %get3A_319 = arith.constant 80 : index
      %get3A_320 = tpu.vector_load %arg17[%get3A_319] {strides = array<i32>} : memref<128xi32, #tpu.memory_space<vmem>>, vector<16xi32>,
      %get3A_321 = vector.shape_cast %get3A_320 : vector<16xi32> to vector<16xi32>
      %mul3A_322 = arith.constant 2 : i32
      %mul3A_323 = vector.broadcast %mul3A_322 : i32 to vector<16xi32>
      %mul3A_324 = arith.muli %get3A_321, %mul3A_323 : vector<16xi32>
      %add3A_325 = vector.broadcast %arg0 : i32 to vector<16xi32>
      %add3A_326 = arith.addi %mul3A_324, %add3A_325 : vector<16xi32>
      %swap3A_327 = arith.constant 80 : index
      %swap3A_328 = tpu.vector_load %arg19[%swap3A_327] {strides = array<i32>} : memref<128xi32, #tpu.memory_space<vmem>>, vector<16xi32>,
      %swap3A_329 = vector.shape_cast %swap3A_328 : vector<16xi32> to vector<16xi32>
      %swap3A_330 = vector.shape_cast %add3A_326 : vector<16xi32> to vector<16xi32>
      tpu.vector_store %arg19[%swap3A_327], %swap3A_330 {strides = array<i32>} : memref<128xi32, #tpu.memory_space<vmem>>, vector<16xi32>,
      %get3A_331 = arith.constant 96 : index
      %get3A_332 = tpu.vector_load %arg17[%get3A_331] {strides = array<i32>} : memref<128xi32, #tpu.memory_space<vmem>>, vector<16xi32>,
      %get3A_333 = vector.shape_cast %get3A_332 : vector<16xi32> to vector<16xi32>
      %mul3A_334 = arith.constant 2 : i32
      %mul3A_335 = vector.broadcast %mul3A_334 : i32 to vector<16xi32>
      %mul3A_336 = arith.muli %get3A_333, %mul3A_335 : vector<16xi32>
      %add3A_337 = vector.broadcast %arg0 : i32 to vector<16xi32>
      %add3A_338 = arith.addi %mul3A_336, %add3A_337 : vector<16xi32>
      %swap3A_339 = arith.constant 96 : index
      %swap3A_340 = tpu.vector_load %arg19[%swap3A_339] {strides = array<i32>} : memref<128xi32, #tpu.memory_space<vmem>>, vector<16xi32>,
      %swap3A_341 = vector.shape_cast %swap3A_340 : vector<16xi32> to vector<16xi32>
      %swap3A_342 = vector.shape_cast %add3A_338 : vector<16xi32> to vector<16xi32>
      tpu.vector_store %arg19[%swap3A_339], %swap3A_342 {strides = array<i32>} : memref<128xi32, #tpu.memory_space<vmem>>, vector<16xi32>,
      %get3A_343 = arith.constant 112 : index
      %get3A_344 = tpu.vector_load %arg17[%get3A_343] {strides = array<i32>} : memref<128xi32, #tpu.memory_space<vmem>>, vector<16xi32>,
      %get3A_345 = vector.shape_cast %get3A_344 : vector<16xi32> to vector<16xi32>
      %mul3A_346 = arith.constant 2 : i32
      %mul3A_347 = vector.broadcast %mul3A_346 : i32 to vector<16xi32>
      %mul3A_348 = arith.muli %get3A_345, %mul3A_347 : vector<16xi32>
      %add3A_349 = vector.broadcast %arg0 : i32 to vector<16xi32>
      %add3A_350 = arith.addi %mul3A_348, %add3A_349 : vector<16xi32>
      %swap3A_351 = arith.constant 112 : index
      %swap3A_352 = tpu.vector_load %arg19[%swap3A_351] {strides = array<i32>} : memref<128xi32, #tpu.memory_space<vmem>>, vector<16xi32>,
      %swap3A_353 = vector.shape_cast %swap3A_352 : vector<16xi32> to vector<16xi32>
      %swap3A_354 = vector.shape_cast %add3A_350 : vector<16xi32> to vector<16xi32>
      tpu.vector_store %arg19[%swap3A_351], %swap3A_354 {strides = array<i32>} : memref<128xi32, #tpu.memory_space<vmem>>, vector<16xi32>,
      %dma_start3A_355 = arith.constant 0 : i32
      %dma_start3A_356 = arith.constant 0 : i32
      %dma_start3A_357 = tpu.memref_slice %arg2[%dma_start3A_355, %dma_start3A_356] : memref<20000x128xf32, #tpu.memory_space<hbm>> -> memref<20000x128xf32, #tpu.memory_space<hbm>>
      tpu.enqueue_indirect_dma source(%dma_start3A_357 : memref<20000x128xf32, #tpu.memory_space<hbm>>) target(%arg20 : memref<128x128xf32, #tpu.memory_space<vmem>>) offsets(%arg19 : memref<128xi32, #tpu.memory_space<vmem>>) semaphore(%arg21 : memref<!tpu.dma_semaphore, #tpu.memory_space<semaphore_mem>>)
      %dma_wait3A = arith.constant 0 : i32
      %dma_wait3A_358 = arith.constant 0 : i32
      %dma_wait3A_359 = tpu.memref_slice %arg2[%dma_wait3A, %dma_wait3A_358] : memref<20000x128xf32, #tpu.memory_space<hbm>> -> memref<20000x128xf32, #tpu.memory_space<hbm>>
      tpu.wait_indirect_dma semaphore(%arg11 : memref<!tpu.dma_semaphore, #tpu.memory_space<semaphore_mem>>) src(%dma_wait3A_359 : memref<20000x128xf32, #tpu.memory_space<hbm>>) dst(%arg10 : memref<128x128xf32, #tpu.memory_space<vmem>>)
      "tpu.region"() ({
        %run_scoped3A = tpu.sem_alloc : memref<!tpu.dma_semaphore, #tpu.memory_space<semaphore_mem>>
        %dma_start3A_367 = arith.constant 0 : i32
        %dma_start3A_368 = arith.constant 0 : i32
        %dma_start3A_369 = tpu.memref_slice %arg6[%dma_start3A_367, %dma_start3A_368] : memref<10000x128xf32, #tpu.memory_space<vmem_shared>> -> memref<10000x128xf32, #tpu.memory_space<vmem_shared>>
        tpu.enqueue_indirect_dma source(%arg10 : memref<128x128xf32, #tpu.memory_space<vmem>>) target(%dma_start3A_369 : memref<10000x128xf32, #tpu.memory_space<vmem_shared>>) offsets(%arg8 : memref<128xi32, #tpu.memory_space<vmem>>) semaphore(%run_scoped3A : memref<!tpu.dma_semaphore, #tpu.memory_space<semaphore_mem>>) {add = true}
        %dma_wait3A_370 = arith.constant 0 : i32
        %dma_wait3A_371 = arith.constant 0 : i32
        %dma_wait3A_372 = tpu.memref_slice %arg6[%dma_wait3A_370, %dma_wait3A_371] : memref<10000x128xf32, #tpu.memory_space<vmem_shared>> -> memref<10000x128xf32, #tpu.memory_space<vmem_shared>>
        tpu.wait_indirect_dma semaphore(%run_scoped3A : memref<!tpu.dma_semaphore, #tpu.memory_space<semaphore_mem>>) src(%arg10 : memref<128x128xf32, #tpu.memory_space<vmem>>) dst(%dma_wait3A_372 : memref<10000x128xf32, #tpu.memory_space<vmem_shared>>)
        tpu.yield
      }) : () -> ()
      %dma_wait3A_360 = arith.constant 0 : i32
      %dma_wait3A_361 = arith.constant 0 : i32
      %dma_wait3A_362 = tpu.memref_slice %arg2[%dma_wait3A_360, %dma_wait3A_361] : memref<20000x128xf32, #tpu.memory_space<hbm>> -> memref<20000x128xf32, #tpu.memory_space<hbm>>
      tpu.wait_indirect_dma semaphore(%arg16 : memref<!tpu.dma_semaphore, #tpu.memory_space<semaphore_mem>>) src(%dma_wait3A_362 : memref<20000x128xf32, #tpu.memory_space<hbm>>) dst(%arg15 : memref<128x128xf32, #tpu.memory_space<vmem>>)
      "tpu.region"() ({
        %run_scoped3A = tpu.sem_alloc : memref<!tpu.dma_semaphore, #tpu.memory_space<semaphore_mem>>
        %dma_start3A_367 = arith.constant 0 : i32
        %dma_start3A_368 = arith.constant 0 : i32
        %dma_start3A_369 = tpu.memref_slice %arg6[%dma_start3A_367, %dma_start3A_368] : memref<10000x128xf32, #tpu.memory_space<vmem_shared>> -> memref<10000x128xf32, #tpu.memory_space<vmem_shared>>
        tpu.enqueue_indirect_dma source(%arg15 : memref<128x128xf32, #tpu.memory_space<vmem>>) target(%dma_start3A_369 : memref<10000x128xf32, #tpu.memory_space<vmem_shared>>) offsets(%arg13 : memref<128xi32, #tpu.memory_space<vmem>>) semaphore(%run_scoped3A : memref<!tpu.dma_semaphore, #tpu.memory_space<semaphore_mem>>) {add = true}
        %dma_wait3A_370 = arith.constant 0 : i32
        %dma_wait3A_371 = arith.constant 0 : i32
        %dma_wait3A_372 = tpu.memref_slice %arg6[%dma_wait3A_370, %dma_wait3A_371] : memref<10000x128xf32, #tpu.memory_space<vmem_shared>> -> memref<10000x128xf32, #tpu.memory_space<vmem_shared>>
        tpu.wait_indirect_dma semaphore(%run_scoped3A : memref<!tpu.dma_semaphore, #tpu.memory_space<semaphore_mem>>) src(%arg15 : memref<128x128xf32, #tpu.memory_space<vmem>>) dst(%dma_wait3A_372 : memref<10000x128xf32, #tpu.memory_space<vmem_shared>>)
        tpu.yield
      }) : () -> ()
      %dma_wait3A_363 = arith.constant 0 : i32
      %dma_wait3A_364 = arith.constant 0 : i32
      %dma_wait3A_365 = tpu.memref_slice %arg2[%dma_wait3A_363, %dma_wait3A_364] : memref<20000x128xf32, #tpu.memory_space<hbm>> -> memref<20000x128xf32, #tpu.memory_space<hbm>>
      tpu.wait_indirect_dma semaphore(%arg21 : memref<!tpu.dma_semaphore, #tpu.memory_space<semaphore_mem>>) src(%dma_wait3A_365 : memref<20000x128xf32, #tpu.memory_space<hbm>>) dst(%arg20 : memref<128x128xf32, #tpu.memory_space<vmem>>)
      "tpu.region"() ({
        %run_scoped3A = tpu.sem_alloc : memref<!tpu.dma_semaphore, #tpu.memory_space<semaphore_mem>>
        %dma_start3A_367 = arith.constant 0 : i32
        %dma_start3A_368 = arith.constant 0 : i32
        %dma_start3A_369 = tpu.memref_slice %arg6[%dma_start3A_367, %dma_start3A_368] : memref<10000x128xf32, #tpu.memory_space<vmem_shared>> -> memref<10000x128xf32, #tpu.memory_space<vmem_shared>>
        tpu.enqueue_indirect_dma source(%arg20 : memref<128x128xf32, #tpu.memory_space<vmem>>) target(%dma_start3A_369 : memref<10000x128xf32, #tpu.memory_space<vmem_shared>>) offsets(%arg18 : memref<128xi32, #tpu.memory_space<vmem>>) semaphore(%run_scoped3A : memref<!tpu.dma_semaphore, #tpu.memory_space<semaphore_mem>>) {add = true}
        %dma_wait3A_370 = arith.constant 0 : i32
        %dma_wait3A_371 = arith.constant 0 : i32
        %dma_wait3A_372 = tpu.memref_slice %arg6[%dma_wait3A_370, %dma_wait3A_371] : memref<10000x128xf32, #tpu.memory_space<vmem_shared>> -> memref<10000x128xf32, #tpu.memory_space<vmem_shared>>
        tpu.wait_indirect_dma semaphore(%run_scoped3A : memref<!tpu.dma_semaphore, #tpu.memory_space<semaphore_mem>>) src(%arg20 : memref<128x128xf32, #tpu.memory_space<vmem>>) dst(%dma_wait3A_372 : memref<10000x128xf32, #tpu.memory_space<vmem_shared>>)
        tpu.yield
      }) : () -> ()
      %scan3A_366 = arith.constant 0 : i32
      scf.yield %scan3A_366 : i32
    }
    %scan3A_28 = arith.constant 52 : i32
    %lt3A = arith.constant 4 : i32
    %lt3A_29 = arith.cmpi slt, %arg1, %lt3A : i32
    %convert_element_type3A_30 = arith.extui %lt3A_29 : i1 to i32
    %cond3A_31 = arith.constant 0 : i32
    %cond3A_32 = arith.cmpi ne, %convert_element_type3A_30, %cond3A_31 : i32
    scf.if %cond3A_32 {
      %add3A_41 = arith.constant 2496 : i32
      %add3A_42 = arith.addi %add3A_41, %arg1 : i32
      %mul3A_43 = arith.constant 128 : i32
      %mul3A_44 = arith.muli %add3A_42, %mul3A_43 : i32
      "tpu.region"() ({
        %run_scoped3A = tpu.sem_alloc : memref<!tpu.dma_semaphore, #tpu.memory_space<semaphore_mem>>
        %dma_start3A_143 = tpu.memref_slice %arg3[%mul3A_44] : memref<320000xi32, #tpu.memory_space<hbm>> -> memref<128xi32, #tpu.memory_space<hbm>>
        %dma_start3A_144 = tpu.memref_slice %arg3[%mul3A_44] : memref<320000xi32, #tpu.memory_space<hbm>> -> memref<128xi32, #tpu.memory_space<hbm>>
        tpu.enqueue_dma source(%dma_start3A_144 : memref<128xi32, #tpu.memory_space<hbm>>) target(%arg7 : memref<128xi32, #tpu.memory_space<vmem>>) target_semaphore(%run_scoped3A : memref<!tpu.dma_semaphore, #tpu.memory_space<semaphore_mem>>)
        %dma_wait3A_145 = tpu.memref_slice %arg3[%mul3A_44] : memref<320000xi32, #tpu.memory_space<hbm>> -> memref<128xi32, #tpu.memory_space<hbm>>
        %dma_wait3A_146 = tpu.memref_slice %arg3[%mul3A_44] : memref<320000xi32, #tpu.memory_space<hbm>> -> memref<128xi32, #tpu.memory_space<hbm>>
        tpu.wait_dma2 semaphore(%run_scoped3A : memref<!tpu.dma_semaphore, #tpu.memory_space<semaphore_mem>>) src(%dma_wait3A_146 : memref<128xi32, #tpu.memory_space<hbm>>) dst(%arg7 : memref<128xi32, #tpu.memory_space<vmem>>)
        tpu.yield
      }) : () -> ()
      "tpu.region"() ({
        %run_scoped3A = tpu.sem_alloc : memref<!tpu.dma_semaphore, #tpu.memory_space<semaphore_mem>>
        %dma_start3A_143 = tpu.memref_slice %arg4[%mul3A_44] : memref<320000xi32, #tpu.memory_space<hbm>> -> memref<128xi32, #tpu.memory_space<hbm>>
        %dma_start3A_144 = tpu.memref_slice %arg4[%mul3A_44] : memref<320000xi32, #tpu.memory_space<hbm>> -> memref<128xi32, #tpu.memory_space<hbm>>
        tpu.enqueue_dma source(%dma_start3A_144 : memref<128xi32, #tpu.memory_space<hbm>>) target(%arg8 : memref<128xi32, #tpu.memory_space<vmem>>) target_semaphore(%run_scoped3A : memref<!tpu.dma_semaphore, #tpu.memory_space<semaphore_mem>>)
        %dma_wait3A_145 = tpu.memref_slice %arg4[%mul3A_44] : memref<320000xi32, #tpu.memory_space<hbm>> -> memref<128xi32, #tpu.memory_space<hbm>>
        %dma_wait3A_146 = tpu.memref_slice %arg4[%mul3A_44] : memref<320000xi32, #tpu.memory_space<hbm>> -> memref<128xi32, #tpu.memory_space<hbm>>
        tpu.wait_dma2 semaphore(%run_scoped3A : memref<!tpu.dma_semaphore, #tpu.memory_space<semaphore_mem>>) src(%dma_wait3A_146 : memref<128xi32, #tpu.memory_space<hbm>>) dst(%arg8 : memref<128xi32, #tpu.memory_space<vmem>>)
        tpu.yield
      }) : () -> ()
      %get3A = arith.constant 0 : index
      %get3A_45 = tpu.vector_load %arg7[%get3A] {strides = array<i32>} : memref<128xi32, #tpu.memory_space<vmem>>, vector<16xi32>,
      %get3A_46 = vector.shape_cast %get3A_45 : vector<16xi32> to vector<16xi32>
      %mul3A_47 = arith.constant 2 : i32
      %mul3A_48 = vector.broadcast %mul3A_47 : i32 to vector<16xi32>
      %mul3A_49 = arith.muli %get3A_46, %mul3A_48 : vector<16xi32>
      %add3A_50 = vector.broadcast %arg0 : i32 to vector<16xi32>
      %add3A_51 = arith.addi %mul3A_49, %add3A_50 : vector<16xi32>
      %swap3A = arith.constant 0 : index
      %swap3A_52 = tpu.vector_load %arg9[%swap3A] {strides = array<i32>} : memref<128xi32, #tpu.memory_space<vmem>>, vector<16xi32>,
      %swap3A_53 = vector.shape_cast %swap3A_52 : vector<16xi32> to vector<16xi32>
      %swap3A_54 = vector.shape_cast %add3A_51 : vector<16xi32> to vector<16xi32>
      tpu.vector_store %arg9[%swap3A], %swap3A_54 {strides = array<i32>} : memref<128xi32, #tpu.memory_space<vmem>>, vector<16xi32>,
      %get3A_55 = arith.constant 16 : index
      %get3A_56 = tpu.vector_load %arg7[%get3A_55] {strides = array<i32>} : memref<128xi32, #tpu.memory_space<vmem>>, vector<16xi32>,
      %get3A_57 = vector.shape_cast %get3A_56 : vector<16xi32> to vector<16xi32>
      %mul3A_58 = arith.constant 2 : i32
      %mul3A_59 = vector.broadcast %mul3A_58 : i32 to vector<16xi32>
      %mul3A_60 = arith.muli %get3A_57, %mul3A_59 : vector<16xi32>
      %add3A_61 = vector.broadcast %arg0 : i32 to vector<16xi32>
      %add3A_62 = arith.addi %mul3A_60, %add3A_61 : vector<16xi32>
      %swap3A_63 = arith.constant 16 : index
      %swap3A_64 = tpu.vector_load %arg9[%swap3A_63] {strides = array<i32>} : memref<128xi32, #tpu.memory_space<vmem>>, vector<16xi32>,
      %swap3A_65 = vector.shape_cast %swap3A_64 : vector<16xi32> to vector<16xi32>
      %swap3A_66 = vector.shape_cast %add3A_62 : vector<16xi32> to vector<16xi32>
      tpu.vector_store %arg9[%swap3A_63], %swap3A_66 {strides = array<i32>} : memref<128xi32, #tpu.memory_space<vmem>>, vector<16xi32>,
      %get3A_67 = arith.constant 32 : index
      %get3A_68 = tpu.vector_load %arg7[%get3A_67] {strides = array<i32>} : memref<128xi32, #tpu.memory_space<vmem>>, vector<16xi32>,
      %get3A_69 = vector.shape_cast %get3A_68 : vector<16xi32> to vector<16xi32>
      %mul3A_70 = arith.constant 2 : i32
      %mul3A_71 = vector.broadcast %mul3A_70 : i32 to vector<16xi32>
      %mul3A_72 = arith.muli %get3A_69, %mul3A_71 : vector<16xi32>
      %add3A_73 = vector.broadcast %arg0 : i32 to vector<16xi32>
      %add3A_74 = arith.addi %mul3A_72, %add3A_73 : vector<16xi32>
      %swap3A_75 = arith.constant 32 : index
      %swap3A_76 = tpu.vector_load %arg9[%swap3A_75] {strides = array<i32>} : memref<128xi32, #tpu.memory_space<vmem>>, vector<16xi32>,
      %swap3A_77 = vector.shape_cast %swap3A_76 : vector<16xi32> to vector<16xi32>
      %swap3A_78 = vector.shape_cast %add3A_74 : vector<16xi32> to vector<16xi32>
      tpu.vector_store %arg9[%swap3A_75], %swap3A_78 {strides = array<i32>} : memref<128xi32, #tpu.memory_space<vmem>>, vector<16xi32>,
      %get3A_79 = arith.constant 48 : index
      %get3A_80 = tpu.vector_load %arg7[%get3A_79] {strides = array<i32>} : memref<128xi32, #tpu.memory_space<vmem>>, vector<16xi32>,
      %get3A_81 = vector.shape_cast %get3A_80 : vector<16xi32> to vector<16xi32>
      %mul3A_82 = arith.constant 2 : i32
      %mul3A_83 = vector.broadcast %mul3A_82 : i32 to vector<16xi32>
      %mul3A_84 = arith.muli %get3A_81, %mul3A_83 : vector<16xi32>
      %add3A_85 = vector.broadcast %arg0 : i32 to vector<16xi32>
      %add3A_86 = arith.addi %mul3A_84, %add3A_85 : vector<16xi32>
      %swap3A_87 = arith.constant 48 : index
      %swap3A_88 = tpu.vector_load %arg9[%swap3A_87] {strides = array<i32>} : memref<128xi32, #tpu.memory_space<vmem>>, vector<16xi32>,
      %swap3A_89 = vector.shape_cast %swap3A_88 : vector<16xi32> to vector<16xi32>
      %swap3A_90 = vector.shape_cast %add3A_86 : vector<16xi32> to vector<16xi32>
      tpu.vector_store %arg9[%swap3A_87], %swap3A_90 {strides = array<i32>} : memref<128xi32, #tpu.memory_space<vmem>>, vector<16xi32>,
      %get3A_91 = arith.constant 64 : index
      %get3A_92 = tpu.vector_load %arg7[%get3A_91] {strides = array<i32>} : memref<128xi32, #tpu.memory_space<vmem>>, vector<16xi32>,
      %get3A_93 = vector.shape_cast %get3A_92 : vector<16xi32> to vector<16xi32>
      %mul3A_94 = arith.constant 2 : i32
      %mul3A_95 = vector.broadcast %mul3A_94 : i32 to vector<16xi32>
      %mul3A_96 = arith.muli %get3A_93, %mul3A_95 : vector<16xi32>
      %add3A_97 = vector.broadcast %arg0 : i32 to vector<16xi32>
      %add3A_98 = arith.addi %mul3A_96, %add3A_97 : vector<16xi32>
      %swap3A_99 = arith.constant 64 : index
      %swap3A_100 = tpu.vector_load %arg9[%swap3A_99] {strides = array<i32>} : memref<128xi32, #tpu.memory_space<vmem>>, vector<16xi32>,
      %swap3A_101 = vector.shape_cast %swap3A_100 : vector<16xi32> to vector<16xi32>
      %swap3A_102 = vector.shape_cast %add3A_98 : vector<16xi32> to vector<16xi32>
      tpu.vector_store %arg9[%swap3A_99], %swap3A_102 {strides = array<i32>} : memref<128xi32, #tpu.memory_space<vmem>>, vector<16xi32>,
      %get3A_103 = arith.constant 80 : index
      %get3A_104 = tpu.vector_load %arg7[%get3A_103] {strides = array<i32>} : memref<128xi32, #tpu.memory_space<vmem>>, vector<16xi32>,
      %get3A_105 = vector.shape_cast %get3A_104 : vector<16xi32> to vector<16xi32>
      %mul3A_106 = arith.constant 2 : i32
      %mul3A_107 = vector.broadcast %mul3A_106 : i32 to vector<16xi32>
      %mul3A_108 = arith.muli %get3A_105, %mul3A_107 : vector<16xi32>
      %add3A_109 = vector.broadcast %arg0 : i32 to vector<16xi32>
      %add3A_110 = arith.addi %mul3A_108, %add3A_109 : vector<16xi32>
      %swap3A_111 = arith.constant 80 : index
      %swap3A_112 = tpu.vector_load %arg9[%swap3A_111] {strides = array<i32>} : memref<128xi32, #tpu.memory_space<vmem>>, vector<16xi32>,
      %swap3A_113 = vector.shape_cast %swap3A_112 : vector<16xi32> to vector<16xi32>
      %swap3A_114 = vector.shape_cast %add3A_110 : vector<16xi32> to vector<16xi32>
      tpu.vector_store %arg9[%swap3A_111], %swap3A_114 {strides = array<i32>} : memref<128xi32, #tpu.memory_space<vmem>>, vector<16xi32>,
      %get3A_115 = arith.constant 96 : index
      %get3A_116 = tpu.vector_load %arg7[%get3A_115] {strides = array<i32>} : memref<128xi32, #tpu.memory_space<vmem>>, vector<16xi32>,
      %get3A_117 = vector.shape_cast %get3A_116 : vector<16xi32> to vector<16xi32>
      %mul3A_118 = arith.constant 2 : i32
      %mul3A_119 = vector.broadcast %mul3A_118 : i32 to vector<16xi32>
      %mul3A_120 = arith.muli %get3A_117, %mul3A_119 : vector<16xi32>
      %add3A_121 = vector.broadcast %arg0 : i32 to vector<16xi32>
      %add3A_122 = arith.addi %mul3A_120, %add3A_121 : vector<16xi32>
      %swap3A_123 = arith.constant 96 : index
      %swap3A_124 = tpu.vector_load %arg9[%swap3A_123] {strides = array<i32>} : memref<128xi32, #tpu.memory_space<vmem>>, vector<16xi32>,
      %swap3A_125 = vector.shape_cast %swap3A_124 : vector<16xi32> to vector<16xi32>
      %swap3A_126 = vector.shape_cast %add3A_122 : vector<16xi32> to vector<16xi32>
      tpu.vector_store %arg9[%swap3A_123], %swap3A_126 {strides = array<i32>} : memref<128xi32, #tpu.memory_space<vmem>>, vector<16xi32>,
      %get3A_127 = arith.constant 112 : index
      %get3A_128 = tpu.vector_load %arg7[%get3A_127] {strides = array<i32>} : memref<128xi32, #tpu.memory_space<vmem>>, vector<16xi32>,
      %get3A_129 = vector.shape_cast %get3A_128 : vector<16xi32> to vector<16xi32>
      %mul3A_130 = arith.constant 2 : i32
      %mul3A_131 = vector.broadcast %mul3A_130 : i32 to vector<16xi32>
      %mul3A_132 = arith.muli %get3A_129, %mul3A_131 : vector<16xi32>
      %add3A_133 = vector.broadcast %arg0 : i32 to vector<16xi32>
      %add3A_134 = arith.addi %mul3A_132, %add3A_133 : vector<16xi32>
      %swap3A_135 = arith.constant 112 : index
      %swap3A_136 = tpu.vector_load %arg9[%swap3A_135] {strides = array<i32>} : memref<128xi32, #tpu.memory_space<vmem>>, vector<16xi32>,
      %swap3A_137 = vector.shape_cast %swap3A_136 : vector<16xi32> to vector<16xi32>
      %swap3A_138 = vector.shape_cast %add3A_134 : vector<16xi32> to vector<16xi32>
      tpu.vector_store %arg9[%swap3A_135], %swap3A_138 {strides = array<i32>} : memref<128xi32, #tpu.memory_space<vmem>>, vector<16xi32>,
      %dma_start3A = arith.constant 0 : i32
      %dma_start3A_139 = arith.constant 0 : i32
      %dma_start3A_140 = tpu.memref_slice %arg2[%dma_start3A, %dma_start3A_139] : memref<20000x128xf32, #tpu.memory_space<hbm>> -> memref<20000x128xf32, #tpu.memory_space<hbm>>
      tpu.enqueue_indirect_dma source(%dma_start3A_140 : memref<20000x128xf32, #tpu.memory_space<hbm>>) target(%arg10 : memref<128x128xf32, #tpu.memory_space<vmem>>) offsets(%arg9 : memref<128xi32, #tpu.memory_space<vmem>>) semaphore(%arg11 : memref<!tpu.dma_semaphore, #tpu.memory_space<semaphore_mem>>)
      %dma_wait3A = arith.constant 0 : i32
      %dma_wait3A_141 = arith.constant 0 : i32
      %dma_wait3A_142 = tpu.memref_slice %arg2[%dma_wait3A, %dma_wait3A_141] : memref<20000x128xf32, #tpu.memory_space<hbm>> -> memref<20000x128xf32, #tpu.memory_space<hbm>>
      tpu.wait_indirect_dma semaphore(%arg11 : memref<!tpu.dma_semaphore, #tpu.memory_space<semaphore_mem>>) src(%dma_wait3A_142 : memref<20000x128xf32, #tpu.memory_space<hbm>>) dst(%arg10 : memref<128x128xf32, #tpu.memory_space<vmem>>)
      "tpu.region"() ({
        %run_scoped3A = tpu.sem_alloc : memref<!tpu.dma_semaphore, #tpu.memory_space<semaphore_mem>>
        %dma_start3A_143 = arith.constant 0 : i32
        %dma_start3A_144 = arith.constant 0 : i32
        %dma_start3A_145 = tpu.memref_slice %arg6[%dma_start3A_143, %dma_start3A_144] : memref<10000x128xf32, #tpu.memory_space<vmem_shared>> -> memref<10000x128xf32, #tpu.memory_space<vmem_shared>>
        tpu.enqueue_indirect_dma source(%arg10 : memref<128x128xf32, #tpu.memory_space<vmem>>) target(%dma_start3A_145 : memref<10000x128xf32, #tpu.memory_space<vmem_shared>>) offsets(%arg8 : memref<128xi32, #tpu.memory_space<vmem>>) semaphore(%run_scoped3A : memref<!tpu.dma_semaphore, #tpu.memory_space<semaphore_mem>>) {add = true}
        %dma_wait3A_146 = arith.constant 0 : i32
        %dma_wait3A_147 = arith.constant 0 : i32
        %dma_wait3A_148 = tpu.memref_slice %arg6[%dma_wait3A_146, %dma_wait3A_147] : memref<10000x128xf32, #tpu.memory_space<vmem_shared>> -> memref<10000x128xf32, #tpu.memory_space<vmem_shared>>
        tpu.wait_indirect_dma semaphore(%run_scoped3A : memref<!tpu.dma_semaphore, #tpu.memory_space<semaphore_mem>>) src(%arg10 : memref<128x128xf32, #tpu.memory_space<vmem>>) dst(%dma_wait3A_148 : memref<10000x128xf32, #tpu.memory_space<vmem_shared>>)
        tpu.yield
      }) : () -> ()
    } else {
    }
    %barrier3A_33 = arith.constant 0 : index
    tpu.barrier barrier_id(%barrier3A_33)
    %mul3A_34 = arith.constant 624 : i32
    %mul3A_35 = arith.muli %arg1, %mul3A_34 : i32
    "tpu.region"() ({
      %run_scoped3A = tpu.sem_alloc : memref<!tpu.dma_semaphore, #tpu.memory_space<semaphore_mem>>
      %dma_start3A = arith.constant 0 : i32
      %dma_start3A_41 = tpu.memref_slice %arg5[%arg0, %mul3A_35, %dma_start3A] : memref<2x10000x128xf32, #tpu.memory_space<hbm>> -> memref<1x624x128xf32, #tpu.memory_space<hbm>>
      %dma_start3A_42 = tpu.memref_squeeze %dma_start3A_41 : memref<1x624x128xf32, #tpu.memory_space<hbm>> -> memref<624x128xf32, #tpu.memory_space<hbm>>
      %dma_start3A_43 = arith.constant 0 : i32
      %dma_start3A_44 = tpu.memref_slice %arg6[%mul3A_35, %dma_start3A_43] : memref<10000x128xf32, #tpu.memory_space<vmem_shared>> -> memref<624x128xf32, #tpu.memory_space<vmem_shared>>
      tpu.enqueue_dma source(%dma_start3A_44 : memref<624x128xf32, #tpu.memory_space<vmem_shared>>) target(%dma_start3A_42 : memref<624x128xf32, #tpu.memory_space<hbm>>) target_semaphore(%run_scoped3A : memref<!tpu.dma_semaphore, #tpu.memory_space<semaphore_mem>>)
      %dma_wait3A = arith.constant 0 : i32
      %dma_wait3A_45 = tpu.memref_slice %arg5[%arg0, %mul3A_35, %dma_wait3A] : memref<2x10000x128xf32, #tpu.memory_space<hbm>> -> memref<1x624x128xf32, #tpu.memory_space<hbm>>
      %dma_wait3A_46 = tpu.memref_squeeze %dma_wait3A_45 : memref<1x624x128xf32, #tpu.memory_space<hbm>> -> memref<624x128xf32, #tpu.memory_space<hbm>>
      %dma_wait3A_47 = arith.constant 0 : i32
      %dma_wait3A_48 = tpu.memref_slice %arg6[%mul3A_35, %dma_wait3A_47] : memref<10000x128xf32, #tpu.memory_space<vmem_shared>> -> memref<624x128xf32, #tpu.memory_space<vmem_shared>>
      tpu.wait_dma2 semaphore(%run_scoped3A : memref<!tpu.dma_semaphore, #tpu.memory_space<semaphore_mem>>) src(%dma_wait3A_48 : memref<624x128xf32, #tpu.memory_space<vmem_shared>>) dst(%dma_wait3A_46 : memref<624x128xf32, #tpu.memory_space<hbm>>)
      tpu.yield
    }) : () -> ()
    %eq3A_36 = arith.constant 15 : i32
    %eq3A_37 = arith.cmpi eq, %arg1, %eq3A_36 : i32
    %convert_element_type3A_38 = arith.extui %eq3A_37 : i1 to i32
    %cond3A_39 = arith.constant 0 : i32
    %cond3A_40 = arith.cmpi ne, %convert_element_type3A_38, %cond3A_39 : i32
    scf.if %cond3A_40 {
      "tpu.region"() ({
        %run_scoped3A = tpu.sem_alloc : memref<!tpu.dma_semaphore, #tpu.memory_space<semaphore_mem>>
        %dma_start3A = arith.constant 9984 : i32
        %dma_start3A_41 = arith.constant 0 : i32
        %dma_start3A_42 = tpu.memref_slice %arg5[%arg0, %dma_start3A, %dma_start3A_41] : memref<2x10000x128xf32, #tpu.memory_space<hbm>> -> memref<1x16x128xf32, #tpu.memory_space<hbm>>
        %dma_start3A_43 = tpu.memref_squeeze %dma_start3A_42 : memref<1x16x128xf32, #tpu.memory_space<hbm>> -> memref<16x128xf32, #tpu.memory_space<hbm>>
        %dma_start3A_44 = arith.constant 9984 : i32
        %dma_start3A_45 = arith.constant 0 : i32
        %dma_start3A_46 = tpu.memref_slice %arg6[%dma_start3A_44, %dma_start3A_45] : memref<10000x128xf32, #tpu.memory_space<vmem_shared>> -> memref<16x128xf32, #tpu.memory_space<vmem_shared>>
        tpu.enqueue_dma source(%dma_start3A_46 : memref<16x128xf32, #tpu.memory_space<vmem_shared>>) target(%dma_start3A_43 : memref<16x128xf32, #tpu.memory_space<hbm>>) target_semaphore(%run_scoped3A : memref<!tpu.dma_semaphore, #tpu.memory_space<semaphore_mem>>)
        %dma_wait3A = arith.constant 9984 : i32
        %dma_wait3A_47 = arith.constant 0 : i32
        %dma_wait3A_48 = tpu.memref_slice %arg5[%arg0, %dma_wait3A, %dma_wait3A_47] : memref<2x10000x128xf32, #tpu.memory_space<hbm>> -> memref<1x16x128xf32, #tpu.memory_space<hbm>>
        %dma_wait3A_49 = tpu.memref_squeeze %dma_wait3A_48 : memref<1x16x128xf32, #tpu.memory_space<hbm>> -> memref<16x128xf32, #tpu.memory_space<hbm>>
        %dma_wait3A_50 = arith.constant 9984 : i32
        %dma_wait3A_51 = arith.constant 0 : i32
        %dma_wait3A_52 = tpu.memref_slice %arg6[%dma_wait3A_50, %dma_wait3A_51] : memref<10000x128xf32, #tpu.memory_space<vmem_shared>> -> memref<16x128xf32, #tpu.memory_space<vmem_shared>>
        tpu.wait_dma2 semaphore(%run_scoped3A : memref<!tpu.dma_semaphore, #tpu.memory_space<semaphore_mem>>) src(%dma_wait3A_52 : memref<16x128xf32, #tpu.memory_space<vmem_shared>>) dst(%dma_wait3A_49 : memref<16x128xf32, #tpu.memory_space<hbm>>)
        tpu.yield
      }) : () -> ()
    } else {
    }
    return
  }
}

#map = affine_map<(d0, d1) -> (0, 0)>
#map1 = affine_map<(d0, d1) -> (0)>
#map2 = affine_map<(d0, d1) -> (0, 0, 0)>
module attributes {stable_mosaic.version = 14 : i64} {
  func.func @_agg_body(%arg0: i32, %arg1: i32, %arg2: memref<20000x128xf32, #tpu.memory_space<hbm>>, %arg3: memref<320000xi32, #tpu.memory_space<hbm>>, %arg4: memref<320000xi32, #tpu.memory_space<hbm>>, %arg5: memref<2x10000x128xf32, #tpu.memory_space<hbm>>, %arg6: memref<10000x128xf32, #tpu.memory_space<vmem_shared>>, %arg7: memref<128xi32, #tpu.memory_space<vmem>>, %arg8: memref<128xi32, #tpu.memory_space<vmem>>, %arg9: memref<128xi32, #tpu.memory_space<vmem>>, %arg10: memref<128x128xf32, #tpu.memory_space<vmem>>, %arg11: memref<!tpu.dma_semaphore, #tpu.memory_space<semaphore_mem>>, %arg12: memref<128xi32, #tpu.memory_space<vmem>>, %arg13: memref<128xi32, #tpu.memory_space<vmem>>, %arg14: memref<128xi32, #tpu.memory_space<vmem>>, %arg15: memref<128x128xf32, #tpu.memory_space<vmem>>, %arg16: memref<!tpu.dma_semaphore, #tpu.memory_space<semaphore_mem>>, %arg17: memref<128xi32, #tpu.memory_space<vmem>>, %arg18: memref<128xi32, #tpu.memory_space<vmem>>, %arg19: memref<128xi32, #tpu.memory_space<vmem>>, %arg20: memref<128x128xf32, #tpu.memory_space<vmem>>, %arg21: memref<!tpu.dma_semaphore, #tpu.memory_space<semaphore_mem>>) attributes {dimension_semantics = [#tpu.dimension_semantics<core_parallel>, #tpu.dimension_semantics<subcore_parallel>], iteration_bounds = array<i64: 2, 16>, scalar_prefetch = 0 : i64, scratch_operands = 16 : i64, tpu.core_type = #tpu.core_type<sc_vector_subcore>, window_params = [{transform_indices = #map}, {transform_indices = #map1}, {transform_indices = #map1}, {transform_indices = #map2}]} {
    %scan3A = arith.constant 0 : i32
    %scan3A_0 = arith.constant 0 : i32
    %scan3A_1 = arith.constant 128 : i32
    %scan3A_2 = arith.addi %scan3A_0, %scan3A_1 : i32
    %scan3A_3 = arith.constant 1 : i32
    %scan3A_4 = scf.for %scan3A_41 = %scan3A_0 to %scan3A_2 step %scan3A_3 iter_args(%scan3A_42 = %scan3A) -> (i32)  : i32 {
      %broadcast_in_dim3A = arith.constant 0.000000e+00 : f32
      %broadcast_in_dim3A_43 = vector.broadcast %broadcast_in_dim3A : f32 to vector<16xf32>
      %swap3A = arith.index_cast %scan3A_41 : i32 to index
      %swap3A_44 = arith.constant 0 : index
      %swap3A_45 = tpu.vector_load %arg10[%swap3A, %swap3A_44] {strides = array<i32>} : memref<128x128xf32, #tpu.memory_space<vmem>>, vector<1x16xf32>,
      %swap3A_46 = vector.shape_cast %swap3A_45 : vector<1x16xf32> to vector<16xf32>
      %swap3A_47 = vector.shape_cast %broadcast_in_dim3A_43 : vector<16xf32> to vector<1x16xf32>
      tpu.vector_store %arg10[%swap3A, %swap3A_44], %swap3A_47 {strides = array<i32>} : memref<128x128xf32, #tpu.memory_space<vmem>>, vector<1x16xf32>,
      %broadcast_in_dim3A_48 = arith.constant 0.000000e+00 : f32
      %broadcast_in_dim3A_49 = vector.broadcast %broadcast_in_dim3A_48 : f32 to vector<16xf32>
      %swap3A_50 = arith.index_cast %scan3A_41 : i32 to index
      %swap3A_51 = arith.constant 16 : index
      %swap3A_52 = tpu.vector_load %arg10[%swap3A_50, %swap3A_51] {strides = array<i32>} : memref<128x128xf32, #tpu.memory_space<vmem>>, vector<1x16xf32>,
      %swap3A_53 = vector.shape_cast %swap3A_52 : vector<1x16xf32> to vector<16xf32>
      %swap3A_54 = vector.shape_cast %broadcast_in_dim3A_49 : vector<16xf32> to vector<1x16xf32>
      tpu.vector_store %arg10[%swap3A_50, %swap3A_51], %swap3A_54 {strides = array<i32>} : memref<128x128xf32, #tpu.memory_space<vmem>>, vector<1x16xf32>,
      %broadcast_in_dim3A_55 = arith.constant 0.000000e+00 : f32
      %broadcast_in_dim3A_56 = vector.broadcast %broadcast_in_dim3A_55 : f32 to vector<16xf32>
      %swap3A_57 = arith.index_cast %scan3A_41 : i32 to index
      %swap3A_58 = arith.constant 32 : index
      %swap3A_59 = tpu.vector_load %arg10[%swap3A_57, %swap3A_58] {strides = array<i32>} : memref<128x128xf32, #tpu.memory_space<vmem>>, vector<1x16xf32>,
      %swap3A_60 = vector.shape_cast %swap3A_59 : vector<1x16xf32> to vector<16xf32>
      %swap3A_61 = vector.shape_cast %broadcast_in_dim3A_56 : vector<16xf32> to vector<1x16xf32>
      tpu.vector_store %arg10[%swap3A_57, %swap3A_58], %swap3A_61 {strides = array<i32>} : memref<128x128xf32, #tpu.memory_space<vmem>>, vector<1x16xf32>,
      %broadcast_in_dim3A_62 = arith.constant 0.000000e+00 : f32
      %broadcast_in_dim3A_63 = vector.broadcast %broadcast_in_dim3A_62 : f32 to vector<16xf32>
      %swap3A_64 = arith.index_cast %scan3A_41 : i32 to index
      %swap3A_65 = arith.constant 48 : index
      %swap3A_66 = tpu.vector_load %arg10[%swap3A_64, %swap3A_65] {strides = array<i32>} : memref<128x128xf32, #tpu.memory_space<vmem>>, vector<1x16xf32>,
      %swap3A_67 = vector.shape_cast %swap3A_66 : vector<1x16xf32> to vector<16xf32>
      %swap3A_68 = vector.shape_cast %broadcast_in_dim3A_63 : vector<16xf32> to vector<1x16xf32>
      tpu.vector_store %arg10[%swap3A_64, %swap3A_65], %swap3A_68 {strides = array<i32>} : memref<128x128xf32, #tpu.memory_space<vmem>>, vector<1x16xf32>,
      %broadcast_in_dim3A_69 = arith.constant 0.000000e+00 : f32
      %broadcast_in_dim3A_70 = vector.broadcast %broadcast_in_dim3A_69 : f32 to vector<16xf32>
      %swap3A_71 = arith.index_cast %scan3A_41 : i32 to index
      %swap3A_72 = arith.constant 64 : index
      %swap3A_73 = tpu.vector_load %arg10[%swap3A_71, %swap3A_72] {strides = array<i32>} : memref<128x128xf32, #tpu.memory_space<vmem>>, vector<1x16xf32>,
      %swap3A_74 = vector.shape_cast %swap3A_73 : vector<1x16xf32> to vector<16xf32>
      %swap3A_75 = vector.shape_cast %broadcast_in_dim3A_70 : vector<16xf32> to vector<1x16xf32>
      tpu.vector_store %arg10[%swap3A_71, %swap3A_72], %swap3A_75 {strides = array<i32>} : memref<128x128xf32, #tpu.memory_space<vmem>>, vector<1x16xf32>,
      %broadcast_in_dim3A_76 = arith.constant 0.000000e+00 : f32
      %broadcast_in_dim3A_77 = vector.broadcast %broadcast_in_dim3A_76 : f32 to vector<16xf32>
      %swap3A_78 = arith.index_cast %scan3A_41 : i32 to index
      %swap3A_79 = arith.constant 80 : index
      %swap3A_80 = tpu.vector_load %arg10[%swap3A_78, %swap3A_79] {strides = array<i32>} : memref<128x128xf32, #tpu.memory_space<vmem>>, vector<1x16xf32>,
      %swap3A_81 = vector.shape_cast %swap3A_80 : vector<1x16xf32> to vector<16xf32>
      %swap3A_82 = vector.shape_cast %broadcast_in_dim3A_77 : vector<16xf32> to vector<1x16xf32>
      tpu.vector_store %arg10[%swap3A_78, %swap3A_79], %swap3A_82 {strides = array<i32>} : memref<128x128xf32, #tpu.memory_space<vmem>>, vector<1x16xf32>,
      %broadcast_in_dim3A_83 = arith.constant 0.000000e+00 : f32
      %broadcast_in_dim3A_84 = vector.broadcast %broadcast_in_dim3A_83 : f32 to vector<16xf32>
      %swap3A_85 = arith.index_cast %scan3A_41 : i32 to index
      %swap3A_86 = arith.constant 96 : index
      %swap3A_87 = tpu.vector_load %arg10[%swap3A_85, %swap3A_86] {strides = array<i32>} : memref<128x128xf32, #tpu.memory_space<vmem>>, vector<1x16xf32>,
      %swap3A_88 = vector.shape_cast %swap3A_87 : vector<1x16xf32> to vector<16xf32>
      %swap3A_89 = vector.shape_cast %broadcast_in_dim3A_84 : vector<16xf32> to vector<1x16xf32>
      tpu.vector_store %arg10[%swap3A_85, %swap3A_86], %swap3A_89 {strides = array<i32>} : memref<128x128xf32, #tpu.memory_space<vmem>>, vector<1x16xf32>,
      %broadcast_in_dim3A_90 = arith.constant 0.000000e+00 : f32
      %broadcast_in_dim3A_91 = vector.broadcast %broadcast_in_dim3A_90 : f32 to vector<16xf32>
      %swap3A_92 = arith.index_cast %scan3A_41 : i32 to index
      %swap3A_93 = arith.constant 112 : index
      %swap3A_94 = tpu.vector_load %arg10[%swap3A_92, %swap3A_93] {strides = array<i32>} : memref<128x128xf32, #tpu.memory_space<vmem>>, vector<1x16xf32>,
      %swap3A_95 = vector.shape_cast %swap3A_94 : vector<1x16xf32> to vector<16xf32>
      %swap3A_96 = vector.shape_cast %broadcast_in_dim3A_91 : vector<16xf32> to vector<1x16xf32>
      tpu.vector_store %arg10[%swap3A_92, %swap3A_93], %swap3A_96 {strides = array<i32>} : memref<128x128xf32, #tpu.memory_space<vmem>>, vector<1x16xf32>,
      %scan3A_97 = arith.constant 0 : i32
      scf.yield %scan3A_97 : i32
    }
    %scan3A_5 = arith.constant 128 : i32
    %mul3A = arith.constant 624 : i32
    %mul3A_6 = arith.muli %arg1, %mul3A : i32
    %add3A = arith.constant 0 : i32
    %add3A_7 = arith.addi %mul3A_6, %add3A : i32
    "tpu.region"() ({
      %run_scoped3A = tpu.sem_alloc : memref<!tpu.dma_semaphore, #tpu.memory_space<semaphore_mem>>
      %dma_start3A = arith.constant 0 : i32
      %dma_start3A_41 = arith.constant 0 : i32
      %dma_start3A_42 = tpu.memref_slice %arg10[%dma_start3A, %dma_start3A_41] : memref<128x128xf32, #tpu.memory_space<vmem>> -> memref<128x128xf32, #tpu.memory_space<vmem>>
      %dma_start3A_43 = arith.constant 0 : i32
      %dma_start3A_44 = tpu.memref_slice %arg6[%add3A_7, %dma_start3A_43] : memref<10000x128xf32, #tpu.memory_space<vmem_shared>> -> memref<128x128xf32, #tpu.memory_space<vmem_shared>>
      %dma_start3A_45 = arith.constant 0 : i32
      %dma_start3A_46 = tpu.memref_slice %arg6[%add3A_7, %dma_start3A_45] : memref<10000x128xf32, #tpu.memory_space<vmem_shared>> -> memref<128x128xf32, #tpu.memory_space<vmem_shared>>
      %dma_start3A_47 = arith.constant 0 : i32
      %dma_start3A_48 = arith.constant 0 : i32
      %dma_start3A_49 = tpu.memref_slice %arg10[%dma_start3A_47, %dma_start3A_48] : memref<128x128xf32, #tpu.memory_space<vmem>> -> memref<128x128xf32, #tpu.memory_space<vmem>>
      tpu.enqueue_dma source(%dma_start3A_49 : memref<128x128xf32, #tpu.memory_space<vmem>>) target(%dma_start3A_46 : memref<128x128xf32, #tpu.memory_space<vmem_shared>>) target_semaphore(%run_scoped3A : memref<!tpu.dma_semaphore, #tpu.memory_space<semaphore_mem>>)
      %dma_wait3A = arith.constant 0 : i32
      %dma_wait3A_50 = arith.constant 0 : i32
      %dma_wait3A_51 = tpu.memref_slice %arg10[%dma_wait3A, %dma_wait3A_50] : memref<128x128xf32, #tpu.memory_space<vmem>> -> memref<128x128xf32, #tpu.memory_space<vmem>>
      %dma_wait3A_52 = arith.constant 0 : i32
      %dma_wait3A_53 = tpu.memref_slice %arg6[%add3A_7, %dma_wait3A_52] : memref<10000x128xf32, #tpu.memory_space<vmem_shared>> -> memref<128x128xf32, #tpu.memory_space<vmem_shared>>
      %dma_wait3A_54 = arith.constant 0 : i32
      %dma_wait3A_55 = tpu.memref_slice %arg6[%add3A_7, %dma_wait3A_54] : memref<10000x128xf32, #tpu.memory_space<vmem_shared>> -> memref<128x128xf32, #tpu.memory_space<vmem_shared>>
      %dma_wait3A_56 = arith.constant 0 : i32
      %dma_wait3A_57 = arith.constant 0 : i32
      %dma_wait3A_58 = tpu.memref_slice %arg10[%dma_wait3A_56, %dma_wait3A_57] : memref<128x128xf32, #tpu.memory_space<vmem>> -> memref<128x128xf32, #tpu.memory_space<vmem>>
      tpu.wait_dma2 semaphore(%run_scoped3A : memref<!tpu.dma_semaphore, #tpu.memory_space<semaphore_mem>>) src(%dma_wait3A_58 : memref<128x128xf32, #tpu.memory_space<vmem>>) dst(%dma_wait3A_55 : memref<128x128xf32, #tpu.memory_space<vmem_shared>>)
      tpu.yield
    }) : () -> ()
    %add3A_8 = arith.constant 128 : i32
    %add3A_9 = arith.addi %mul3A_6, %add3A_8 : i32
    "tpu.region"() ({
      %run_scoped3A = tpu.sem_alloc : memref<!tpu.dma_semaphore, #tpu.memory_space<semaphore_mem>>
      %dma_start3A = arith.constant 0 : i32
      %dma_start3A_41 = arith.constant 0 : i32
      %dma_start3A_42 = tpu.memref_slice %arg10[%dma_start3A, %dma_start3A_41] : memref<128x128xf32, #tpu.memory_space<vmem>> -> memref<128x128xf32, #tpu.memory_space<vmem>>
      %dma_start3A_43 = arith.constant 0 : i32
      %dma_start3A_44 = tpu.memref_slice %arg6[%add3A_9, %dma_start3A_43] : memref<10000x128xf32, #tpu.memory_space<vmem_shared>> -> memref<128x128xf32, #tpu.memory_space<vmem_shared>>
      %dma_start3A_45 = arith.constant 0 : i32
      %dma_start3A_46 = tpu.memref_slice %arg6[%add3A_9, %dma_start3A_45] : memref<10000x128xf32, #tpu.memory_space<vmem_shared>> -> memref<128x128xf32, #tpu.memory_space<vmem_shared>>
      %dma_start3A_47 = arith.constant 0 : i32
      %dma_start3A_48 = arith.constant 0 : i32
      %dma_start3A_49 = tpu.memref_slice %arg10[%dma_start3A_47, %dma_start3A_48] : memref<128x128xf32, #tpu.memory_space<vmem>> -> memref<128x128xf32, #tpu.memory_space<vmem>>
      tpu.enqueue_dma source(%dma_start3A_49 : memref<128x128xf32, #tpu.memory_space<vmem>>) target(%dma_start3A_46 : memref<128x128xf32, #tpu.memory_space<vmem_shared>>) target_semaphore(%run_scoped3A : memref<!tpu.dma_semaphore, #tpu.memory_space<semaphore_mem>>)
      %dma_wait3A = arith.constant 0 : i32
      %dma_wait3A_50 = arith.constant 0 : i32
      %dma_wait3A_51 = tpu.memref_slice %arg10[%dma_wait3A, %dma_wait3A_50] : memref<128x128xf32, #tpu.memory_space<vmem>> -> memref<128x128xf32, #tpu.memory_space<vmem>>
      %dma_wait3A_52 = arith.constant 0 : i32
      %dma_wait3A_53 = tpu.memref_slice %arg6[%add3A_9, %dma_wait3A_52] : memref<10000x128xf32, #tpu.memory_space<vmem_shared>> -> memref<128x128xf32, #tpu.memory_space<vmem_shared>>
      %dma_wait3A_54 = arith.constant 0 : i32
      %dma_wait3A_55 = tpu.memref_slice %arg6[%add3A_9, %dma_wait3A_54] : memref<10000x128xf32, #tpu.memory_space<vmem_shared>> -> memref<128x128xf32, #tpu.memory_space<vmem_shared>>
      %dma_wait3A_56 = arith.constant 0 : i32
      %dma_wait3A_57 = arith.constant 0 : i32
      %dma_wait3A_58 = tpu.memref_slice %arg10[%dma_wait3A_56, %dma_wait3A_57] : memref<128x128xf32, #tpu.memory_space<vmem>> -> memref<128x128xf32, #tpu.memory_space<vmem>>
      tpu.wait_dma2 semaphore(%run_scoped3A : memref<!tpu.dma_semaphore, #tpu.memory_space<semaphore_mem>>) src(%dma_wait3A_58 : memref<128x128xf32, #tpu.memory_space<vmem>>) dst(%dma_wait3A_55 : memref<128x128xf32, #tpu.memory_space<vmem_shared>>)
      tpu.yield
    }) : () -> ()
    %add3A_10 = arith.constant 256 : i32
    %add3A_11 = arith.addi %mul3A_6, %add3A_10 : i32
    "tpu.region"() ({
      %run_scoped3A = tpu.sem_alloc : memref<!tpu.dma_semaphore, #tpu.memory_space<semaphore_mem>>
      %dma_start3A = arith.constant 0 : i32
      %dma_start3A_41 = arith.constant 0 : i32
      %dma_start3A_42 = tpu.memref_slice %arg10[%dma_start3A, %dma_start3A_41] : memref<128x128xf32, #tpu.memory_space<vmem>> -> memref<128x128xf32, #tpu.memory_space<vmem>>
      %dma_start3A_43 = arith.constant 0 : i32
      %dma_start3A_44 = tpu.memref_slice %arg6[%add3A_11, %dma_start3A_43] : memref<10000x128xf32, #tpu.memory_space<vmem_shared>> -> memref<128x128xf32, #tpu.memory_space<vmem_shared>>
      %dma_start3A_45 = arith.constant 0 : i32
      %dma_start3A_46 = tpu.memref_slice %arg6[%add3A_11, %dma_start3A_45] : memref<10000x128xf32, #tpu.memory_space<vmem_shared>> -> memref<128x128xf32, #tpu.memory_space<vmem_shared>>
      %dma_start3A_47 = arith.constant 0 : i32
      %dma_start3A_48 = arith.constant 0 : i32
      %dma_start3A_49 = tpu.memref_slice %arg10[%dma_start3A_47, %dma_start3A_48] : memref<128x128xf32, #tpu.memory_space<vmem>> -> memref<128x128xf32, #tpu.memory_space<vmem>>
      tpu.enqueue_dma source(%dma_start3A_49 : memref<128x128xf32, #tpu.memory_space<vmem>>) target(%dma_start3A_46 : memref<128x128xf32, #tpu.memory_space<vmem_shared>>) target_semaphore(%run_scoped3A : memref<!tpu.dma_semaphore, #tpu.memory_space<semaphore_mem>>)
      %dma_wait3A = arith.constant 0 : i32
      %dma_wait3A_50 = arith.constant 0 : i32
      %dma_wait3A_51 = tpu.memref_slice %arg10[%dma_wait3A, %dma_wait3A_50] : memref<128x128xf32, #tpu.memory_space<vmem>> -> memref<128x128xf32, #tpu.memory_space<vmem>>
      %dma_wait3A_52 = arith.constant 0 : i32
      %dma_wait3A_53 = tpu.memref_slice %arg6[%add3A_11, %dma_wait3A_52] : memref<10000x128xf32, #tpu.memory_space<vmem_shared>> -> memref<128x128xf32, #tpu.memory_space<vmem_shared>>
      %dma_wait3A_54 = arith.constant 0 : i32
      %dma_wait3A_55 = tpu.memref_slice %arg6[%add3A_11, %dma_wait3A_54] : memref<10000x128xf32, #tpu.memory_space<vmem_shared>> -> memref<128x128xf32, #tpu.memory_space<vmem_shared>>
      %dma_wait3A_56 = arith.constant 0 : i32
      %dma_wait3A_57 = arith.constant 0 : i32
      %dma_wait3A_58 = tpu.memref_slice %arg10[%dma_wait3A_56, %dma_wait3A_57] : memref<128x128xf32, #tpu.memory_space<vmem>> -> memref<128x128xf32, #tpu.memory_space<vmem>>
      tpu.wait_dma2 semaphore(%run_scoped3A : memref<!tpu.dma_semaphore, #tpu.memory_space<semaphore_mem>>) src(%dma_wait3A_58 : memref<128x128xf32, #tpu.memory_space<vmem>>) dst(%dma_wait3A_55 : memref<128x128xf32, #tpu.memory_space<vmem_shared>>)
      tpu.yield
    }) : () -> ()
    %add3A_12 = arith.constant 384 : i32
    %add3A_13 = arith.addi %mul3A_6, %add3A_12 : i32
    "tpu.region"() ({
      %run_scoped3A = tpu.sem_alloc : memref<!tpu.dma_semaphore, #tpu.memory_space<semaphore_mem>>
      %dma_start3A = arith.constant 0 : i32
      %dma_start3A_41 = arith.constant 0 : i32
      %dma_start3A_42 = tpu.memref_slice %arg10[%dma_start3A, %dma_start3A_41] : memref<128x128xf32, #tpu.memory_space<vmem>> -> memref<128x128xf32, #tpu.memory_space<vmem>>
      %dma_start3A_43 = arith.constant 0 : i32
      %dma_start3A_44 = tpu.memref_slice %arg6[%add3A_13, %dma_start3A_43] : memref<10000x128xf32, #tpu.memory_space<vmem_shared>> -> memref<128x128xf32, #tpu.memory_space<vmem_shared>>
      %dma_start3A_45 = arith.constant 0 : i32
      %dma_start3A_46 = tpu.memref_slice %arg6[%add3A_13, %dma_start3A_45] : memref<10000x128xf32, #tpu.memory_space<vmem_shared>> -> memref<128x128xf32, #tpu.memory_space<vmem_shared>>
      %dma_start3A_47 = arith.constant 0 : i32
      %dma_start3A_48 = arith.constant 0 : i32
      %dma_start3A_49 = tpu.memref_slice %arg10[%dma_start3A_47, %dma_start3A_48] : memref<128x128xf32, #tpu.memory_space<vmem>> -> memref<128x128xf32, #tpu.memory_space<vmem>>
      tpu.enqueue_dma source(%dma_start3A_49 : memref<128x128xf32, #tpu.memory_space<vmem>>) target(%dma_start3A_46 : memref<128x128xf32, #tpu.memory_space<vmem_shared>>) target_semaphore(%run_scoped3A : memref<!tpu.dma_semaphore, #tpu.memory_space<semaphore_mem>>)
      %dma_wait3A = arith.constant 0 : i32
      %dma_wait3A_50 = arith.constant 0 : i32
      %dma_wait3A_51 = tpu.memref_slice %arg10[%dma_wait3A, %dma_wait3A_50] : memref<128x128xf32, #tpu.memory_space<vmem>> -> memref<128x128xf32, #tpu.memory_space<vmem>>
      %dma_wait3A_52 = arith.constant 0 : i32
      %dma_wait3A_53 = tpu.memref_slice %arg6[%add3A_13, %dma_wait3A_52] : memref<10000x128xf32, #tpu.memory_space<vmem_shared>> -> memref<128x128xf32, #tpu.memory_space<vmem_shared>>
      %dma_wait3A_54 = arith.constant 0 : i32
      %dma_wait3A_55 = tpu.memref_slice %arg6[%add3A_13, %dma_wait3A_54] : memref<10000x128xf32, #tpu.memory_space<vmem_shared>> -> memref<128x128xf32, #tpu.memory_space<vmem_shared>>
      %dma_wait3A_56 = arith.constant 0 : i32
      %dma_wait3A_57 = arith.constant 0 : i32
      %dma_wait3A_58 = tpu.memref_slice %arg10[%dma_wait3A_56, %dma_wait3A_57] : memref<128x128xf32, #tpu.memory_space<vmem>> -> memref<128x128xf32, #tpu.memory_space<vmem>>
      tpu.wait_dma2 semaphore(%run_scoped3A : memref<!tpu.dma_semaphore, #tpu.memory_space<semaphore_mem>>) src(%dma_wait3A_58 : memref<128x128xf32, #tpu.memory_space<vmem>>) dst(%dma_wait3A_55 : memref<128x128xf32, #tpu.memory_space<vmem_shared>>)
      tpu.yield
    }) : () -> ()
    %add3A_14 = arith.constant 512 : i32
    %add3A_15 = arith.addi %mul3A_6, %add3A_14 : i32
    "tpu.region"() ({
      %run_scoped3A = tpu.sem_alloc : memref<!tpu.dma_semaphore, #tpu.memory_space<semaphore_mem>>
      %dma_start3A = arith.constant 0 : i32
      %dma_start3A_41 = arith.constant 0 : i32
      %dma_start3A_42 = tpu.memref_slice %arg10[%dma_start3A, %dma_start3A_41] : memref<128x128xf32, #tpu.memory_space<vmem>> -> memref<112x128xf32, #tpu.memory_space<vmem>>
      %dma_start3A_43 = arith.constant 0 : i32
      %dma_start3A_44 = tpu.memref_slice %arg6[%add3A_15, %dma_start3A_43] : memref<10000x128xf32, #tpu.memory_space<vmem_shared>> -> memref<112x128xf32, #tpu.memory_space<vmem_shared>>
      %dma_start3A_45 = arith.constant 0 : i32
      %dma_start3A_46 = tpu.memref_slice %arg6[%add3A_15, %dma_start3A_45] : memref<10000x128xf32, #tpu.memory_space<vmem_shared>> -> memref<112x128xf32, #tpu.memory_space<vmem_shared>>
      %dma_start3A_47 = arith.constant 0 : i32
      %dma_start3A_48 = arith.constant 0 : i32
      %dma_start3A_49 = tpu.memref_slice %arg10[%dma_start3A_47, %dma_start3A_48] : memref<128x128xf32, #tpu.memory_space<vmem>> -> memref<112x128xf32, #tpu.memory_space<vmem>>
      tpu.enqueue_dma source(%dma_start3A_49 : memref<112x128xf32, #tpu.memory_space<vmem>>) target(%dma_start3A_46 : memref<112x128xf32, #tpu.memory_space<vmem_shared>>) target_semaphore(%run_scoped3A : memref<!tpu.dma_semaphore, #tpu.memory_space<semaphore_mem>>)
      %dma_wait3A = arith.constant 0 : i32
      %dma_wait3A_50 = arith.constant 0 : i32
      %dma_wait3A_51 = tpu.memref_slice %arg10[%dma_wait3A, %dma_wait3A_50] : memref<128x128xf32, #tpu.memory_space<vmem>> -> memref<112x128xf32, #tpu.memory_space<vmem>>
      %dma_wait3A_52 = arith.constant 0 : i32
      %dma_wait3A_53 = tpu.memref_slice %arg6[%add3A_15, %dma_wait3A_52] : memref<10000x128xf32, #tpu.memory_space<vmem_shared>> -> memref<112x128xf32, #tpu.memory_space<vmem_shared>>
      %dma_wait3A_54 = arith.constant 0 : i32
      %dma_wait3A_55 = tpu.memref_slice %arg6[%add3A_15, %dma_wait3A_54] : memref<10000x128xf32, #tpu.memory_space<vmem_shared>> -> memref<112x128xf32, #tpu.memory_space<vmem_shared>>
      %dma_wait3A_56 = arith.constant 0 : i32
      %dma_wait3A_57 = arith.constant 0 : i32
      %dma_wait3A_58 = tpu.memref_slice %arg10[%dma_wait3A_56, %dma_wait3A_57] : memref<128x128xf32, #tpu.memory_space<vmem>> -> memref<112x128xf32, #tpu.memory_space<vmem>>
      tpu.wait_dma2 semaphore(%run_scoped3A : memref<!tpu.dma_semaphore, #tpu.memory_space<semaphore_mem>>) src(%dma_wait3A_58 : memref<112x128xf32, #tpu.memory_space<vmem>>) dst(%dma_wait3A_55 : memref<112x128xf32, #tpu.memory_space<vmem_shared>>)
      tpu.yield
    }) : () -> ()
    %eq3A = arith.constant 15 : i32
    %eq3A_16 = arith.cmpi eq, %arg1, %eq3A : i32
    %convert_element_type3A = arith.extui %eq3A_16 : i1 to i32
    %cond3A = arith.constant 0 : i32
    %cond3A_17 = arith.cmpi ne, %convert_element_type3A, %cond3A : i32
    scf.if %cond3A_17 {
      "tpu.region"() ({
        %run_scoped3A = tpu.sem_alloc : memref<!tpu.dma_semaphore, #tpu.memory_space<semaphore_mem>>
        %dma_start3A = arith.constant 0 : i32
        %dma_start3A_41 = arith.constant 0 : i32
        %dma_start3A_42 = tpu.memref_slice %arg10[%dma_start3A, %dma_start3A_41] : memref<128x128xf32, #tpu.memory_space<vmem>> -> memref<16x128xf32, #tpu.memory_space<vmem>>
        %dma_start3A_43 = arith.constant 9984 : i32
        %dma_start3A_44 = arith.constant 0 : i32
        %dma_start3A_45 = tpu.memref_slice %arg6[%dma_start3A_43, %dma_start3A_44] : memref<10000x128xf32, #tpu.memory_space<vmem_shared>> -> memref<16x128xf32, #tpu.memory_space<vmem_shared>>
        %dma_start3A_46 = arith.constant 9984 : i32
        %dma_start3A_47 = arith.constant 0 : i32
        %dma_start3A_48 = tpu.memref_slice %arg6[%dma_start3A_46, %dma_start3A_47] : memref<10000x128xf32, #tpu.memory_space<vmem_shared>> -> memref<16x128xf32, #tpu.memory_space<vmem_shared>>
        %dma_start3A_49 = arith.constant 0 : i32
        %dma_start3A_50 = arith.constant 0 : i32
        %dma_start3A_51 = tpu.memref_slice %arg10[%dma_start3A_49, %dma_start3A_50] : memref<128x128xf32, #tpu.memory_space<vmem>> -> memref<16x128xf32, #tpu.memory_space<vmem>>
        tpu.enqueue_dma source(%dma_start3A_51 : memref<16x128xf32, #tpu.memory_space<vmem>>) target(%dma_start3A_48 : memref<16x128xf32, #tpu.memory_space<vmem_shared>>) target_semaphore(%run_scoped3A : memref<!tpu.dma_semaphore, #tpu.memory_space<semaphore_mem>>)
        %dma_wait3A = arith.constant 0 : i32
        %dma_wait3A_52 = arith.constant 0 : i32
        %dma_wait3A_53 = tpu.memref_slice %arg10[%dma_wait3A, %dma_wait3A_52] : memref<128x128xf32, #tpu.memory_space<vmem>> -> memref<16x128xf32, #tpu.memory_space<vmem>>
        %dma_wait3A_54 = arith.constant 9984 : i32
        %dma_wait3A_55 = arith.constant 0 : i32
        %dma_wait3A_56 = tpu.memref_slice %arg6[%dma_wait3A_54, %dma_wait3A_55] : memref<10000x128xf32, #tpu.memory_space<vmem_shared>> -> memref<16x128xf32, #tpu.memory_space<vmem_shared>>
        %dma_wait3A_57 = arith.constant 9984 : i32
        %dma_wait3A_58 = arith.constant 0 : i32
        %dma_wait3A_59 = tpu.memref_slice %arg6[%dma_wait3A_57, %dma_wait3A_58] : memref<10000x128xf32, #tpu.memory_space<vmem_shared>> -> memref<16x128xf32, #tpu.memory_space<vmem_shared>>
        %dma_wait3A_60 = arith.constant 0 : i32
        %dma_wait3A_61 = arith.constant 0 : i32
        %dma_wait3A_62 = tpu.memref_slice %arg10[%dma_wait3A_60, %dma_wait3A_61] : memref<128x128xf32, #tpu.memory_space<vmem>> -> memref<16x128xf32, #tpu.memory_space<vmem>>
        tpu.wait_dma2 semaphore(%run_scoped3A : memref<!tpu.dma_semaphore, #tpu.memory_space<semaphore_mem>>) src(%dma_wait3A_62 : memref<16x128xf32, #tpu.memory_space<vmem>>) dst(%dma_wait3A_59 : memref<16x128xf32, #tpu.memory_space<vmem_shared>>)
        tpu.yield
      }) : () -> ()
    } else {
    }
    %barrier3A = arith.constant 0 : index
    tpu.barrier barrier_id(%barrier3A)
    %mul3A_18 = arith.constant 156 : i32
    %mul3A_19 = arith.muli %arg1, %mul3A_18 : i32
    %mul3A_20 = arith.constant 128 : i32
    %mul3A_21 = arith.muli %mul3A_19, %mul3A_20 : i32
    %scan3A_22 = arith.constant 0 : i32
    %scan3A_23 = arith.constant 0 : i32
    %scan3A_24 = arith.constant 52 : i32
    %scan3A_25 = arith.addi %scan3A_23, %scan3A_24 : i32
    %scan3A_26 = arith.constant 1 : i32
    %scan3A_27 = scf.for %scan3A_41 = %scan3A_23 to %scan3A_25 step %scan3A_26 iter_args(%scan3A_42 = %scan3A_22) -> (i32)  : i32 {
      %mul3A_43 = arith.constant 3 : i32
      %mul3A_44 = arith.muli %mul3A_43, %scan3A_41 : i32
      %add3A_45 = arith.constant 0 : i32
      %add3A_46 = arith.addi %mul3A_44, %add3A_45 : i32
      %mul3A_47 = arith.constant 128 : i32
      %mul3A_48 = arith.muli %add3A_46, %mul3A_47 : i32
      %add3A_49 = arith.addi %mul3A_21, %mul3A_48 : i32
      "tpu.region"() ({
        %run_scoped3A = tpu.sem_alloc : memref<!tpu.dma_semaphore, #tpu.memory_space<semaphore_mem>>
        %dma_start3A_367 = tpu.memref_slice %arg3[%add3A_49] : memref<320000xi32, #tpu.memory_space<hbm>> -> memref<128xi32, #tpu.memory_space<hbm>>
        %dma_start3A_368 = tpu.memref_slice %arg3[%add3A_49] : memref<320000xi32, #tpu.memory_space<hbm>> -> memref<128xi32, #tpu.memory_space<hbm>>
        tpu.enqueue_dma source(%dma_start3A_368 : memref<128xi32, #tpu.memory_space<hbm>>) target(%arg7 : memref<128xi32, #tpu.memory_space<vmem>>) target_semaphore(%run_scoped3A : memref<!tpu.dma_semaphore, #tpu.memory_space<semaphore_mem>>)
        %dma_wait3A_369 = tpu.memref_slice %arg3[%add3A_49] : memref<320000xi32, #tpu.memory_space<hbm>> -> memref<128xi32, #tpu.memory_space<hbm>>
        %dma_wait3A_370 = tpu.memref_slice %arg3[%add3A_49] : memref<320000xi32, #tpu.memory_space<hbm>> -> memref<128xi32, #tpu.memory_space<hbm>>
        tpu.wait_dma2 semaphore(%run_scoped3A : memref<!tpu.dma_semaphore, #tpu.memory_space<semaphore_mem>>) src(%dma_wait3A_370 : memref<128xi32, #tpu.memory_space<hbm>>) dst(%arg7 : memref<128xi32, #tpu.memory_space<vmem>>)
        tpu.yield
      }) : () -> ()
      "tpu.region"() ({
        %run_scoped3A = tpu.sem_alloc : memref<!tpu.dma_semaphore, #tpu.memory_space<semaphore_mem>>
        %dma_start3A_367 = tpu.memref_slice %arg4[%add3A_49] : memref<320000xi32, #tpu.memory_space<hbm>> -> memref<128xi32, #tpu.memory_space<hbm>>
        %dma_start3A_368 = tpu.memref_slice %arg4[%add3A_49] : memref<320000xi32, #tpu.memory_space<hbm>> -> memref<128xi32, #tpu.memory_space<hbm>>
        tpu.enqueue_dma source(%dma_start3A_368 : memref<128xi32, #tpu.memory_space<hbm>>) target(%arg8 : memref<128xi32, #tpu.memory_space<vmem>>) target_semaphore(%run_scoped3A : memref<!tpu.dma_semaphore, #tpu.memory_space<semaphore_mem>>)
        %dma_wait3A_369 = tpu.memref_slice %arg4[%add3A_49] : memref<320000xi32, #tpu.memory_space<hbm>> -> memref<128xi32, #tpu.memory_space<hbm>>
        %dma_wait3A_370 = tpu.memref_slice %arg4[%add3A_49] : memref<320000xi32, #tpu.memory_space<hbm>> -> memref<128xi32, #tpu.memory_space<hbm>>
        tpu.wait_dma2 semaphore(%run_scoped3A : memref<!tpu.dma_semaphore, #tpu.memory_space<semaphore_mem>>) src(%dma_wait3A_370 : memref<128xi32, #tpu.memory_space<hbm>>) dst(%arg8 : memref<128xi32, #tpu.memory_space<vmem>>)
        tpu.yield
      }) : () -> ()
      %get3A = arith.constant 0 : index
      %get3A_50 = tpu.vector_load %arg7[%get3A] {strides = array<i32>} : memref<128xi32, #tpu.memory_space<vmem>>, vector<16xi32>,
      %get3A_51 = vector.shape_cast %get3A_50 : vector<16xi32> to vector<16xi32>
      %mul3A_52 = arith.constant 2 : i32
      %mul3A_53 = vector.broadcast %mul3A_52 : i32 to vector<16xi32>
      %mul3A_54 = arith.muli %get3A_51, %mul3A_53 : vector<16xi32>
      %add3A_55 = vector.broadcast %arg0 : i32 to vector<16xi32>
      %add3A_56 = arith.addi %mul3A_54, %add3A_55 : vector<16xi32>
      %swap3A = arith.constant 0 : index
      %swap3A_57 = tpu.vector_load %arg9[%swap3A] {strides = array<i32>} : memref<128xi32, #tpu.memory_space<vmem>>, vector<16xi32>,
      %swap3A_58 = vector.shape_cast %swap3A_57 : vector<16xi32> to vector<16xi32>
      %swap3A_59 = vector.shape_cast %add3A_56 : vector<16xi32> to vector<16xi32>
      tpu.vector_store %arg9[%swap3A], %swap3A_59 {strides = array<i32>} : memref<128xi32, #tpu.memory_space<vmem>>, vector<16xi32>,
      %get3A_60 = arith.constant 16 : index
      %get3A_61 = tpu.vector_load %arg7[%get3A_60] {strides = array<i32>} : memref<128xi32, #tpu.memory_space<vmem>>, vector<16xi32>,
      %get3A_62 = vector.shape_cast %get3A_61 : vector<16xi32> to vector<16xi32>
      %mul3A_63 = arith.constant 2 : i32
      %mul3A_64 = vector.broadcast %mul3A_63 : i32 to vector<16xi32>
      %mul3A_65 = arith.muli %get3A_62, %mul3A_64 : vector<16xi32>
      %add3A_66 = vector.broadcast %arg0 : i32 to vector<16xi32>
      %add3A_67 = arith.addi %mul3A_65, %add3A_66 : vector<16xi32>
      %swap3A_68 = arith.constant 16 : index
      %swap3A_69 = tpu.vector_load %arg9[%swap3A_68] {strides = array<i32>} : memref<128xi32, #tpu.memory_space<vmem>>, vector<16xi32>,
      %swap3A_70 = vector.shape_cast %swap3A_69 : vector<16xi32> to vector<16xi32>
      %swap3A_71 = vector.shape_cast %add3A_67 : vector<16xi32> to vector<16xi32>
      tpu.vector_store %arg9[%swap3A_68], %swap3A_71 {strides = array<i32>} : memref<128xi32, #tpu.memory_space<vmem>>, vector<16xi32>,
      %get3A_72 = arith.constant 32 : index
      %get3A_73 = tpu.vector_load %arg7[%get3A_72] {strides = array<i32>} : memref<128xi32, #tpu.memory_space<vmem>>, vector<16xi32>,
      %get3A_74 = vector.shape_cast %get3A_73 : vector<16xi32> to vector<16xi32>
      %mul3A_75 = arith.constant 2 : i32
      %mul3A_76 = vector.broadcast %mul3A_75 : i32 to vector<16xi32>
      %mul3A_77 = arith.muli %get3A_74, %mul3A_76 : vector<16xi32>
      %add3A_78 = vector.broadcast %arg0 : i32 to vector<16xi32>
      %add3A_79 = arith.addi %mul3A_77, %add3A_78 : vector<16xi32>
      %swap3A_80 = arith.constant 32 : index
      %swap3A_81 = tpu.vector_load %arg9[%swap3A_80] {strides = array<i32>} : memref<128xi32, #tpu.memory_space<vmem>>, vector<16xi32>,
      %swap3A_82 = vector.shape_cast %swap3A_81 : vector<16xi32> to vector<16xi32>
      %swap3A_83 = vector.shape_cast %add3A_79 : vector<16xi32> to vector<16xi32>
      tpu.vector_store %arg9[%swap3A_80], %swap3A_83 {strides = array<i32>} : memref<128xi32, #tpu.memory_space<vmem>>, vector<16xi32>,
      %get3A_84 = arith.constant 48 : index
      %get3A_85 = tpu.vector_load %arg7[%get3A_84] {strides = array<i32>} : memref<128xi32, #tpu.memory_space<vmem>>, vector<16xi32>,
      %get3A_86 = vector.shape_cast %get3A_85 : vector<16xi32> to vector<16xi32>
      %mul3A_87 = arith.constant 2 : i32
      %mul3A_88 = vector.broadcast %mul3A_87 : i32 to vector<16xi32>
      %mul3A_89 = arith.muli %get3A_86, %mul3A_88 : vector<16xi32>
      %add3A_90 = vector.broadcast %arg0 : i32 to vector<16xi32>
      %add3A_91 = arith.addi %mul3A_89, %add3A_90 : vector<16xi32>
      %swap3A_92 = arith.constant 48 : index
      %swap3A_93 = tpu.vector_load %arg9[%swap3A_92] {strides = array<i32>} : memref<128xi32, #tpu.memory_space<vmem>>, vector<16xi32>,
      %swap3A_94 = vector.shape_cast %swap3A_93 : vector<16xi32> to vector<16xi32>
      %swap3A_95 = vector.shape_cast %add3A_91 : vector<16xi32> to vector<16xi32>
      tpu.vector_store %arg9[%swap3A_92], %swap3A_95 {strides = array<i32>} : memref<128xi32, #tpu.memory_space<vmem>>, vector<16xi32>,
      %get3A_96 = arith.constant 64 : index
      %get3A_97 = tpu.vector_load %arg7[%get3A_96] {strides = array<i32>} : memref<128xi32, #tpu.memory_space<vmem>>, vector<16xi32>,
      %get3A_98 = vector.shape_cast %get3A_97 : vector<16xi32> to vector<16xi32>
      %mul3A_99 = arith.constant 2 : i32
      %mul3A_100 = vector.broadcast %mul3A_99 : i32 to vector<16xi32>
      %mul3A_101 = arith.muli %get3A_98, %mul3A_100 : vector<16xi32>
      %add3A_102 = vector.broadcast %arg0 : i32 to vector<16xi32>
      %add3A_103 = arith.addi %mul3A_101, %add3A_102 : vector<16xi32>
      %swap3A_104 = arith.constant 64 : index
      %swap3A_105 = tpu.vector_load %arg9[%swap3A_104] {strides = array<i32>} : memref<128xi32, #tpu.memory_space<vmem>>, vector<16xi32>,
      %swap3A_106 = vector.shape_cast %swap3A_105 : vector<16xi32> to vector<16xi32>
      %swap3A_107 = vector.shape_cast %add3A_103 : vector<16xi32> to vector<16xi32>
      tpu.vector_store %arg9[%swap3A_104], %swap3A_107 {strides = array<i32>} : memref<128xi32, #tpu.memory_space<vmem>>, vector<16xi32>,
      %get3A_108 = arith.constant 80 : index
      %get3A_109 = tpu.vector_load %arg7[%get3A_108] {strides = array<i32>} : memref<128xi32, #tpu.memory_space<vmem>>, vector<16xi32>,
      %get3A_110 = vector.shape_cast %get3A_109 : vector<16xi32> to vector<16xi32>
      %mul3A_111 = arith.constant 2 : i32
      %mul3A_112 = vector.broadcast %mul3A_111 : i32 to vector<16xi32>
      %mul3A_113 = arith.muli %get3A_110, %mul3A_112 : vector<16xi32>
      %add3A_114 = vector.broadcast %arg0 : i32 to vector<16xi32>
      %add3A_115 = arith.addi %mul3A_113, %add3A_114 : vector<16xi32>
      %swap3A_116 = arith.constant 80 : index
      %swap3A_117 = tpu.vector_load %arg9[%swap3A_116] {strides = array<i32>} : memref<128xi32, #tpu.memory_space<vmem>>, vector<16xi32>,
      %swap3A_118 = vector.shape_cast %swap3A_117 : vector<16xi32> to vector<16xi32>
      %swap3A_119 = vector.shape_cast %add3A_115 : vector<16xi32> to vector<16xi32>
      tpu.vector_store %arg9[%swap3A_116], %swap3A_119 {strides = array<i32>} : memref<128xi32, #tpu.memory_space<vmem>>, vector<16xi32>,
      %get3A_120 = arith.constant 96 : index
      %get3A_121 = tpu.vector_load %arg7[%get3A_120] {strides = array<i32>} : memref<128xi32, #tpu.memory_space<vmem>>, vector<16xi32>,
      %get3A_122 = vector.shape_cast %get3A_121 : vector<16xi32> to vector<16xi32>
      %mul3A_123 = arith.constant 2 : i32
      %mul3A_124 = vector.broadcast %mul3A_123 : i32 to vector<16xi32>
      %mul3A_125 = arith.muli %get3A_122, %mul3A_124 : vector<16xi32>
      %add3A_126 = vector.broadcast %arg0 : i32 to vector<16xi32>
      %add3A_127 = arith.addi %mul3A_125, %add3A_126 : vector<16xi32>
      %swap3A_128 = arith.constant 96 : index
      %swap3A_129 = tpu.vector_load %arg9[%swap3A_128] {strides = array<i32>} : memref<128xi32, #tpu.memory_space<vmem>>, vector<16xi32>,
      %swap3A_130 = vector.shape_cast %swap3A_129 : vector<16xi32> to vector<16xi32>
      %swap3A_131 = vector.shape_cast %add3A_127 : vector<16xi32> to vector<16xi32>
      tpu.vector_store %arg9[%swap3A_128], %swap3A_131 {strides = array<i32>} : memref<128xi32, #tpu.memory_space<vmem>>, vector<16xi32>,
      %get3A_132 = arith.constant 112 : index
      %get3A_133 = tpu.vector_load %arg7[%get3A_132] {strides = array<i32>} : memref<128xi32, #tpu.memory_space<vmem>>, vector<16xi32>,
      %get3A_134 = vector.shape_cast %get3A_133 : vector<16xi32> to vector<16xi32>
      %mul3A_135 = arith.constant 2 : i32
      %mul3A_136 = vector.broadcast %mul3A_135 : i32 to vector<16xi32>
      %mul3A_137 = arith.muli %get3A_134, %mul3A_136 : vector<16xi32>
      %add3A_138 = vector.broadcast %arg0 : i32 to vector<16xi32>
      %add3A_139 = arith.addi %mul3A_137, %add3A_138 : vector<16xi32>
      %swap3A_140 = arith.constant 112 : index
      %swap3A_141 = tpu.vector_load %arg9[%swap3A_140] {strides = array<i32>} : memref<128xi32, #tpu.memory_space<vmem>>, vector<16xi32>,
      %swap3A_142 = vector.shape_cast %swap3A_141 : vector<16xi32> to vector<16xi32>
      %swap3A_143 = vector.shape_cast %add3A_139 : vector<16xi32> to vector<16xi32>
      tpu.vector_store %arg9[%swap3A_140], %swap3A_143 {strides = array<i32>} : memref<128xi32, #tpu.memory_space<vmem>>, vector<16xi32>,
      %dma_start3A = arith.constant 0 : i32
      %dma_start3A_144 = arith.constant 0 : i32
      %dma_start3A_145 = tpu.memref_slice %arg2[%dma_start3A, %dma_start3A_144] : memref<20000x128xf32, #tpu.memory_space<hbm>> -> memref<20000x128xf32, #tpu.memory_space<hbm>>
      tpu.enqueue_indirect_dma source(%dma_start3A_145 : memref<20000x128xf32, #tpu.memory_space<hbm>>) target(%arg10 : memref<128x128xf32, #tpu.memory_space<vmem>>) offsets(%arg9 : memref<128xi32, #tpu.memory_space<vmem>>) semaphore(%arg11 : memref<!tpu.dma_semaphore, #tpu.memory_space<semaphore_mem>>)
      %mul3A_146 = arith.constant 3 : i32
      %mul3A_147 = arith.muli %mul3A_146, %scan3A_41 : i32
      %add3A_148 = arith.constant 1 : i32
      %add3A_149 = arith.addi %mul3A_147, %add3A_148 : i32
      %mul3A_150 = arith.constant 128 : i32
      %mul3A_151 = arith.muli %add3A_149, %mul3A_150 : i32
      %add3A_152 = arith.addi %mul3A_21, %mul3A_151 : i32
      "tpu.region"() ({
        %run_scoped3A = tpu.sem_alloc : memref<!tpu.dma_semaphore, #tpu.memory_space<semaphore_mem>>
        %dma_start3A_367 = tpu.memref_slice %arg3[%add3A_152] : memref<320000xi32, #tpu.memory_space<hbm>> -> memref<128xi32, #tpu.memory_space<hbm>>
        %dma_start3A_368 = tpu.memref_slice %arg3[%add3A_152] : memref<320000xi32, #tpu.memory_space<hbm>> -> memref<128xi32, #tpu.memory_space<hbm>>
        tpu.enqueue_dma source(%dma_start3A_368 : memref<128xi32, #tpu.memory_space<hbm>>) target(%arg12 : memref<128xi32, #tpu.memory_space<vmem>>) target_semaphore(%run_scoped3A : memref<!tpu.dma_semaphore, #tpu.memory_space<semaphore_mem>>)
        %dma_wait3A_369 = tpu.memref_slice %arg3[%add3A_152] : memref<320000xi32, #tpu.memory_space<hbm>> -> memref<128xi32, #tpu.memory_space<hbm>>
        %dma_wait3A_370 = tpu.memref_slice %arg3[%add3A_152] : memref<320000xi32, #tpu.memory_space<hbm>> -> memref<128xi32, #tpu.memory_space<hbm>>
        tpu.wait_dma2 semaphore(%run_scoped3A : memref<!tpu.dma_semaphore, #tpu.memory_space<semaphore_mem>>) src(%dma_wait3A_370 : memref<128xi32, #tpu.memory_space<hbm>>) dst(%arg12 : memref<128xi32, #tpu.memory_space<vmem>>)
        tpu.yield
      }) : () -> ()
      "tpu.region"() ({
        %run_scoped3A = tpu.sem_alloc : memref<!tpu.dma_semaphore, #tpu.memory_space<semaphore_mem>>
        %dma_start3A_367 = tpu.memref_slice %arg4[%add3A_152] : memref<320000xi32, #tpu.memory_space<hbm>> -> memref<128xi32, #tpu.memory_space<hbm>>
        %dma_start3A_368 = tpu.memref_slice %arg4[%add3A_152] : memref<320000xi32, #tpu.memory_space<hbm>> -> memref<128xi32, #tpu.memory_space<hbm>>
        tpu.enqueue_dma source(%dma_start3A_368 : memref<128xi32, #tpu.memory_space<hbm>>) target(%arg13 : memref<128xi32, #tpu.memory_space<vmem>>) target_semaphore(%run_scoped3A : memref<!tpu.dma_semaphore, #tpu.memory_space<semaphore_mem>>)
        %dma_wait3A_369 = tpu.memref_slice %arg4[%add3A_152] : memref<320000xi32, #tpu.memory_space<hbm>> -> memref<128xi32, #tpu.memory_space<hbm>>
        %dma_wait3A_370 = tpu.memref_slice %arg4[%add3A_152] : memref<320000xi32, #tpu.memory_space<hbm>> -> memref<128xi32, #tpu.memory_space<hbm>>
        tpu.wait_dma2 semaphore(%run_scoped3A : memref<!tpu.dma_semaphore, #tpu.memory_space<semaphore_mem>>) src(%dma_wait3A_370 : memref<128xi32, #tpu.memory_space<hbm>>) dst(%arg13 : memref<128xi32, #tpu.memory_space<vmem>>)
        tpu.yield
      }) : () -> ()
      %get3A_153 = arith.constant 0 : index
      %get3A_154 = tpu.vector_load %arg12[%get3A_153] {strides = array<i32>} : memref<128xi32, #tpu.memory_space<vmem>>, vector<16xi32>,
      %get3A_155 = vector.shape_cast %get3A_154 : vector<16xi32> to vector<16xi32>
      %mul3A_156 = arith.constant 2 : i32
      %mul3A_157 = vector.broadcast %mul3A_156 : i32 to vector<16xi32>
      %mul3A_158 = arith.muli %get3A_155, %mul3A_157 : vector<16xi32>
      %add3A_159 = vector.broadcast %arg0 : i32 to vector<16xi32>
      %add3A_160 = arith.addi %mul3A_158, %add3A_159 : vector<16xi32>
      %swap3A_161 = arith.constant 0 : index
      %swap3A_162 = tpu.vector_load %arg14[%swap3A_161] {strides = array<i32>} : memref<128xi32, #tpu.memory_space<vmem>>, vector<16xi32>,
      %swap3A_163 = vector.shape_cast %swap3A_162 : vector<16xi32> to vector<16xi32>
      %swap3A_164 = vector.shape_cast %add3A_160 : vector<16xi32> to vector<16xi32>
      tpu.vector_store %arg14[%swap3A_161], %swap3A_164 {strides = array<i32>} : memref<128xi32, #tpu.memory_space<vmem>>, vector<16xi32>,
      %get3A_165 = arith.constant 16 : index
      %get3A_166 = tpu.vector_load %arg12[%get3A_165] {strides = array<i32>} : memref<128xi32, #tpu.memory_space<vmem>>, vector<16xi32>,
      %get3A_167 = vector.shape_cast %get3A_166 : vector<16xi32> to vector<16xi32>
      %mul3A_168 = arith.constant 2 : i32
      %mul3A_169 = vector.broadcast %mul3A_168 : i32 to vector<16xi32>
      %mul3A_170 = arith.muli %get3A_167, %mul3A_169 : vector<16xi32>
      %add3A_171 = vector.broadcast %arg0 : i32 to vector<16xi32>
      %add3A_172 = arith.addi %mul3A_170, %add3A_171 : vector<16xi32>
      %swap3A_173 = arith.constant 16 : index
      %swap3A_174 = tpu.vector_load %arg14[%swap3A_173] {strides = array<i32>} : memref<128xi32, #tpu.memory_space<vmem>>, vector<16xi32>,
      %swap3A_175 = vector.shape_cast %swap3A_174 : vector<16xi32> to vector<16xi32>
      %swap3A_176 = vector.shape_cast %add3A_172 : vector<16xi32> to vector<16xi32>
      tpu.vector_store %arg14[%swap3A_173], %swap3A_176 {strides = array<i32>} : memref<128xi32, #tpu.memory_space<vmem>>, vector<16xi32>,
      %get3A_177 = arith.constant 32 : index
      %get3A_178 = tpu.vector_load %arg12[%get3A_177] {strides = array<i32>} : memref<128xi32, #tpu.memory_space<vmem>>, vector<16xi32>,
      %get3A_179 = vector.shape_cast %get3A_178 : vector<16xi32> to vector<16xi32>
      %mul3A_180 = arith.constant 2 : i32
      %mul3A_181 = vector.broadcast %mul3A_180 : i32 to vector<16xi32>
      %mul3A_182 = arith.muli %get3A_179, %mul3A_181 : vector<16xi32>
      %add3A_183 = vector.broadcast %arg0 : i32 to vector<16xi32>
      %add3A_184 = arith.addi %mul3A_182, %add3A_183 : vector<16xi32>
      %swap3A_185 = arith.constant 32 : index
      %swap3A_186 = tpu.vector_load %arg14[%swap3A_185] {strides = array<i32>} : memref<128xi32, #tpu.memory_space<vmem>>, vector<16xi32>,
      %swap3A_187 = vector.shape_cast %swap3A_186 : vector<16xi32> to vector<16xi32>
      %swap3A_188 = vector.shape_cast %add3A_184 : vector<16xi32> to vector<16xi32>
      tpu.vector_store %arg14[%swap3A_185], %swap3A_188 {strides = array<i32>} : memref<128xi32, #tpu.memory_space<vmem>>, vector<16xi32>,
      %get3A_189 = arith.constant 48 : index
      %get3A_190 = tpu.vector_load %arg12[%get3A_189] {strides = array<i32>} : memref<128xi32, #tpu.memory_space<vmem>>, vector<16xi32>,
      %get3A_191 = vector.shape_cast %get3A_190 : vector<16xi32> to vector<16xi32>
      %mul3A_192 = arith.constant 2 : i32
      %mul3A_193 = vector.broadcast %mul3A_192 : i32 to vector<16xi32>
      %mul3A_194 = arith.muli %get3A_191, %mul3A_193 : vector<16xi32>
      %add3A_195 = vector.broadcast %arg0 : i32 to vector<16xi32>
      %add3A_196 = arith.addi %mul3A_194, %add3A_195 : vector<16xi32>
      %swap3A_197 = arith.constant 48 : index
      %swap3A_198 = tpu.vector_load %arg14[%swap3A_197] {strides = array<i32>} : memref<128xi32, #tpu.memory_space<vmem>>, vector<16xi32>,
      %swap3A_199 = vector.shape_cast %swap3A_198 : vector<16xi32> to vector<16xi32>
      %swap3A_200 = vector.shape_cast %add3A_196 : vector<16xi32> to vector<16xi32>
      tpu.vector_store %arg14[%swap3A_197], %swap3A_200 {strides = array<i32>} : memref<128xi32, #tpu.memory_space<vmem>>, vector<16xi32>,
      %get3A_201 = arith.constant 64 : index
      %get3A_202 = tpu.vector_load %arg12[%get3A_201] {strides = array<i32>} : memref<128xi32, #tpu.memory_space<vmem>>, vector<16xi32>,
      %get3A_203 = vector.shape_cast %get3A_202 : vector<16xi32> to vector<16xi32>
      %mul3A_204 = arith.constant 2 : i32
      %mul3A_205 = vector.broadcast %mul3A_204 : i32 to vector<16xi32>
      %mul3A_206 = arith.muli %get3A_203, %mul3A_205 : vector<16xi32>
      %add3A_207 = vector.broadcast %arg0 : i32 to vector<16xi32>
      %add3A_208 = arith.addi %mul3A_206, %add3A_207 : vector<16xi32>
      %swap3A_209 = arith.constant 64 : index
      %swap3A_210 = tpu.vector_load %arg14[%swap3A_209] {strides = array<i32>} : memref<128xi32, #tpu.memory_space<vmem>>, vector<16xi32>,
      %swap3A_211 = vector.shape_cast %swap3A_210 : vector<16xi32> to vector<16xi32>
      %swap3A_212 = vector.shape_cast %add3A_208 : vector<16xi32> to vector<16xi32>
      tpu.vector_store %arg14[%swap3A_209], %swap3A_212 {strides = array<i32>} : memref<128xi32, #tpu.memory_space<vmem>>, vector<16xi32>,
      %get3A_213 = arith.constant 80 : index
      %get3A_214 = tpu.vector_load %arg12[%get3A_213] {strides = array<i32>} : memref<128xi32, #tpu.memory_space<vmem>>, vector<16xi32>,
      %get3A_215 = vector.shape_cast %get3A_214 : vector<16xi32> to vector<16xi32>
      %mul3A_216 = arith.constant 2 : i32
      %mul3A_217 = vector.broadcast %mul3A_216 : i32 to vector<16xi32>
      %mul3A_218 = arith.muli %get3A_215, %mul3A_217 : vector<16xi32>
      %add3A_219 = vector.broadcast %arg0 : i32 to vector<16xi32>
      %add3A_220 = arith.addi %mul3A_218, %add3A_219 : vector<16xi32>
      %swap3A_221 = arith.constant 80 : index
      %swap3A_222 = tpu.vector_load %arg14[%swap3A_221] {strides = array<i32>} : memref<128xi32, #tpu.memory_space<vmem>>, vector<16xi32>,
      %swap3A_223 = vector.shape_cast %swap3A_222 : vector<16xi32> to vector<16xi32>
      %swap3A_224 = vector.shape_cast %add3A_220 : vector<16xi32> to vector<16xi32>
      tpu.vector_store %arg14[%swap3A_221], %swap3A_224 {strides = array<i32>} : memref<128xi32, #tpu.memory_space<vmem>>, vector<16xi32>,
      %get3A_225 = arith.constant 96 : index
      %get3A_226 = tpu.vector_load %arg12[%get3A_225] {strides = array<i32>} : memref<128xi32, #tpu.memory_space<vmem>>, vector<16xi32>,
      %get3A_227 = vector.shape_cast %get3A_226 : vector<16xi32> to vector<16xi32>
      %mul3A_228 = arith.constant 2 : i32
      %mul3A_229 = vector.broadcast %mul3A_228 : i32 to vector<16xi32>
      %mul3A_230 = arith.muli %get3A_227, %mul3A_229 : vector<16xi32>
      %add3A_231 = vector.broadcast %arg0 : i32 to vector<16xi32>
      %add3A_232 = arith.addi %mul3A_230, %add3A_231 : vector<16xi32>
      %swap3A_233 = arith.constant 96 : index
      %swap3A_234 = tpu.vector_load %arg14[%swap3A_233] {strides = array<i32>} : memref<128xi32, #tpu.memory_space<vmem>>, vector<16xi32>,
      %swap3A_235 = vector.shape_cast %swap3A_234 : vector<16xi32> to vector<16xi32>
      %swap3A_236 = vector.shape_cast %add3A_232 : vector<16xi32> to vector<16xi32>
      tpu.vector_store %arg14[%swap3A_233], %swap3A_236 {strides = array<i32>} : memref<128xi32, #tpu.memory_space<vmem>>, vector<16xi32>,
      %get3A_237 = arith.constant 112 : index
      %get3A_238 = tpu.vector_load %arg12[%get3A_237] {strides = array<i32>} : memref<128xi32, #tpu.memory_space<vmem>>, vector<16xi32>,
      %get3A_239 = vector.shape_cast %get3A_238 : vector<16xi32> to vector<16xi32>
      %mul3A_240 = arith.constant 2 : i32
      %mul3A_241 = vector.broadcast %mul3A_240 : i32 to vector<16xi32>
      %mul3A_242 = arith.muli %get3A_239, %mul3A_241 : vector<16xi32>
      %add3A_243 = vector.broadcast %arg0 : i32 to vector<16xi32>
      %add3A_244 = arith.addi %mul3A_242, %add3A_243 : vector<16xi32>
      %swap3A_245 = arith.constant 112 : index
      %swap3A_246 = tpu.vector_load %arg14[%swap3A_245] {strides = array<i32>} : memref<128xi32, #tpu.memory_space<vmem>>, vector<16xi32>,
      %swap3A_247 = vector.shape_cast %swap3A_246 : vector<16xi32> to vector<16xi32>
      %swap3A_248 = vector.shape_cast %add3A_244 : vector<16xi32> to vector<16xi32>
      tpu.vector_store %arg14[%swap3A_245], %swap3A_248 {strides = array<i32>} : memref<128xi32, #tpu.memory_space<vmem>>, vector<16xi32>,
      %dma_start3A_249 = arith.constant 0 : i32
      %dma_start3A_250 = arith.constant 0 : i32
      %dma_start3A_251 = tpu.memref_slice %arg2[%dma_start3A_249, %dma_start3A_250] : memref<20000x128xf32, #tpu.memory_space<hbm>> -> memref<20000x128xf32, #tpu.memory_space<hbm>>
      tpu.enqueue_indirect_dma source(%dma_start3A_251 : memref<20000x128xf32, #tpu.memory_space<hbm>>) target(%arg15 : memref<128x128xf32, #tpu.memory_space<vmem>>) offsets(%arg14 : memref<128xi32, #tpu.memory_space<vmem>>) semaphore(%arg16 : memref<!tpu.dma_semaphore, #tpu.memory_space<semaphore_mem>>)
      %mul3A_252 = arith.constant 3 : i32
      %mul3A_253 = arith.muli %mul3A_252, %scan3A_41 : i32
      %add3A_254 = arith.constant 2 : i32
      %add3A_255 = arith.addi %mul3A_253, %add3A_254 : i32
      %mul3A_256 = arith.constant 128 : i32
      %mul3A_257 = arith.muli %add3A_255, %mul3A_256 : i32
      %add3A_258 = arith.addi %mul3A_21, %mul3A_257 : i32
      "tpu.region"() ({
        %run_scoped3A = tpu.sem_alloc : memref<!tpu.dma_semaphore, #tpu.memory_space<semaphore_mem>>
        %dma_start3A_367 = tpu.memref_slice %arg3[%add3A_258] : memref<320000xi32, #tpu.memory_space<hbm>> -> memref<128xi32, #tpu.memory_space<hbm>>
        %dma_start3A_368 = tpu.memref_slice %arg3[%add3A_258] : memref<320000xi32, #tpu.memory_space<hbm>> -> memref<128xi32, #tpu.memory_space<hbm>>
        tpu.enqueue_dma source(%dma_start3A_368 : memref<128xi32, #tpu.memory_space<hbm>>) target(%arg17 : memref<128xi32, #tpu.memory_space<vmem>>) target_semaphore(%run_scoped3A : memref<!tpu.dma_semaphore, #tpu.memory_space<semaphore_mem>>)
        %dma_wait3A_369 = tpu.memref_slice %arg3[%add3A_258] : memref<320000xi32, #tpu.memory_space<hbm>> -> memref<128xi32, #tpu.memory_space<hbm>>
        %dma_wait3A_370 = tpu.memref_slice %arg3[%add3A_258] : memref<320000xi32, #tpu.memory_space<hbm>> -> memref<128xi32, #tpu.memory_space<hbm>>
        tpu.wait_dma2 semaphore(%run_scoped3A : memref<!tpu.dma_semaphore, #tpu.memory_space<semaphore_mem>>) src(%dma_wait3A_370 : memref<128xi32, #tpu.memory_space<hbm>>) dst(%arg17 : memref<128xi32, #tpu.memory_space<vmem>>)
        tpu.yield
      }) : () -> ()
      "tpu.region"() ({
        %run_scoped3A = tpu.sem_alloc : memref<!tpu.dma_semaphore, #tpu.memory_space<semaphore_mem>>
        %dma_start3A_367 = tpu.memref_slice %arg4[%add3A_258] : memref<320000xi32, #tpu.memory_space<hbm>> -> memref<128xi32, #tpu.memory_space<hbm>>
        %dma_start3A_368 = tpu.memref_slice %arg4[%add3A_258] : memref<320000xi32, #tpu.memory_space<hbm>> -> memref<128xi32, #tpu.memory_space<hbm>>
        tpu.enqueue_dma source(%dma_start3A_368 : memref<128xi32, #tpu.memory_space<hbm>>) target(%arg18 : memref<128xi32, #tpu.memory_space<vmem>>) target_semaphore(%run_scoped3A : memref<!tpu.dma_semaphore, #tpu.memory_space<semaphore_mem>>)
        %dma_wait3A_369 = tpu.memref_slice %arg4[%add3A_258] : memref<320000xi32, #tpu.memory_space<hbm>> -> memref<128xi32, #tpu.memory_space<hbm>>
        %dma_wait3A_370 = tpu.memref_slice %arg4[%add3A_258] : memref<320000xi32, #tpu.memory_space<hbm>> -> memref<128xi32, #tpu.memory_space<hbm>>
        tpu.wait_dma2 semaphore(%run_scoped3A : memref<!tpu.dma_semaphore, #tpu.memory_space<semaphore_mem>>) src(%dma_wait3A_370 : memref<128xi32, #tpu.memory_space<hbm>>) dst(%arg18 : memref<128xi32, #tpu.memory_space<vmem>>)
        tpu.yield
      }) : () -> ()
      %get3A_259 = arith.constant 0 : index
      %get3A_260 = tpu.vector_load %arg17[%get3A_259] {strides = array<i32>} : memref<128xi32, #tpu.memory_space<vmem>>, vector<16xi32>,
      %get3A_261 = vector.shape_cast %get3A_260 : vector<16xi32> to vector<16xi32>
      %mul3A_262 = arith.constant 2 : i32
      %mul3A_263 = vector.broadcast %mul3A_262 : i32 to vector<16xi32>
      %mul3A_264 = arith.muli %get3A_261, %mul3A_263 : vector<16xi32>
      %add3A_265 = vector.broadcast %arg0 : i32 to vector<16xi32>
      %add3A_266 = arith.addi %mul3A_264, %add3A_265 : vector<16xi32>
      %swap3A_267 = arith.constant 0 : index
      %swap3A_268 = tpu.vector_load %arg19[%swap3A_267] {strides = array<i32>} : memref<128xi32, #tpu.memory_space<vmem>>, vector<16xi32>,
      %swap3A_269 = vector.shape_cast %swap3A_268 : vector<16xi32> to vector<16xi32>
      %swap3A_270 = vector.shape_cast %add3A_266 : vector<16xi32> to vector<16xi32>
      tpu.vector_store %arg19[%swap3A_267], %swap3A_270 {strides = array<i32>} : memref<128xi32, #tpu.memory_space<vmem>>, vector<16xi32>,
      %get3A_271 = arith.constant 16 : index
      %get3A_272 = tpu.vector_load %arg17[%get3A_271] {strides = array<i32>} : memref<128xi32, #tpu.memory_space<vmem>>, vector<16xi32>,
      %get3A_273 = vector.shape_cast %get3A_272 : vector<16xi32> to vector<16xi32>
      %mul3A_274 = arith.constant 2 : i32
      %mul3A_275 = vector.broadcast %mul3A_274 : i32 to vector<16xi32>
      %mul3A_276 = arith.muli %get3A_273, %mul3A_275 : vector<16xi32>
      %add3A_277 = vector.broadcast %arg0 : i32 to vector<16xi32>
      %add3A_278 = arith.addi %mul3A_276, %add3A_277 : vector<16xi32>
      %swap3A_279 = arith.constant 16 : index
      %swap3A_280 = tpu.vector_load %arg19[%swap3A_279] {strides = array<i32>} : memref<128xi32, #tpu.memory_space<vmem>>, vector<16xi32>,
      %swap3A_281 = vector.shape_cast %swap3A_280 : vector<16xi32> to vector<16xi32>
      %swap3A_282 = vector.shape_cast %add3A_278 : vector<16xi32> to vector<16xi32>
      tpu.vector_store %arg19[%swap3A_279], %swap3A_282 {strides = array<i32>} : memref<128xi32, #tpu.memory_space<vmem>>, vector<16xi32>,
      %get3A_283 = arith.constant 32 : index
      %get3A_284 = tpu.vector_load %arg17[%get3A_283] {strides = array<i32>} : memref<128xi32, #tpu.memory_space<vmem>>, vector<16xi32>,
      %get3A_285 = vector.shape_cast %get3A_284 : vector<16xi32> to vector<16xi32>
      %mul3A_286 = arith.constant 2 : i32
      %mul3A_287 = vector.broadcast %mul3A_286 : i32 to vector<16xi32>
      %mul3A_288 = arith.muli %get3A_285, %mul3A_287 : vector<16xi32>
      %add3A_289 = vector.broadcast %arg0 : i32 to vector<16xi32>
      %add3A_290 = arith.addi %mul3A_288, %add3A_289 : vector<16xi32>
      %swap3A_291 = arith.constant 32 : index
      %swap3A_292 = tpu.vector_load %arg19[%swap3A_291] {strides = array<i32>} : memref<128xi32, #tpu.memory_space<vmem>>, vector<16xi32>,
      %swap3A_293 = vector.shape_cast %swap3A_292 : vector<16xi32> to vector<16xi32>
      %swap3A_294 = vector.shape_cast %add3A_290 : vector<16xi32> to vector<16xi32>
      tpu.vector_store %arg19[%swap3A_291], %swap3A_294 {strides = array<i32>} : memref<128xi32, #tpu.memory_space<vmem>>, vector<16xi32>,
      %get3A_295 = arith.constant 48 : index
      %get3A_296 = tpu.vector_load %arg17[%get3A_295] {strides = array<i32>} : memref<128xi32, #tpu.memory_space<vmem>>, vector<16xi32>,
      %get3A_297 = vector.shape_cast %get3A_296 : vector<16xi32> to vector<16xi32>
      %mul3A_298 = arith.constant 2 : i32
      %mul3A_299 = vector.broadcast %mul3A_298 : i32 to vector<16xi32>
      %mul3A_300 = arith.muli %get3A_297, %mul3A_299 : vector<16xi32>
      %add3A_301 = vector.broadcast %arg0 : i32 to vector<16xi32>
      %add3A_302 = arith.addi %mul3A_300, %add3A_301 : vector<16xi32>
      %swap3A_303 = arith.constant 48 : index
      %swap3A_304 = tpu.vector_load %arg19[%swap3A_303] {strides = array<i32>} : memref<128xi32, #tpu.memory_space<vmem>>, vector<16xi32>,
      %swap3A_305 = vector.shape_cast %swap3A_304 : vector<16xi32> to vector<16xi32>
      %swap3A_306 = vector.shape_cast %add3A_302 : vector<16xi32> to vector<16xi32>
      tpu.vector_store %arg19[%swap3A_303], %swap3A_306 {strides = array<i32>} : memref<128xi32, #tpu.memory_space<vmem>>, vector<16xi32>,
      %get3A_307 = arith.constant 64 : index
      %get3A_308 = tpu.vector_load %arg17[%get3A_307] {strides = array<i32>} : memref<128xi32, #tpu.memory_space<vmem>>, vector<16xi32>,
      %get3A_309 = vector.shape_cast %get3A_308 : vector<16xi32> to vector<16xi32>
      %mul3A_310 = arith.constant 2 : i32
      %mul3A_311 = vector.broadcast %mul3A_310 : i32 to vector<16xi32>
      %mul3A_312 = arith.muli %get3A_309, %mul3A_311 : vector<16xi32>
      %add3A_313 = vector.broadcast %arg0 : i32 to vector<16xi32>
      %add3A_314 = arith.addi %mul3A_312, %add3A_313 : vector<16xi32>
      %swap3A_315 = arith.constant 64 : index
      %swap3A_316 = tpu.vector_load %arg19[%swap3A_315] {strides = array<i32>} : memref<128xi32, #tpu.memory_space<vmem>>, vector<16xi32>,
      %swap3A_317 = vector.shape_cast %swap3A_316 : vector<16xi32> to vector<16xi32>
      %swap3A_318 = vector.shape_cast %add3A_314 : vector<16xi32> to vector<16xi32>
      tpu.vector_store %arg19[%swap3A_315], %swap3A_318 {strides = array<i32>} : memref<128xi32, #tpu.memory_space<vmem>>, vector<16xi32>,
      %get3A_319 = arith.constant 80 : index
      %get3A_320 = tpu.vector_load %arg17[%get3A_319] {strides = array<i32>} : memref<128xi32, #tpu.memory_space<vmem>>, vector<16xi32>,
      %get3A_321 = vector.shape_cast %get3A_320 : vector<16xi32> to vector<16xi32>
      %mul3A_322 = arith.constant 2 : i32
      %mul3A_323 = vector.broadcast %mul3A_322 : i32 to vector<16xi32>
      %mul3A_324 = arith.muli %get3A_321, %mul3A_323 : vector<16xi32>
      %add3A_325 = vector.broadcast %arg0 : i32 to vector<16xi32>
      %add3A_326 = arith.addi %mul3A_324, %add3A_325 : vector<16xi32>
      %swap3A_327 = arith.constant 80 : index
      %swap3A_328 = tpu.vector_load %arg19[%swap3A_327] {strides = array<i32>} : memref<128xi32, #tpu.memory_space<vmem>>, vector<16xi32>,
      %swap3A_329 = vector.shape_cast %swap3A_328 : vector<16xi32> to vector<16xi32>
      %swap3A_330 = vector.shape_cast %add3A_326 : vector<16xi32> to vector<16xi32>
      tpu.vector_store %arg19[%swap3A_327], %swap3A_330 {strides = array<i32>} : memref<128xi32, #tpu.memory_space<vmem>>, vector<16xi32>,
      %get3A_331 = arith.constant 96 : index
      %get3A_332 = tpu.vector_load %arg17[%get3A_331] {strides = array<i32>} : memref<128xi32, #tpu.memory_space<vmem>>, vector<16xi32>,
      %get3A_333 = vector.shape_cast %get3A_332 : vector<16xi32> to vector<16xi32>
      %mul3A_334 = arith.constant 2 : i32
      %mul3A_335 = vector.broadcast %mul3A_334 : i32 to vector<16xi32>
      %mul3A_336 = arith.muli %get3A_333, %mul3A_335 : vector<16xi32>
      %add3A_337 = vector.broadcast %arg0 : i32 to vector<16xi32>
      %add3A_338 = arith.addi %mul3A_336, %add3A_337 : vector<16xi32>
      %swap3A_339 = arith.constant 96 : index
      %swap3A_340 = tpu.vector_load %arg19[%swap3A_339] {strides = array<i32>} : memref<128xi32, #tpu.memory_space<vmem>>, vector<16xi32>,
      %swap3A_341 = vector.shape_cast %swap3A_340 : vector<16xi32> to vector<16xi32>
      %swap3A_342 = vector.shape_cast %add3A_338 : vector<16xi32> to vector<16xi32>
      tpu.vector_store %arg19[%swap3A_339], %swap3A_342 {strides = array<i32>} : memref<128xi32, #tpu.memory_space<vmem>>, vector<16xi32>,
      %get3A_343 = arith.constant 112 : index
      %get3A_344 = tpu.vector_load %arg17[%get3A_343] {strides = array<i32>} : memref<128xi32, #tpu.memory_space<vmem>>, vector<16xi32>,
      %get3A_345 = vector.shape_cast %get3A_344 : vector<16xi32> to vector<16xi32>
      %mul3A_346 = arith.constant 2 : i32
      %mul3A_347 = vector.broadcast %mul3A_346 : i32 to vector<16xi32>
      %mul3A_348 = arith.muli %get3A_345, %mul3A_347 : vector<16xi32>
      %add3A_349 = vector.broadcast %arg0 : i32 to vector<16xi32>
      %add3A_350 = arith.addi %mul3A_348, %add3A_349 : vector<16xi32>
      %swap3A_351 = arith.constant 112 : index
      %swap3A_352 = tpu.vector_load %arg19[%swap3A_351] {strides = array<i32>} : memref<128xi32, #tpu.memory_space<vmem>>, vector<16xi32>,
      %swap3A_353 = vector.shape_cast %swap3A_352 : vector<16xi32> to vector<16xi32>
      %swap3A_354 = vector.shape_cast %add3A_350 : vector<16xi32> to vector<16xi32>
      tpu.vector_store %arg19[%swap3A_351], %swap3A_354 {strides = array<i32>} : memref<128xi32, #tpu.memory_space<vmem>>, vector<16xi32>,
      %dma_start3A_355 = arith.constant 0 : i32
      %dma_start3A_356 = arith.constant 0 : i32
      %dma_start3A_357 = tpu.memref_slice %arg2[%dma_start3A_355, %dma_start3A_356] : memref<20000x128xf32, #tpu.memory_space<hbm>> -> memref<20000x128xf32, #tpu.memory_space<hbm>>
      tpu.enqueue_indirect_dma source(%dma_start3A_357 : memref<20000x128xf32, #tpu.memory_space<hbm>>) target(%arg20 : memref<128x128xf32, #tpu.memory_space<vmem>>) offsets(%arg19 : memref<128xi32, #tpu.memory_space<vmem>>) semaphore(%arg21 : memref<!tpu.dma_semaphore, #tpu.memory_space<semaphore_mem>>)
      %dma_wait3A = arith.constant 0 : i32
      %dma_wait3A_358 = arith.constant 0 : i32
      %dma_wait3A_359 = tpu.memref_slice %arg2[%dma_wait3A, %dma_wait3A_358] : memref<20000x128xf32, #tpu.memory_space<hbm>> -> memref<20000x128xf32, #tpu.memory_space<hbm>>
      tpu.wait_indirect_dma semaphore(%arg11 : memref<!tpu.dma_semaphore, #tpu.memory_space<semaphore_mem>>) src(%dma_wait3A_359 : memref<20000x128xf32, #tpu.memory_space<hbm>>) dst(%arg10 : memref<128x128xf32, #tpu.memory_space<vmem>>)
      "tpu.region"() ({
        %run_scoped3A = tpu.sem_alloc : memref<!tpu.dma_semaphore, #tpu.memory_space<semaphore_mem>>
        %dma_start3A_367 = arith.constant 0 : i32
        %dma_start3A_368 = arith.constant 0 : i32
        %dma_start3A_369 = tpu.memref_slice %arg6[%dma_start3A_367, %dma_start3A_368] : memref<10000x128xf32, #tpu.memory_space<vmem_shared>> -> memref<10000x128xf32, #tpu.memory_space<vmem_shared>>
        tpu.enqueue_indirect_dma source(%arg10 : memref<128x128xf32, #tpu.memory_space<vmem>>) target(%dma_start3A_369 : memref<10000x128xf32, #tpu.memory_space<vmem_shared>>) offsets(%arg8 : memref<128xi32, #tpu.memory_space<vmem>>) semaphore(%run_scoped3A : memref<!tpu.dma_semaphore, #tpu.memory_space<semaphore_mem>>) {add = true}
        %dma_wait3A_370 = arith.constant 0 : i32
        %dma_wait3A_371 = arith.constant 0 : i32
        %dma_wait3A_372 = tpu.memref_slice %arg6[%dma_wait3A_370, %dma_wait3A_371] : memref<10000x128xf32, #tpu.memory_space<vmem_shared>> -> memref<10000x128xf32, #tpu.memory_space<vmem_shared>>
        tpu.wait_indirect_dma semaphore(%run_scoped3A : memref<!tpu.dma_semaphore, #tpu.memory_space<semaphore_mem>>) src(%arg10 : memref<128x128xf32, #tpu.memory_space<vmem>>) dst(%dma_wait3A_372 : memref<10000x128xf32, #tpu.memory_space<vmem_shared>>)
        tpu.yield
      }) : () -> ()
      %dma_wait3A_360 = arith.constant 0 : i32
      %dma_wait3A_361 = arith.constant 0 : i32
      %dma_wait3A_362 = tpu.memref_slice %arg2[%dma_wait3A_360, %dma_wait3A_361] : memref<20000x128xf32, #tpu.memory_space<hbm>> -> memref<20000x128xf32, #tpu.memory_space<hbm>>
      tpu.wait_indirect_dma semaphore(%arg16 : memref<!tpu.dma_semaphore, #tpu.memory_space<semaphore_mem>>) src(%dma_wait3A_362 : memref<20000x128xf32, #tpu.memory_space<hbm>>) dst(%arg15 : memref<128x128xf32, #tpu.memory_space<vmem>>)
      "tpu.region"() ({
        %run_scoped3A = tpu.sem_alloc : memref<!tpu.dma_semaphore, #tpu.memory_space<semaphore_mem>>
        %dma_start3A_367 = arith.constant 0 : i32
        %dma_start3A_368 = arith.constant 0 : i32
        %dma_start3A_369 = tpu.memref_slice %arg6[%dma_start3A_367, %dma_start3A_368] : memref<10000x128xf32, #tpu.memory_space<vmem_shared>> -> memref<10000x128xf32, #tpu.memory_space<vmem_shared>>
        tpu.enqueue_indirect_dma source(%arg15 : memref<128x128xf32, #tpu.memory_space<vmem>>) target(%dma_start3A_369 : memref<10000x128xf32, #tpu.memory_space<vmem_shared>>) offsets(%arg13 : memref<128xi32, #tpu.memory_space<vmem>>) semaphore(%run_scoped3A : memref<!tpu.dma_semaphore, #tpu.memory_space<semaphore_mem>>) {add = true}
        %dma_wait3A_370 = arith.constant 0 : i32
        %dma_wait3A_371 = arith.constant 0 : i32
        %dma_wait3A_372 = tpu.memref_slice %arg6[%dma_wait3A_370, %dma_wait3A_371] : memref<10000x128xf32, #tpu.memory_space<vmem_shared>> -> memref<10000x128xf32, #tpu.memory_space<vmem_shared>>
        tpu.wait_indirect_dma semaphore(%run_scoped3A : memref<!tpu.dma_semaphore, #tpu.memory_space<semaphore_mem>>) src(%arg15 : memref<128x128xf32, #tpu.memory_space<vmem>>) dst(%dma_wait3A_372 : memref<10000x128xf32, #tpu.memory_space<vmem_shared>>)
        tpu.yield
      }) : () -> ()
      %dma_wait3A_363 = arith.constant 0 : i32
      %dma_wait3A_364 = arith.constant 0 : i32
      %dma_wait3A_365 = tpu.memref_slice %arg2[%dma_wait3A_363, %dma_wait3A_364] : memref<20000x128xf32, #tpu.memory_space<hbm>> -> memref<20000x128xf32, #tpu.memory_space<hbm>>
      tpu.wait_indirect_dma semaphore(%arg21 : memref<!tpu.dma_semaphore, #tpu.memory_space<semaphore_mem>>) src(%dma_wait3A_365 : memref<20000x128xf32, #tpu.memory_space<hbm>>) dst(%arg20 : memref<128x128xf32, #tpu.memory_space<vmem>>)
      "tpu.region"() ({
        %run_scoped3A = tpu.sem_alloc : memref<!tpu.dma_semaphore, #tpu.memory_space<semaphore_mem>>
        %dma_start3A_367 = arith.constant 0 : i32
        %dma_start3A_368 = arith.constant 0 : i32
        %dma_start3A_369 = tpu.memref_slice %arg6[%dma_start3A_367, %dma_start3A_368] : memref<10000x128xf32, #tpu.memory_space<vmem_shared>> -> memref<10000x128xf32, #tpu.memory_space<vmem_shared>>
        tpu.enqueue_indirect_dma source(%arg20 : memref<128x128xf32, #tpu.memory_space<vmem>>) target(%dma_start3A_369 : memref<10000x128xf32, #tpu.memory_space<vmem_shared>>) offsets(%arg18 : memref<128xi32, #tpu.memory_space<vmem>>) semaphore(%run_scoped3A : memref<!tpu.dma_semaphore, #tpu.memory_space<semaphore_mem>>) {add = true}
        %dma_wait3A_370 = arith.constant 0 : i32
        %dma_wait3A_371 = arith.constant 0 : i32
        %dma_wait3A_372 = tpu.memref_slice %arg6[%dma_wait3A_370, %dma_wait3A_371] : memref<10000x128xf32, #tpu.memory_space<vmem_shared>> -> memref<10000x128xf32, #tpu.memory_space<vmem_shared>>
        tpu.wait_indirect_dma semaphore(%run_scoped3A : memref<!tpu.dma_semaphore, #tpu.memory_space<semaphore_mem>>) src(%arg20 : memref<128x128xf32, #tpu.memory_space<vmem>>) dst(%dma_wait3A_372 : memref<10000x128xf32, #tpu.memory_space<vmem_shared>>)
        tpu.yield
      }) : () -> ()
      %scan3A_366 = arith.constant 0 : i32
      scf.yield %scan3A_366 : i32
    }
    %scan3A_28 = arith.constant 52 : i32
    %lt3A = arith.constant 4 : i32
    %lt3A_29 = arith.cmpi slt, %arg1, %lt3A : i32
    %convert_element_type3A_30 = arith.extui %lt3A_29 : i1 to i32
    %cond3A_31 = arith.constant 0 : i32
    %cond3A_32 = arith.cmpi ne, %convert_element_type3A_30, %cond3A_31 : i32
    scf.if %cond3A_32 {
      %add3A_41 = arith.constant 2496 : i32
      %add3A_42 = arith.addi %add3A_41, %arg1 : i32
      %mul3A_43 = arith.constant 128 : i32
      %mul3A_44 = arith.muli %add3A_42, %mul3A_43 : i32
      "tpu.region"() ({
        %run_scoped3A = tpu.sem_alloc : memref<!tpu.dma_semaphore, #tpu.memory_space<semaphore_mem>>
        %dma_start3A_143 = tpu.memref_slice %arg3[%mul3A_44] : memref<320000xi32, #tpu.memory_space<hbm>> -> memref<128xi32, #tpu.memory_space<hbm>>
        %dma_start3A_144 = tpu.memref_slice %arg3[%mul3A_44] : memref<320000xi32, #tpu.memory_space<hbm>> -> memref<128xi32, #tpu.memory_space<hbm>>
        tpu.enqueue_dma source(%dma_start3A_144 : memref<128xi32, #tpu.memory_space<hbm>>) target(%arg7 : memref<128xi32, #tpu.memory_space<vmem>>) target_semaphore(%run_scoped3A : memref<!tpu.dma_semaphore, #tpu.memory_space<semaphore_mem>>)
        %dma_wait3A_145 = tpu.memref_slice %arg3[%mul3A_44] : memref<320000xi32, #tpu.memory_space<hbm>> -> memref<128xi32, #tpu.memory_space<hbm>>
        %dma_wait3A_146 = tpu.memref_slice %arg3[%mul3A_44] : memref<320000xi32, #tpu.memory_space<hbm>> -> memref<128xi32, #tpu.memory_space<hbm>>
        tpu.wait_dma2 semaphore(%run_scoped3A : memref<!tpu.dma_semaphore, #tpu.memory_space<semaphore_mem>>) src(%dma_wait3A_146 : memref<128xi32, #tpu.memory_space<hbm>>) dst(%arg7 : memref<128xi32, #tpu.memory_space<vmem>>)
        tpu.yield
      }) : () -> ()
      "tpu.region"() ({
        %run_scoped3A = tpu.sem_alloc : memref<!tpu.dma_semaphore, #tpu.memory_space<semaphore_mem>>
        %dma_start3A_143 = tpu.memref_slice %arg4[%mul3A_44] : memref<320000xi32, #tpu.memory_space<hbm>> -> memref<128xi32, #tpu.memory_space<hbm>>
        %dma_start3A_144 = tpu.memref_slice %arg4[%mul3A_44] : memref<320000xi32, #tpu.memory_space<hbm>> -> memref<128xi32, #tpu.memory_space<hbm>>
        tpu.enqueue_dma source(%dma_start3A_144 : memref<128xi32, #tpu.memory_space<hbm>>) target(%arg8 : memref<128xi32, #tpu.memory_space<vmem>>) target_semaphore(%run_scoped3A : memref<!tpu.dma_semaphore, #tpu.memory_space<semaphore_mem>>)
        %dma_wait3A_145 = tpu.memref_slice %arg4[%mul3A_44] : memref<320000xi32, #tpu.memory_space<hbm>> -> memref<128xi32, #tpu.memory_space<hbm>>
        %dma_wait3A_146 = tpu.memref_slice %arg4[%mul3A_44] : memref<320000xi32, #tpu.memory_space<hbm>> -> memref<128xi32, #tpu.memory_space<hbm>>
        tpu.wait_dma2 semaphore(%run_scoped3A : memref<!tpu.dma_semaphore, #tpu.memory_space<semaphore_mem>>) src(%dma_wait3A_146 : memref<128xi32, #tpu.memory_space<hbm>>) dst(%arg8 : memref<128xi32, #tpu.memory_space<vmem>>)
        tpu.yield
      }) : () -> ()
      %get3A = arith.constant 0 : index
      %get3A_45 = tpu.vector_load %arg7[%get3A] {strides = array<i32>} : memref<128xi32, #tpu.memory_space<vmem>>, vector<16xi32>,
      %get3A_46 = vector.shape_cast %get3A_45 : vector<16xi32> to vector<16xi32>
      %mul3A_47 = arith.constant 2 : i32
      %mul3A_48 = vector.broadcast %mul3A_47 : i32 to vector<16xi32>
      %mul3A_49 = arith.muli %get3A_46, %mul3A_48 : vector<16xi32>
      %add3A_50 = vector.broadcast %arg0 : i32 to vector<16xi32>
      %add3A_51 = arith.addi %mul3A_49, %add3A_50 : vector<16xi32>
      %swap3A = arith.constant 0 : index
      %swap3A_52 = tpu.vector_load %arg9[%swap3A] {strides = array<i32>} : memref<128xi32, #tpu.memory_space<vmem>>, vector<16xi32>,
      %swap3A_53 = vector.shape_cast %swap3A_52 : vector<16xi32> to vector<16xi32>
      %swap3A_54 = vector.shape_cast %add3A_51 : vector<16xi32> to vector<16xi32>
      tpu.vector_store %arg9[%swap3A], %swap3A_54 {strides = array<i32>} : memref<128xi32, #tpu.memory_space<vmem>>, vector<16xi32>,
      %get3A_55 = arith.constant 16 : index
      %get3A_56 = tpu.vector_load %arg7[%get3A_55] {strides = array<i32>} : memref<128xi32, #tpu.memory_space<vmem>>, vector<16xi32>,
      %get3A_57 = vector.shape_cast %get3A_56 : vector<16xi32> to vector<16xi32>
      %mul3A_58 = arith.constant 2 : i32
      %mul3A_59 = vector.broadcast %mul3A_58 : i32 to vector<16xi32>
      %mul3A_60 = arith.muli %get3A_57, %mul3A_59 : vector<16xi32>
      %add3A_61 = vector.broadcast %arg0 : i32 to vector<16xi32>
      %add3A_62 = arith.addi %mul3A_60, %add3A_61 : vector<16xi32>
      %swap3A_63 = arith.constant 16 : index
      %swap3A_64 = tpu.vector_load %arg9[%swap3A_63] {strides = array<i32>} : memref<128xi32, #tpu.memory_space<vmem>>, vector<16xi32>,
      %swap3A_65 = vector.shape_cast %swap3A_64 : vector<16xi32> to vector<16xi32>
      %swap3A_66 = vector.shape_cast %add3A_62 : vector<16xi32> to vector<16xi32>
      tpu.vector_store %arg9[%swap3A_63], %swap3A_66 {strides = array<i32>} : memref<128xi32, #tpu.memory_space<vmem>>, vector<16xi32>,
      %get3A_67 = arith.constant 32 : index
      %get3A_68 = tpu.vector_load %arg7[%get3A_67] {strides = array<i32>} : memref<128xi32, #tpu.memory_space<vmem>>, vector<16xi32>,
      %get3A_69 = vector.shape_cast %get3A_68 : vector<16xi32> to vector<16xi32>
      %mul3A_70 = arith.constant 2 : i32
      %mul3A_71 = vector.broadcast %mul3A_70 : i32 to vector<16xi32>
      %mul3A_72 = arith.muli %get3A_69, %mul3A_71 : vector<16xi32>
      %add3A_73 = vector.broadcast %arg0 : i32 to vector<16xi32>
      %add3A_74 = arith.addi %mul3A_72, %add3A_73 : vector<16xi32>
      %swap3A_75 = arith.constant 32 : index
      %swap3A_76 = tpu.vector_load %arg9[%swap3A_75] {strides = array<i32>} : memref<128xi32, #tpu.memory_space<vmem>>, vector<16xi32>,
      %swap3A_77 = vector.shape_cast %swap3A_76 : vector<16xi32> to vector<16xi32>
      %swap3A_78 = vector.shape_cast %add3A_74 : vector<16xi32> to vector<16xi32>
      tpu.vector_store %arg9[%swap3A_75], %swap3A_78 {strides = array<i32>} : memref<128xi32, #tpu.memory_space<vmem>>, vector<16xi32>,
      %get3A_79 = arith.constant 48 : index
      %get3A_80 = tpu.vector_load %arg7[%get3A_79] {strides = array<i32>} : memref<128xi32, #tpu.memory_space<vmem>>, vector<16xi32>,
      %get3A_81 = vector.shape_cast %get3A_80 : vector<16xi32> to vector<16xi32>
      %mul3A_82 = arith.constant 2 : i32
      %mul3A_83 = vector.broadcast %mul3A_82 : i32 to vector<16xi32>
      %mul3A_84 = arith.muli %get3A_81, %mul3A_83 : vector<16xi32>
      %add3A_85 = vector.broadcast %arg0 : i32 to vector<16xi32>
      %add3A_86 = arith.addi %mul3A_84, %add3A_85 : vector<16xi32>
      %swap3A_87 = arith.constant 48 : index
      %swap3A_88 = tpu.vector_load %arg9[%swap3A_87] {strides = array<i32>} : memref<128xi32, #tpu.memory_space<vmem>>, vector<16xi32>,
      %swap3A_89 = vector.shape_cast %swap3A_88 : vector<16xi32> to vector<16xi32>
      %swap3A_90 = vector.shape_cast %add3A_86 : vector<16xi32> to vector<16xi32>
      tpu.vector_store %arg9[%swap3A_87], %swap3A_90 {strides = array<i32>} : memref<128xi32, #tpu.memory_space<vmem>>, vector<16xi32>,
      %get3A_91 = arith.constant 64 : index
      %get3A_92 = tpu.vector_load %arg7[%get3A_91] {strides = array<i32>} : memref<128xi32, #tpu.memory_space<vmem>>, vector<16xi32>,
      %get3A_93 = vector.shape_cast %get3A_92 : vector<16xi32> to vector<16xi32>
      %mul3A_94 = arith.constant 2 : i32
      %mul3A_95 = vector.broadcast %mul3A_94 : i32 to vector<16xi32>
      %mul3A_96 = arith.muli %get3A_93, %mul3A_95 : vector<16xi32>
      %add3A_97 = vector.broadcast %arg0 : i32 to vector<16xi32>
      %add3A_98 = arith.addi %mul3A_96, %add3A_97 : vector<16xi32>
      %swap3A_99 = arith.constant 64 : index
      %swap3A_100 = tpu.vector_load %arg9[%swap3A_99] {strides = array<i32>} : memref<128xi32, #tpu.memory_space<vmem>>, vector<16xi32>,
      %swap3A_101 = vector.shape_cast %swap3A_100 : vector<16xi32> to vector<16xi32>
      %swap3A_102 = vector.shape_cast %add3A_98 : vector<16xi32> to vector<16xi32>
      tpu.vector_store %arg9[%swap3A_99], %swap3A_102 {strides = array<i32>} : memref<128xi32, #tpu.memory_space<vmem>>, vector<16xi32>,
      %get3A_103 = arith.constant 80 : index
      %get3A_104 = tpu.vector_load %arg7[%get3A_103] {strides = array<i32>} : memref<128xi32, #tpu.memory_space<vmem>>, vector<16xi32>,
      %get3A_105 = vector.shape_cast %get3A_104 : vector<16xi32> to vector<16xi32>
      %mul3A_106 = arith.constant 2 : i32
      %mul3A_107 = vector.broadcast %mul3A_106 : i32 to vector<16xi32>
      %mul3A_108 = arith.muli %get3A_105, %mul3A_107 : vector<16xi32>
      %add3A_109 = vector.broadcast %arg0 : i32 to vector<16xi32>
      %add3A_110 = arith.addi %mul3A_108, %add3A_109 : vector<16xi32>
      %swap3A_111 = arith.constant 80 : index
      %swap3A_112 = tpu.vector_load %arg9[%swap3A_111] {strides = array<i32>} : memref<128xi32, #tpu.memory_space<vmem>>, vector<16xi32>,
      %swap3A_113 = vector.shape_cast %swap3A_112 : vector<16xi32> to vector<16xi32>
      %swap3A_114 = vector.shape_cast %add3A_110 : vector<16xi32> to vector<16xi32>
      tpu.vector_store %arg9[%swap3A_111], %swap3A_114 {strides = array<i32>} : memref<128xi32, #tpu.memory_space<vmem>>, vector<16xi32>,
      %get3A_115 = arith.constant 96 : index
      %get3A_116 = tpu.vector_load %arg7[%get3A_115] {strides = array<i32>} : memref<128xi32, #tpu.memory_space<vmem>>, vector<16xi32>,
      %get3A_117 = vector.shape_cast %get3A_116 : vector<16xi32> to vector<16xi32>
      %mul3A_118 = arith.constant 2 : i32
      %mul3A_119 = vector.broadcast %mul3A_118 : i32 to vector<16xi32>
      %mul3A_120 = arith.muli %get3A_117, %mul3A_119 : vector<16xi32>
      %add3A_121 = vector.broadcast %arg0 : i32 to vector<16xi32>
      %add3A_122 = arith.addi %mul3A_120, %add3A_121 : vector<16xi32>
      %swap3A_123 = arith.constant 96 : index
      %swap3A_124 = tpu.vector_load %arg9[%swap3A_123] {strides = array<i32>} : memref<128xi32, #tpu.memory_space<vmem>>, vector<16xi32>,
      %swap3A_125 = vector.shape_cast %swap3A_124 : vector<16xi32> to vector<16xi32>
      %swap3A_126 = vector.shape_cast %add3A_122 : vector<16xi32> to vector<16xi32>
      tpu.vector_store %arg9[%swap3A_123], %swap3A_126 {strides = array<i32>} : memref<128xi32, #tpu.memory_space<vmem>>, vector<16xi32>,
      %get3A_127 = arith.constant 112 : index
      %get3A_128 = tpu.vector_load %arg7[%get3A_127] {strides = array<i32>} : memref<128xi32, #tpu.memory_space<vmem>>, vector<16xi32>,
      %get3A_129 = vector.shape_cast %get3A_128 : vector<16xi32> to vector<16xi32>
      %mul3A_130 = arith.constant 2 : i32
      %mul3A_131 = vector.broadcast %mul3A_130 : i32 to vector<16xi32>
      %mul3A_132 = arith.muli %get3A_129, %mul3A_131 : vector<16xi32>
      %add3A_133 = vector.broadcast %arg0 : i32 to vector<16xi32>
      %add3A_134 = arith.addi %mul3A_132, %add3A_133 : vector<16xi32>
      %swap3A_135 = arith.constant 112 : index
      %swap3A_136 = tpu.vector_load %arg9[%swap3A_135] {strides = array<i32>} : memref<128xi32, #tpu.memory_space<vmem>>, vector<16xi32>,
      %swap3A_137 = vector.shape_cast %swap3A_136 : vector<16xi32> to vector<16xi32>
      %swap3A_138 = vector.shape_cast %add3A_134 : vector<16xi32> to vector<16xi32>
      tpu.vector_store %arg9[%swap3A_135], %swap3A_138 {strides = array<i32>} : memref<128xi32, #tpu.memory_space<vmem>>, vector<16xi32>,
      %dma_start3A = arith.constant 0 : i32
      %dma_start3A_139 = arith.constant 0 : i32
      %dma_start3A_140 = tpu.memref_slice %arg2[%dma_start3A, %dma_start3A_139] : memref<20000x128xf32, #tpu.memory_space<hbm>> -> memref<20000x128xf32, #tpu.memory_space<hbm>>
      tpu.enqueue_indirect_dma source(%dma_start3A_140 : memref<20000x128xf32, #tpu.memory_space<hbm>>) target(%arg10 : memref<128x128xf32, #tpu.memory_space<vmem>>) offsets(%arg9 : memref<128xi32, #tpu.memory_space<vmem>>) semaphore(%arg11 : memref<!tpu.dma_semaphore, #tpu.memory_space<semaphore_mem>>)
      %dma_wait3A = arith.constant 0 : i32
      %dma_wait3A_141 = arith.constant 0 : i32
      %dma_wait3A_142 = tpu.memref_slice %arg2[%dma_wait3A, %dma_wait3A_141] : memref<20000x128xf32, #tpu.memory_space<hbm>> -> memref<20000x128xf32, #tpu.memory_space<hbm>>
      tpu.wait_indirect_dma semaphore(%arg11 : memref<!tpu.dma_semaphore, #tpu.memory_space<semaphore_mem>>) src(%dma_wait3A_142 : memref<20000x128xf32, #tpu.memory_space<hbm>>) dst(%arg10 : memref<128x128xf32, #tpu.memory_space<vmem>>)
      "tpu.region"() ({
        %run_scoped3A = tpu.sem_alloc : memref<!tpu.dma_semaphore, #tpu.memory_space<semaphore_mem>>
        %dma_start3A_143 = arith.constant 0 : i32
        %dma_start3A_144 = arith.constant 0 : i32
        %dma_start3A_145 = tpu.memref_slice %arg6[%dma_start3A_143, %dma_start3A_144] : memref<10000x128xf32, #tpu.memory_space<vmem_shared>> -> memref<10000x128xf32, #tpu.memory_space<vmem_shared>>
        tpu.enqueue_indirect_dma source(%arg10 : memref<128x128xf32, #tpu.memory_space<vmem>>) target(%dma_start3A_145 : memref<10000x128xf32, #tpu.memory_space<vmem_shared>>) offsets(%arg8 : memref<128xi32, #tpu.memory_space<vmem>>) semaphore(%run_scoped3A : memref<!tpu.dma_semaphore, #tpu.memory_space<semaphore_mem>>) {add = true}
        %dma_wait3A_146 = arith.constant 0 : i32
        %dma_wait3A_147 = arith.constant 0 : i32
        %dma_wait3A_148 = tpu.memref_slice %arg6[%dma_wait3A_146, %dma_wait3A_147] : memref<10000x128xf32, #tpu.memory_space<vmem_shared>> -> memref<10000x128xf32, #tpu.memory_space<vmem_shared>>
        tpu.wait_indirect_dma semaphore(%run_scoped3A : memref<!tpu.dma_semaphore, #tpu.memory_space<semaphore_mem>>) src(%arg10 : memref<128x128xf32, #tpu.memory_space<vmem>>) dst(%dma_wait3A_148 : memref<10000x128xf32, #tpu.memory_space<vmem_shared>>)
        tpu.yield
      }) : () -> ()
    } else {
    }
    %barrier3A_33 = arith.constant 0 : index
    tpu.barrier barrier_id(%barrier3A_33)
    %mul3A_34 = arith.constant 624 : i32
    %mul3A_35 = arith.muli %arg1, %mul3A_34 : i32
    "tpu.region"() ({
      %run_scoped3A = tpu.sem_alloc : memref<!tpu.dma_semaphore, #tpu.memory_space<semaphore_mem>>
      %dma_start3A = arith.constant 0 : i32
      %dma_start3A_41 = tpu.memref_slice %arg5[%arg0, %mul3A_35, %dma_start3A] : memref<2x10000x128xf32, #tpu.memory_space<hbm>> -> memref<1x624x128xf32, #tpu.memory_space<hbm>>
      %dma_start3A_42 = tpu.memref_squeeze %dma_start3A_41 : memref<1x624x128xf32, #tpu.memory_space<hbm>> -> memref<624x128xf32, #tpu.memory_space<hbm>>
      %dma_start3A_43 = arith.constant 0 : i32
      %dma_start3A_44 = tpu.memref_slice %arg6[%mul3A_35, %dma_start3A_43] : memref<10000x128xf32, #tpu.memory_space<vmem_shared>> -> memref<624x128xf32, #tpu.memory_space<vmem_shared>>
      tpu.enqueue_dma source(%dma_start3A_44 : memref<624x128xf32, #tpu.memory_space<vmem_shared>>) target(%dma_start3A_42 : memref<624x128xf32, #tpu.memory_space<hbm>>) target_semaphore(%run_scoped3A : memref<!tpu.dma_semaphore, #tpu.memory_space<semaphore_mem>>)
      %dma_wait3A = arith.constant 0 : i32
      %dma_wait3A_45 = tpu.memref_slice %arg5[%arg0, %mul3A_35, %dma_wait3A] : memref<2x10000x128xf32, #tpu.memory_space<hbm>> -> memref<1x624x128xf32, #tpu.memory_space<hbm>>
      %dma_wait3A_46 = tpu.memref_squeeze %dma_wait3A_45 : memref<1x624x128xf32, #tpu.memory_space<hbm>> -> memref<624x128xf32, #tpu.memory_space<hbm>>
      %dma_wait3A_47 = arith.constant 0 : i32
      %dma_wait3A_48 = tpu.memref_slice %arg6[%mul3A_35, %dma_wait3A_47] : memref<10000x128xf32, #tpu.memory_space<vmem_shared>> -> memref<624x128xf32, #tpu.memory_space<vmem_shared>>
      tpu.wait_dma2 semaphore(%run_scoped3A : memref<!tpu.dma_semaphore, #tpu.memory_space<semaphore_mem>>) src(%dma_wait3A_48 : memref<624x128xf32, #tpu.memory_space<vmem_shared>>) dst(%dma_wait3A_46 : memref<624x128xf32, #tpu.memory_space<hbm>>)
      tpu.yield
    }) : () -> ()
    %eq3A_36 = arith.constant 15 : i32
    %eq3A_37 = arith.cmpi eq, %arg1, %eq3A_36 : i32
    %convert_element_type3A_38 = arith.extui %eq3A_37 : i1 to i32
    %cond3A_39 = arith.constant 0 : i32
    %cond3A_40 = arith.cmpi ne, %convert_element_type3A_38, %cond3A_39 : i32
    scf.if %cond3A_40 {
      "tpu.region"() ({
        %run_scoped3A = tpu.sem_alloc : memref<!tpu.dma_semaphore, #tpu.memory_space<semaphore_mem>>
        %dma_start3A = arith.constant 9984 : i32
        %dma_start3A_41 = arith.constant 0 : i32
        %dma_start3A_42 = tpu.memref_slice %arg5[%arg0, %dma_start3A, %dma_start3A_41] : memref<2x10000x128xf32, #tpu.memory_space<hbm>> -> memref<1x16x128xf32, #tpu.memory_space<hbm>>
        %dma_start3A_43 = tpu.memref_squeeze %dma_start3A_42 : memref<1x16x128xf32, #tpu.memory_space<hbm>> -> memref<16x128xf32, #tpu.memory_space<hbm>>
        %dma_start3A_44 = arith.constant 9984 : i32
        %dma_start3A_45 = arith.constant 0 : i32
        %dma_start3A_46 = tpu.memref_slice %arg6[%dma_start3A_44, %dma_start3A_45] : memref<10000x128xf32, #tpu.memory_space<vmem_shared>> -> memref<16x128xf32, #tpu.memory_space<vmem_shared>>
        tpu.enqueue_dma source(%dma_start3A_46 : memref<16x128xf32, #tpu.memory_space<vmem_shared>>) target(%dma_start3A_43 : memref<16x128xf32, #tpu.memory_space<hbm>>) target_semaphore(%run_scoped3A : memref<!tpu.dma_semaphore, #tpu.memory_space<semaphore_mem>>)
        %dma_wait3A = arith.constant 9984 : i32
        %dma_wait3A_47 = arith.constant 0 : i32
        %dma_wait3A_48 = tpu.memref_slice %arg5[%arg0, %dma_wait3A, %dma_wait3A_47] : memref<2x10000x128xf32, #tpu.memory_space<hbm>> -> memref<1x16x128xf32, #tpu.memory_space<hbm>>
        %dma_wait3A_49 = tpu.memref_squeeze %dma_wait3A_48 : memref<1x16x128xf32, #tpu.memory_space<hbm>> -> memref<16x128xf32, #tpu.memory_space<hbm>>
        %dma_wait3A_50 = arith.constant 9984 : i32
        %dma_wait3A_51 = arith.constant 0 : i32
        %dma_wait3A_52 = tpu.memref_slice %arg6[%dma_wait3A_50, %dma_wait3A_51] : memref<10000x128xf32, #tpu.memory_space<vmem_shared>> -> memref<16x128xf32, #tpu.memory_space<vmem_shared>>
        tpu.wait_dma2 semaphore(%run_scoped3A : memref<!tpu.dma_semaphore, #tpu.memory_space<semaphore_mem>>) src(%dma_wait3A_52 : memref<16x128xf32, #tpu.memory_space<vmem_shared>>) dst(%dma_wait3A_49 : memref<16x128xf32, #tpu.memory_space<hbm>>)
        tpu.yield
      }) : () -> ()
    } else {
    }
    return
  }
}

module attributes {stable_mosaic.version = 14 : i64} {
  func.func @_mid_body(%arg0: i32, %arg1: memref<2x2000x128xf32, #tpu.memory_space<vmem>>, %arg2: memref<2000x256xf32, #tpu.memory_space<vmem>>, %arg3: memref<2x2000x16xf32, #tpu.memory_space<vmem>>, %arg4: memref<256xf32, #tpu.memory_space<vmem>>, %arg5: memref<256xf32, #tpu.memory_space<vmem>>, %arg6: memref<256xf32, #tpu.memory_space<vmem>>, %arg7: memref<256x256xf32, #tpu.memory_space<vmem>>, %arg8: memref<2000x256xf32, #tpu.memory_space<vmem>>, %arg9: memref<2000x256xf32, #tpu.memory_space<vmem>>) attributes {dimension_semantics = [#tpu.dimension_semantics<arbitrary>], iteration_bounds = array<i64: 5>, scalar_prefetch = 0 : i64, scratch_operands = 0 : i64, tpu.core_type = #tpu.core_type<tc>, window_params = [{transform_indices = @transform_0, window_bounds = array<i64: 2, 2000, 128>}, {transform_indices = @transform_1, window_bounds = array<i64: 2000, 256>}, {transform_indices = @transform_2, window_bounds = array<i64: 2, 2000, 16>}, {pipeline_mode = #tpu.pipeline_mode<synchronous>, transform_indices = @transform_3, window_bounds = array<i64: 256>}, {pipeline_mode = #tpu.pipeline_mode<synchronous>, transform_indices = @transform_4, window_bounds = array<i64: 256>}, {pipeline_mode = #tpu.pipeline_mode<synchronous>, transform_indices = @transform_5, window_bounds = array<i64: 256>}, {pipeline_mode = #tpu.pipeline_mode<synchronous>, transform_indices = @transform_6, window_bounds = array<i64: 256, 256>}, {transform_indices = @transform_7, window_bounds = array<i64: 2000, 256>}, {transform_indices = @transform_8, window_bounds = array<i64: 2000, 256>}]} {
    %get3A = arith.constant 0 : index
    %get3A_0 = arith.constant 0 : index
    %get3A_1 = arith.constant 0 : index
    %get3A_2 = vector.load %arg3[%get3A, %get3A_0, %get3A_1] : memref<2x2000x16xf32, #tpu.memory_space<vmem>>, vector<1x2000x16xf32>
    %get3A_3 = vector.shape_cast %get3A_2 : vector<1x2000x16xf32> to vector<2000x16xf32>
    %slice3A = vector.extract_strided_slice %get3A_3 {offsets = [0, 0], sizes = [2000, 1], strides = [1, 1]} : vector<2000x16xf32> to vector<2000x1xf32>
    %get3A_4 = arith.constant 1 : index
    %get3A_5 = arith.constant 0 : index
    %get3A_6 = arith.constant 0 : index
    %get3A_7 = vector.load %arg3[%get3A_4, %get3A_5, %get3A_6] : memref<2x2000x16xf32, #tpu.memory_space<vmem>>, vector<1x2000x16xf32>
    %get3A_8 = vector.shape_cast %get3A_7 : vector<1x2000x16xf32> to vector<2000x16xf32>
    %slice3A_9 = vector.extract_strided_slice %get3A_8 {offsets = [0, 0], sizes = [2000, 1], strides = [1, 1]} : vector<2000x16xf32> to vector<2000x1xf32>
    %add3A = arith.addf %slice3A, %slice3A_9 : vector<2000x1xf32>
    %add3A_10 = arith.constant 1.000000e+00 : f32
    %add3A_11 = vector.broadcast %add3A_10 : f32 to vector<2000x1xf32>
    %add3A_12 = arith.addf %add3A, %add3A_11 : vector<2000x1xf32>
    %rsqrt3A = math.rsqrt %add3A_12 : vector<2000x1xf32>
    %get3A_13 = arith.constant 0 : index
    %get3A_14 = vector.load %arg4[%get3A_13] : memref<256xf32, #tpu.memory_space<vmem>>, vector<256xf32>
    %broadcast_in_dim3A = vector.shape_cast %get3A_14 : vector<256xf32> to vector<1x256xf32>
    %sqrt3A = arith.constant 1.000010e+00 : f32
    %sqrt3A_15 = math.sqrt %sqrt3A : f32
    %div3A = vector.broadcast %sqrt3A_15 : f32 to vector<1x256xf32>
    %div3A_16 = arith.divf %broadcast_in_dim3A, %div3A : vector<1x256xf32>
    %get3A_17 = arith.constant 0 : index
    %get3A_18 = vector.load %arg5[%get3A_17] : memref<256xf32, #tpu.memory_space<vmem>>, vector<256xf32>
    %broadcast_in_dim3A_19 = vector.shape_cast %get3A_18 : vector<256xf32> to vector<1x256xf32>
    %mul3A = arith.mulf %broadcast_in_dim3A_19, %div3A_16 : vector<1x256xf32>
    %get3A_20 = arith.constant 0 : index
    %get3A_21 = vector.load %arg6[%get3A_20] : memref<256xf32, #tpu.memory_space<vmem>>, vector<256xf32>
    %broadcast_in_dim3A_22 = vector.shape_cast %get3A_21 : vector<256xf32> to vector<1x256xf32>
    %add3A_23 = arith.addf %mul3A, %broadcast_in_dim3A_22 : vector<1x256xf32>
    %get3A_24 = arith.constant 0 : index
    %get3A_25 = arith.constant 0 : index
    %get3A_26 = arith.constant 0 : index
    %get3A_27 = vector.load %arg1[%get3A_24, %get3A_25, %get3A_26] : memref<2x2000x128xf32, #tpu.memory_space<vmem>>, vector<1x2000x128xf32>
    %get3A_28 = vector.shape_cast %get3A_27 : vector<1x2000x128xf32> to vector<2000x128xf32>
    %get3A_29 = arith.constant 1 : index
    %get3A_30 = arith.constant 0 : index
    %get3A_31 = arith.constant 0 : index
    %get3A_32 = vector.load %arg1[%get3A_29, %get3A_30, %get3A_31] : memref<2x2000x128xf32, #tpu.memory_space<vmem>>, vector<1x2000x128xf32>
    %get3A_33 = vector.shape_cast %get3A_32 : vector<1x2000x128xf32> to vector<2000x128xf32>
    %concatenate3A = tpu.concatenate %get3A_28, %get3A_33 in 1 : vector<2000x128xf32>, vector<2000x128xf32> -> vector<2000x256xf32>
    %get3A_34 = arith.constant 0 : index
    %get3A_35 = arith.constant 0 : index
    %get3A_36 = vector.load %arg2[%get3A_34, %get3A_35] : memref<2000x256xf32, #tpu.memory_space<vmem>>, vector<2000x256xf32>
    %add3A_37 = arith.addf %concatenate3A, %get3A_36 : vector<2000x256xf32>
    %mul3A_38 = vector.broadcast %rsqrt3A : vector<2000x1xf32> to vector<2000x256xf32>
    %mul3A_39 = arith.mulf %add3A_37, %mul3A_38 : vector<2000x256xf32>
    %mul3A_40 = vector.broadcast %div3A_16 : vector<1x256xf32> to vector<2000x256xf32>
    %mul3A_41 = arith.mulf %mul3A_39, %mul3A_40 : vector<2000x256xf32>
    %add3A_42 = vector.broadcast %add3A_23 : vector<1x256xf32> to vector<2000x256xf32>
    %add3A_43 = arith.addf %mul3A_41, %add3A_42 : vector<2000x256xf32>
    %max3A = arith.constant 0.000000e+00 : f32
    %max3A_44 = vector.broadcast %max3A : f32 to vector<2000x256xf32>
    %max3A_45 = arith.maximumf %add3A_43, %max3A_44 : vector<2000x256xf32>
    %swap3A = arith.constant 0 : index
    %swap3A_46 = arith.constant 0 : index
    %swap3A_47 = vector.load %arg8[%swap3A, %swap3A_46] : memref<2000x256xf32, #tpu.memory_space<vmem>>, vector<2000x256xf32>
    tpu.vector_store %arg8[%swap3A, %swap3A_46], %max3A_45 {strides = array<i32>} : memref<2000x256xf32, #tpu.memory_space<vmem>>, vector<2000x256xf32>,
    %get3A_48 = arith.constant 0 : index
    %get3A_49 = arith.constant 0 : index
    %get3A_50 = vector.load %arg7[%get3A_48, %get3A_49] : memref<256x256xf32, #tpu.memory_space<vmem>>, vector<256x256xf32>
    %dot_general3A = arith.constant dense<0.000000e+00> : vector<2000x256xf32>
    %dot_general3A_51 = tpu.matmul %max3A_45, %get3A_50, %dot_general3A {dimension_numbers = #tpu.dot_dimension_numbers<[1], [0], [0], [1], [0, 0, 1, 1], [], []>, transpose_lhs_hint = false} : vector<2000x256xf32>, vector<256x256xf32>, vector<2000x256xf32> -> vector<2000x256xf32>
    %mul3A_52 = vector.broadcast %rsqrt3A : vector<2000x1xf32> to vector<2000x256xf32>
    %mul3A_53 = arith.mulf %dot_general3A_51, %mul3A_52 : vector<2000x256xf32>
    %swap3A_54 = arith.constant 0 : index
    %swap3A_55 = arith.constant 0 : index
    %swap3A_56 = vector.load %arg9[%swap3A_54, %swap3A_55] : memref<2000x256xf32, #tpu.memory_space<vmem>>, vector<2000x256xf32>
    tpu.vector_store %arg9[%swap3A_54, %swap3A_55], %mul3A_53 {strides = array<i32>} : memref<2000x256xf32, #tpu.memory_space<vmem>>, vector<2000x256xf32>,
    return
  }
  func.func @transform_0(%arg0: i32) -> (i32, i32, i32) {
    %c0_i32 = arith.constant 0 : i32
    %c0_i32_0 = arith.constant 0 : i32
    %c0_i32_1 = arith.constant 0 : i32
    return %c0_i32, %arg0, %c0_i32_0 : i32, i32, i32
  }
  func.func @transform_1(%arg0: i32) -> (i32, i32) {
    %c0_i32 = arith.constant 0 : i32
    %c0_i32_0 = arith.constant 0 : i32
    return %arg0, %c0_i32 : i32, i32
  }
  func.func @transform_2(%arg0: i32) -> (i32, i32, i32) {
    %c0_i32 = arith.constant 0 : i32
    %c0_i32_0 = arith.constant 0 : i32
    %c0_i32_1 = arith.constant 0 : i32
    return %c0_i32, %arg0, %c0_i32_0 : i32, i32, i32
  }
  func.func @transform_3(%arg0: i32) -> i32 {
    %c0_i32 = arith.constant 0 : i32
    %c0_i32_0 = arith.constant 0 : i32
    return %c0_i32 : i32
  }
  func.func @transform_4(%arg0: i32) -> i32 {
    %c0_i32 = arith.constant 0 : i32
    %c0_i32_0 = arith.constant 0 : i32
    return %c0_i32 : i32
  }
  func.func @transform_5(%arg0: i32) -> i32 {
    %c0_i32 = arith.constant 0 : i32
    %c0_i32_0 = arith.constant 0 : i32
    return %c0_i32 : i32
  }
  func.func @transform_6(%arg0: i32) -> (i32, i32) {
    %c0_i32 = arith.constant 0 : i32
    %c0_i32_0 = arith.constant 0 : i32
    %c0_i32_1 = arith.constant 0 : i32
    return %c0_i32, %c0_i32_0 : i32, i32
  }
  func.func @transform_7(%arg0: i32) -> (i32, i32) {
    %c0_i32 = arith.constant 0 : i32
    %c0_i32_0 = arith.constant 0 : i32
    return %arg0, %c0_i32 : i32, i32
  }
  func.func @transform_8(%arg0: i32) -> (i32, i32) {
    %c0_i32 = arith.constant 0 : i32
    %c0_i32_0 = arith.constant 0 : i32
    return %arg0, %c0_i32 : i32, i32
  }
}

module attributes {stable_mosaic.version = 14 : i64} {
  func.func @_k0_body(%arg0: i32, %arg1: memref<2000x128xf32, #tpu.memory_space<vmem>>, %arg2: memref<128x256xf32, #tpu.memory_space<vmem>>, %arg3: memref<2x2000x16xf32, #tpu.memory_space<vmem>>, %arg4: memref<2000x256xf32, #tpu.memory_space<vmem>>) attributes {dimension_semantics = [#tpu.dimension_semantics<arbitrary>], iteration_bounds = array<i64: 5>, scalar_prefetch = 0 : i64, scratch_operands = 0 : i64, tpu.core_type = #tpu.core_type<tc>, window_params = [{transform_indices = @transform_0, window_bounds = array<i64: 2000, 128>}, {pipeline_mode = #tpu.pipeline_mode<synchronous>, transform_indices = @transform_1, window_bounds = array<i64: 128, 256>}, {transform_indices = @transform_2, window_bounds = array<i64: 2, 2000, 16>}, {transform_indices = @transform_3, window_bounds = array<i64: 2000, 256>}]} {
    %get3A = arith.constant 0 : index
    %get3A_0 = arith.constant 0 : index
    %get3A_1 = arith.constant 0 : index
    %get3A_2 = vector.load %arg3[%get3A, %get3A_0, %get3A_1] : memref<2x2000x16xf32, #tpu.memory_space<vmem>>, vector<1x2000x16xf32>
    %get3A_3 = vector.shape_cast %get3A_2 : vector<1x2000x16xf32> to vector<2000x16xf32>
    %slice3A = vector.extract_strided_slice %get3A_3 {offsets = [0, 0], sizes = [2000, 1], strides = [1, 1]} : vector<2000x16xf32> to vector<2000x1xf32>
    %get3A_4 = arith.constant 1 : index
    %get3A_5 = arith.constant 0 : index
    %get3A_6 = arith.constant 0 : index
    %get3A_7 = vector.load %arg3[%get3A_4, %get3A_5, %get3A_6] : memref<2x2000x16xf32, #tpu.memory_space<vmem>>, vector<1x2000x16xf32>
    %get3A_8 = vector.shape_cast %get3A_7 : vector<1x2000x16xf32> to vector<2000x16xf32>
    %slice3A_9 = vector.extract_strided_slice %get3A_8 {offsets = [0, 0], sizes = [2000, 1], strides = [1, 1]} : vector<2000x16xf32> to vector<2000x1xf32>
    %add3A = arith.addf %slice3A, %slice3A_9 : vector<2000x1xf32>
    %add3A_10 = arith.constant 1.000000e+00 : f32
    %add3A_11 = vector.broadcast %add3A_10 : f32 to vector<2000x1xf32>
    %add3A_12 = arith.addf %add3A, %add3A_11 : vector<2000x1xf32>
    %rsqrt3A = math.rsqrt %add3A_12 : vector<2000x1xf32>
    %get3A_13 = arith.constant 0 : index
    %get3A_14 = arith.constant 0 : index
    %get3A_15 = vector.load %arg1[%get3A_13, %get3A_14] : memref<2000x128xf32, #tpu.memory_space<vmem>>, vector<2000x128xf32>
    %get3A_16 = arith.constant 0 : index
    %get3A_17 = arith.constant 0 : index
    %get3A_18 = vector.load %arg2[%get3A_16, %get3A_17] : memref<128x256xf32, #tpu.memory_space<vmem>>, vector<128x256xf32>
    %dot_general3A = arith.constant dense<0.000000e+00> : vector<2000x256xf32>
    %dot_general3A_19 = tpu.matmul %get3A_15, %get3A_18, %dot_general3A {dimension_numbers = #tpu.dot_dimension_numbers<[1], [0], [0], [1], [0, 0, 1, 1], [], []>, transpose_lhs_hint = false} : vector<2000x128xf32>, vector<128x256xf32>, vector<2000x256xf32> -> vector<2000x256xf32>
    %mul3A = vector.broadcast %rsqrt3A : vector<2000x1xf32> to vector<2000x256xf32>
    %mul3A_20 = arith.mulf %dot_general3A_19, %mul3A : vector<2000x256xf32>
    %swap3A = arith.constant 0 : index
    %swap3A_21 = arith.constant 0 : index
    %swap3A_22 = vector.load %arg4[%swap3A, %swap3A_21] : memref<2000x256xf32, #tpu.memory_space<vmem>>, vector<2000x256xf32>
    tpu.vector_store %arg4[%swap3A, %swap3A_21], %mul3A_20 {strides = array<i32>} : memref<2000x256xf32, #tpu.memory_space<vmem>>, vector<2000x256xf32>,
    return
  }
  func.func @transform_0(%arg0: i32) -> (i32, i32) {
    %c0_i32 = arith.constant 0 : i32
    %c0_i32_0 = arith.constant 0 : i32
    return %arg0, %c0_i32 : i32, i32
  }
  func.func @transform_1(%arg0: i32) -> (i32, i32) {
    %c0_i32 = arith.constant 0 : i32
    %c0_i32_0 = arith.constant 0 : i32
    %c0_i32_1 = arith.constant 0 : i32
    return %c0_i32, %c0_i32_0 : i32, i32
  }
  func.func @transform_2(%arg0: i32) -> (i32, i32, i32) {
    %c0_i32 = arith.constant 0 : i32
    %c0_i32_0 = arith.constant 0 : i32
    %c0_i32_1 = arith.constant 0 : i32
    return %c0_i32, %arg0, %c0_i32_0 : i32, i32, i32
  }
  func.func @transform_3(%arg0: i32) -> (i32, i32) {
    %c0_i32 = arith.constant 0 : i32
    %c0_i32_0 = arith.constant 0 : i32
    return %arg0, %c0_i32 : i32, i32
  }
}

module attributes {stable_mosaic.version = 14 : i64} {
  func.func @_mid_body(%arg0: i32, %arg1: memref<2x2000x128xf32, #tpu.memory_space<vmem>>, %arg2: memref<2000x256xf32, #tpu.memory_space<vmem>>, %arg3: memref<2x2000x16xf32, #tpu.memory_space<vmem>>, %arg4: memref<256xf32, #tpu.memory_space<vmem>>, %arg5: memref<256xf32, #tpu.memory_space<vmem>>, %arg6: memref<256xf32, #tpu.memory_space<vmem>>, %arg7: memref<2000x256xf32, #tpu.memory_space<vmem>>, %arg8: memref<256x256xf32, #tpu.memory_space<vmem>>, %arg9: memref<2000x256xf32, #tpu.memory_space<vmem>>, %arg10: memref<2000x256xf32, #tpu.memory_space<vmem>>) attributes {dimension_semantics = [#tpu.dimension_semantics<arbitrary>], iteration_bounds = array<i64: 5>, scalar_prefetch = 0 : i64, scratch_operands = 0 : i64, tpu.core_type = #tpu.core_type<tc>, window_params = [{transform_indices = @transform_0, window_bounds = array<i64: 2, 2000, 128>}, {transform_indices = @transform_1, window_bounds = array<i64: 2000, 256>}, {transform_indices = @transform_2, window_bounds = array<i64: 2, 2000, 16>}, {pipeline_mode = #tpu.pipeline_mode<synchronous>, transform_indices = @transform_3, window_bounds = array<i64: 256>}, {pipeline_mode = #tpu.pipeline_mode<synchronous>, transform_indices = @transform_4, window_bounds = array<i64: 256>}, {pipeline_mode = #tpu.pipeline_mode<synchronous>, transform_indices = @transform_5, window_bounds = array<i64: 256>}, {transform_indices = @transform_6, window_bounds = array<i64: 2000, 256>}, {pipeline_mode = #tpu.pipeline_mode<synchronous>, transform_indices = @transform_7, window_bounds = array<i64: 256, 256>}, {transform_indices = @transform_8, window_bounds = array<i64: 2000, 256>}, {transform_indices = @transform_9, window_bounds = array<i64: 2000, 256>}]} {
    %get3A = arith.constant 0 : index
    %get3A_0 = arith.constant 0 : index
    %get3A_1 = arith.constant 0 : index
    %get3A_2 = vector.load %arg3[%get3A, %get3A_0, %get3A_1] : memref<2x2000x16xf32, #tpu.memory_space<vmem>>, vector<1x2000x16xf32>
    %get3A_3 = vector.shape_cast %get3A_2 : vector<1x2000x16xf32> to vector<2000x16xf32>
    %slice3A = vector.extract_strided_slice %get3A_3 {offsets = [0, 0], sizes = [2000, 1], strides = [1, 1]} : vector<2000x16xf32> to vector<2000x1xf32>
    %get3A_4 = arith.constant 1 : index
    %get3A_5 = arith.constant 0 : index
    %get3A_6 = arith.constant 0 : index
    %get3A_7 = vector.load %arg3[%get3A_4, %get3A_5, %get3A_6] : memref<2x2000x16xf32, #tpu.memory_space<vmem>>, vector<1x2000x16xf32>
    %get3A_8 = vector.shape_cast %get3A_7 : vector<1x2000x16xf32> to vector<2000x16xf32>
    %slice3A_9 = vector.extract_strided_slice %get3A_8 {offsets = [0, 0], sizes = [2000, 1], strides = [1, 1]} : vector<2000x16xf32> to vector<2000x1xf32>
    %add3A = arith.addf %slice3A, %slice3A_9 : vector<2000x1xf32>
    %add3A_10 = arith.constant 1.000000e+00 : f32
    %add3A_11 = vector.broadcast %add3A_10 : f32 to vector<2000x1xf32>
    %add3A_12 = arith.addf %add3A, %add3A_11 : vector<2000x1xf32>
    %rsqrt3A = math.rsqrt %add3A_12 : vector<2000x1xf32>
    %get3A_13 = arith.constant 0 : index
    %get3A_14 = vector.load %arg4[%get3A_13] : memref<256xf32, #tpu.memory_space<vmem>>, vector<256xf32>
    %broadcast_in_dim3A = vector.shape_cast %get3A_14 : vector<256xf32> to vector<1x256xf32>
    %sqrt3A = arith.constant 1.000010e+00 : f32
    %sqrt3A_15 = math.sqrt %sqrt3A : f32
    %div3A = vector.broadcast %sqrt3A_15 : f32 to vector<1x256xf32>
    %div3A_16 = arith.divf %broadcast_in_dim3A, %div3A : vector<1x256xf32>
    %get3A_17 = arith.constant 0 : index
    %get3A_18 = vector.load %arg5[%get3A_17] : memref<256xf32, #tpu.memory_space<vmem>>, vector<256xf32>
    %broadcast_in_dim3A_19 = vector.shape_cast %get3A_18 : vector<256xf32> to vector<1x256xf32>
    %mul3A = arith.mulf %broadcast_in_dim3A_19, %div3A_16 : vector<1x256xf32>
    %get3A_20 = arith.constant 0 : index
    %get3A_21 = vector.load %arg6[%get3A_20] : memref<256xf32, #tpu.memory_space<vmem>>, vector<256xf32>
    %broadcast_in_dim3A_22 = vector.shape_cast %get3A_21 : vector<256xf32> to vector<1x256xf32>
    %add3A_23 = arith.addf %mul3A, %broadcast_in_dim3A_22 : vector<1x256xf32>
    %get3A_24 = arith.constant 0 : index
    %get3A_25 = arith.constant 0 : index
    %get3A_26 = arith.constant 0 : index
    %get3A_27 = vector.load %arg1[%get3A_24, %get3A_25, %get3A_26] : memref<2x2000x128xf32, #tpu.memory_space<vmem>>, vector<1x2000x128xf32>
    %get3A_28 = vector.shape_cast %get3A_27 : vector<1x2000x128xf32> to vector<2000x128xf32>
    %get3A_29 = arith.constant 1 : index
    %get3A_30 = arith.constant 0 : index
    %get3A_31 = arith.constant 0 : index
    %get3A_32 = vector.load %arg1[%get3A_29, %get3A_30, %get3A_31] : memref<2x2000x128xf32, #tpu.memory_space<vmem>>, vector<1x2000x128xf32>
    %get3A_33 = vector.shape_cast %get3A_32 : vector<1x2000x128xf32> to vector<2000x128xf32>
    %concatenate3A = tpu.concatenate %get3A_28, %get3A_33 in 1 : vector<2000x128xf32>, vector<2000x128xf32> -> vector<2000x256xf32>
    %get3A_34 = arith.constant 0 : index
    %get3A_35 = arith.constant 0 : index
    %get3A_36 = vector.load %arg2[%get3A_34, %get3A_35] : memref<2000x256xf32, #tpu.memory_space<vmem>>, vector<2000x256xf32>
    %add3A_37 = arith.addf %concatenate3A, %get3A_36 : vector<2000x256xf32>
    %mul3A_38 = vector.broadcast %rsqrt3A : vector<2000x1xf32> to vector<2000x256xf32>
    %mul3A_39 = arith.mulf %add3A_37, %mul3A_38 : vector<2000x256xf32>
    %mul3A_40 = vector.broadcast %div3A_16 : vector<1x256xf32> to vector<2000x256xf32>
    %mul3A_41 = arith.mulf %mul3A_39, %mul3A_40 : vector<2000x256xf32>
    %add3A_42 = vector.broadcast %add3A_23 : vector<1x256xf32> to vector<2000x256xf32>
    %add3A_43 = arith.addf %mul3A_41, %add3A_42 : vector<2000x256xf32>
    %max3A = arith.constant 0.000000e+00 : f32
    %max3A_44 = vector.broadcast %max3A : f32 to vector<2000x256xf32>
    %max3A_45 = arith.maximumf %add3A_43, %max3A_44 : vector<2000x256xf32>
    %get3A_46 = arith.constant 0 : index
    %get3A_47 = arith.constant 0 : index
    %get3A_48 = vector.load %arg7[%get3A_46, %get3A_47] : memref<2000x256xf32, #tpu.memory_space<vmem>>, vector<2000x256xf32>
    %add3A_49 = arith.addf %max3A_45, %get3A_48 : vector<2000x256xf32>
    %swap3A = arith.constant 0 : index
    %swap3A_50 = arith.constant 0 : index
    %swap3A_51 = vector.load %arg9[%swap3A, %swap3A_50] : memref<2000x256xf32, #tpu.memory_space<vmem>>, vector<2000x256xf32>
    tpu.vector_store %arg9[%swap3A, %swap3A_50], %add3A_49 {strides = array<i32>} : memref<2000x256xf32, #tpu.memory_space<vmem>>, vector<2000x256xf32>,
    %get3A_52 = arith.constant 0 : index
    %get3A_53 = arith.constant 0 : index
    %get3A_54 = vector.load %arg8[%get3A_52, %get3A_53] : memref<256x256xf32, #tpu.memory_space<vmem>>, vector<256x256xf32>
    %dot_general3A = arith.constant dense<0.000000e+00> : vector<2000x256xf32>
    %dot_general3A_55 = tpu.matmul %add3A_49, %get3A_54, %dot_general3A {dimension_numbers = #tpu.dot_dimension_numbers<[1], [0], [0], [1], [0, 0, 1, 1], [], []>, transpose_lhs_hint = false} : vector<2000x256xf32>, vector<256x256xf32>, vector<2000x256xf32> -> vector<2000x256xf32>
    %mul3A_56 = vector.broadcast %rsqrt3A : vector<2000x1xf32> to vector<2000x256xf32>
    %mul3A_57 = arith.mulf %dot_general3A_55, %mul3A_56 : vector<2000x256xf32>
    %swap3A_58 = arith.constant 0 : index
    %swap3A_59 = arith.constant 0 : index
    %swap3A_60 = vector.load %arg10[%swap3A_58, %swap3A_59] : memref<2000x256xf32, #tpu.memory_space<vmem>>, vector<2000x256xf32>
    tpu.vector_store %arg10[%swap3A_58, %swap3A_59], %mul3A_57 {strides = array<i32>} : memref<2000x256xf32, #tpu.memory_space<vmem>>, vector<2000x256xf32>,
    return
  }
  func.func @transform_0(%arg0: i32) -> (i32, i32, i32) {
    %c0_i32 = arith.constant 0 : i32
    %c0_i32_0 = arith.constant 0 : i32
    %c0_i32_1 = arith.constant 0 : i32
    return %c0_i32, %arg0, %c0_i32_0 : i32, i32, i32
  }
  func.func @transform_1(%arg0: i32) -> (i32, i32) {
    %c0_i32 = arith.constant 0 : i32
    %c0_i32_0 = arith.constant 0 : i32
    return %arg0, %c0_i32 : i32, i32
  }
  func.func @transform_2(%arg0: i32) -> (i32, i32, i32) {
    %c0_i32 = arith.constant 0 : i32
    %c0_i32_0 = arith.constant 0 : i32
    %c0_i32_1 = arith.constant 0 : i32
    return %c0_i32, %arg0, %c0_i32_0 : i32, i32, i32
  }
  func.func @transform_3(%arg0: i32) -> i32 {
    %c0_i32 = arith.constant 0 : i32
    %c0_i32_0 = arith.constant 0 : i32
    return %c0_i32 : i32
  }
  func.func @transform_4(%arg0: i32) -> i32 {
    %c0_i32 = arith.constant 0 : i32
    %c0_i32_0 = arith.constant 0 : i32
    return %c0_i32 : i32
  }
  func.func @transform_5(%arg0: i32) -> i32 {
    %c0_i32 = arith.constant 0 : i32
    %c0_i32_0 = arith.constant 0 : i32
    return %c0_i32 : i32
  }
  func.func @transform_6(%arg0: i32) -> (i32, i32) {
    %c0_i32 = arith.constant 0 : i32
    %c0_i32_0 = arith.constant 0 : i32
    return %arg0, %c0_i32 : i32, i32
  }
  func.func @transform_7(%arg0: i32) -> (i32, i32) {
    %c0_i32 = arith.constant 0 : i32
    %c0_i32_0 = arith.constant 0 : i32
    %c0_i32_1 = arith.constant 0 : i32
    return %c0_i32, %c0_i32_0 : i32, i32
  }
  func.func @transform_8(%arg0: i32) -> (i32, i32) {
    %c0_i32 = arith.constant 0 : i32
    %c0_i32_0 = arith.constant 0 : i32
    return %arg0, %c0_i32 : i32, i32
  }
  func.func @transform_9(%arg0: i32) -> (i32, i32) {
    %c0_i32 = arith.constant 0 : i32
    %c0_i32_0 = arith.constant 0 : i32
    return %arg0, %c0_i32 : i32, i32
  }
}

module attributes {stable_mosaic.version = 14 : i64} {
  func.func @_fin_body(%arg0: i32, %arg1: memref<2x2000x128xf32, #tpu.memory_space<vmem>>, %arg2: memref<2000x256xf32, #tpu.memory_space<vmem>>, %arg3: memref<2x2000x16xf32, #tpu.memory_space<vmem>>, %arg4: memref<256xf32, #tpu.memory_space<vmem>>, %arg5: memref<256xf32, #tpu.memory_space<vmem>>, %arg6: memref<256xf32, #tpu.memory_space<vmem>>, %arg7: memref<2000x256xf32, #tpu.memory_space<vmem>>, %arg8: memref<256x10xf32, #tpu.memory_space<vmem>>, %arg9: memref<10xf32, #tpu.memory_space<vmem>>, %arg10: memref<1x256xf32, #tpu.memory_space<vmem>>, %arg11: memref<1x10xf32, #tpu.memory_space<vmem>>) attributes {dimension_semantics = [#tpu.dimension_semantics<arbitrary>], iteration_bounds = array<i64: 5>, scalar_prefetch = 0 : i64, scratch_operands = 0 : i64, tpu.core_type = #tpu.core_type<tc>, window_params = [{transform_indices = @transform_0, window_bounds = array<i64: 2, 2000, 128>}, {transform_indices = @transform_1, window_bounds = array<i64: 2000, 256>}, {transform_indices = @transform_2, window_bounds = array<i64: 2, 2000, 16>}, {pipeline_mode = #tpu.pipeline_mode<synchronous>, transform_indices = @transform_3, window_bounds = array<i64: 256>}, {pipeline_mode = #tpu.pipeline_mode<synchronous>, transform_indices = @transform_4, window_bounds = array<i64: 256>}, {pipeline_mode = #tpu.pipeline_mode<synchronous>, transform_indices = @transform_5, window_bounds = array<i64: 256>}, {transform_indices = @transform_6, window_bounds = array<i64: 2000, 256>}, {pipeline_mode = #tpu.pipeline_mode<synchronous>, transform_indices = @transform_7, window_bounds = array<i64: 256, 10>}, {pipeline_mode = #tpu.pipeline_mode<synchronous>, transform_indices = @transform_8, window_bounds = array<i64: 10>}, {pipeline_mode = #tpu.pipeline_mode<synchronous>, transform_indices = @transform_9, window_bounds = array<i64: 1, 256>}, {pipeline_mode = #tpu.pipeline_mode<synchronous>, transform_indices = @transform_10, window_bounds = array<i64: 1, 10>}]} {
    %get3A = arith.constant 0 : index
    %get3A_0 = arith.constant 0 : index
    %get3A_1 = arith.constant 0 : index
    %get3A_2 = vector.load %arg3[%get3A, %get3A_0, %get3A_1] : memref<2x2000x16xf32, #tpu.memory_space<vmem>>, vector<1x2000x16xf32>
    %get3A_3 = vector.shape_cast %get3A_2 : vector<1x2000x16xf32> to vector<2000x16xf32>
    %slice3A = vector.extract_strided_slice %get3A_3 {offsets = [0, 0], sizes = [2000, 1], strides = [1, 1]} : vector<2000x16xf32> to vector<2000x1xf32>
    %get3A_4 = arith.constant 1 : index
    %get3A_5 = arith.constant 0 : index
    %get3A_6 = arith.constant 0 : index
    %get3A_7 = vector.load %arg3[%get3A_4, %get3A_5, %get3A_6] : memref<2x2000x16xf32, #tpu.memory_space<vmem>>, vector<1x2000x16xf32>
    %get3A_8 = vector.shape_cast %get3A_7 : vector<1x2000x16xf32> to vector<2000x16xf32>
    %slice3A_9 = vector.extract_strided_slice %get3A_8 {offsets = [0, 0], sizes = [2000, 1], strides = [1, 1]} : vector<2000x16xf32> to vector<2000x1xf32>
    %add3A = arith.addf %slice3A, %slice3A_9 : vector<2000x1xf32>
    %add3A_10 = arith.constant 1.000000e+00 : f32
    %add3A_11 = vector.broadcast %add3A_10 : f32 to vector<2000x1xf32>
    %add3A_12 = arith.addf %add3A, %add3A_11 : vector<2000x1xf32>
    %rsqrt3A = math.rsqrt %add3A_12 : vector<2000x1xf32>
    %get3A_13 = arith.constant 0 : index
    %get3A_14 = vector.load %arg4[%get3A_13] : memref<256xf32, #tpu.memory_space<vmem>>, vector<256xf32>
    %broadcast_in_dim3A = vector.shape_cast %get3A_14 : vector<256xf32> to vector<1x256xf32>
    %sqrt3A = arith.constant 1.000010e+00 : f32
    %sqrt3A_15 = math.sqrt %sqrt3A : f32
    %div3A = vector.broadcast %sqrt3A_15 : f32 to vector<1x256xf32>
    %div3A_16 = arith.divf %broadcast_in_dim3A, %div3A : vector<1x256xf32>
    %get3A_17 = arith.constant 0 : index
    %get3A_18 = vector.load %arg5[%get3A_17] : memref<256xf32, #tpu.memory_space<vmem>>, vector<256xf32>
    %broadcast_in_dim3A_19 = vector.shape_cast %get3A_18 : vector<256xf32> to vector<1x256xf32>
    %mul3A = arith.mulf %broadcast_in_dim3A_19, %div3A_16 : vector<1x256xf32>
    %get3A_20 = arith.constant 0 : index
    %get3A_21 = vector.load %arg6[%get3A_20] : memref<256xf32, #tpu.memory_space<vmem>>, vector<256xf32>
    %broadcast_in_dim3A_22 = vector.shape_cast %get3A_21 : vector<256xf32> to vector<1x256xf32>
    %add3A_23 = arith.addf %mul3A, %broadcast_in_dim3A_22 : vector<1x256xf32>
    %get3A_24 = arith.constant 0 : index
    %get3A_25 = arith.constant 0 : index
    %get3A_26 = arith.constant 0 : index
    %get3A_27 = vector.load %arg1[%get3A_24, %get3A_25, %get3A_26] : memref<2x2000x128xf32, #tpu.memory_space<vmem>>, vector<1x2000x128xf32>
    %get3A_28 = vector.shape_cast %get3A_27 : vector<1x2000x128xf32> to vector<2000x128xf32>
    %get3A_29 = arith.constant 1 : index
    %get3A_30 = arith.constant 0 : index
    %get3A_31 = arith.constant 0 : index
    %get3A_32 = vector.load %arg1[%get3A_29, %get3A_30, %get3A_31] : memref<2x2000x128xf32, #tpu.memory_space<vmem>>, vector<1x2000x128xf32>
    %get3A_33 = vector.shape_cast %get3A_32 : vector<1x2000x128xf32> to vector<2000x128xf32>
    %concatenate3A = tpu.concatenate %get3A_28, %get3A_33 in 1 : vector<2000x128xf32>, vector<2000x128xf32> -> vector<2000x256xf32>
    %get3A_34 = arith.constant 0 : index
    %get3A_35 = arith.constant 0 : index
    %get3A_36 = vector.load %arg2[%get3A_34, %get3A_35] : memref<2000x256xf32, #tpu.memory_space<vmem>>, vector<2000x256xf32>
    %add3A_37 = arith.addf %concatenate3A, %get3A_36 : vector<2000x256xf32>
    %mul3A_38 = vector.broadcast %rsqrt3A : vector<2000x1xf32> to vector<2000x256xf32>
    %mul3A_39 = arith.mulf %add3A_37, %mul3A_38 : vector<2000x256xf32>
    %mul3A_40 = vector.broadcast %div3A_16 : vector<1x256xf32> to vector<2000x256xf32>
    %mul3A_41 = arith.mulf %mul3A_39, %mul3A_40 : vector<2000x256xf32>
    %add3A_42 = vector.broadcast %add3A_23 : vector<1x256xf32> to vector<2000x256xf32>
    %add3A_43 = arith.addf %mul3A_41, %add3A_42 : vector<2000x256xf32>
    %max3A = arith.constant 0.000000e+00 : f32
    %max3A_44 = vector.broadcast %max3A : f32 to vector<2000x256xf32>
    %max3A_45 = arith.maximumf %add3A_43, %max3A_44 : vector<2000x256xf32>
    %get3A_46 = arith.constant 0 : index
    %get3A_47 = arith.constant 0 : index
    %get3A_48 = vector.load %arg7[%get3A_46, %get3A_47] : memref<2000x256xf32, #tpu.memory_space<vmem>>, vector<2000x256xf32>
    %add3A_49 = arith.addf %max3A_45, %get3A_48 : vector<2000x256xf32>
    %reduce_sum3A = arith.constant dense<0.000000e+00> : vector<256xf32>
    %reduce_sum3A_50 = vector.multi_reduction <add>, %add3A_49, %reduce_sum3A [0] : vector<2000x256xf32> to vector<256xf32>
    %broadcast_in_dim3A_51 = vector.shape_cast %reduce_sum3A_50 : vector<256xf32> to vector<1x256xf32>
    %eq3A = arith.constant 0 : i32
    %eq3A_52 = arith.cmpi eq, %arg0, %eq3A : i32
    %convert_element_type3A = arith.extui %eq3A_52 : i1 to i32
    %cond3A = arith.constant 0 : i32
    %cond3A_53 = arith.cmpi ne, %convert_element_type3A, %cond3A : i32
    scf.if %cond3A_53 {
      %swap3A = arith.constant 0 : index
      %swap3A_63 = arith.constant 0 : index
      %swap3A_64 = vector.load %arg10[%swap3A, %swap3A_63] : memref<1x256xf32, #tpu.memory_space<vmem>>, vector<1x256xf32>
      tpu.vector_store %arg10[%swap3A, %swap3A_63], %broadcast_in_dim3A_51 {strides = array<i32>} : memref<1x256xf32, #tpu.memory_space<vmem>>, vector<1x256xf32>,
    } else {
    }
    %gt3A = arith.constant 0 : i32
    %gt3A_54 = arith.cmpi sgt, %arg0, %gt3A : i32
    %convert_element_type3A_55 = arith.extui %gt3A_54 : i1 to i32
    %cond3A_56 = arith.constant 0 : i32
    %cond3A_57 = arith.cmpi ne, %convert_element_type3A_55, %cond3A_56 : i32
    scf.if %cond3A_57 {
      %get3A_63 = arith.constant 0 : index
      %get3A_64 = arith.constant 0 : index
      %get3A_65 = vector.load %arg10[%get3A_63, %get3A_64] : memref<1x256xf32, #tpu.memory_space<vmem>>, vector<1x256xf32>
      %add3A_66 = arith.addf %get3A_65, %broadcast_in_dim3A_51 : vector<1x256xf32>
      %swap3A = arith.constant 0 : index
      %swap3A_67 = arith.constant 0 : index
      %swap3A_68 = vector.load %arg10[%swap3A, %swap3A_67] : memref<1x256xf32, #tpu.memory_space<vmem>>, vector<1x256xf32>
      tpu.vector_store %arg10[%swap3A, %swap3A_67], %add3A_66 {strides = array<i32>} : memref<1x256xf32, #tpu.memory_space<vmem>>, vector<1x256xf32>,
    } else {
    }
    %eq3A_58 = arith.constant 4 : i32
    %eq3A_59 = arith.cmpi eq, %arg0, %eq3A_58 : i32
    %convert_element_type3A_60 = arith.extui %eq3A_59 : i1 to i32
    %cond3A_61 = arith.constant 0 : i32
    %cond3A_62 = arith.cmpi ne, %convert_element_type3A_60, %cond3A_61 : i32
    scf.if %cond3A_62 {
      %get3A_63 = arith.constant 0 : index
      %get3A_64 = arith.constant 0 : index
      %get3A_65 = vector.load %arg10[%get3A_63, %get3A_64] : memref<1x256xf32, #tpu.memory_space<vmem>>, vector<1x256xf32>
      %mul3A_66 = arith.constant 9.99999974E-5 : f32
      %mul3A_67 = vector.broadcast %mul3A_66 : f32 to vector<1x256xf32>
      %mul3A_68 = arith.mulf %get3A_65, %mul3A_67 : vector<1x256xf32>
      %get3A_69 = arith.constant 0 : index
      %get3A_70 = arith.constant 0 : index
      %get3A_71 = vector.load %arg8[%get3A_69, %get3A_70] : memref<256x10xf32, #tpu.memory_space<vmem>>, vector<256x10xf32>
      %dot_general3A = arith.constant dense<0.000000e+00> : vector<1x10xf32>
      %dot_general3A_72 = tpu.matmul %mul3A_68, %get3A_71, %dot_general3A {dimension_numbers = #tpu.dot_dimension_numbers<[1], [0], [0], [1], [0, 0, 1, 1], [], []>, transpose_lhs_hint = false} : vector<1x256xf32>, vector<256x10xf32>, vector<1x10xf32> -> vector<1x10xf32>
      %get3A_73 = arith.constant 0 : index
      %get3A_74 = vector.load %arg9[%get3A_73] : memref<10xf32, #tpu.memory_space<vmem>>, vector<10xf32>
      %broadcast_in_dim3A_75 = vector.shape_cast %get3A_74 : vector<10xf32> to vector<1x10xf32>
      %add3A_76 = arith.addf %dot_general3A_72, %broadcast_in_dim3A_75 : vector<1x10xf32>
      %swap3A = arith.constant 0 : index
      %swap3A_77 = arith.constant 0 : index
      %swap3A_78 = vector.load %arg11[%swap3A, %swap3A_77] : memref<1x10xf32, #tpu.memory_space<vmem>>, vector<1x10xf32>
      tpu.vector_store %arg11[%swap3A, %swap3A_77], %add3A_76 {strides = array<i32>} : memref<1x10xf32, #tpu.memory_space<vmem>>, vector<1x10xf32>,
    } else {
    }
    return
  }
  func.func @transform_0(%arg0: i32) -> (i32, i32, i32) {
    %c0_i32 = arith.constant 0 : i32
    %c0_i32_0 = arith.constant 0 : i32
    %c0_i32_1 = arith.constant 0 : i32
    return %c0_i32, %arg0, %c0_i32_0 : i32, i32, i32
  }
  func.func @transform_1(%arg0: i32) -> (i32, i32) {
    %c0_i32 = arith.constant 0 : i32
    %c0_i32_0 = arith.constant 0 : i32
    return %arg0, %c0_i32 : i32, i32
  }
  func.func @transform_2(%arg0: i32) -> (i32, i32, i32) {
    %c0_i32 = arith.constant 0 : i32
    %c0_i32_0 = arith.constant 0 : i32
    %c0_i32_1 = arith.constant 0 : i32
    return %c0_i32, %arg0, %c0_i32_0 : i32, i32, i32
  }
  func.func @transform_3(%arg0: i32) -> i32 {
    %c0_i32 = arith.constant 0 : i32
    %c0_i32_0 = arith.constant 0 : i32
    return %c0_i32 : i32
  }
  func.func @transform_4(%arg0: i32) -> i32 {
    %c0_i32 = arith.constant 0 : i32
    %c0_i32_0 = arith.constant 0 : i32
    return %c0_i32 : i32
  }
  func.func @transform_5(%arg0: i32) -> i32 {
    %c0_i32 = arith.constant 0 : i32
    %c0_i32_0 = arith.constant 0 : i32
    return %c0_i32 : i32
  }
  func.func @transform_6(%arg0: i32) -> (i32, i32) {
    %c0_i32 = arith.constant 0 : i32
    %c0_i32_0 = arith.constant 0 : i32
    return %arg0, %c0_i32 : i32, i32
  }
  func.func @transform_7(%arg0: i32) -> (i32, i32) {
    %c0_i32 = arith.constant 0 : i32
    %c0_i32_0 = arith.constant 0 : i32
    %c0_i32_1 = arith.constant 0 : i32
    return %c0_i32, %c0_i32_0 : i32, i32
  }
  func.func @transform_8(%arg0: i32) -> i32 {
    %c0_i32 = arith.constant 0 : i32
    %c0_i32_0 = arith.constant 0 : i32
    return %c0_i32 : i32
  }
  func.func @transform_9(%arg0: i32) -> (i32, i32) {
    %c0_i32 = arith.constant 0 : i32
    %c0_i32_0 = arith.constant 0 : i32
    %c0_i32_1 = arith.constant 0 : i32
    return %c0_i32, %c0_i32_0 : i32, i32
  }
  func.func @transform_10(%arg0: i32) -> (i32, i32) {
    %c0_i32 = arith.constant 0 : i32
    %c0_i32_0 = arith.constant 0 : i32
    %c0_i32_1 = arith.constant 0 : i32
    return %c0_i32, %c0_i32_0 : i32, i32
  }
}

</mosaic_0001>

<sc_bundles>
// kernel: kernel.10.cloned.1.call-start
scs
__scs_entry_jumppad:
0x0: {  	(pc) =	sbr.rel $0x88, $3  }
0x1: {  	(tag) =	ssettag $0x0;
	lr =	simm.s32 $0x1  }
0x2: {  	[smem:$0x3F91] =	sst lr;
	_ =	strace $0xD0000000  }
0x3: {  	_ = 	snop  }
0x4: {  	_ = 	snop  }
0x5: {  	_ = 	snop  }
0x6: {  	_ = 	snop  }
0x7: {  	_ = 	snop  }
__scs_overlays_trampoline_lowered:
0x8: {  	[smem:$0x3FA0] =	sst s0  }
0x9: {  	[smem:$0x3FA1] =	sst s1  }
0xa: {  	[smem:$0x3FA2] =	sst s2  }
0xb: {  	[smem:$0x3FA3] =	sst s3  }
0xc: {  	[smem:$0x3FA4] =	sst s4  }
0xd: {  	[smem:$0x3FA5] =	sst s5  }
0xe: {  	[smem:$0x3FA6] =	sst s6  }
0xf: {  	[smem:$0x3FA7] =	sst s7  }
0x10: {  	[smem:$0x3FA8] =	sst s8  }
0x11: {  	[smem:$0x3FA9] =	sst s9;
	s0 =	simm.s32 @!p0 $0x0  }
0x12: {  	s1 =	sld [smem:$0x3F8F];
	s0 =	simm.s32 @p0 $0x1  }
0x13: {  	[smem:$0x3FAA] =	sst s0;
	s0 =	simm.s32 @!p1 $0x0  }
0x14: {  	s2 =	sld [smem:$0x3F8E];
	s0 =	simm.s32 @p1 $0x1  }
0x15: {  	[smem:$0x3FAB] =	sst s0;
	s0 =	simm.s32 @!p2 $0x0  }
0x16: {  	s3 =	sld [smem:$0x3FDB];
	s0 =	simm.s32 @p2 $0x1  }
0x17: {  	s4 =	simm.s32 $0x1BF5;
	[smem:$0x3FAD] =	sst s0  }
0x18: {  	s0 =	sld [smem:$0x3F90];
	_ =	swait.ge [sflag:s4], $0x0  }
0x19: {  	s7 =	sld [smem:$0x3F91]  }
0x1a: {  	s8 =	sadd.s32 $0xFFFFE003, lr  }
0x1b: {  	s9 =	sadd.s32 $0xFFFFFEF7, lr;
	s5 =	simm.s32 $0xFFFFFFFF;
	p2 =	slt.u32 s8, $0xFFFFF086  }
0x1c: {  	p1 =	slt.u32 s9, $0xF7A;
	s5 =	simm.s32 @!p2 $0x0  }
0x1d: {  	s5 =	simm.s32 @p1 $0x1;
	p0 =	seq.s32 s7, s2  }
0x1e: {  	s7 =	smul.u32 @!p0 $0xF7A, s2;
	p2 =	seq.s32 @!p0 s5, $0x0  }
0x1f: {  	s9 =	smul.u32 $0xF7A, s1;
	s8 =	simm.s32 @!p0 $0x1BF5;
	p2 =	por !p2, p0  }
0x20: {  	[sflag:s8] =	ssyncset.s32 @!p0 $0xFFFFF086;
	s6 =	sadd.s32 @!p0 s3, s7;
	s7 =	simm.s32 @!p0 $0x108  }
0x21: {  	s3 =	sadd.s32 s3, s9;
	s6 =	sadd.s32 @!p0 $0x88, s6;
	s7 =	simm.s32 @p2 $0x1082  }
0x22: {  	[simem:s7], [sflag:s8] =	dma.local @!p0 [hbm:s6], $0xF7A  }
0x23: {  	s9 =	sor.u32 $0xD0000000, s2;
	s6 =	simm.s32 $0x108;
	_ =	swait.ge @!p0 [sflag:s8], $0x0  }
0x24: {  	s3 =	sadd.s32 $0x88, s3;
	s6 =	simm.s32 @!p1 $0x1082;
	[sflag:s4] =	ssyncset.s32 $0xFFFFF086  }
0x25: {  	[simem:s6], [sflag:s4] =	dma.local [hbm:s3], $0xF7A  }
0x26: {  	[smem:$0x3F91] =	sst s1;
	(tag) =	ssettag s2;
	_ =	strace s9  }
0x27: {  	s1 =	sld [smem:$0x3FA1]  }
0x28: {  	s2 =	sld [smem:$0x3FA2]  }
0x29: {  	s4 =	sld [smem:$0x3FA4]  }
0x2a: {  	p0 =	seq.s32 s5, $0x0;
	s5 =	sld [smem:$0x3FA5]  }
0x2b: {  	s6 =	sld [smem:$0x3FA6]  }
0x2c: {  	s7 =	sld [smem:$0x3FA7]  }
0x2d: {  	s3 =	simm.s32 $0x108;
	s8 =	sld [smem:$0x3FA8]  }
0x2e: {  	s3 =	simm.s32 @!p0 $0x1082;
	s9 =	sld [smem:$0x3FA9]  }
0x2f: {  	lr =	sadd.s32 s0, s3;
	s0 =	sld [smem:$0x3FA0]  }
0x30: {  	s3 =	sld [smem:$0x3FA3]  }
0x31: {  	[smem:$0x3FAC] =	sst s10  }
0x32: {  	s10 =	sld [smem:$0x3FAA];
	_ =	sdelay $0x3  }
0x33: {  	p0 =	seq.s32 s10, $0x1;
	s10 =	sld [smem:$0x3FAC];
	_ =	sdelay $0x3  }
0x34: {  	[smem:$0x3FAC] =	sst s10  }
0x35: {  	s10 =	sld [smem:$0x3FAB];
	_ =	sdelay $0x3  }
0x36: {  	p1 =	seq.s32 s10, $0x1;
	s10 =	sld [smem:$0x3FAC];
	_ =	sdelay $0x3  }
0x37: {  	[smem:$0x3FAC] =	sst s10  }
0x38: {  	s10 =	sld [smem:$0x3FAD]  }
0x39: {  	_ = 	snop;
	(pc) =	sbr.ind lr, $3  }
0x3a: {  	_ = 	snop  }
0x3b: {  	_ = 	snop  }
0x3c: {  	p2 =	seq.s32 s10, $0x1;
	s10 =	sld [smem:$0x3FAC]  }
0x3d: {  	_ =	shalt  }
0x3e: {  	_ =	shalt  }
0x3f: {  	_ =	shalt  }
0x40: {  	_ =	shalt  }
0x41: {  	_ =	shalt  }
0x42: {  	_ =	shalt  }
0x43: {  	_ =	shalt  }
0x44: {  	_ =	shalt  }
0x45: {  	_ =	shalt  }
0x46: {  	_ =	shalt  }
0x47: {  	_ =	shalt  }
0x48: {  	_ =	shalt  }
0x49: {  	_ =	shalt  }
0x4a: {  	_ =	shalt  }
0x4b: {  	_ =	shalt  }
0x4c: {  	_ =	shalt  }
0x4d: {  	_ =	shalt  }
0x4e: {  	_ =	shalt  }
0x4f: {  	_ =	shalt  }
0x50: {  	_ =	shalt  }
0x51: {  	_ =	shalt  }
0x52: {  	_ =	shalt  }
0x53: {  	_ =	shalt  }
0x54: {  	_ =	shalt  }
0x55: {  	_ =	shalt  }
0x56: {  	_ =	shalt  }
0x57: {  	_ =	shalt  }
0x58: {  	_ =	shalt  }
0x59: {  	_ =	shalt  }
0x5a: {  	_ =	shalt  }
0x5b: {  	_ =	shalt  }
0x5c: {  	_ =	shalt  }
0x5d: {  	_ =	shalt  }
0x5e: {  	_ =	shalt  }
0x5f: {  	_ =	shalt  }
0x60: {  	_ =	shalt  }
0x61: {  	_ =	shalt  }
0x62: {  	_ =	shalt  }
0x63: {  	_ =	shalt  }
0x64: {  	_ =	shalt  }
0x65: {  	_ =	shalt  }
0x66: {  	_ =	shalt  }
0x67: {  	_ =	shalt  }
0x68: {  	_ =	shalt  }
0x69: {  	_ =	shalt  }
0x6a: {  	_ =	shalt  }
0x6b: {  	_ =	shalt  }
0x6c: {  	_ =	shalt  }
0x6d: {  	_ =	shalt  }
0x6e: {  	_ =	shalt  }
0x6f: {  	_ =	shalt  }
0x70: {  	_ =	shalt  }
0x71: {  	_ =	shalt  }
0x72: {  	_ =	shalt  }
0x73: {  	_ =	shalt  }
0x74: {  	_ =	shalt  }
0x75: {  	_ =	shalt  }
0x76: {  	_ =	shalt  }
0x77: {  	_ =	shalt  }
0x78: {  	_ =	shalt  }
0x79: {  	_ =	shalt  }
0x7a: {  	_ =	shalt  }
0x7b: {  	_ =	shalt  }
0x7c: {  	_ =	shalt  }
0x7d: {  	_ =	shalt  }
0x7e: {  	_ =	shalt  }
0x7f: {  	_ =	shalt  }
0x80: {  	_ =	shalt  }
0x81: {  	_ =	shalt  }
0x82: {  	_ =	shalt  }
0x83: {  	_ =	shalt  }
0x84: {  	_ =	shalt  }
0x85: {  	_ =	shalt  }
0x86: {  	_ =	shalt  }
0x87: {  	_ =	shalt  }
.Lfunc_end0:
.L_simem_size_0:
called_computation_lowered:
.L_overlay_start_0:
0x88: {  	s2 =	sld [smem:$0x3FD9]  }
0x89: {  	s3 =	sld [smem:$0x3FFE];
	_ =	sdelay $0x1  }
0x8a: {  	s1 =	srdreg.scid  }
0x8b: {  	s0 =	sand.u32 $0x1, s1  }
0x8c: {  	s16 =	sshll.u32 s0, $0xA;
	s2 =	sadd.s32 s3, s2  }
0x8d: {  	s2 =	sadd.s32 s2, s16  }
0x8e: {  	[smem:$0x3FB8] =	sst s2  }
0x8f: {  	_ = 	snop  }
0x90: {  	(tm) =	ssettm $0x1  }
0x91: {  	s17 =	sld [smem:$0x3FFB];
	_ =	sdelay $0x3  }
0x92: {  	_ =	strace s17  }
0x93: {  	s2 =	sld [smem:$0x3FFC];
	_ =	sdelay $0x3  }
0x94: {  	_ =	strace s2  }
0x95: {  	s2 =	sld [smem:$0x3FFD];
	_ =	sdelay $0x3  }
0x96: {  	_ =	strace s2  }
0x97: {  	_ =	strace $0x8FFFFFFF  }
0x98: {  	s18 =	sld [smem:$0x3FDB];
	_ =	sdelay $0x1  }
0x99: {  	s19 =	simm.s32 $_scs_section_size  }
0x9a: {  	s4 =	simm.s32 $_size__tile_overlayer_lowered;
	s5 =	simm.s32 $_tile_overlayer_lowered  }
0x9b: {  	s22 =	simm.s32 $0x1BFF;
	s21 =	sshll.u32 s5, $0x1;
	s2 =	sadd.s32 s19, s18  }
0x9c: {  	s6 =	simm.s32 $0x0;
	s20 =	sshll.u32 s4, $0x1;
	s4 =	sadd.s32 s21, s2  }
0x9d: {  	[timem:s6], [sflag:s22] =	dma.local [hbm:s4], s20  }
0x9e: {  	_ =	swait.ge [sflag:s22], s20  }
0x9f: {  	s3 =	ssub.s32 $0x0, s20;
	[sflag:s22] =	ssyncset.done $0x0  }
0xa0: {  	[sflag:s22] =	ssyncadd.s32 s3;
	_ =	sdelay $0x1  }
0xa1: {  	s23 =	simm.s32 $0x1B8B  }
0xa2: {  	_ =	swait.ge [sflag:s23], $0x1  }
0xa3: {  	[sflag:s23] =	ssyncset.done $0x0  }
0xa4: {  	s25 =	simm.s32 $0x1B8E;
	s24 =	sld [smem:$0x3FFE];
	[sflag:s23] =	ssyncadd.s32 $0xFFFFFFFF  }
0xa5: {  	s26 =	simm.s32 $execute0_lowered;
	[smem:$0x3FD2] =	sst s25  }
0xa6: {  	s4 =	sshll.u32 s26, $0x1;
	_ =	strace $0x80000046;
	[dreg:$0x1] =	wrdreg $0xFFFFFFFF  }
0xa7: {  	s28 =	simm.s32 $_size_execute0_lowered;
	s2 =	sadd.s32 s2, s4;
	[dreg:$0x0] =	wrdreg $0x0  }
0xa8: {  	s4 =	sshll.u32 s28, $0x1;
	[dreg:$0x2] =	wrdreg s2  }
0xa9: {  	[dreg:$0x3] =	wrdreg s4  }
0xaa: {  	[dreg:$0x4] =	wrdreg $0xC0  }
0xab: {  	_ =	task [dreg:s6], $0x5FFFF  }
0xac: {  	[dreg:$0x1] =	wrdreg $0xFFFFFFFF  }
0xad: {  	[dreg:$0x0] =	wrdreg $0x60  }
0xae: {  	[dreg:$0x2] =	wrdreg s24  }
0xaf: {  	[dreg:$0x3] =	wrdreg $0x0  }
0xb0: {  	[dreg:$0x4] =	wrdreg $0x9  }
0xb1: {  	_ =	task.clear_ibuf [dreg:s6], $0x5FFFF;
	_ =	strace $0x90000046  }
0xb2: {  	s29 =	simm.s32 $0x9;
	_ =	strace $0x80000048  }
0xb3: {  	_ =	swait.ge [sflag:s29], $0x1  }
0xb4: {  	[sflag:s29] =	ssyncadd.s32 $0xFFFFFFFF  }
0xb5: {  	_ =	strace $0x90000048  }
0xb6: {  	_ =	sfence  }
0xb7: {  	s30 =	sld [smem:$0x0];
	_ =	sdelay $0x2  }
0xb8: {  	s31 =	sshll.u32 s1, $0xD;
	s1 =	sshrl.u32 s1, $0x2  }
0xb9: {  	s3 =	sand.u32 $0x4000, s31;
	s1 =	sadd.s32 s1, s30  }
0xba: {  	s0 =	sor.u32 s3, s0;
	s1 =	sshll.u32 s1, $0x11  }
0xbb: {  	s0 =	sor.u32 s1, s0  }
0xbc: {  	s0 =	sadd.s32 $0x8F2B, s0  }
0xbd: {  	[sflag:s0] =	ssyncadd.remote.s32 $0x1  }
0xbe: {  	_ =	sfence.sel $0xFFFF  }
0xbf: {  	[dreg:$0x0] =	wrdreg $0xFFFFFFFF;
	(pc) =	sbr.abs _section_cstart, $3  }
0xc0: {  	[dreg:$0x1] =	wrdreg $0xFFFFFFFF  }
0xc1: {  	_ =	task.clear_ibuf [dreg:s6], $0x2FFFF;
	_ =	strace $0x9FFFFFFF  }
0xc2: {  	(tm) =	ssettm $0x7FFFFFFF  }
0xc3: {  	_ =	shalt  }
tec
execute0_lowered:
.L_overlay_start_1:
0x0: {  	(tag) =	ssettag $0x1  }
0x1: {  	s4 =	rddreg [dreg:$0x0]  }
0x2: {  	s2 =	rddreg [dreg:$0x1]  }
0x3: {  	s0 =	rddreg [dreg:$0x2];
	s3 =	simm.s32 $0x0  }
0x4: {  	s1 =	stileid.u32;
	s5 =	srdreg.scid;
	s18 =	simm.s32 $0x80  }
0x5: {  	[smem:$0x7FF] =	sst s3;
	s6 =	smul.u32 $0x4E000, s1;
	s11 =	sand.u32 $0x1, s5  }
0x6: {  	s12 =	sadd.s32 $0xDA00, s4;
	s13 =	sadd.s32 $0x17800, s4;
	s17 =	smul.u32 $0x13800, s1  }
0x7: {  	s16 =	sshll.u32 s1, $0x4;
	s9 =	sadd.s32 $0x138000, s2;
	s30 =	smul.u32 $0x4E0, s1  }
0x8: {  	p0 =	sne.s32 s1, $0xF;
	s20 =	sshll.u32 s1, $0x6;
	_ =	strace $0x80000047  }
0x9: {  	s5 =	ssub.s32 $0x2, s11;
	s15 =	smul.u32 $0x138800, s11;
	s10 =	sshll.u32 s11, $0x4  }
0xa: {  	s25 =	sadd.s32 s16, s12;
	s28 =	smul.u32 $0x4E00, s11;
	s16 =	simm.s32 $0x1  }
0xb: {  	s6 =	sshrl.u32 s6, $0x2;
	s7 =	sshrl.u32 s5, $0x1;
	s19 =	sor.u32 s1, s10  }
0xc: {  	s10 =	sadd.s32 $0x9C00, s25;
	s4 =	sadd.s32 s6, s2;
	s14 =	ssub.s32 s5, s7  }
0xd: {  	s26 =	sadd.s32 s17, s15;
	s15 =	sshrl.u32 s15, $0x3;
	s31 =	sadd.s32 s28, s12  }
0xe: {  	s17 =	simm.s32 $0x6710;
	p1 =	sgt.u32 s19, $0x3;
	s19 =	sor.u32 $0x1C01, s20  }
0xf: {  	s20 =	simm.s32 $0x0;
	s5 =	sadd.s32 $0x4000, s4;
	s6 =	sadd.s32 $0x8000, s4  }
0x10: {  	s7 =	sadd.s32 $0xC000, s4;
	s8 =	sadd.s32 $0x10000, s4;
	s29 =	sshrl.u32 s26, $0x3  }
0x11: {  	s11 =	sadd.s32 s13, s29;
	s13 =	sadd.s32 s13, s15;
	s15 =	simm.s32 $0x2710  }
0x12: {  	v0 =	vimm.f32 $0.0e+00;
	v1 =	vimm.f32 $1.000000000e+00;
	s12 =	sadd.s32 $0x27000, s13;
	s13 =	smax.u32 s14, $0x1;
	s14 =	sadd.s32 s30, s31  }
.LBB2_1:
0x13: {  	s21 =	simm.s32 $0x200;
	s22 =	simm.s32 $0x0  }
.LBB2_2:
0x14: {  	p2 =	sne.s32 s21, $0xFE00;
	[tilespmem:s22+$0x2710] =	vst v0;
	s22 =	smov.u32 s21;
	s21 =	sadd.s32 $0x200, s21  }
.Ltmp0:
0x15: {  	(pc) =	sbr.rel @p2 .LBB2_2-.Ltmp0, $2  }
0x16: {  	_ =	sdelay $0x2  }
0x17: {  	s22 =	sshra.s32 s22, $0x2  }
0x18: {  	[tilespmem:s22+$0x2710] =	vst v0  }
0x19: {  	[spmem:s4] =	stream.linear.scatter [tilespmem:s15], [sflag:$0x1], $0x4000, $0x38;
	[tilespmem:$0x6790] =	vst v63  }
0x1a: {  	_ =	swait.ge [sflag:s16], $0x4000  }
0x1b: {  	[sflag:s16] =	ssyncset.done $0x0  }
0x1c: {  	[sflag:s16] =	ssyncadd.s32 $0xFFFFC000  }
0x1d: {  	[spmem:s5] =	stream.linear.scatter [tilespmem:s15], [sflag:$0x1], $0x4000, $0x38;
	[tilespmem:$0x6790] =	vst v63  }
0x1e: {  	_ =	swait.ge [sflag:s16], $0x4000  }
0x1f: {  	[sflag:s16] =	ssyncset.done $0x0  }
0x20: {  	[sflag:s16] =	ssyncadd.s32 $0xFFFFC000  }
0x21: {  	[spmem:s6] =	stream.linear.scatter [tilespmem:s15], [sflag:$0x1], $0x4000, $0x38;
	[tilespmem:$0x6790] =	vst v63  }
0x22: {  	_ =	swait.ge [sflag:s16], $0x4000  }
0x23: {  	[sflag:s16] =	ssyncset.done $0x0  }
0x24: {  	[sflag:s16] =	ssyncadd.s32 $0xFFFFC000  }
0x25: {  	[spmem:s7] =	stream.linear.scatter [tilespmem:s15], [sflag:$0x1], $0x4000, $0x38;
	[tilespmem:$0x6790] =	vst v63  }
0x26: {  	_ =	swait.ge [sflag:s16], $0x4000  }
0x27: {  	[sflag:s16] =	ssyncset.done $0x0  }
0x28: {  	[sflag:s16] =	ssyncadd.s32 $0xFFFFC000  }
0x29: {  	[spmem:s8] =	stream.linear.scatter [tilespmem:s15], [sflag:$0x1], $0x3800, $0x38;
	[tilespmem:$0x6790] =	vst v63  }
0x2a: {  	_ =	swait.ge [sflag:s16], $0x3800  }
0x2b: {  	[sflag:s16] =	ssyncset.done $0x0  }
0x2c: {  	s21 =	simm.s32 @!p0 $0x2710;
	[sflag:s16] =	ssyncadd.s32 $0xFFFFC800  }
0x2d: {  	[spmem:s9] =	stream.linear.scatter @!p0 [tilespmem:s21], [sflag:$0x1], $0x800, $0x38;
	[tilespmem:$0x6790] =	vst v63  }
0x2e: {  	s21 =	simm.s32 @!p0 $0x1  }
0x2f: {  	_ =	swait.ge @!p0 [sflag:s21], $0x800  }
0x30: {  	[sflag:s21] =	ssyncset.done @!p0 $0x0  }
0x31: {  	s22 =	simm.s32 $0x0;
	[sflag:s21] =	ssyncadd.s32 @!p0 $0xFFFFF800;
	s21 =	simm.s32 $0x200  }
.LBB2_4:
0x32: {  	p2 =	sne.s32 s21, $0xFE00;
	[tilespmem:s22+$0x2710] =	vst v1;
	s22 =	smov.u32 s21;
	s21 =	sadd.s32 $0x200, s21  }
.Ltmp1:
0x33: {  	(pc) =	sbr.rel @p2 .LBB2_4-.Ltmp1, $2  }
0x34: {  	_ =	sdelay $0x2  }
0x35: {  	s22 =	sshra.s32 s22, $0x2  }
0x36: {  	[tilespmem:s22+$0x2710] =	vst v1  }
0x37: {  	s21 =	sadd.s32 $0x0, s14;
	[bflag:$0x0] =	sbarrier.arrive $0xFFFF  }
0x38: {  	[tilespmem:s17], [sflag:$0x1] =	stream.linear.gather [hbm4b:s21+s3], $0x80, $0x38;
	[tilespmem:$0x6790] =	vst v63  }
0x39: {  	_ =	swait.ge [sflag:s16], $0x80  }
0x3a: {  	[sflag:s16] =	ssyncset.done $0x0  }
0x3b: {  	[sflag:s16] =	ssyncadd.s32 $0xFFFFFF80  }
0x3c: {  	[spmem:s2] =	stream.indirect.scatter.add.f32 [tilespmem:s15], [sflag:$0x1], $0x10, s17, s18, $0xb8;
	[tilespmem:$0x6790] =	vst v63  }
0x3d: {  	_ =	swait.ge [sflag:s16], $0x800  }
0x3e: {  	s22 =	simm.s32 $0x20;
	s21 =	simm.s32 $0x10;
	[sflag:s16] =	ssyncset.done $0x0  }
.LBB2_6:
0x3f: {  	s23 =	sadd.s32 s21, s14  }
0x40: {  	[sflag:s16] =	ssyncadd.s32 $0xFFFFF800;
	s21 =	smov.u32 s22;
	s24 =	sadd.s32 $0x10, s22  }
0x41: {  	[tilespmem:s17], [sflag:$0x1] =	stream.linear.gather [hbm4b:s23+s3], $0x80, $0x38;
	[tilespmem:$0x6790] =	vst v63  }
0x42: {  	p2 =	sne.s32 s22, $0x4D0;
	_ =	swait.ge [sflag:s16], $0x80  }
.Ltmp2:
0x43: {  	[sflag:s16] =	ssyncset.done $0x0;
	(pc) =	sbr.rel @p2 .LBB2_6-.Ltmp2, $4  }
0x44: {  	[sflag:s16] =	ssyncadd.s32 $0xFFFFFF80  }
0x45: {  	[spmem:s2] =	stream.indirect.scatter.add.f32 [tilespmem:s15], [sflag:$0x1], $0x10, s17, s18, $0xb8;
	[tilespmem:$0x6790] =	vst v63  }
0x46: {  	_ =	swait.ge [sflag:s16], $0x800  }
0x47: {  	s22 =	smov.u32 s24;
	[sflag:s16] =	ssyncset.done $0x0  }
0x48: {  	s21 =	sadd.s32 s21, s14;
	[sflag:s16] =	ssyncadd.s32 $0xFFFFF800  }
0x49: {  	[tilespmem:s17], [sflag:$0x1] =	stream.linear.gather [hbm4b:s21+s3], $0x80, $0x38;
	[tilespmem:$0x6790] =	vst v63  }
0x4a: {  	_ =	swait.ge [sflag:s16], $0x80  }
0x4b: {  	[sflag:s16] =	ssyncset.done $0x0  }
0x4c: {  	[sflag:s16] =	ssyncadd.s32 $0xFFFFFF80  }
0x4d: {  	[spmem:s2] =	stream.indirect.scatter.add.f32 [tilespmem:s15], [sflag:$0x1], $0x10, s17, s18, $0xb8;
	[tilespmem:$0x6790] =	vst v63  }
0x4e: {  	_ =	swait.ge [sflag:s16], $0x800  }
0x4f: {  	[sflag:s16] =	ssyncset.done $0x0  }
0x50: {  	s22 =	simm.s32 @!p1 $0x6710;
	s21 =	simm.s32 @!p1 $0x0;
	[sflag:s16] =	ssyncadd.s32 $0xFFFFF800  }
0x51: {  	[tilespmem:s22], [sflag:$0x1] =	stream.linear.gather @!p1 [hbm4b:s10+s21], $0x80, $0x38;
	[tilespmem:$0x6790] =	vst v63  }
0x52: {  	s21 =	simm.s32 @!p1 $0x1  }
0x53: {  	_ =	swait.ge @!p1 [sflag:s21], $0x80  }
0x54: {  	[sflag:s21] =	ssyncset.done @!p1 $0x0  }
0x55: {  	s23 =	simm.s32 @!p1 $0x80;
	s24 =	simm.s32 @!p1 $0x2710;
	[sflag:s21] =	ssyncadd.s32 @!p1 $0xFFFFFF80  }
0x56: {  	[spmem:s2] =	stream.indirect.scatter.add.f32 @!p1 [tilespmem:s24], [sflag:$0x1], $0x10, s22, s23, $0xb8;
	[tilespmem:$0x6790] =	vst v63  }
0x57: {  	_ =	swait.ge @!p1 [sflag:s21], $0x800  }
0x58: {  	[sflag:s21] =	ssyncset.done @!p1 $0x0  }
0x59: {  	[sflag:s21] =	ssyncadd.s32 @!p1 $0xFFFFF800  }
0x5a: {  	s31 =	sshrl.u32 s4, $0x3;
	[bflag:$0x0] =	sbarrier.arrive $0xFFFF  }
0x5b: {  	[hbm:s11], [sflag:s19] =	dma.local [spmem:s31], $0x2700  }
0x5c: {  	_ =	swait.ge [sflag:s16], $0x2700  }
0x5d: {  	s20 =	sadd.s32 $0x1, s20;
	[sflag:s16] =	ssyncset.done $0x0  }
0x5e: {  	p2 =	sne.s32 s20, s13;
	s21 =	sshrl.u32 @!p0 s9, $0x3;
	[sflag:s16] =	ssyncadd.s32 $0xFFFFD900  }
0x5f: {  	[hbm:s12], [sflag:s19] =	dma.local @!p0 [spmem:s21], $0x100  }
.Ltmp3:
0x60: {  	_ = 	snop;
	(pc) =	sbr.rel @p2 .LBB2_1-.Ltmp3, $4  }
0x61: {  	s21 =	simm.s32 @!p0 $0x1  }
0x62: {  	_ =	swait.ge @!p0 [sflag:s21], $0x100  }
0x63: {  	[sflag:s21] =	ssyncset.done @!p0 $0x0  }
0x64: {  	[sflag:s21] =	ssyncadd.s32 @!p0 $0xFFFFFF00  }
0x65: {  	_ =	sfence.sel $0x180000  }
0x66: {  	[bflag:$0x0] =	sbarrier.arrive $0xFFFF  }
0x67: {  	p0 =	sne.s32 s1, $0x0;
	_ =	strace $0x90000047  }
0x68: {  	s0 =	sadd.s32 @!p0 $0x100000, s0;
	[bflag:$0x2] =	sbarrier.arrive $0xFFFF  }
0x69: {  	[sflag:s0] =	ssyncadd.tile.s32 @!p0 $0x1;
	_ =	shalt  }
.Lfunc_end2:
_tile_overlayer_lowered:
.L_overlay_start_2:
0x6a: {  	(tag) =	ssettag $0x2  }
0x6b: {  	s0 =	rddreg [dreg:$0x0];
	s2 =	stileid.u32  }
0x6c: {  	s1 =	rddreg [dreg:$0x1];
	p0 =	sne.s32 s2, $0x0  }
0x6d: {  	s3 =	rddreg [dreg:$0x2];
	[bflag:$0x3] =	sbarrier.arrive $0xFFFF;
	s2 =	simm.s32 @!p0 $0x1C01  }
0x6e: {  	[timem:s3], [sflag:s2] =	dma.local @!p0 [hbm:s0], s1  }
0x6f: {  	s0 =	simm.s32 @!p0 $0x1  }
0x70: {  	_ =	swait.ge @!p0 [sflag:s0], s1  }
0x71: {  	s1 =	ssub.s32 @!p0 $0x0, s1;
	[sflag:s0] =	ssyncset.done @!p0 $0x0  }
0x72: {  	[sflag:s0] =	ssyncadd.s32 @!p0 s1  }
0x73: {  	[bflag:$0x3] =	sbarrier.arrive $0xFFFF  }
0x74: {  	_ =	shalt  }

// kernel: kernel.13.cloned.1.call-start
scs
__scs_entry_jumppad:
0x0: {  	(pc) =	sbr.rel $0x88, $3  }
0x1: {  	(tag) =	ssettag $0x0;
	lr =	simm.s32 $0x1  }
0x2: {  	[smem:$0x3F91] =	sst lr;
	_ =	strace $0xD0000000  }
0x3: {  	_ = 	snop  }
0x4: {  	_ = 	snop  }
0x5: {  	_ = 	snop  }
0x6: {  	_ = 	snop  }
0x7: {  	_ = 	snop  }
__scs_overlays_trampoline_lowered:
0x8: {  	[smem:$0x3FA0] =	sst s0  }
0x9: {  	[smem:$0x3FA1] =	sst s1  }
0xa: {  	[smem:$0x3FA2] =	sst s2  }
0xb: {  	[smem:$0x3FA3] =	sst s3  }
0xc: {  	[smem:$0x3FA4] =	sst s4  }
0xd: {  	[smem:$0x3FA5] =	sst s5  }
0xe: {  	[smem:$0x3FA6] =	sst s6  }
0xf: {  	[smem:$0x3FA7] =	sst s7  }
0x10: {  	[smem:$0x3FA8] =	sst s8  }
0x11: {  	[smem:$0x3FA9] =	sst s9;
	s0 =	simm.s32 @!p0 $0x0  }
0x12: {  	s1 =	sld [smem:$0x3F8F];
	s0 =	simm.s32 @p0 $0x1  }
0x13: {  	[smem:$0x3FAA] =	sst s0;
	s0 =	simm.s32 @!p1 $0x0  }
0x14: {  	s2 =	sld [smem:$0x3F8E];
	s0 =	simm.s32 @p1 $0x1  }
0x15: {  	[smem:$0x3FAB] =	sst s0;
	s0 =	simm.s32 @!p2 $0x0  }
0x16: {  	s3 =	sld [smem:$0x3FDB];
	s0 =	simm.s32 @p2 $0x1  }
0x17: {  	s4 =	simm.s32 $0x1BF5;
	[smem:$0x3FAD] =	sst s0  }
0x18: {  	s0 =	sld [smem:$0x3F90];
	_ =	swait.ge [sflag:s4], $0x0  }
0x19: {  	s7 =	sld [smem:$0x3F91]  }
0x1a: {  	s8 =	sadd.s32 $0xFFFFE003, lr  }
0x1b: {  	s9 =	sadd.s32 $0xFFFFFEF7, lr;
	s5 =	simm.s32 $0xFFFFFFFF;
	p2 =	slt.u32 s8, $0xFFFFF086  }
0x1c: {  	p1 =	slt.u32 s9, $0xF7A;
	s5 =	simm.s32 @!p2 $0x0  }
0x1d: {  	s5 =	simm.s32 @p1 $0x1;
	p0 =	seq.s32 s7, s2  }
0x1e: {  	s7 =	smul.u32 @!p0 $0xF7A, s2;
	p2 =	seq.s32 @!p0 s5, $0x0  }
0x1f: {  	s9 =	smul.u32 $0xF7A, s1;
	s8 =	simm.s32 @!p0 $0x1BF5;
	p2 =	por !p2, p0  }
0x20: {  	[sflag:s8] =	ssyncset.s32 @!p0 $0xFFFFF086;
	s6 =	sadd.s32 @!p0 s3, s7;
	s7 =	simm.s32 @!p0 $0x108  }
0x21: {  	s3 =	sadd.s32 s3, s9;
	s6 =	sadd.s32 @!p0 $0x88, s6;
	s7 =	simm.s32 @p2 $0x1082  }
0x22: {  	[simem:s7], [sflag:s8] =	dma.local @!p0 [hbm:s6], $0xF7A  }
0x23: {  	s9 =	sor.u32 $0xD0000000, s2;
	s6 =	simm.s32 $0x108;
	_ =	swait.ge @!p0 [sflag:s8], $0x0  }
0x24: {  	s3 =	sadd.s32 $0x88, s3;
	s6 =	simm.s32 @!p1 $0x1082;
	[sflag:s4] =	ssyncset.s32 $0xFFFFF086  }
0x25: {  	[simem:s6], [sflag:s4] =	dma.local [hbm:s3], $0xF7A  }
0x26: {  	[smem:$0x3F91] =	sst s1;
	(tag) =	ssettag s2;
	_ =	strace s9  }
0x27: {  	s1 =	sld [smem:$0x3FA1]  }
0x28: {  	s2 =	sld [smem:$0x3FA2]  }
0x29: {  	s4 =	sld [smem:$0x3FA4]  }
0x2a: {  	p0 =	seq.s32 s5, $0x0;
	s5 =	sld [smem:$0x3FA5]  }
0x2b: {  	s6 =	sld [smem:$0x3FA6]  }
0x2c: {  	s7 =	sld [smem:$0x3FA7]  }
0x2d: {  	s3 =	simm.s32 $0x108;
	s8 =	sld [smem:$0x3FA8]  }
0x2e: {  	s3 =	simm.s32 @!p0 $0x1082;
	s9 =	sld [smem:$0x3FA9]  }
0x2f: {  	lr =	sadd.s32 s0, s3;
	s0 =	sld [smem:$0x3FA0]  }
0x30: {  	s3 =	sld [smem:$0x3FA3]  }
0x31: {  	[smem:$0x3FAC] =	sst s10  }
0x32: {  	s10 =	sld [smem:$0x3FAA];
	_ =	sdelay $0x3  }
0x33: {  	p0 =	seq.s32 s10, $0x1;
	s10 =	sld [smem:$0x3FAC];
	_ =	sdelay $0x3  }
0x34: {  	[smem:$0x3FAC] =	sst s10  }
0x35: {  	s10 =	sld [smem:$0x3FAB];
	_ =	sdelay $0x3  }
0x36: {  	p1 =	seq.s32 s10, $0x1;
	s10 =	sld [smem:$0x3FAC];
	_ =	sdelay $0x3  }
0x37: {  	[smem:$0x3FAC] =	sst s10  }
0x38: {  	s10 =	sld [smem:$0x3FAD]  }
0x39: {  	_ = 	snop;
	(pc) =	sbr.ind lr, $3  }
0x3a: {  	_ = 	snop  }
0x3b: {  	_ = 	snop  }
0x3c: {  	p2 =	seq.s32 s10, $0x1;
	s10 =	sld [smem:$0x3FAC]  }
0x3d: {  	_ =	shalt  }
0x3e: {  	_ =	shalt  }
0x3f: {  	_ =	shalt  }
0x40: {  	_ =	shalt  }
0x41: {  	_ =	shalt  }
0x42: {  	_ =	shalt  }
0x43: {  	_ =	shalt  }
0x44: {  	_ =	shalt  }
0x45: {  	_ =	shalt  }
0x46: {  	_ =	shalt  }
0x47: {  	_ =	shalt  }
0x48: {  	_ =	shalt  }
0x49: {  	_ =	shalt  }
0x4a: {  	_ =	shalt  }
0x4b: {  	_ =	shalt  }
0x4c: {  	_ =	shalt  }
0x4d: {  	_ =	shalt  }
0x4e: {  	_ =	shalt  }
0x4f: {  	_ =	shalt  }
0x50: {  	_ =	shalt  }
0x51: {  	_ =	shalt  }
0x52: {  	_ =	shalt  }
0x53: {  	_ =	shalt  }
0x54: {  	_ =	shalt  }
0x55: {  	_ =	shalt  }
0x56: {  	_ =	shalt  }
0x57: {  	_ =	shalt  }
0x58: {  	_ =	shalt  }
0x59: {  	_ =	shalt  }
0x5a: {  	_ =	shalt  }
0x5b: {  	_ =	shalt  }
0x5c: {  	_ =	shalt  }
0x5d: {  	_ =	shalt  }
0x5e: {  	_ =	shalt  }
0x5f: {  	_ =	shalt  }
0x60: {  	_ =	shalt  }
0x61: {  	_ =	shalt  }
0x62: {  	_ =	shalt  }
0x63: {  	_ =	shalt  }
0x64: {  	_ =	shalt  }
0x65: {  	_ =	shalt  }
0x66: {  	_ =	shalt  }
0x67: {  	_ =	shalt  }
0x68: {  	_ =	shalt  }
0x69: {  	_ =	shalt  }
0x6a: {  	_ =	shalt  }
0x6b: {  	_ =	shalt  }
0x6c: {  	_ =	shalt  }
0x6d: {  	_ =	shalt  }
0x6e: {  	_ =	shalt  }
0x6f: {  	_ =	shalt  }
0x70: {  	_ =	shalt  }
0x71: {  	_ =	shalt  }
0x72: {  	_ =	shalt  }
0x73: {  	_ =	shalt  }
0x74: {  	_ =	shalt  }
0x75: {  	_ =	shalt  }
0x76: {  	_ =	shalt  }
0x77: {  	_ =	shalt  }
0x78: {  	_ =	shalt  }
0x79: {  	_ =	shalt  }
0x7a: {  	_ =	shalt  }
0x7b: {  	_ =	shalt  }
0x7c: {  	_ =	shalt  }
0x7d: {  	_ =	shalt  }
0x7e: {  	_ =	shalt  }
0x7f: {  	_ =	shalt  }
0x80: {  	_ =	shalt  }
0x81: {  	_ =	shalt  }
0x82: {  	_ =	shalt  }
0x83: {  	_ =	shalt  }
0x84: {  	_ =	shalt  }
0x85: {  	_ =	shalt  }
0x86: {  	_ =	shalt  }
0x87: {  	_ =	shalt  }
.Lfunc_end0:
.L_simem_size_0:
called_computation.1_lowered:
.L_overlay_start_0:
0x88: {  	s2 =	sld [smem:$0x3FD9]  }
0x89: {  	s3 =	sld [smem:$0x3FFE];
	_ =	sdelay $0x1  }
0x8a: {  	s1 =	srdreg.scid  }
0x8b: {  	s0 =	sand.u32 $0x1, s1  }
0x8c: {  	s16 =	sshll.u32 s0, $0xA;
	s2 =	sadd.s32 s3, s2  }
0x8d: {  	s2 =	sadd.s32 s2, s16  }
0x8e: {  	[smem:$0x3FB8] =	sst s2  }
0x8f: {  	_ = 	snop  }
0x90: {  	(tm) =	ssettm $0x1  }
0x91: {  	s17 =	sld [smem:$0x3FFB];
	_ =	sdelay $0x3  }
0x92: {  	_ =	strace s17  }
0x93: {  	s2 =	sld [smem:$0x3FFC];
	_ =	sdelay $0x3  }
0x94: {  	_ =	strace s2  }
0x95: {  	s2 =	sld [smem:$0x3FFD];
	_ =	sdelay $0x3  }
0x96: {  	_ =	strace s2  }
0x97: {  	_ =	strace $0x8FFFFFFF  }
0x98: {  	s18 =	sld [smem:$0x3FDB];
	_ =	sdelay $0x1  }
0x99: {  	s19 =	simm.s32 $_scs_section_size  }
0x9a: {  	s4 =	simm.s32 $_size__tile_overlayer_lowered;
	s5 =	simm.s32 $_tile_overlayer_lowered  }
0x9b: {  	s22 =	simm.s32 $0x1BFF;
	s21 =	sshll.u32 s5, $0x1;
	s2 =	sadd.s32 s19, s18  }
0x9c: {  	s6 =	simm.s32 $0x0;
	s20 =	sshll.u32 s4, $0x1;
	s4 =	sadd.s32 s21, s2  }
0x9d: {  	[timem:s6], [sflag:s22] =	dma.local [hbm:s4], s20  }
0x9e: {  	_ =	swait.ge [sflag:s22], s20  }
0x9f: {  	s3 =	ssub.s32 $0x0, s20;
	[sflag:s22] =	ssyncset.done $0x0  }
0xa0: {  	[sflag:s22] =	ssyncadd.s32 s3;
	_ =	sdelay $0x1  }
0xa1: {  	s23 =	simm.s32 $0x1B8B  }
0xa2: {  	_ =	swait.ge [sflag:s23], $0x1  }
0xa3: {  	[sflag:s23] =	ssyncset.done $0x0  }
0xa4: {  	s25 =	simm.s32 $0x1B8E;
	s24 =	sld [smem:$0x3FFE];
	[sflag:s23] =	ssyncadd.s32 $0xFFFFFFFF  }
0xa5: {  	s26 =	simm.s32 $execute0_lowered;
	[smem:$0x3FD2] =	sst s25  }
0xa6: {  	s4 =	sshll.u32 s26, $0x1;
	_ =	strace $0x80000049;
	[dreg:$0x1] =	wrdreg $0xFFFFFFFF  }
0xa7: {  	s28 =	simm.s32 $_size_execute0_lowered;
	s2 =	sadd.s32 s2, s4;
	[dreg:$0x0] =	wrdreg $0x0  }
0xa8: {  	s4 =	sshll.u32 s28, $0x1;
	[dreg:$0x2] =	wrdreg s2  }
0xa9: {  	[dreg:$0x3] =	wrdreg s4  }
0xaa: {  	[dreg:$0x4] =	wrdreg $0xC0  }
0xab: {  	_ =	task [dreg:s6], $0x5FFFF  }
0xac: {  	[dreg:$0x1] =	wrdreg $0xFFFFFFFF  }
0xad: {  	[dreg:$0x0] =	wrdreg $0x60  }
0xae: {  	[dreg:$0x2] =	wrdreg s24  }
0xaf: {  	[dreg:$0x3] =	wrdreg $0x0  }
0xb0: {  	[dreg:$0x4] =	wrdreg $0x9  }
0xb1: {  	_ =	task.clear_ibuf [dreg:s6], $0x5FFFF;
	_ =	strace $0x90000049  }
0xb2: {  	s29 =	simm.s32 $0x9;
	_ =	strace $0x8000004B  }
0xb3: {  	_ =	swait.ge [sflag:s29], $0x1  }
0xb4: {  	[sflag:s29] =	ssyncadd.s32 $0xFFFFFFFF  }
0xb5: {  	_ =	strace $0x9000004B  }
0xb6: {  	_ =	sfence  }
0xb7: {  	s30 =	sld [smem:$0x0];
	_ =	sdelay $0x2  }
0xb8: {  	s31 =	sshll.u32 s1, $0xD;
	s1 =	sshrl.u32 s1, $0x2  }
0xb9: {  	s3 =	sand.u32 $0x4000, s31;
	s1 =	sadd.s32 s1, s30  }
0xba: {  	s0 =	sor.u32 s3, s0;
	s1 =	sshll.u32 s1, $0x11  }
0xbb: {  	s0 =	sor.u32 s1, s0  }
0xbc: {  	s0 =	sadd.s32 $0x8F2B, s0  }
0xbd: {  	[sflag:s0] =	ssyncadd.remote.s32 $0x1  }
0xbe: {  	_ =	sfence.sel $0xFFFF  }
0xbf: {  	[dreg:$0x0] =	wrdreg $0xFFFFFFFF;
	(pc) =	sbr.abs _section_cstart, $3  }
0xc0: {  	[dreg:$0x1] =	wrdreg $0xFFFFFFFF  }
0xc1: {  	_ =	task.clear_ibuf [dreg:s6], $0x2FFFF;
	_ =	strace $0x9FFFFFFF  }
0xc2: {  	(tm) =	ssettm $0x7FFFFFFF  }
0xc3: {  	_ =	shalt  }
tec
execute0_lowered:
.L_overlay_start_1:
0x0: {  	(tag) =	ssettag $0x1  }
0x1: {  	s0 =	rddreg [dreg:$0x0]  }
0x2: {  	s2 =	rddreg [dreg:$0x1];
	s3 =	simm.s32 $0x0;
	s13 =	stileid.u32  }
0x3: {  	s1 =	srdreg.scid;
	s18 =	simm.s32 $0x13A00;
	s19 =	simm.s32 $0x4  }
0x4: {  	s20 =	simm.s32 $0x13880;
	s28 =	simm.s32 $0x17B80;
	s29 =	simm.s32 $0x1BB80  }
0x5: {  	s30 =	simm.s32 $0x1BC00;
	s31 =	simm.s32 $0x1BC80;
	[smem:$0x7FF] =	sst s3  }
0x6: {  	s5 =	smul.u32 $0x4E000, s13;
	s4 =	sadd.s32 $0xB3C00, s0;
	s6 =	sadd.s32 $0x3C00, s0  }
0x7: {  	s7 =	sand.u32 $0x1, s1;
	s21 =	sadd.s32 $0xDA00, s0;
	s11 =	smul.u32 $0x13800, s13  }
0x8: {  	s0 =	sadd.s32 $0x101E00, s0;
	s24 =	sshll.u32 s13, $0x4;
	s17 =	smul.u32 $0x9C0, s13  }
0x9: {  	p0 =	sne.s32 s13, $0xF;
	p1 =	sgt.u32 s13, $0x3;
	s1 =	simm.s32 $0x1  }
0xa: {  	_ =	strace $0x8000004A;
	s8 =	ssub.s32 $0x2, s7;
	s23 =	smul.u32 $0x138800, s7  }
0xb: {  	s26 =	sor.u32 $0x9C00, s24;
	s24 =	simm.s32 $0x17A00;
	v0 =	vmov s7;
	s7 =	simm.s32 $0x3  }
0xc: {  	s5 =	sshrl.u32 s5, $0x2;
	s9 =	sshrl.u32 s8, $0x1;
	s14 =	sadd.s32 s6, s26  }
0xd: {  	s16 =	sadd.s32 s17, s21;
	s17 =	sadd.s32 s17, s6;
	s6 =	simm.s32 $0x2  }
0xe: {  	s5 =	sadd.s32 s5, s2;
	s8 =	ssub.s32 s8, s9;
	[dreg:$0x7] =	wrdreg s14  }
0xf: {  	s11 =	sadd.s32 s11, s23;
	s9 =	sshrl.u32 s23, $0x3;
	s22 =	sadd.s32 $0x4000, s5  }
0x10: {  	s23 =	simm.s32 $0x13980;
	s10 =	sadd.s32 $0x8000, s5;
	[dreg:$0x3] =	wrdreg s22  }
0x11: {  	s12 =	sadd.s32 $0xC000, s5;
	s25 =	sadd.s32 $0x10000, s5;
	[dreg:$0x4] =	wrdreg s10  }
0x12: {  	s11 =	sshrl.u32 s11, $0x3;
	s15 =	smax.u32 s8, $0x1;
	[dreg:$0x5] =	wrdreg s12  }
0x13: {  	s8 =	simm.s32 $0x0;
	[dreg:$0x6] =	wrdreg s25;
	s10 =	sadd.s32 $0x138000, s2  }
0x14: {  	s12 =	sadd.s32 s21, s26;
	s11 =	sadd.s32 s0, s11;
	s0 =	sadd.s32 s0, s9  }
0x15: {  	s21 =	simm.s32 $0x13900;
	s22 =	simm.s32 $0x80;
	[dreg:$0x8] =	wrdreg s12  }
0x16: {  	s25 =	simm.s32 $0x17A80;
	[dreg:$0x9] =	wrdreg s11;
	s0 =	sadd.s32 $0x27000, s0  }
0x17: {  	v1 =	vimm.f32 $0.0e+00;
	s26 =	simm.s32 $0x17B00;
	[dreg:$0xa] =	wrdreg s0;
	s0 =	simm.s32 $0x1BD00  }
.LBB2_1:
0x18: {  	s9 =	simm.s32 $0x0;
	s11 =	simm.s32 $0x200  }
.LBB2_2:
0x19: {  	p2 =	sne.s32 s11, $0xFE00;
	[tilespmem:s9+$0x13A70] =	vst v1  }
0x1a: {  	[tilespmem:s9+$0x13A00] =	vst v1  }
0x1b: {  	[tilespmem:s9+$0x13A10] =	vst v1  }
.Ltmp0:
0x1c: {  	[tilespmem:s9+$0x13A20] =	vst v1;
	(pc) =	sbr.rel @p2 .LBB2_2-.Ltmp0, $4  }
0x1d: {  	[tilespmem:s9+$0x13A30] =	vst v1  }
0x1e: {  	[tilespmem:s9+$0x13A40] =	vst v1  }
0x1f: {  	[tilespmem:s9+$0x13A50] =	vst v1  }
0x20: {  	[tilespmem:s9+$0x13A60] =	vst v1;
	s9 =	sshra.s32 s11, $0x2;
	s11 =	sadd.s32 $0x200, s11  }
0x21: {  	[tilespmem:s9+$0x13A70] =	vst v1  }
0x22: {  	[tilespmem:s9+$0x13A00] =	vst v1  }
0x23: {  	[tilespmem:s9+$0x13A10] =	vst v1  }
0x24: {  	[tilespmem:s9+$0x13A20] =	vst v1  }
0x25: {  	[tilespmem:s9+$0x13A30] =	vst v1  }
0x26: {  	[tilespmem:s9+$0x13A40] =	vst v1  }
0x27: {  	[tilespmem:s9+$0x13A50] =	vst v1  }
0x28: {  	[tilespmem:s9+$0x13A60] =	vst v1  }
0x29: {  	[spmem:s5] =	stream.linear.scatter [tilespmem:s18], [sflag:$0x4], $0x4000, $0x38;
	[tilespmem:$0x1FD00] =	vst v63  }
0x2a: {  	_ =	swait.ge [sflag:s19], $0x4000  }
0x2b: {  	[sflag:s19] =	ssyncset.done $0x0  }
0x2c: {  	s14 =	rddreg [dreg:$0x3];
	[sflag:s19] =	ssyncadd.s32 $0xFFFFC000  }
0x2d: {  	[spmem:s14] =	stream.linear.scatter [tilespmem:s18], [sflag:$0x4], $0x4000, $0x38;
	[tilespmem:$0x1FD00] =	vst v63  }
0x2e: {  	_ =	swait.ge [sflag:s19], $0x4000  }
0x2f: {  	[sflag:s19] =	ssyncset.done $0x0  }
0x30: {  	s11 =	rddreg [dreg:$0x4];
	[sflag:s19] =	ssyncadd.s32 $0xFFFFC000  }
0x31: {  	[spmem:s11] =	stream.linear.scatter [tilespmem:s18], [sflag:$0x4], $0x4000, $0x38;
	[tilespmem:$0x1FD00] =	vst v63  }
0x32: {  	_ =	swait.ge [sflag:s19], $0x4000  }
0x33: {  	[sflag:s19] =	ssyncset.done $0x0  }
0x34: {  	s12 =	rddreg [dreg:$0x5];
	[sflag:s19] =	ssyncadd.s32 $0xFFFFC000  }
0x35: {  	[spmem:s12] =	stream.linear.scatter [tilespmem:s18], [sflag:$0x4], $0x4000, $0x38;
	[tilespmem:$0x1FD00] =	vst v63  }
0x36: {  	_ =	swait.ge [sflag:s19], $0x4000  }
0x37: {  	[sflag:s19] =	ssyncset.done $0x0  }
0x38: {  	s13 =	rddreg [dreg:$0x6];
	[sflag:s19] =	ssyncadd.s32 $0xFFFFC000  }
0x39: {  	[spmem:s13] =	stream.linear.scatter [tilespmem:s18], [sflag:$0x4], $0x3800, $0x38;
	[tilespmem:$0x1FD00] =	vst v63  }
0x3a: {  	_ =	swait.ge [sflag:s19], $0x3800  }
0x3b: {  	[sflag:s19] =	ssyncset.done $0x0  }
0x3c: {  	s9 =	simm.s32 @!p0 $0x13A00;
	[sflag:s19] =	ssyncadd.s32 $0xFFFFC800  }
0x3d: {  	[spmem:s10] =	stream.linear.scatter @!p0 [tilespmem:s9], [sflag:$0x4], $0x800, $0x38;
	[tilespmem:$0x1FD00] =	vst v63  }
0x3e: {  	s9 =	simm.s32 @!p0 $0x4  }
0x3f: {  	_ =	swait.ge @!p0 [sflag:s9], $0x800  }
0x40: {  	[sflag:s9] =	ssyncset.done @!p0 $0x0  }
0x41: {  	[sflag:s9] =	ssyncadd.s32 @!p0 $0xFFFFF800  }
0x42: {  	s14 =	sadd.s32 $0x0, s17;
	[bflag:$0x0] =	sbarrier.arrive $0xFFFF  }
0x43: {  	[tilespmem:s20], [sflag:$0x4] =	stream.linear.gather [hbm4b:s14+s3], $0x80, $0x38;
	[tilespmem:$0x1FD00] =	vst v63  }
0x44: {  	_ =	swait.ge [sflag:s19], $0x80  }
0x45: {  	[sflag:s19] =	ssyncset.done $0x0  }
0x46: {  	s11 =	sadd.s32 $0x0, s16;
	[sflag:s19] =	ssyncadd.s32 $0xFFFFFF80  }
0x47: {  	[tilespmem:s21], [sflag:$0x4] =	stream.linear.gather [hbm4b:s11+s3], $0x80, $0x38;
	[tilespmem:$0x1FD00] =	vst v63  }
0x48: {  	_ =	swait.ge [sflag:s19], $0x80  }
0x49: {  	[sflag:s19] =	ssyncset.done $0x0  }
0x4a: {  	[sflag:s19] =	ssyncadd.s32 $0xFFFFFF80  }
0x4b: {  	v2 =	vld [tilespmem:$0x138E0]  }
0x4c: {  	v3 =	vld [tilespmem:$0x138B0]  }
0x4d: {  	v4 =	vld [tilespmem:$0x138C0]  }
0x4e: {  	v5 =	vld [tilespmem:$0x138D0]  }
0x4f: {  	v6 =	vld [tilespmem:$0x13880]  }
0x50: {  	v7 =	vld [tilespmem:$0x138A0];
	v2 =	vshll.u32 v2, $0x1  }
0x51: {  	v8 =	vld [tilespmem:$0x138F0];
	v3 =	vshll.u32 v3, $0x1;
	v2 =	vor.u32 v0, v2  }
0x52: {  	v4 =	vshll.u32 v4, $0x1;
	v3 =	vor.u32 v0, v3;
	[tilespmem:$0x139E0] =	vst v2;
	v2 =	vld [tilespmem:$0x13890]  }
0x53: {  	v5 =	vshll.u32 v5, $0x1;
	[tilespmem:$0x139B0] =	vst v3;
	v3 =	vor.u32 v0, v4  }
0x54: {  	v4 =	vor.u32 v0, v5;
	v5 =	vshll.u32 v6, $0x1;
	[tilespmem:$0x139C0] =	vst v3  }
0x55: {  	v3 =	vor.u32 v0, v5;
	v5 =	vshll.u32 v7, $0x1;
	[tilespmem:$0x139D0] =	vst v4  }
0x56: {  	v4 =	vshll.u32 v8, $0x1;
	[tilespmem:$0x13980] =	vst v3;
	v3 =	vor.u32 v0, v5  }
0x57: {  	[tilespmem:$0x139A0] =	vst v3;
	v3 =	vor.u32 v0, v4;
	v2 =	vshll.u32 v2, $0x1  }
0x58: {  	[tilespmem:$0x139F0] =	vst v3;
	v2 =	vor.u32 v0, v2  }
0x59: {  	[tilespmem:$0x13990] =	vst v2  }
0x5a: {  	[tilespmem:s18], [sflag:$0x1] =	stream.indirect.gather [hbm4b:s4+s22], $0x80, s23, s22, $0xb8;
	[tilespmem:$0x1FD00] =	vst v63  }
0x5b: {  	s12 =	sadd.s32 $0x10, s14  }
0x5c: {  	[tilespmem:s24], [sflag:$0x4] =	stream.linear.gather [hbm4b:s12+s3], $0x80, $0x38;
	[tilespmem:$0x1FD00] =	vst v63  }
0x5d: {  	_ =	swait.ge [sflag:s19], $0x80  }
0x5e: {  	[sflag:s19] =	ssyncset.done $0x0  }
0x5f: {  	s13 =	sadd.s32 $0x10, s11;
	[sflag:s19] =	ssyncadd.s32 $0xFFFFFF80  }
0x60: {  	[tilespmem:s25], [sflag:$0x4] =	stream.linear.gather [hbm4b:s13+s3], $0x80, $0x38;
	[tilespmem:$0x1FD00] =	vst v63  }
0x61: {  	_ =	swait.ge [sflag:s19], $0x80  }
0x62: {  	[sflag:s19] =	ssyncset.done $0x0  }
0x63: {  	[sflag:s19] =	ssyncadd.s32 $0xFFFFFF80  }
0x64: {  	v2 =	vld [tilespmem:$0x17A00]  }
0x65: {  	v3 =	vld [tilespmem:$0x17A50]  }
0x66: {  	v4 =	vld [tilespmem:$0x17A20]  }
0x67: {  	v5 =	vld [tilespmem:$0x17A30]  }
0x68: {  	v58 =	vld [tilespmem:$0x17A10]  }
0x69: {  	v59 =	vld [tilespmem:$0x17A40];
	v2 =	vshll.u32 v2, $0x1  }
0x6a: {  	v60 =	vld [tilespmem:$0x17A70];
	v3 =	vshll.u32 v3, $0x1;
	v2 =	vor.u32 v0, v2  }
0x6b: {  	v3 =	vor.u32 v0, v3;
	[tilespmem:$0x17B00] =	vst v2;
	v2 =	vshll.u32 v4, $0x1;
	v4 =	vld [tilespmem:$0x17A60]  }
0x6c: {  	v5 =	vshll.u32 v5, $0x1;
	[tilespmem:$0x17B50] =	vst v3;
	v2 =	vor.u32 v0, v2  }
0x6d: {  	v3 =	vshll.u32 v58, $0x1;
	[tilespmem:$0x17B20] =	vst v2;
	v2 =	vor.u32 v0, v5  }
0x6e: {  	v3 =	vor.u32 v0, v3;
	[tilespmem:$0x17B30] =	vst v2;
	v2 =	vshll.u32 v59, $0x1  }
0x6f: {  	[tilespmem:$0x17B10] =	vst v3;
	v3 =	vshll.u32 v60, $0x1;
	v2 =	vor.u32 v0, v2  }
0x70: {  	v3 =	vor.u32 v0, v3;
	[tilespmem:$0x17B40] =	vst v2;
	v2 =	vshll.u32 v4, $0x1  }
0x71: {  	[tilespmem:$0x17B70] =	vst v3;
	v2 =	vor.u32 v0, v2  }
0x72: {  	[tilespmem:$0x17B60] =	vst v2  }
0x73: {  	[tilespmem:s28], [sflag:$0x2] =	stream.indirect.gather [hbm4b:s4+s22], $0x80, s26, s22, $0xb8;
	[tilespmem:$0x1FD00] =	vst v63  }
0x74: {  	s9 =	sadd.s32 $0x20, s14  }
0x75: {  	[tilespmem:s29], [sflag:$0x4] =	stream.linear.gather [hbm4b:s9+s3], $0x80, $0x38;
	[tilespmem:$0x1FD00] =	vst v63  }
0x76: {  	_ =	swait.ge [sflag:s19], $0x80  }
0x77: {  	[sflag:s19] =	ssyncset.done $0x0  }
0x78: {  	s14 =	sadd.s32 $0x20, s11;
	[sflag:s19] =	ssyncadd.s32 $0xFFFFFF80  }
0x79: {  	[tilespmem:s30], [sflag:$0x4] =	stream.linear.gather [hbm4b:s14+s3], $0x80, $0x38;
	[tilespmem:$0x1FD00] =	vst v63  }
0x7a: {  	_ =	swait.ge [sflag:s19], $0x80  }
0x7b: {  	[sflag:s19] =	ssyncset.done $0x0  }
0x7c: {  	[sflag:s19] =	ssyncadd.s32 $0xFFFFFF80  }
0x7d: {  	v2 =	vld [tilespmem:$0x1BB80]  }
0x7e: {  	v3 =	vld [tilespmem:$0x1BB90]  }
0x7f: {  	v4 =	vld [tilespmem:$0x1BBA0]  }
0x80: {  	v5 =	vld [tilespmem:$0x1BBB0]  }
0x81: {  	v61 =	vld [tilespmem:$0x1BBC0]  }
0x82: {  	v62 =	vld [tilespmem:$0x1BBD0];
	v2 =	vshll.u32 v2, $0x1  }
0x83: {  	v63 =	vld [tilespmem:$0x1BBE0];
	v3 =	vshll.u32 v3, $0x1;
	v2 =	vor.u32 v0, v2  }
0x84: {  	[tilespmem:$0x1BC80] =	vst v2;
	v2 =	vor.u32 v0, v3;
	v3 =	vshll.u32 v4, $0x1;
	v4 =	vld [tilespmem:$0x1BBF0]  }
0x85: {  	[tilespmem:$0x1BC90] =	vst v2;
	v2 =	vor.u32 v0, v3;
	v3 =	vshll.u32 v5, $0x1  }
0x86: {  	[tilespmem:$0x1BCA0] =	vst v2;
	v2 =	vor.u32 v0, v3;
	v3 =	vshll.u32 v61, $0x1  }
0x87: {  	[tilespmem:$0x1BCB0] =	vst v2;
	v2 =	vor.u32 v0, v3;
	v3 =	vshll.u32 v62, $0x1  }
0x88: {  	[tilespmem:$0x1BCC0] =	vst v2;
	v2 =	vor.u32 v0, v3;
	v3 =	vshll.u32 v63, $0x1  }
0x89: {  	s9 =	simm.s32 $0x30;
	[tilespmem:$0x1BCD0] =	vst v2;
	v2 =	vor.u32 v0, v3;
	v3 =	vshll.u32 v4, $0x1  }
.LBB2_4:
0x8a: {  	p2 =	sne.s32 s9, $0x990;
	[tilespmem:$0x1BCE0] =	vst v2;
	v2 =	vor.u32 v0, v3;
	s12 =	smov.u32 s9;
	s9 =	sadd.s32 $0x30, s9  }
0x8b: {  	[tilespmem:$0x1BCF0] =	vst v2  }
0x8c: {  	[tilespmem:s0], [sflag:$0x3] =	stream.indirect.gather [hbm4b:s4+s22], $0x80, s31, s22, $0xb8;
	[tilespmem:$0x1FD00] =	vst v63  }
0x8d: {  	_ =	swait.ge [sflag:s1], $0x4000  }
0x8e: {  	[sflag:s1] =	ssyncset.done $0x0  }
0x8f: {  	[sflag:s1] =	ssyncadd.s32 $0xFFFFC000  }
0x90: {  	[spmem:s2] =	stream.indirect.scatter.add.f32 [tilespmem:s18], [sflag:$0x4], $0x80, s21, s22, $0xb8;
	[tilespmem:$0x1FD00] =	vst v63  }
0x91: {  	_ =	swait.ge [sflag:s19], $0x4000  }
0x92: {  	[sflag:s19] =	ssyncset.done $0x0  }
0x93: {  	[sflag:s19] =	ssyncadd.s32 $0xFFFFC000  }
0x94: {  	_ =	swait.ge [sflag:s6], $0x4000  }
0x95: {  	[sflag:s6] =	ssyncset.done $0x0  }
0x96: {  	[sflag:s6] =	ssyncadd.s32 $0xFFFFC000  }
0x97: {  	[spmem:s2] =	stream.indirect.scatter.add.f32 [tilespmem:s28], [sflag:$0x4], $0x80, s25, s22, $0xb8;
	[tilespmem:$0x1FD00] =	vst v63  }
0x98: {  	_ =	swait.ge [sflag:s19], $0x4000  }
0x99: {  	[sflag:s19] =	ssyncset.done $0x0  }
0x9a: {  	[sflag:s19] =	ssyncadd.s32 $0xFFFFC000  }
0x9b: {  	_ =	swait.ge [sflag:s7], $0x4000  }
0x9c: {  	[sflag:s7] =	ssyncset.done $0x0  }
0x9d: {  	[sflag:s7] =	ssyncadd.s32 $0xFFFFC000  }
0x9e: {  	[spmem:s2] =	stream.indirect.scatter.add.f32 [tilespmem:s0], [sflag:$0x4], $0x80, s30, s22, $0xb8;
	[tilespmem:$0x1FD00] =	vst v63  }
0x9f: {  	_ =	swait.ge [sflag:s19], $0x4000  }
0xa0: {  	s11 =	sadd.s32 s12, s17;
	[sflag:s19] =	ssyncset.done $0x0  }
0xa1: {  	[sflag:s19] =	ssyncadd.s32 $0xFFFFC000  }
0xa2: {  	[tilespmem:s20], [sflag:$0x4] =	stream.linear.gather [hbm4b:s11+s3], $0x80, $0x38;
	[tilespmem:$0x1FD00] =	vst v63  }
0xa3: {  	_ =	swait.ge [sflag:s19], $0x80  }
0xa4: {  	[sflag:s19] =	ssyncset.done $0x0  }
0xa5: {  	s12 =	sadd.s32 s12, s16;
	[sflag:s19] =	ssyncadd.s32 $0xFFFFFF80  }
0xa6: {  	[tilespmem:s21], [sflag:$0x4] =	stream.linear.gather [hbm4b:s12+s3], $0x80, $0x38;
	[tilespmem:$0x1FD00] =	vst v63  }
0xa7: {  	_ =	swait.ge [sflag:s19], $0x80  }
0xa8: {  	[sflag:s19] =	ssyncset.done $0x0  }
0xa9: {  	[sflag:s19] =	ssyncadd.s32 $0xFFFFFF80  }
0xaa: {  	v2 =	vld [tilespmem:$0x138E0]  }
0xab: {  	v3 =	vld [tilespmem:$0x138B0]  }
0xac: {  	v4 =	vld [tilespmem:$0x138D0]  }
0xad: {  	v5 =	vld [tilespmem:$0x138C0]  }
0xae: {  	v6 =	vld [tilespmem:$0x13890]  }
0xaf: {  	v7 =	vld [tilespmem:$0x13880];
	v2 =	vshll.u32 v2, $0x1  }
0xb0: {  	v8 =	vld [tilespmem:$0x138A0];
	v3 =	vshll.u32 v3, $0x1;
	v2 =	vor.u32 v0, v2  }
0xb1: {  	v3 =	vor.u32 v0, v3;
	v4 =	vshll.u32 v4, $0x1;
	[tilespmem:$0x139E0] =	vst v2;
	v2 =	vld [tilespmem:$0x138F0]  }
0xb2: {  	[tilespmem:$0x139B0] =	vst v3;
	v3 =	vshll.u32 v5, $0x1  }
0xb3: {  	v4 =	vor.u32 v0, v4;
	v5 =	vshll.u32 v6, $0x1;
	v3 =	vor.u32 v0, v3  }
0xb4: {  	v6 =	vshll.u32 v7, $0x1;
	v5 =	vor.u32 v0, v5;
	[tilespmem:$0x139C0] =	vst v3  }
0xb5: {  	v3 =	vor.u32 v0, v6;
	v6 =	vshll.u32 v8, $0x1;
	[tilespmem:$0x139D0] =	vst v4  }
0xb6: {  	[tilespmem:$0x13980] =	vst v3;
	v3 =	vor.u32 v0, v6;
	v2 =	vshll.u32 v2, $0x1  }
0xb7: {  	[tilespmem:$0x139A0] =	vst v3;
	v2 =	vor.u32 v0, v2  }
0xb8: {  	[tilespmem:$0x139F0] =	vst v2  }
0xb9: {  	[tilespmem:$0x13990] =	vst v5  }
0xba: {  	[tilespmem:s18], [sflag:$0x1] =	stream.indirect.gather [hbm4b:s4+s22], $0x80, s23, s22, $0xb8;
	[tilespmem:$0x1FD00] =	vst v63  }
0xbb: {  	s13 =	sadd.s32 $0x10, s11  }
0xbc: {  	[tilespmem:s24], [sflag:$0x4] =	stream.linear.gather [hbm4b:s13+s3], $0x80, $0x38;
	[tilespmem:$0x1FD00] =	vst v63  }
0xbd: {  	_ =	swait.ge [sflag:s19], $0x80  }
0xbe: {  	[sflag:s19] =	ssyncset.done $0x0  }
0xbf: {  	s13 =	sadd.s32 $0x10, s12;
	[sflag:s19] =	ssyncadd.s32 $0xFFFFFF80  }
0xc0: {  	[tilespmem:s25], [sflag:$0x4] =	stream.linear.gather [hbm4b:s13+s3], $0x80, $0x38;
	[tilespmem:$0x1FD00] =	vst v63  }
0xc1: {  	_ =	swait.ge [sflag:s19], $0x80  }
0xc2: {  	[sflag:s19] =	ssyncset.done $0x0  }
0xc3: {  	[sflag:s19] =	ssyncadd.s32 $0xFFFFFF80  }
0xc4: {  	v2 =	vld [tilespmem:$0x17A00]  }
0xc5: {  	v3 =	vld [tilespmem:$0x17A50]  }
0xc6: {  	v4 =	vld [tilespmem:$0x17A20]  }
0xc7: {  	v5 =	vld [tilespmem:$0x17A30]  }
0xc8: {  	v6 =	vld [tilespmem:$0x17A10]  }
0xc9: {  	v2 =	vshll.u32 v2, $0x1;
	v7 =	vld [tilespmem:$0x17A40]  }
0xca: {  	v2 =	vor.u32 v0, v2;
	v3 =	vshll.u32 v3, $0x1;
	v8 =	vld [tilespmem:$0x17A70]  }
0xcb: {  	[tilespmem:$0x17B00] =	vst v2;
	v2 =	vshll.u32 v4, $0x1;
	v3 =	vor.u32 v0, v3;
	v4 =	vld [tilespmem:$0x17A60]  }
0xcc: {  	v2 =	vor.u32 v0, v2;
	v5 =	vshll.u32 v5, $0x1;
	[tilespmem:$0x17B50] =	vst v3  }
0xcd: {  	v3 =	vshll.u32 v6, $0x1;
	[tilespmem:$0x17B20] =	vst v2;
	v2 =	vor.u32 v0, v5  }
0xce: {  	v3 =	vor.u32 v0, v3;
	[tilespmem:$0x17B30] =	vst v2;
	v2 =	vshll.u32 v7, $0x1  }
0xcf: {  	[tilespmem:$0x17B10] =	vst v3;
	v2 =	vor.u32 v0, v2;
	v3 =	vshll.u32 v8, $0x1  }
0xd0: {  	[tilespmem:$0x17B40] =	vst v2;
	v2 =	vshll.u32 v4, $0x1;
	v3 =	vor.u32 v0, v3  }
0xd1: {  	v2 =	vor.u32 v0, v2;
	[tilespmem:$0x17B70] =	vst v3  }
0xd2: {  	[tilespmem:$0x17B60] =	vst v2  }
0xd3: {  	[tilespmem:s28], [sflag:$0x2] =	stream.indirect.gather [hbm4b:s4+s22], $0x80, s26, s22, $0xb8;
	[tilespmem:$0x1FD00] =	vst v63  }
0xd4: {  	s11 =	sadd.s32 $0x20, s11  }
0xd5: {  	[tilespmem:s29], [sflag:$0x4] =	stream.linear.gather [hbm4b:s11+s3], $0x80, $0x38;
	[tilespmem:$0x1FD00] =	vst v63  }
0xd6: {  	_ =	swait.ge [sflag:s19], $0x80  }
0xd7: {  	[sflag:s19] =	ssyncset.done $0x0  }
0xd8: {  	s11 =	sadd.s32 $0x20, s12;
	[sflag:s19] =	ssyncadd.s32 $0xFFFFFF80  }
0xd9: {  	[tilespmem:s30], [sflag:$0x4] =	stream.linear.gather [hbm4b:s11+s3], $0x80, $0x38;
	[tilespmem:$0x1FD00] =	vst v63  }
0xda: {  	_ =	swait.ge [sflag:s19], $0x80  }
0xdb: {  	[sflag:s19] =	ssyncset.done $0x0  }
0xdc: {  	[sflag:s19] =	ssyncadd.s32 $0xFFFFFF80  }
0xdd: {  	v2 =	vld [tilespmem:$0x1BB80]  }
0xde: {  	v3 =	vld [tilespmem:$0x1BB90]  }
0xdf: {  	v4 =	vld [tilespmem:$0x1BBA0]  }
0xe0: {  	v5 =	vld [tilespmem:$0x1BBB0]  }
0xe1: {  	v6 =	vld [tilespmem:$0x1BBC0]  }
0xe2: {  	v2 =	vshll.u32 v2, $0x1;
	v7 =	vld [tilespmem:$0x1BBD0]  }
0xe3: {  	v2 =	vor.u32 v0, v2;
	v3 =	vshll.u32 v3, $0x1;
	v8 =	vld [tilespmem:$0x1BBE0]  }
0xe4: {  	[tilespmem:$0x1BC80] =	vst v2;
	v2 =	vor.u32 v0, v3;
	v3 =	vshll.u32 v4, $0x1;
	v4 =	vld [tilespmem:$0x1BBF0]  }
.Ltmp1:
0xe5: {  	[tilespmem:$0x1BC90] =	vst v2;
	v2 =	vor.u32 v0, v3;
	v3 =	vshll.u32 v5, $0x1;
	(pc) =	sbr.rel @p2 .LBB2_4-.Ltmp1, $4  }
0xe6: {  	[tilespmem:$0x1BCA0] =	vst v2;
	v2 =	vor.u32 v0, v3;
	v3 =	vshll.u32 v6, $0x1  }
0xe7: {  	[tilespmem:$0x1BCB0] =	vst v2;
	v2 =	vor.u32 v0, v3;
	v3 =	vshll.u32 v7, $0x1  }
0xe8: {  	[tilespmem:$0x1BCC0] =	vst v2;
	v2 =	vor.u32 v0, v3;
	v3 =	vshll.u32 v8, $0x1  }
0xe9: {  	[tilespmem:$0x1BCD0] =	vst v2;
	v2 =	vor.u32 v0, v3;
	v3 =	vshll.u32 v4, $0x1  }
0xea: {  	[tilespmem:$0x1BCE0] =	vst v2;
	v2 =	vor.u32 v0, v3  }
0xeb: {  	[tilespmem:$0x1BCF0] =	vst v2  }
0xec: {  	[tilespmem:s0], [sflag:$0x3] =	stream.indirect.gather [hbm4b:s4+s22], $0x80, s31, s22, $0xb8;
	[tilespmem:$0x1FD00] =	vst v63  }
0xed: {  	_ =	swait.ge [sflag:s1], $0x4000  }
0xee: {  	[sflag:s1] =	ssyncset.done $0x0  }
0xef: {  	[sflag:s1] =	ssyncadd.s32 $0xFFFFC000  }
0xf0: {  	[spmem:s2] =	stream.indirect.scatter.add.f32 [tilespmem:s18], [sflag:$0x4], $0x80, s21, s22, $0xb8;
	[tilespmem:$0x1FD00] =	vst v63  }
0xf1: {  	_ =	swait.ge [sflag:s19], $0x4000  }
0xf2: {  	[sflag:s19] =	ssyncset.done $0x0  }
0xf3: {  	[sflag:s19] =	ssyncadd.s32 $0xFFFFC000  }
0xf4: {  	_ =	swait.ge [sflag:s6], $0x4000  }
0xf5: {  	[sflag:s6] =	ssyncset.done $0x0  }
0xf6: {  	[sflag:s6] =	ssyncadd.s32 $0xFFFFC000  }
0xf7: {  	[spmem:s2] =	stream.indirect.scatter.add.f32 [tilespmem:s28], [sflag:$0x4], $0x80, s25, s22, $0xb8;
	[tilespmem:$0x1FD00] =	vst v63  }
0xf8: {  	_ =	swait.ge [sflag:s19], $0x4000  }
0xf9: {  	[sflag:s19] =	ssyncset.done $0x0  }
0xfa: {  	[sflag:s19] =	ssyncadd.s32 $0xFFFFC000  }
0xfb: {  	_ =	swait.ge [sflag:s7], $0x4000  }
0xfc: {  	[sflag:s7] =	ssyncset.done $0x0  }
0xfd: {  	[sflag:s7] =	ssyncadd.s32 $0xFFFFC000  }
0xfe: {  	[spmem:s2] =	stream.indirect.scatter.add.f32 [tilespmem:s0], [sflag:$0x4], $0x80, s30, s22, $0xb8;
	[tilespmem:$0x1FD00] =	vst v63  }
0xff: {  	_ =	swait.ge [sflag:s19], $0x4000  }
0x100: {  	s9 =	simm.s32 @!p1 $0x0;
	[sflag:s19] =	ssyncset.done $0x0  }
0x101: {  	s11 =	simm.s32 @!p1 $0x13880;
	s12 =	rddreg [dreg:$0x7];
	[sflag:s19] =	ssyncadd.s32 $0xFFFFC000  }
0x102: {  	[tilespmem:s11], [sflag:$0x4] =	stream.linear.gather @!p1 [hbm4b:s12+s9], $0x80, $0x38;
	[tilespmem:$0x1FD00] =	vst v63  }
0x103: {  	s11 =	simm.s32 @!p1 $0x4  }
0x104: {  	_ =	swait.ge @!p1 [sflag:s11], $0x80  }
0x105: {  	[sflag:s11] =	ssyncset.done @!p1 $0x0  }
0x106: {  	s12 =	simm.s32 @!p1 $0x13900;
	s13 =	rddreg [dreg:$0x8];
	[sflag:s11] =	ssyncadd.s32 @!p1 $0xFFFFFF80  }
0x107: {  	[tilespmem:s12], [sflag:$0x4] =	stream.linear.gather @!p1 [hbm4b:s13+s9], $0x80, $0x38;
	[tilespmem:$0x1FD00] =	vst v63  }
0x108: {  	_ =	swait.ge @!p1 [sflag:s11], $0x80  }
0x109: {  	[sflag:s11] =	ssyncset.done @!p1 $0x0  }
0x10a: {  	[sflag:s11] =	ssyncadd.s32 @!p1 $0xFFFFFF80  }
0x10b: {  	v2 =	vld @!p1 [tilespmem:$0x13880]  }
0x10c: {  	v3 =	vld @!p1 [tilespmem:$0x13890]  }
0x10d: {  	v4 =	vld @!p1 [tilespmem:$0x138A0]  }
0x10e: {  	v5 =	vld @!p1 [tilespmem:$0x138B0]  }
0x10f: {  	v6 =	vld @!p1 [tilespmem:$0x138C0]  }
0x110: {  	v7 =	vld @!p1 [tilespmem:$0x138D0];
	v2 =	vshll.u32 @!p1 v2, $0x1  }
0x111: {  	v8 =	vld @!p1 [tilespmem:$0x138E0];
	v3 =	vshll.u32 @!p1 v3, $0x1;
	v2 =	vor.u32 @!p1 v0, v2  }
0x112: {  	[tilespmem:$0x13980] =	vst @!p1 v2;
	v2 =	vor.u32 @!p1 v0, v3;
	v3 =	vshll.u32 @!p1 v4, $0x1;
	v4 =	vld @!p1 [tilespmem:$0x138F0]  }
0x113: {  	[tilespmem:$0x13990] =	vst @!p1 v2;
	v2 =	vor.u32 @!p1 v0, v3;
	v3 =	vshll.u32 @!p1 v5, $0x1  }
0x114: {  	[tilespmem:$0x139A0] =	vst @!p1 v2;
	v2 =	vor.u32 @!p1 v0, v3;
	v3 =	vshll.u32 @!p1 v6, $0x1  }
0x115: {  	[tilespmem:$0x139B0] =	vst @!p1 v2;
	v2 =	vor.u32 @!p1 v0, v3;
	v3 =	vshll.u32 @!p1 v7, $0x1  }
0x116: {  	[tilespmem:$0x139C0] =	vst @!p1 v2;
	v2 =	vor.u32 @!p1 v0, v3;
	v3 =	vshll.u32 @!p1 v8, $0x1  }
0x117: {  	[tilespmem:$0x139D0] =	vst @!p1 v2;
	v2 =	vor.u32 @!p1 v0, v3;
	v3 =	vshll.u32 @!p1 v4, $0x1  }
0x118: {  	[tilespmem:$0x139E0] =	vst @!p1 v2;
	v2 =	vor.u32 @!p1 v0, v3  }
0x119: {  	s14 =	simm.s32 @!p1 $0x13A00;
	s9 =	simm.s32 @!p1 $0x80;
	s13 =	simm.s32 @!p1 $0x13980;
	[tilespmem:$0x139F0] =	vst @!p1 v2  }
0x11a: {  	[tilespmem:s14], [sflag:$0x1] =	stream.indirect.gather @!p1 [hbm4b:s4+s9], $0x80, s13, s9, $0xb8;
	[tilespmem:$0x1FD00] =	vst v63  }
0x11b: {  	s13 =	simm.s32 @!p1 $0x1  }
0x11c: {  	_ =	swait.ge @!p1 [sflag:s13], $0x4000  }
0x11d: {  	[sflag:s13] =	ssyncset.done @!p1 $0x0  }
0x11e: {  	[sflag:s13] =	ssyncadd.s32 @!p1 $0xFFFFC000  }
0x11f: {  	[spmem:s2] =	stream.indirect.scatter.add.f32 @!p1 [tilespmem:s14], [sflag:$0x4], $0x80, s12, s9, $0xb8;
	[tilespmem:$0x1FD00] =	vst v63  }
0x120: {  	_ =	swait.ge @!p1 [sflag:s11], $0x4000  }
0x121: {  	[sflag:s11] =	ssyncset.done @!p1 $0x0  }
0x122: {  	s12 =	stileid.u32;
	[sflag:s11] =	ssyncadd.s32 @!p1 $0xFFFFC000  }
0x123: {  	s9 =	sshll.u32 s12, $0x6;
	[bflag:$0x0] =	sbarrier.arrive $0xFFFF  }
0x124: {  	s13 =	sshrl.u32 s5, $0x3;
	s9 =	sor.u32 $0x1C04, s9;
	s14 =	rddreg [dreg:$0x9]  }
0x125: {  	[hbm:s14], [sflag:s9] =	dma.local [spmem:s13], $0x2700  }
0x126: {  	s8 =	sadd.s32 $0x1, s8;
	_ =	swait.ge [sflag:s19], $0x2700  }
0x127: {  	p2 =	sne.s32 s8, s15;
	[sflag:s19] =	ssyncset.done $0x0  }
0x128: {  	s11 =	sshrl.u32 @!p0 s10, $0x3;
	s12 =	rddreg [dreg:$0xa];
	[sflag:s19] =	ssyncadd.s32 $0xFFFFD900  }
0x129: {  	[hbm:s12], [sflag:s9] =	dma.local @!p0 [spmem:s11], $0x100  }
.Ltmp2:
0x12a: {  	_ = 	snop;
	(pc) =	sbr.rel @p2 .LBB2_1-.Ltmp2, $4  }
0x12b: {  	s9 =	simm.s32 @!p0 $0x4  }
0x12c: {  	_ =	swait.ge @!p0 [sflag:s9], $0x100  }
0x12d: {  	[sflag:s9] =	ssyncset.done @!p0 $0x0  }
0x12e: {  	[sflag:s9] =	ssyncadd.s32 @!p0 $0xFFFFFF00  }
0x12f: {  	_ =	sfence.sel $0x180000  }
0x130: {  	[bflag:$0x0] =	sbarrier.arrive $0xFFFF  }
0x131: {  	_ =	strace $0x9000004A  }
0x132: {  	s0 =	stileid.u32;
	[bflag:$0x2] =	sbarrier.arrive $0xFFFF  }
0x133: {  	p0 =	sne.s32 s0, $0x0;
	s0 =	rddreg [dreg:$0x2]  }
0x134: {  	s0 =	sadd.s32 @!p0 $0x100000, s0  }
0x135: {  	[sflag:s0] =	ssyncadd.tile.s32 @!p0 $0x1;
	_ =	shalt  }
.Lfunc_end2:
_tile_overlayer_lowered:
.L_overlay_start_2:
0x136: {  	(tag) =	ssettag $0x2  }
0x137: {  	s0 =	rddreg [dreg:$0x0];
	s2 =	stileid.u32  }
0x138: {  	s1 =	rddreg [dreg:$0x1];
	p0 =	sne.s32 s2, $0x0  }
0x139: {  	s3 =	rddreg [dreg:$0x2];
	[bflag:$0x3] =	sbarrier.arrive $0xFFFF;
	s2 =	simm.s32 @!p0 $0x1C04  }
0x13a: {  	[timem:s3], [sflag:s2] =	dma.local @!p0 [hbm:s0], s1  }
0x13b: {  	s0 =	simm.s32 @!p0 $0x4  }
0x13c: {  	_ =	swait.ge @!p0 [sflag:s0], s1  }
0x13d: {  	s1 =	ssub.s32 @!p0 $0x0, s1;
	[sflag:s0] =	ssyncset.done @!p0 $0x0  }
0x13e: {  	[sflag:s0] =	ssyncadd.s32 @!p0 s1  }
0x13f: {  	[bflag:$0x3] =	sbarrier.arrive $0xFFFF  }
0x140: {  	_ =	shalt  }

// kernel: kernel.16.cloned.1.call-start
scs
__scs_entry_jumppad:
0x0: {  	(pc) =	sbr.rel $0x88, $3  }
0x1: {  	(tag) =	ssettag $0x0;
	lr =	simm.s32 $0x1  }
0x2: {  	[smem:$0x3F91] =	sst lr;
	_ =	strace $0xD0000000  }
0x3: {  	_ = 	snop  }
0x4: {  	_ = 	snop  }
0x5: {  	_ = 	snop  }
0x6: {  	_ = 	snop  }
0x7: {  	_ = 	snop  }
__scs_overlays_trampoline_lowered:
0x8: {  	[smem:$0x3FA0] =	sst s0  }
0x9: {  	[smem:$0x3FA1] =	sst s1  }
0xa: {  	[smem:$0x3FA2] =	sst s2  }
0xb: {  	[smem:$0x3FA3] =	sst s3  }
0xc: {  	[smem:$0x3FA4] =	sst s4  }
0xd: {  	[smem:$0x3FA5] =	sst s5  }
0xe: {  	[smem:$0x3FA6] =	sst s6  }
0xf: {  	[smem:$0x3FA7] =	sst s7  }
0x10: {  	[smem:$0x3FA8] =	sst s8  }
0x11: {  	[smem:$0x3FA9] =	sst s9;
	s0 =	simm.s32 @!p0 $0x0  }
0x12: {  	s1 =	sld [smem:$0x3F8F];
	s0 =	simm.s32 @p0 $0x1  }
0x13: {  	[smem:$0x3FAA] =	sst s0;
	s0 =	simm.s32 @!p1 $0x0  }
0x14: {  	s2 =	sld [smem:$0x3F8E];
	s0 =	simm.s32 @p1 $0x1  }
0x15: {  	[smem:$0x3FAB] =	sst s0;
	s0 =	simm.s32 @!p2 $0x0  }
0x16: {  	s3 =	sld [smem:$0x3FDB];
	s0 =	simm.s32 @p2 $0x1  }
0x17: {  	s4 =	simm.s32 $0x1BF5;
	[smem:$0x3FAD] =	sst s0  }
0x18: {  	s0 =	sld [smem:$0x3F90];
	_ =	swait.ge [sflag:s4], $0x0  }
0x19: {  	s7 =	sld [smem:$0x3F91]  }
0x1a: {  	s8 =	sadd.s32 $0xFFFFE003, lr  }
0x1b: {  	s9 =	sadd.s32 $0xFFFFFEF7, lr;
	s5 =	simm.s32 $0xFFFFFFFF;
	p2 =	slt.u32 s8, $0xFFFFF086  }
0x1c: {  	p1 =	slt.u32 s9, $0xF7A;
	s5 =	simm.s32 @!p2 $0x0  }
0x1d: {  	s5 =	simm.s32 @p1 $0x1;
	p0 =	seq.s32 s7, s2  }
0x1e: {  	s7 =	smul.u32 @!p0 $0xF7A, s2;
	p2 =	seq.s32 @!p0 s5, $0x0  }
0x1f: {  	s9 =	smul.u32 $0xF7A, s1;
	s8 =	simm.s32 @!p0 $0x1BF5;
	p2 =	por !p2, p0  }
0x20: {  	[sflag:s8] =	ssyncset.s32 @!p0 $0xFFFFF086;
	s6 =	sadd.s32 @!p0 s3, s7;
	s7 =	simm.s32 @!p0 $0x108  }
0x21: {  	s3 =	sadd.s32 s3, s9;
	s6 =	sadd.s32 @!p0 $0x88, s6;
	s7 =	simm.s32 @p2 $0x1082  }
0x22: {  	[simem:s7], [sflag:s8] =	dma.local @!p0 [hbm:s6], $0xF7A  }
0x23: {  	s9 =	sor.u32 $0xD0000000, s2;
	s6 =	simm.s32 $0x108;
	_ =	swait.ge @!p0 [sflag:s8], $0x0  }
0x24: {  	s3 =	sadd.s32 $0x88, s3;
	s6 =	simm.s32 @!p1 $0x1082;
	[sflag:s4] =	ssyncset.s32 $0xFFFFF086  }
0x25: {  	[simem:s6], [sflag:s4] =	dma.local [hbm:s3], $0xF7A  }
0x26: {  	[smem:$0x3F91] =	sst s1;
	(tag) =	ssettag s2;
	_ =	strace s9  }
0x27: {  	s1 =	sld [smem:$0x3FA1]  }
0x28: {  	s2 =	sld [smem:$0x3FA2]  }
0x29: {  	s4 =	sld [smem:$0x3FA4]  }
0x2a: {  	p0 =	seq.s32 s5, $0x0;
	s5 =	sld [smem:$0x3FA5]  }
0x2b: {  	s6 =	sld [smem:$0x3FA6]  }
0x2c: {  	s7 =	sld [smem:$0x3FA7]  }
0x2d: {  	s3 =	simm.s32 $0x108;
	s8 =	sld [smem:$0x3FA8]  }
0x2e: {  	s3 =	simm.s32 @!p0 $0x1082;
	s9 =	sld [smem:$0x3FA9]  }
0x2f: {  	lr =	sadd.s32 s0, s3;
	s0 =	sld [smem:$0x3FA0]  }
0x30: {  	s3 =	sld [smem:$0x3FA3]  }
0x31: {  	[smem:$0x3FAC] =	sst s10  }
0x32: {  	s10 =	sld [smem:$0x3FAA];
	_ =	sdelay $0x3  }
0x33: {  	p0 =	seq.s32 s10, $0x1;
	s10 =	sld [smem:$0x3FAC];
	_ =	sdelay $0x3  }
0x34: {  	[smem:$0x3FAC] =	sst s10  }
0x35: {  	s10 =	sld [smem:$0x3FAB];
	_ =	sdelay $0x3  }
0x36: {  	p1 =	seq.s32 s10, $0x1;
	s10 =	sld [smem:$0x3FAC];
	_ =	sdelay $0x3  }
0x37: {  	[smem:$0x3FAC] =	sst s10  }
0x38: {  	s10 =	sld [smem:$0x3FAD]  }
0x39: {  	_ = 	snop;
	(pc) =	sbr.ind lr, $3  }
0x3a: {  	_ = 	snop  }
0x3b: {  	_ = 	snop  }
0x3c: {  	p2 =	seq.s32 s10, $0x1;
	s10 =	sld [smem:$0x3FAC]  }
0x3d: {  	_ =	shalt  }
0x3e: {  	_ =	shalt  }
0x3f: {  	_ =	shalt  }
0x40: {  	_ =	shalt  }
0x41: {  	_ =	shalt  }
0x42: {  	_ =	shalt  }
0x43: {  	_ =	shalt  }
0x44: {  	_ =	shalt  }
0x45: {  	_ =	shalt  }
0x46: {  	_ =	shalt  }
0x47: {  	_ =	shalt  }
0x48: {  	_ =	shalt  }
0x49: {  	_ =	shalt  }
0x4a: {  	_ =	shalt  }
0x4b: {  	_ =	shalt  }
0x4c: {  	_ =	shalt  }
0x4d: {  	_ =	shalt  }
0x4e: {  	_ =	shalt  }
0x4f: {  	_ =	shalt  }
0x50: {  	_ =	shalt  }
0x51: {  	_ =	shalt  }
0x52: {  	_ =	shalt  }
0x53: {  	_ =	shalt  }
0x54: {  	_ =	shalt  }
0x55: {  	_ =	shalt  }
0x56: {  	_ =	shalt  }
0x57: {  	_ =	shalt  }
0x58: {  	_ =	shalt  }
0x59: {  	_ =	shalt  }
0x5a: {  	_ =	shalt  }
0x5b: {  	_ =	shalt  }
0x5c: {  	_ =	shalt  }
0x5d: {  	_ =	shalt  }
0x5e: {  	_ =	shalt  }
0x5f: {  	_ =	shalt  }
0x60: {  	_ =	shalt  }
0x61: {  	_ =	shalt  }
0x62: {  	_ =	shalt  }
0x63: {  	_ =	shalt  }
0x64: {  	_ =	shalt  }
0x65: {  	_ =	shalt  }
0x66: {  	_ =	shalt  }
0x67: {  	_ =	shalt  }
0x68: {  	_ =	shalt  }
0x69: {  	_ =	shalt  }
0x6a: {  	_ =	shalt  }
0x6b: {  	_ =	shalt  }
0x6c: {  	_ =	shalt  }
0x6d: {  	_ =	shalt  }
0x6e: {  	_ =	shalt  }
0x6f: {  	_ =	shalt  }
0x70: {  	_ =	shalt  }
0x71: {  	_ =	shalt  }
0x72: {  	_ =	shalt  }
0x73: {  	_ =	shalt  }
0x74: {  	_ =	shalt  }
0x75: {  	_ =	shalt  }
0x76: {  	_ =	shalt  }
0x77: {  	_ =	shalt  }
0x78: {  	_ =	shalt  }
0x79: {  	_ =	shalt  }
0x7a: {  	_ =	shalt  }
0x7b: {  	_ =	shalt  }
0x7c: {  	_ =	shalt  }
0x7d: {  	_ =	shalt  }
0x7e: {  	_ =	shalt  }
0x7f: {  	_ =	shalt  }
0x80: {  	_ =	shalt  }
0x81: {  	_ =	shalt  }
0x82: {  	_ =	shalt  }
0x83: {  	_ =	shalt  }
0x84: {  	_ =	shalt  }
0x85: {  	_ =	shalt  }
0x86: {  	_ =	shalt  }
0x87: {  	_ =	shalt  }
.Lfunc_end0:
.L_simem_size_0:
called_computation.2_lowered:
.L_overlay_start_0:
0x88: {  	s2 =	sld [smem:$0x3FD9]  }
0x89: {  	s3 =	sld [smem:$0x3FFE];
	_ =	sdelay $0x1  }
0x8a: {  	s1 =	srdreg.scid  }
0x8b: {  	s0 =	sand.u32 $0x1, s1  }
0x8c: {  	s16 =	sshll.u32 s0, $0xA;
	s2 =	sadd.s32 s3, s2  }
0x8d: {  	s2 =	sadd.s32 s2, s16  }
0x8e: {  	[smem:$0x3FB8] =	sst s2  }
0x8f: {  	_ = 	snop  }
0x90: {  	(tm) =	ssettm $0x1  }
0x91: {  	s17 =	sld [smem:$0x3FFB];
	_ =	sdelay $0x3  }
0x92: {  	_ =	strace s17  }
0x93: {  	s2 =	sld [smem:$0x3FFC];
	_ =	sdelay $0x3  }
0x94: {  	_ =	strace s2  }
0x95: {  	s2 =	sld [smem:$0x3FFD];
	_ =	sdelay $0x3  }
0x96: {  	_ =	strace s2  }
0x97: {  	_ =	strace $0x8FFFFFFF  }
0x98: {  	s18 =	sld [smem:$0x3FDB];
	_ =	sdelay $0x1  }
0x99: {  	s19 =	simm.s32 $_scs_section_size  }
0x9a: {  	s4 =	simm.s32 $_size__tile_overlayer_lowered;
	s5 =	simm.s32 $_tile_overlayer_lowered  }
0x9b: {  	s22 =	simm.s32 $0x1BFF;
	s21 =	sshll.u32 s5, $0x1;
	s2 =	sadd.s32 s19, s18  }
0x9c: {  	s6 =	simm.s32 $0x0;
	s20 =	sshll.u32 s4, $0x1;
	s4 =	sadd.s32 s21, s2  }
0x9d: {  	[timem:s6], [sflag:s22] =	dma.local [hbm:s4], s20  }
0x9e: {  	_ =	swait.ge [sflag:s22], s20  }
0x9f: {  	s3 =	ssub.s32 $0x0, s20;
	[sflag:s22] =	ssyncset.done $0x0  }
0xa0: {  	[sflag:s22] =	ssyncadd.s32 s3;
	_ =	sdelay $0x1  }
0xa1: {  	s23 =	simm.s32 $0x1B8B  }
0xa2: {  	_ =	swait.ge [sflag:s23], $0x1  }
0xa3: {  	[sflag:s23] =	ssyncset.done $0x0  }
0xa4: {  	s25 =	simm.s32 $0x1B8E;
	s24 =	sld [smem:$0x3FFE];
	[sflag:s23] =	ssyncadd.s32 $0xFFFFFFFF  }
0xa5: {  	s26 =	simm.s32 $execute0_lowered;
	[smem:$0x3FD2] =	sst s25  }
0xa6: {  	s4 =	sshll.u32 s26, $0x1;
	_ =	strace $0x8000004C;
	[dreg:$0x1] =	wrdreg $0xFFFFFFFF  }
0xa7: {  	s28 =	simm.s32 $_size_execute0_lowered;
	s2 =	sadd.s32 s2, s4;
	[dreg:$0x0] =	wrdreg $0x0  }
0xa8: {  	s4 =	sshll.u32 s28, $0x1;
	[dreg:$0x2] =	wrdreg s2  }
0xa9: {  	[dreg:$0x3] =	wrdreg s4  }
0xaa: {  	[dreg:$0x4] =	wrdreg $0xC0  }
0xab: {  	_ =	task [dreg:s6], $0x5FFFF  }
0xac: {  	[dreg:$0x1] =	wrdreg $0xFFFFFFFF  }
0xad: {  	[dreg:$0x0] =	wrdreg $0x60  }
0xae: {  	[dreg:$0x2] =	wrdreg s24  }
0xaf: {  	[dreg:$0x3] =	wrdreg $0x0  }
0xb0: {  	[dreg:$0x4] =	wrdreg $0x9  }
0xb1: {  	_ =	task.clear_ibuf [dreg:s6], $0x5FFFF;
	_ =	strace $0x9000004C  }
0xb2: {  	s29 =	simm.s32 $0x9;
	_ =	strace $0x8000004E  }
0xb3: {  	_ =	swait.ge [sflag:s29], $0x1  }
0xb4: {  	[sflag:s29] =	ssyncadd.s32 $0xFFFFFFFF  }
0xb5: {  	_ =	strace $0x9000004E  }
0xb6: {  	_ =	sfence  }
0xb7: {  	s30 =	sld [smem:$0x0];
	_ =	sdelay $0x2  }
0xb8: {  	s31 =	sshll.u32 s1, $0xD;
	s1 =	sshrl.u32 s1, $0x2  }
0xb9: {  	s3 =	sand.u32 $0x4000, s31;
	s1 =	sadd.s32 s1, s30  }
0xba: {  	s0 =	sor.u32 s3, s0;
	s1 =	sshll.u32 s1, $0x11  }
0xbb: {  	s0 =	sor.u32 s1, s0  }
0xbc: {  	s0 =	sadd.s32 $0x8F2B, s0  }
0xbd: {  	[sflag:s0] =	ssyncadd.remote.s32 $0x1  }
0xbe: {  	_ =	sfence.sel $0xFFFF  }
0xbf: {  	[dreg:$0x0] =	wrdreg $0xFFFFFFFF;
	(pc) =	sbr.abs _section_cstart, $3  }
0xc0: {  	[dreg:$0x1] =	wrdreg $0xFFFFFFFF  }
0xc1: {  	_ =	task.clear_ibuf [dreg:s6], $0x2FFFF;
	_ =	strace $0x9FFFFFFF  }
0xc2: {  	(tm) =	ssettm $0x7FFFFFFF  }
0xc3: {  	_ =	shalt  }
tec
execute0_lowered:
.L_overlay_start_1:
0x0: {  	(tag) =	ssettag $0x1  }
0x1: {  	s0 =	rddreg [dreg:$0x0]  }
0x2: {  	s2 =	rddreg [dreg:$0x1];
	s3 =	simm.s32 $0x0;
	s13 =	stileid.u32  }
0x3: {  	s1 =	srdreg.scid;
	s18 =	simm.s32 $0x13A00;
	s19 =	simm.s32 $0x4  }
0x4: {  	s20 =	simm.s32 $0x13880;
	s28 =	simm.s32 $0x17B80;
	s29 =	simm.s32 $0x1BB80  }
0x5: {  	s30 =	simm.s32 $0x1BC00;
	s31 =	simm.s32 $0x1BC80;
	[smem:$0x7FF] =	sst s3  }
0x6: {  	s5 =	smul.u32 $0x4E000, s13;
	s4 =	sadd.s32 $0x101E00, s0;
	s6 =	sadd.s32 $0x3C00, s0  }
0x7: {  	s7 =	sand.u32 $0x1, s1;
	s21 =	sadd.s32 $0xDA00, s0;
	s11 =	smul.u32 $0x13800, s13  }
0x8: {  	s0 =	sadd.s32 $0x150000, s0;
	s24 =	sshll.u32 s13, $0x4;
	s17 =	smul.u32 $0x9C0, s13  }
0x9: {  	p0 =	sne.s32 s13, $0xF;
	p1 =	sgt.u32 s13, $0x3;
	s1 =	simm.s32 $0x1  }
0xa: {  	_ =	strace $0x8000004D;
	s8 =	ssub.s32 $0x2, s7;
	s23 =	smul.u32 $0x138800, s7  }
0xb: {  	s26 =	sor.u32 $0x9C00, s24;
	s24 =	simm.s32 $0x17A00;
	v0 =	vmov s7;
	s7 =	simm.s32 $0x3  }
0xc: {  	s5 =	sshrl.u32 s5, $0x2;
	s9 =	sshrl.u32 s8, $0x1;
	s14 =	sadd.s32 s6, s26  }
0xd: {  	s16 =	sadd.s32 s17, s21;
	s17 =	sadd.s32 s17, s6;
	s6 =	simm.s32 $0x2  }
0xe: {  	s5 =	sadd.s32 s5, s2;
	s8 =	ssub.s32 s8, s9;
	[dreg:$0x7] =	wrdreg s14  }
0xf: {  	s11 =	sadd.s32 s11, s23;
	s9 =	sshrl.u32 s23, $0x3;
	s22 =	sadd.s32 $0x4000, s5  }
0x10: {  	s23 =	simm.s32 $0x13980;
	s10 =	sadd.s32 $0x8000, s5;
	[dreg:$0x3] =	wrdreg s22  }
0x11: {  	s12 =	sadd.s32 $0xC000, s5;
	s25 =	sadd.s32 $0x10000, s5;
	[dreg:$0x4] =	wrdreg s10  }
0x12: {  	s11 =	sshrl.u32 s11, $0x3;
	s15 =	smax.u32 s8, $0x1;
	[dreg:$0x5] =	wrdreg s12  }
0x13: {  	s8 =	simm.s32 $0x0;
	[dreg:$0x6] =	wrdreg s25;
	s10 =	sadd.s32 $0x138000, s2  }
0x14: {  	s12 =	sadd.s32 s21, s26;
	s11 =	sadd.s32 s0, s11;
	s0 =	sadd.s32 s0, s9  }
0x15: {  	s21 =	simm.s32 $0x13900;
	s22 =	simm.s32 $0x80;
	[dreg:$0x8] =	wrdreg s12  }
0x16: {  	s25 =	simm.s32 $0x17A80;
	[dreg:$0x9] =	wrdreg s11;
	s0 =	sadd.s32 $0x27000, s0  }
0x17: {  	v1 =	vimm.f32 $0.0e+00;
	s26 =	simm.s32 $0x17B00;
	[dreg:$0xa] =	wrdreg s0;
	s0 =	simm.s32 $0x1BD00  }
.LBB2_1:
0x18: {  	s9 =	simm.s32 $0x0;
	s11 =	simm.s32 $0x200  }
.LBB2_2:
0x19: {  	p2 =	sne.s32 s11, $0xFE00;
	[tilespmem:s9+$0x13A70] =	vst v1  }
0x1a: {  	[tilespmem:s9+$0x13A00] =	vst v1  }
0x1b: {  	[tilespmem:s9+$0x13A10] =	vst v1  }
.Ltmp0:
0x1c: {  	[tilespmem:s9+$0x13A20] =	vst v1;
	(pc) =	sbr.rel @p2 .LBB2_2-.Ltmp0, $4  }
0x1d: {  	[tilespmem:s9+$0x13A30] =	vst v1  }
0x1e: {  	[tilespmem:s9+$0x13A40] =	vst v1  }
0x1f: {  	[tilespmem:s9+$0x13A50] =	vst v1  }
0x20: {  	[tilespmem:s9+$0x13A60] =	vst v1;
	s9 =	sshra.s32 s11, $0x2;
	s11 =	sadd.s32 $0x200, s11  }
0x21: {  	[tilespmem:s9+$0x13A70] =	vst v1  }
0x22: {  	[tilespmem:s9+$0x13A00] =	vst v1  }
0x23: {  	[tilespmem:s9+$0x13A10] =	vst v1  }
0x24: {  	[tilespmem:s9+$0x13A20] =	vst v1  }
0x25: {  	[tilespmem:s9+$0x13A30] =	vst v1  }
0x26: {  	[tilespmem:s9+$0x13A40] =	vst v1  }
0x27: {  	[tilespmem:s9+$0x13A50] =	vst v1  }
0x28: {  	[tilespmem:s9+$0x13A60] =	vst v1  }
0x29: {  	[spmem:s5] =	stream.linear.scatter [tilespmem:s18], [sflag:$0x4], $0x4000, $0x38;
	[tilespmem:$0x1FD00] =	vst v63  }
0x2a: {  	_ =	swait.ge [sflag:s19], $0x4000  }
0x2b: {  	[sflag:s19] =	ssyncset.done $0x0  }
0x2c: {  	s14 =	rddreg [dreg:$0x3];
	[sflag:s19] =	ssyncadd.s32 $0xFFFFC000  }
0x2d: {  	[spmem:s14] =	stream.linear.scatter [tilespmem:s18], [sflag:$0x4], $0x4000, $0x38;
	[tilespmem:$0x1FD00] =	vst v63  }
0x2e: {  	_ =	swait.ge [sflag:s19], $0x4000  }
0x2f: {  	[sflag:s19] =	ssyncset.done $0x0  }
0x30: {  	s11 =	rddreg [dreg:$0x4];
	[sflag:s19] =	ssyncadd.s32 $0xFFFFC000  }
0x31: {  	[spmem:s11] =	stream.linear.scatter [tilespmem:s18], [sflag:$0x4], $0x4000, $0x38;
	[tilespmem:$0x1FD00] =	vst v63  }
0x32: {  	_ =	swait.ge [sflag:s19], $0x4000  }
0x33: {  	[sflag:s19] =	ssyncset.done $0x0  }
0x34: {  	s12 =	rddreg [dreg:$0x5];
	[sflag:s19] =	ssyncadd.s32 $0xFFFFC000  }
0x35: {  	[spmem:s12] =	stream.linear.scatter [tilespmem:s18], [sflag:$0x4], $0x4000, $0x38;
	[tilespmem:$0x1FD00] =	vst v63  }
0x36: {  	_ =	swait.ge [sflag:s19], $0x4000  }
0x37: {  	[sflag:s19] =	ssyncset.done $0x0  }
0x38: {  	s13 =	rddreg [dreg:$0x6];
	[sflag:s19] =	ssyncadd.s32 $0xFFFFC000  }
0x39: {  	[spmem:s13] =	stream.linear.scatter [tilespmem:s18], [sflag:$0x4], $0x3800, $0x38;
	[tilespmem:$0x1FD00] =	vst v63  }
0x3a: {  	_ =	swait.ge [sflag:s19], $0x3800  }
0x3b: {  	[sflag:s19] =	ssyncset.done $0x0  }
0x3c: {  	s9 =	simm.s32 @!p0 $0x13A00;
	[sflag:s19] =	ssyncadd.s32 $0xFFFFC800  }
0x3d: {  	[spmem:s10] =	stream.linear.scatter @!p0 [tilespmem:s9], [sflag:$0x4], $0x800, $0x38;
	[tilespmem:$0x1FD00] =	vst v63  }
0x3e: {  	s9 =	simm.s32 @!p0 $0x4  }
0x3f: {  	_ =	swait.ge @!p0 [sflag:s9], $0x800  }
0x40: {  	[sflag:s9] =	ssyncset.done @!p0 $0x0  }
0x41: {  	[sflag:s9] =	ssyncadd.s32 @!p0 $0xFFFFF800  }
0x42: {  	s14 =	sadd.s32 $0x0, s17;
	[bflag:$0x0] =	sbarrier.arrive $0xFFFF  }
0x43: {  	[tilespmem:s20], [sflag:$0x4] =	stream.linear.gather [hbm4b:s14+s3], $0x80, $0x38;
	[tilespmem:$0x1FD00] =	vst v63  }
0x44: {  	_ =	swait.ge [sflag:s19], $0x80  }
0x45: {  	[sflag:s19] =	ssyncset.done $0x0  }
0x46: {  	s11 =	sadd.s32 $0x0, s16;
	[sflag:s19] =	ssyncadd.s32 $0xFFFFFF80  }
0x47: {  	[tilespmem:s21], [sflag:$0x4] =	stream.linear.gather [hbm4b:s11+s3], $0x80, $0x38;
	[tilespmem:$0x1FD00] =	vst v63  }
0x48: {  	_ =	swait.ge [sflag:s19], $0x80  }
0x49: {  	[sflag:s19] =	ssyncset.done $0x0  }
0x4a: {  	[sflag:s19] =	ssyncadd.s32 $0xFFFFFF80  }
0x4b: {  	v2 =	vld [tilespmem:$0x138E0]  }
0x4c: {  	v3 =	vld [tilespmem:$0x138B0]  }
0x4d: {  	v4 =	vld [tilespmem:$0x138C0]  }
0x4e: {  	v5 =	vld [tilespmem:$0x138D0]  }
0x4f: {  	v6 =	vld [tilespmem:$0x13880]  }
0x50: {  	v7 =	vld [tilespmem:$0x138A0];
	v2 =	vshll.u32 v2, $0x1  }
0x51: {  	v8 =	vld [tilespmem:$0x138F0];
	v3 =	vshll.u32 v3, $0x1;
	v2 =	vor.u32 v0, v2  }
0x52: {  	v4 =	vshll.u32 v4, $0x1;
	v3 =	vor.u32 v0, v3;
	[tilespmem:$0x139E0] =	vst v2;
	v2 =	vld [tilespmem:$0x13890]  }
0x53: {  	v5 =	vshll.u32 v5, $0x1;
	[tilespmem:$0x139B0] =	vst v3;
	v3 =	vor.u32 v0, v4  }
0x54: {  	v4 =	vor.u32 v0, v5;
	v5 =	vshll.u32 v6, $0x1;
	[tilespmem:$0x139C0] =	vst v3  }
0x55: {  	v3 =	vor.u32 v0, v5;
	v5 =	vshll.u32 v7, $0x1;
	[tilespmem:$0x139D0] =	vst v4  }
0x56: {  	v4 =	vshll.u32 v8, $0x1;
	[tilespmem:$0x13980] =	vst v3;
	v3 =	vor.u32 v0, v5  }
0x57: {  	[tilespmem:$0x139A0] =	vst v3;
	v3 =	vor.u32 v0, v4;
	v2 =	vshll.u32 v2, $0x1  }
0x58: {  	[tilespmem:$0x139F0] =	vst v3;
	v2 =	vor.u32 v0, v2  }
0x59: {  	[tilespmem:$0x13990] =	vst v2  }
0x5a: {  	[tilespmem:s18], [sflag:$0x1] =	stream.indirect.gather [hbm4b:s4+s22], $0x80, s23, s22, $0xb8;
	[tilespmem:$0x1FD00] =	vst v63  }
0x5b: {  	s12 =	sadd.s32 $0x10, s14  }
0x5c: {  	[tilespmem:s24], [sflag:$0x4] =	stream.linear.gather [hbm4b:s12+s3], $0x80, $0x38;
	[tilespmem:$0x1FD00] =	vst v63  }
0x5d: {  	_ =	swait.ge [sflag:s19], $0x80  }
0x5e: {  	[sflag:s19] =	ssyncset.done $0x0  }
0x5f: {  	s13 =	sadd.s32 $0x10, s11;
	[sflag:s19] =	ssyncadd.s32 $0xFFFFFF80  }
0x60: {  	[tilespmem:s25], [sflag:$0x4] =	stream.linear.gather [hbm4b:s13+s3], $0x80, $0x38;
	[tilespmem:$0x1FD00] =	vst v63  }
0x61: {  	_ =	swait.ge [sflag:s19], $0x80  }
0x62: {  	[sflag:s19] =	ssyncset.done $0x0  }
0x63: {  	[sflag:s19] =	ssyncadd.s32 $0xFFFFFF80  }
0x64: {  	v2 =	vld [tilespmem:$0x17A00]  }
0x65: {  	v3 =	vld [tilespmem:$0x17A50]  }
0x66: {  	v4 =	vld [tilespmem:$0x17A20]  }
0x67: {  	v5 =	vld [tilespmem:$0x17A30]  }
0x68: {  	v58 =	vld [tilespmem:$0x17A10]  }
0x69: {  	v59 =	vld [tilespmem:$0x17A40];
	v2 =	vshll.u32 v2, $0x1  }
0x6a: {  	v60 =	vld [tilespmem:$0x17A70];
	v3 =	vshll.u32 v3, $0x1;
	v2 =	vor.u32 v0, v2  }
0x6b: {  	v3 =	vor.u32 v0, v3;
	[tilespmem:$0x17B00] =	vst v2;
	v2 =	vshll.u32 v4, $0x1;
	v4 =	vld [tilespmem:$0x17A60]  }
0x6c: {  	v5 =	vshll.u32 v5, $0x1;
	[tilespmem:$0x17B50] =	vst v3;
	v2 =	vor.u32 v0, v2  }
0x6d: {  	v3 =	vshll.u32 v58, $0x1;
	[tilespmem:$0x17B20] =	vst v2;
	v2 =	vor.u32 v0, v5  }
0x6e: {  	v3 =	vor.u32 v0, v3;
	[tilespmem:$0x17B30] =	vst v2;
	v2 =	vshll.u32 v59, $0x1  }
0x6f: {  	[tilespmem:$0x17B10] =	vst v3;
	v3 =	vshll.u32 v60, $0x1;
	v2 =	vor.u32 v0, v2  }
0x70: {  	v3 =	vor.u32 v0, v3;
	[tilespmem:$0x17B40] =	vst v2;
	v2 =	vshll.u32 v4, $0x1  }
0x71: {  	[tilespmem:$0x17B70] =	vst v3;
	v2 =	vor.u32 v0, v2  }
0x72: {  	[tilespmem:$0x17B60] =	vst v2  }
0x73: {  	[tilespmem:s28], [sflag:$0x2] =	stream.indirect.gather [hbm4b:s4+s22], $0x80, s26, s22, $0xb8;
	[tilespmem:$0x1FD00] =	vst v63  }
0x74: {  	s9 =	sadd.s32 $0x20, s14  }
0x75: {  	[tilespmem:s29], [sflag:$0x4] =	stream.linear.gather [hbm4b:s9+s3], $0x80, $0x38;
	[tilespmem:$0x1FD00] =	vst v63  }
0x76: {  	_ =	swait.ge [sflag:s19], $0x80  }
0x77: {  	[sflag:s19] =	ssyncset.done $0x0  }
0x78: {  	s14 =	sadd.s32 $0x20, s11;
	[sflag:s19] =	ssyncadd.s32 $0xFFFFFF80  }
0x79: {  	[tilespmem:s30], [sflag:$0x4] =	stream.linear.gather [hbm4b:s14+s3], $0x80, $0x38;
	[tilespmem:$0x1FD00] =	vst v63  }
0x7a: {  	_ =	swait.ge [sflag:s19], $0x80  }
0x7b: {  	[sflag:s19] =	ssyncset.done $0x0  }
0x7c: {  	[sflag:s19] =	ssyncadd.s32 $0xFFFFFF80  }
0x7d: {  	v2 =	vld [tilespmem:$0x1BB80]  }
0x7e: {  	v3 =	vld [tilespmem:$0x1BB90]  }
0x7f: {  	v4 =	vld [tilespmem:$0x1BBA0]  }
0x80: {  	v5 =	vld [tilespmem:$0x1BBB0]  }
0x81: {  	v61 =	vld [tilespmem:$0x1BBC0]  }
0x82: {  	v62 =	vld [tilespmem:$0x1BBD0];
	v2 =	vshll.u32 v2, $0x1  }
0x83: {  	v63 =	vld [tilespmem:$0x1BBE0];
	v3 =	vshll.u32 v3, $0x1;
	v2 =	vor.u32 v0, v2  }
0x84: {  	[tilespmem:$0x1BC80] =	vst v2;
	v2 =	vor.u32 v0, v3;
	v3 =	vshll.u32 v4, $0x1;
	v4 =	vld [tilespmem:$0x1BBF0]  }
0x85: {  	[tilespmem:$0x1BC90] =	vst v2;
	v2 =	vor.u32 v0, v3;
	v3 =	vshll.u32 v5, $0x1  }
0x86: {  	[tilespmem:$0x1BCA0] =	vst v2;
	v2 =	vor.u32 v0, v3;
	v3 =	vshll.u32 v61, $0x1  }
0x87: {  	[tilespmem:$0x1BCB0] =	vst v2;
	v2 =	vor.u32 v0, v3;
	v3 =	vshll.u32 v62, $0x1  }
0x88: {  	[tilespmem:$0x1BCC0] =	vst v2;
	v2 =	vor.u32 v0, v3;
	v3 =	vshll.u32 v63, $0x1  }
0x89: {  	s9 =	simm.s32 $0x30;
	[tilespmem:$0x1BCD0] =	vst v2;
	v2 =	vor.u32 v0, v3;
	v3 =	vshll.u32 v4, $0x1  }
.LBB2_4:
0x8a: {  	p2 =	sne.s32 s9, $0x990;
	[tilespmem:$0x1BCE0] =	vst v2;
	v2 =	vor.u32 v0, v3;
	s12 =	smov.u32 s9;
	s9 =	sadd.s32 $0x30, s9  }
0x8b: {  	[tilespmem:$0x1BCF0] =	vst v2  }
0x8c: {  	[tilespmem:s0], [sflag:$0x3] =	stream.indirect.gather [hbm4b:s4+s22], $0x80, s31, s22, $0xb8;
	[tilespmem:$0x1FD00] =	vst v63  }
0x8d: {  	_ =	swait.ge [sflag:s1], $0x4000  }
0x8e: {  	[sflag:s1] =	ssyncset.done $0x0  }
0x8f: {  	[sflag:s1] =	ssyncadd.s32 $0xFFFFC000  }
0x90: {  	[spmem:s2] =	stream.indirect.scatter.add.f32 [tilespmem:s18], [sflag:$0x4], $0x80, s21, s22, $0xb8;
	[tilespmem:$0x1FD00] =	vst v63  }
0x91: {  	_ =	swait.ge [sflag:s19], $0x4000  }
0x92: {  	[sflag:s19] =	ssyncset.done $0x0  }
0x93: {  	[sflag:s19] =	ssyncadd.s32 $0xFFFFC000  }
0x94: {  	_ =	swait.ge [sflag:s6], $0x4000  }
0x95: {  	[sflag:s6] =	ssyncset.done $0x0  }
0x96: {  	[sflag:s6] =	ssyncadd.s32 $0xFFFFC000  }
0x97: {  	[spmem:s2] =	stream.indirect.scatter.add.f32 [tilespmem:s28], [sflag:$0x4], $0x80, s25, s22, $0xb8;
	[tilespmem:$0x1FD00] =	vst v63  }
0x98: {  	_ =	swait.ge [sflag:s19], $0x4000  }
0x99: {  	[sflag:s19] =	ssyncset.done $0x0  }
0x9a: {  	[sflag:s19] =	ssyncadd.s32 $0xFFFFC000  }
0x9b: {  	_ =	swait.ge [sflag:s7], $0x4000  }
0x9c: {  	[sflag:s7] =	ssyncset.done $0x0  }
0x9d: {  	[sflag:s7] =	ssyncadd.s32 $0xFFFFC000  }
0x9e: {  	[spmem:s2] =	stream.indirect.scatter.add.f32 [tilespmem:s0], [sflag:$0x4], $0x80, s30, s22, $0xb8;
	[tilespmem:$0x1FD00] =	vst v63  }
0x9f: {  	_ =	swait.ge [sflag:s19], $0x4000  }
0xa0: {  	s11 =	sadd.s32 s12, s17;
	[sflag:s19] =	ssyncset.done $0x0  }
0xa1: {  	[sflag:s19] =	ssyncadd.s32 $0xFFFFC000  }
0xa2: {  	[tilespmem:s20], [sflag:$0x4] =	stream.linear.gather [hbm4b:s11+s3], $0x80, $0x38;
	[tilespmem:$0x1FD00] =	vst v63  }
0xa3: {  	_ =	swait.ge [sflag:s19], $0x80  }
0xa4: {  	[sflag:s19] =	ssyncset.done $0x0  }
0xa5: {  	s12 =	sadd.s32 s12, s16;
	[sflag:s19] =	ssyncadd.s32 $0xFFFFFF80  }
0xa6: {  	[tilespmem:s21], [sflag:$0x4] =	stream.linear.gather [hbm4b:s12+s3], $0x80, $0x38;
	[tilespmem:$0x1FD00] =	vst v63  }
0xa7: {  	_ =	swait.ge [sflag:s19], $0x80  }
0xa8: {  	[sflag:s19] =	ssyncset.done $0x0  }
0xa9: {  	[sflag:s19] =	ssyncadd.s32 $0xFFFFFF80  }
0xaa: {  	v2 =	vld [tilespmem:$0x138E0]  }
0xab: {  	v3 =	vld [tilespmem:$0x138B0]  }
0xac: {  	v4 =	vld [tilespmem:$0x138D0]  }
0xad: {  	v5 =	vld [tilespmem:$0x138C0]  }
0xae: {  	v6 =	vld [tilespmem:$0x13890]  }
0xaf: {  	v7 =	vld [tilespmem:$0x13880];
	v2 =	vshll.u32 v2, $0x1  }
0xb0: {  	v8 =	vld [tilespmem:$0x138A0];
	v3 =	vshll.u32 v3, $0x1;
	v2 =	vor.u32 v0, v2  }
0xb1: {  	v3 =	vor.u32 v0, v3;
	v4 =	vshll.u32 v4, $0x1;
	[tilespmem:$0x139E0] =	vst v2;
	v2 =	vld [tilespmem:$0x138F0]  }
0xb2: {  	[tilespmem:$0x139B0] =	vst v3;
	v3 =	vshll.u32 v5, $0x1  }
0xb3: {  	v4 =	vor.u32 v0, v4;
	v5 =	vshll.u32 v6, $0x1;
	v3 =	vor.u32 v0, v3  }
0xb4: {  	v6 =	vshll.u32 v7, $0x1;
	v5 =	vor.u32 v0, v5;
	[tilespmem:$0x139C0] =	vst v3  }
0xb5: {  	v3 =	vor.u32 v0, v6;
	v6 =	vshll.u32 v8, $0x1;
	[tilespmem:$0x139D0] =	vst v4  }
0xb6: {  	[tilespmem:$0x13980] =	vst v3;
	v3 =	vor.u32 v0, v6;
	v2 =	vshll.u32 v2, $0x1  }
0xb7: {  	[tilespmem:$0x139A0] =	vst v3;
	v2 =	vor.u32 v0, v2  }
0xb8: {  	[tilespmem:$0x139F0] =	vst v2  }
0xb9: {  	[tilespmem:$0x13990] =	vst v5  }
0xba: {  	[tilespmem:s18], [sflag:$0x1] =	stream.indirect.gather [hbm4b:s4+s22], $0x80, s23, s22, $0xb8;
	[tilespmem:$0x1FD00] =	vst v63  }
0xbb: {  	s13 =	sadd.s32 $0x10, s11  }
0xbc: {  	[tilespmem:s24], [sflag:$0x4] =	stream.linear.gather [hbm4b:s13+s3], $0x80, $0x38;
	[tilespmem:$0x1FD00] =	vst v63  }
0xbd: {  	_ =	swait.ge [sflag:s19], $0x80  }
0xbe: {  	[sflag:s19] =	ssyncset.done $0x0  }
0xbf: {  	s13 =	sadd.s32 $0x10, s12;
	[sflag:s19] =	ssyncadd.s32 $0xFFFFFF80  }
0xc0: {  	[tilespmem:s25], [sflag:$0x4] =	stream.linear.gather [hbm4b:s13+s3], $0x80, $0x38;
	[tilespmem:$0x1FD00] =	vst v63  }
0xc1: {  	_ =	swait.ge [sflag:s19], $0x80  }
0xc2: {  	[sflag:s19] =	ssyncset.done $0x0  }
0xc3: {  	[sflag:s19] =	ssyncadd.s32 $0xFFFFFF80  }
0xc4: {  	v2 =	vld [tilespmem:$0x17A00]  }
0xc5: {  	v3 =	vld [tilespmem:$0x17A50]  }
0xc6: {  	v4 =	vld [tilespmem:$0x17A20]  }
0xc7: {  	v5 =	vld [tilespmem:$0x17A30]  }
0xc8: {  	v6 =	vld [tilespmem:$0x17A10]  }
0xc9: {  	v2 =	vshll.u32 v2, $0x1;
	v7 =	vld [tilespmem:$0x17A40]  }
0xca: {  	v2 =	vor.u32 v0, v2;
	v3 =	vshll.u32 v3, $0x1;
	v8 =	vld [tilespmem:$0x17A70]  }
0xcb: {  	[tilespmem:$0x17B00] =	vst v2;
	v2 =	vshll.u32 v4, $0x1;
	v3 =	vor.u32 v0, v3;
	v4 =	vld [tilespmem:$0x17A60]  }
0xcc: {  	v2 =	vor.u32 v0, v2;
	v5 =	vshll.u32 v5, $0x1;
	[tilespmem:$0x17B50] =	vst v3  }
0xcd: {  	v3 =	vshll.u32 v6, $0x1;
	[tilespmem:$0x17B20] =	vst v2;
	v2 =	vor.u32 v0, v5  }
0xce: {  	v3 =	vor.u32 v0, v3;
	[tilespmem:$0x17B30] =	vst v2;
	v2 =	vshll.u32 v7, $0x1  }
0xcf: {  	[tilespmem:$0x17B10] =	vst v3;
	v2 =	vor.u32 v0, v2;
	v3 =	vshll.u32 v8, $0x1  }
0xd0: {  	[tilespmem:$0x17B40] =	vst v2;
	v2 =	vshll.u32 v4, $0x1;
	v3 =	vor.u32 v0, v3  }
0xd1: {  	v2 =	vor.u32 v0, v2;
	[tilespmem:$0x17B70] =	vst v3  }
0xd2: {  	[tilespmem:$0x17B60] =	vst v2  }
0xd3: {  	[tilespmem:s28], [sflag:$0x2] =	stream.indirect.gather [hbm4b:s4+s22], $0x80, s26, s22, $0xb8;
	[tilespmem:$0x1FD00] =	vst v63  }
0xd4: {  	s11 =	sadd.s32 $0x20, s11  }
0xd5: {  	[tilespmem:s29], [sflag:$0x4] =	stream.linear.gather [hbm4b:s11+s3], $0x80, $0x38;
	[tilespmem:$0x1FD00] =	vst v63  }
0xd6: {  	_ =	swait.ge [sflag:s19], $0x80  }
0xd7: {  	[sflag:s19] =	ssyncset.done $0x0  }
0xd8: {  	s11 =	sadd.s32 $0x20, s12;
	[sflag:s19] =	ssyncadd.s32 $0xFFFFFF80  }
0xd9: {  	[tilespmem:s30], [sflag:$0x4] =	stream.linear.gather [hbm4b:s11+s3], $0x80, $0x38;
	[tilespmem:$0x1FD00] =	vst v63  }
0xda: {  	_ =	swait.ge [sflag:s19], $0x80  }
0xdb: {  	[sflag:s19] =	ssyncset.done $0x0  }
0xdc: {  	[sflag:s19] =	ssyncadd.s32 $0xFFFFFF80  }
0xdd: {  	v2 =	vld [tilespmem:$0x1BB80]  }
0xde: {  	v3 =	vld [tilespmem:$0x1BB90]  }
0xdf: {  	v4 =	vld [tilespmem:$0x1BBA0]  }
0xe0: {  	v5 =	vld [tilespmem:$0x1BBB0]  }
0xe1: {  	v6 =	vld [tilespmem:$0x1BBC0]  }
0xe2: {  	v2 =	vshll.u32 v2, $0x1;
	v7 =	vld [tilespmem:$0x1BBD0]  }
0xe3: {  	v2 =	vor.u32 v0, v2;
	v3 =	vshll.u32 v3, $0x1;
	v8 =	vld [tilespmem:$0x1BBE0]  }
0xe4: {  	[tilespmem:$0x1BC80] =	vst v2;
	v2 =	vor.u32 v0, v3;
	v3 =	vshll.u32 v4, $0x1;
	v4 =	vld [tilespmem:$0x1BBF0]  }
.Ltmp1:
0xe5: {  	[tilespmem:$0x1BC90] =	vst v2;
	v2 =	vor.u32 v0, v3;
	v3 =	vshll.u32 v5, $0x1;
	(pc) =	sbr.rel @p2 .LBB2_4-.Ltmp1, $4  }
0xe6: {  	[tilespmem:$0x1BCA0] =	vst v2;
	v2 =	vor.u32 v0, v3;
	v3 =	vshll.u32 v6, $0x1  }
0xe7: {  	[tilespmem:$0x1BCB0] =	vst v2;
	v2 =	vor.u32 v0, v3;
	v3 =	vshll.u32 v7, $0x1  }
0xe8: {  	[tilespmem:$0x1BCC0] =	vst v2;
	v2 =	vor.u32 v0, v3;
	v3 =	vshll.u32 v8, $0x1  }
0xe9: {  	[tilespmem:$0x1BCD0] =	vst v2;
	v2 =	vor.u32 v0, v3;
	v3 =	vshll.u32 v4, $0x1  }
0xea: {  	[tilespmem:$0x1BCE0] =	vst v2;
	v2 =	vor.u32 v0, v3  }
0xeb: {  	[tilespmem:$0x1BCF0] =	vst v2  }
0xec: {  	[tilespmem:s0], [sflag:$0x3] =	stream.indirect.gather [hbm4b:s4+s22], $0x80, s31, s22, $0xb8;
	[tilespmem:$0x1FD00] =	vst v63  }
0xed: {  	_ =	swait.ge [sflag:s1], $0x4000  }
0xee: {  	[sflag:s1] =	ssyncset.done $0x0  }
0xef: {  	[sflag:s1] =	ssyncadd.s32 $0xFFFFC000  }
0xf0: {  	[spmem:s2] =	stream.indirect.scatter.add.f32 [tilespmem:s18], [sflag:$0x4], $0x80, s21, s22, $0xb8;
	[tilespmem:$0x1FD00] =	vst v63  }
0xf1: {  	_ =	swait.ge [sflag:s19], $0x4000  }
0xf2: {  	[sflag:s19] =	ssyncset.done $0x0  }
0xf3: {  	[sflag:s19] =	ssyncadd.s32 $0xFFFFC000  }
0xf4: {  	_ =	swait.ge [sflag:s6], $0x4000  }
0xf5: {  	[sflag:s6] =	ssyncset.done $0x0  }
0xf6: {  	[sflag:s6] =	ssyncadd.s32 $0xFFFFC000  }
0xf7: {  	[spmem:s2] =	stream.indirect.scatter.add.f32 [tilespmem:s28], [sflag:$0x4], $0x80, s25, s22, $0xb8;
	[tilespmem:$0x1FD00] =	vst v63  }
0xf8: {  	_ =	swait.ge [sflag:s19], $0x4000  }
0xf9: {  	[sflag:s19] =	ssyncset.done $0x0  }
0xfa: {  	[sflag:s19] =	ssyncadd.s32 $0xFFFFC000  }
0xfb: {  	_ =	swait.ge [sflag:s7], $0x4000  }
0xfc: {  	[sflag:s7] =	ssyncset.done $0x0  }
0xfd: {  	[sflag:s7] =	ssyncadd.s32 $0xFFFFC000  }
0xfe: {  	[spmem:s2] =	stream.indirect.scatter.add.f32 [tilespmem:s0], [sflag:$0x4], $0x80, s30, s22, $0xb8;
	[tilespmem:$0x1FD00] =	vst v63  }
0xff: {  	_ =	swait.ge [sflag:s19], $0x4000  }
0x100: {  	s9 =	simm.s32 @!p1 $0x0;
	[sflag:s19] =	ssyncset.done $0x0  }
0x101: {  	s11 =	simm.s32 @!p1 $0x13880;
	s12 =	rddreg [dreg:$0x7];
	[sflag:s19] =	ssyncadd.s32 $0xFFFFC000  }
0x102: {  	[tilespmem:s11], [sflag:$0x4] =	stream.linear.gather @!p1 [hbm4b:s12+s9], $0x80, $0x38;
	[tilespmem:$0x1FD00] =	vst v63  }
0x103: {  	s11 =	simm.s32 @!p1 $0x4  }
0x104: {  	_ =	swait.ge @!p1 [sflag:s11], $0x80  }
0x105: {  	[sflag:s11] =	ssyncset.done @!p1 $0x0  }
0x106: {  	s12 =	simm.s32 @!p1 $0x13900;
	s13 =	rddreg [dreg:$0x8];
	[sflag:s11] =	ssyncadd.s32 @!p1 $0xFFFFFF80  }
0x107: {  	[tilespmem:s12], [sflag:$0x4] =	stream.linear.gather @!p1 [hbm4b:s13+s9], $0x80, $0x38;
	[tilespmem:$0x1FD00] =	vst v63  }
0x108: {  	_ =	swait.ge @!p1 [sflag:s11], $0x80  }
0x109: {  	[sflag:s11] =	ssyncset.done @!p1 $0x0  }
0x10a: {  	[sflag:s11] =	ssyncadd.s32 @!p1 $0xFFFFFF80  }
0x10b: {  	v2 =	vld @!p1 [tilespmem:$0x13880]  }
0x10c: {  	v3 =	vld @!p1 [tilespmem:$0x13890]  }
0x10d: {  	v4 =	vld @!p1 [tilespmem:$0x138A0]  }
0x10e: {  	v5 =	vld @!p1 [tilespmem:$0x138B0]  }
0x10f: {  	v6 =	vld @!p1 [tilespmem:$0x138C0]  }
0x110: {  	v7 =	vld @!p1 [tilespmem:$0x138D0];
	v2 =	vshll.u32 @!p1 v2, $0x1  }
0x111: {  	v8 =	vld @!p1 [tilespmem:$0x138E0];
	v3 =	vshll.u32 @!p1 v3, $0x1;
	v2 =	vor.u32 @!p1 v0, v2  }
0x112: {  	[tilespmem:$0x13980] =	vst @!p1 v2;
	v2 =	vor.u32 @!p1 v0, v3;
	v3 =	vshll.u32 @!p1 v4, $0x1;
	v4 =	vld @!p1 [tilespmem:$0x138F0]  }
0x113: {  	[tilespmem:$0x13990] =	vst @!p1 v2;
	v2 =	vor.u32 @!p1 v0, v3;
	v3 =	vshll.u32 @!p1 v5, $0x1  }
0x114: {  	[tilespmem:$0x139A0] =	vst @!p1 v2;
	v2 =	vor.u32 @!p1 v0, v3;
	v3 =	vshll.u32 @!p1 v6, $0x1  }
0x115: {  	[tilespmem:$0x139B0] =	vst @!p1 v2;
	v2 =	vor.u32 @!p1 v0, v3;
	v3 =	vshll.u32 @!p1 v7, $0x1  }
0x116: {  	[tilespmem:$0x139C0] =	vst @!p1 v2;
	v2 =	vor.u32 @!p1 v0, v3;
	v3 =	vshll.u32 @!p1 v8, $0x1  }
0x117: {  	[tilespmem:$0x139D0] =	vst @!p1 v2;
	v2 =	vor.u32 @!p1 v0, v3;
	v3 =	vshll.u32 @!p1 v4, $0x1  }
0x118: {  	[tilespmem:$0x139E0] =	vst @!p1 v2;
	v2 =	vor.u32 @!p1 v0, v3  }
0x119: {  	s14 =	simm.s32 @!p1 $0x13A00;
	s9 =	simm.s32 @!p1 $0x80;
	s13 =	simm.s32 @!p1 $0x13980;
	[tilespmem:$0x139F0] =	vst @!p1 v2  }
0x11a: {  	[tilespmem:s14], [sflag:$0x1] =	stream.indirect.gather @!p1 [hbm4b:s4+s9], $0x80, s13, s9, $0xb8;
	[tilespmem:$0x1FD00] =	vst v63  }
0x11b: {  	s13 =	simm.s32 @!p1 $0x1  }
0x11c: {  	_ =	swait.ge @!p1 [sflag:s13], $0x4000  }
0x11d: {  	[sflag:s13] =	ssyncset.done @!p1 $0x0  }
0x11e: {  	[sflag:s13] =	ssyncadd.s32 @!p1 $0xFFFFC000  }
0x11f: {  	[spmem:s2] =	stream.indirect.scatter.add.f32 @!p1 [tilespmem:s14], [sflag:$0x4], $0x80, s12, s9, $0xb8;
	[tilespmem:$0x1FD00] =	vst v63  }
0x120: {  	_ =	swait.ge @!p1 [sflag:s11], $0x4000  }
0x121: {  	[sflag:s11] =	ssyncset.done @!p1 $0x0  }
0x122: {  	s12 =	stileid.u32;
	[sflag:s11] =	ssyncadd.s32 @!p1 $0xFFFFC000  }
0x123: {  	s9 =	sshll.u32 s12, $0x6;
	[bflag:$0x0] =	sbarrier.arrive $0xFFFF  }
0x124: {  	s13 =	sshrl.u32 s5, $0x3;
	s9 =	sor.u32 $0x1C04, s9;
	s14 =	rddreg [dreg:$0x9]  }
0x125: {  	[hbm:s14], [sflag:s9] =	dma.local [spmem:s13], $0x2700  }
0x126: {  	s8 =	sadd.s32 $0x1, s8;
	_ =	swait.ge [sflag:s19], $0x2700  }
0x127: {  	p2 =	sne.s32 s8, s15;
	[sflag:s19] =	ssyncset.done $0x0  }
0x128: {  	s11 =	sshrl.u32 @!p0 s10, $0x3;
	s12 =	rddreg [dreg:$0xa];
	[sflag:s19] =	ssyncadd.s32 $0xFFFFD900  }
0x129: {  	[hbm:s12], [sflag:s9] =	dma.local @!p0 [spmem:s11], $0x100  }
.Ltmp2:
0x12a: {  	_ = 	snop;
	(pc) =	sbr.rel @p2 .LBB2_1-.Ltmp2, $4  }
0x12b: {  	s9 =	simm.s32 @!p0 $0x4  }
0x12c: {  	_ =	swait.ge @!p0 [sflag:s9], $0x100  }
0x12d: {  	[sflag:s9] =	ssyncset.done @!p0 $0x0  }
0x12e: {  	[sflag:s9] =	ssyncadd.s32 @!p0 $0xFFFFFF00  }
0x12f: {  	_ =	sfence.sel $0x180000  }
0x130: {  	[bflag:$0x0] =	sbarrier.arrive $0xFFFF  }
0x131: {  	_ =	strace $0x9000004D  }
0x132: {  	s0 =	stileid.u32;
	[bflag:$0x2] =	sbarrier.arrive $0xFFFF  }
0x133: {  	p0 =	sne.s32 s0, $0x0;
	s0 =	rddreg [dreg:$0x2]  }
0x134: {  	s0 =	sadd.s32 @!p0 $0x100000, s0  }
0x135: {  	[sflag:s0] =	ssyncadd.tile.s32 @!p0 $0x1;
	_ =	shalt  }
.Lfunc_end2:
_tile_overlayer_lowered:
.L_overlay_start_2:
0x136: {  	(tag) =	ssettag $0x2  }
0x137: {  	s0 =	rddreg [dreg:$0x0];
	s2 =	stileid.u32  }
0x138: {  	s1 =	rddreg [dreg:$0x1];
	p0 =	sne.s32 s2, $0x0  }
0x139: {  	s3 =	rddreg [dreg:$0x2];
	[bflag:$0x3] =	sbarrier.arrive $0xFFFF;
	s2 =	simm.s32 @!p0 $0x1C04  }
0x13a: {  	[timem:s3], [sflag:s2] =	dma.local @!p0 [hbm:s0], s1  }
0x13b: {  	s0 =	simm.s32 @!p0 $0x4  }
0x13c: {  	_ =	swait.ge @!p0 [sflag:s0], s1  }
0x13d: {  	s1 =	ssub.s32 @!p0 $0x0, s1;
	[sflag:s0] =	ssyncset.done @!p0 $0x0  }
0x13e: {  	[sflag:s0] =	ssyncadd.s32 @!p0 s1  }
0x13f: {  	[bflag:$0x3] =	sbarrier.arrive $0xFFFF  }
0x140: {  	_ =	shalt  }

// kernel: kernel.19.cloned.1.call-start
scs
__scs_entry_jumppad:
0x0: {  	(pc) =	sbr.rel $0x88, $3  }
0x1: {  	(tag) =	ssettag $0x0;
	lr =	simm.s32 $0x1  }
0x2: {  	[smem:$0x3F91] =	sst lr;
	_ =	strace $0xD0000000  }
0x3: {  	_ = 	snop  }
0x4: {  	_ = 	snop  }
0x5: {  	_ = 	snop  }
0x6: {  	_ = 	snop  }
0x7: {  	_ = 	snop  }
__scs_overlays_trampoline_lowered:
0x8: {  	[smem:$0x3FA0] =	sst s0  }
0x9: {  	[smem:$0x3FA1] =	sst s1  }
0xa: {  	[smem:$0x3FA2] =	sst s2  }
0xb: {  	[smem:$0x3FA3] =	sst s3  }
0xc: {  	[smem:$0x3FA4] =	sst s4  }
0xd: {  	[smem:$0x3FA5] =	sst s5  }
0xe: {  	[smem:$0x3FA6] =	sst s6  }
0xf: {  	[smem:$0x3FA7] =	sst s7  }
0x10: {  	[smem:$0x3FA8] =	sst s8  }
0x11: {  	[smem:$0x3FA9] =	sst s9;
	s0 =	simm.s32 @!p0 $0x0  }
0x12: {  	s1 =	sld [smem:$0x3F8F];
	s0 =	simm.s32 @p0 $0x1  }
0x13: {  	[smem:$0x3FAA] =	sst s0;
	s0 =	simm.s32 @!p1 $0x0  }
0x14: {  	s2 =	sld [smem:$0x3F8E];
	s0 =	simm.s32 @p1 $0x1  }
0x15: {  	[smem:$0x3FAB] =	sst s0;
	s0 =	simm.s32 @!p2 $0x0  }
0x16: {  	s3 =	sld [smem:$0x3FDB];
	s0 =	simm.s32 @p2 $0x1  }
0x17: {  	s4 =	simm.s32 $0x1BF5;
	[smem:$0x3FAD] =	sst s0  }
0x18: {  	s0 =	sld [smem:$0x3F90];
	_ =	swait.ge [sflag:s4], $0x0  }
0x19: {  	s7 =	sld [smem:$0x3F91]  }
0x1a: {  	s8 =	sadd.s32 $0xFFFFE003, lr  }
0x1b: {  	s9 =	sadd.s32 $0xFFFFFEF7, lr;
	s5 =	simm.s32 $0xFFFFFFFF;
	p2 =	slt.u32 s8, $0xFFFFF086  }
0x1c: {  	p1 =	slt.u32 s9, $0xF7A;
	s5 =	simm.s32 @!p2 $0x0  }
0x1d: {  	s5 =	simm.s32 @p1 $0x1;
	p0 =	seq.s32 s7, s2  }
0x1e: {  	s7 =	smul.u32 @!p0 $0xF7A, s2;
	p2 =	seq.s32 @!p0 s5, $0x0  }
0x1f: {  	s9 =	smul.u32 $0xF7A, s1;
	s8 =	simm.s32 @!p0 $0x1BF5;
	p2 =	por !p2, p0  }
0x20: {  	[sflag:s8] =	ssyncset.s32 @!p0 $0xFFFFF086;
	s6 =	sadd.s32 @!p0 s3, s7;
	s7 =	simm.s32 @!p0 $0x108  }
0x21: {  	s3 =	sadd.s32 s3, s9;
	s6 =	sadd.s32 @!p0 $0x88, s6;
	s7 =	simm.s32 @p2 $0x1082  }
0x22: {  	[simem:s7], [sflag:s8] =	dma.local @!p0 [hbm:s6], $0xF7A  }
0x23: {  	s9 =	sor.u32 $0xD0000000, s2;
	s6 =	simm.s32 $0x108;
	_ =	swait.ge @!p0 [sflag:s8], $0x0  }
0x24: {  	s3 =	sadd.s32 $0x88, s3;
	s6 =	simm.s32 @!p1 $0x1082;
	[sflag:s4] =	ssyncset.s32 $0xFFFFF086  }
0x25: {  	[simem:s6], [sflag:s4] =	dma.local [hbm:s3], $0xF7A  }
0x26: {  	[smem:$0x3F91] =	sst s1;
	(tag) =	ssettag s2;
	_ =	strace s9  }
0x27: {  	s1 =	sld [smem:$0x3FA1]  }
0x28: {  	s2 =	sld [smem:$0x3FA2]  }
0x29: {  	s4 =	sld [smem:$0x3FA4]  }
0x2a: {  	p0 =	seq.s32 s5, $0x0;
	s5 =	sld [smem:$0x3FA5]  }
0x2b: {  	s6 =	sld [smem:$0x3FA6]  }
0x2c: {  	s7 =	sld [smem:$0x3FA7]  }
0x2d: {  	s3 =	simm.s32 $0x108;
	s8 =	sld [smem:$0x3FA8]  }
0x2e: {  	s3 =	simm.s32 @!p0 $0x1082;
	s9 =	sld [smem:$0x3FA9]  }
0x2f: {  	lr =	sadd.s32 s0, s3;
	s0 =	sld [smem:$0x3FA0]  }
0x30: {  	s3 =	sld [smem:$0x3FA3]  }
0x31: {  	[smem:$0x3FAC] =	sst s10  }
0x32: {  	s10 =	sld [smem:$0x3FAA];
	_ =	sdelay $0x3  }
0x33: {  	p0 =	seq.s32 s10, $0x1;
	s10 =	sld [smem:$0x3FAC];
	_ =	sdelay $0x3  }
0x34: {  	[smem:$0x3FAC] =	sst s10  }
0x35: {  	s10 =	sld [smem:$0x3FAB];
	_ =	sdelay $0x3  }
0x36: {  	p1 =	seq.s32 s10, $0x1;
	s10 =	sld [smem:$0x3FAC];
	_ =	sdelay $0x3  }
0x37: {  	[smem:$0x3FAC] =	sst s10  }
0x38: {  	s10 =	sld [smem:$0x3FAD]  }
0x39: {  	_ = 	snop;
	(pc) =	sbr.ind lr, $3  }
0x3a: {  	_ = 	snop  }
0x3b: {  	_ = 	snop  }
0x3c: {  	p2 =	seq.s32 s10, $0x1;
	s10 =	sld [smem:$0x3FAC]  }
0x3d: {  	_ =	shalt  }
0x3e: {  	_ =	shalt  }
0x3f: {  	_ =	shalt  }
0x40: {  	_ =	shalt  }
0x41: {  	_ =	shalt  }
0x42: {  	_ =	shalt  }
0x43: {  	_ =	shalt  }
0x44: {  	_ =	shalt  }
0x45: {  	_ =	shalt  }
0x46: {  	_ =	shalt  }
0x47: {  	_ =	shalt  }
0x48: {  	_ =	shalt  }
0x49: {  	_ =	shalt  }
0x4a: {  	_ =	shalt  }
0x4b: {  	_ =	shalt  }
0x4c: {  	_ =	shalt  }
0x4d: {  	_ =	shalt  }
0x4e: {  	_ =	shalt  }
0x4f: {  	_ =	shalt  }
0x50: {  	_ =	shalt  }
0x51: {  	_ =	shalt  }
0x52: {  	_ =	shalt  }
0x53: {  	_ =	shalt  }
0x54: {  	_ =	shalt  }
0x55: {  	_ =	shalt  }
0x56: {  	_ =	shalt  }
0x57: {  	_ =	shalt  }
0x58: {  	_ =	shalt  }
0x59: {  	_ =	shalt  }
0x5a: {  	_ =	shalt  }
0x5b: {  	_ =	shalt  }
0x5c: {  	_ =	shalt  }
0x5d: {  	_ =	shalt  }
0x5e: {  	_ =	shalt  }
0x5f: {  	_ =	shalt  }
0x60: {  	_ =	shalt  }
0x61: {  	_ =	shalt  }
0x62: {  	_ =	shalt  }
0x63: {  	_ =	shalt  }
0x64: {  	_ =	shalt  }
0x65: {  	_ =	shalt  }
0x66: {  	_ =	shalt  }
0x67: {  	_ =	shalt  }
0x68: {  	_ =	shalt  }
0x69: {  	_ =	shalt  }
0x6a: {  	_ =	shalt  }
0x6b: {  	_ =	shalt  }
0x6c: {  	_ =	shalt  }
0x6d: {  	_ =	shalt  }
0x6e: {  	_ =	shalt  }
0x6f: {  	_ =	shalt  }
0x70: {  	_ =	shalt  }
0x71: {  	_ =	shalt  }
0x72: {  	_ =	shalt  }
0x73: {  	_ =	shalt  }
0x74: {  	_ =	shalt  }
0x75: {  	_ =	shalt  }
0x76: {  	_ =	shalt  }
0x77: {  	_ =	shalt  }
0x78: {  	_ =	shalt  }
0x79: {  	_ =	shalt  }
0x7a: {  	_ =	shalt  }
0x7b: {  	_ =	shalt  }
0x7c: {  	_ =	shalt  }
0x7d: {  	_ =	shalt  }
0x7e: {  	_ =	shalt  }
0x7f: {  	_ =	shalt  }
0x80: {  	_ =	shalt  }
0x81: {  	_ =	shalt  }
0x82: {  	_ =	shalt  }
0x83: {  	_ =	shalt  }
0x84: {  	_ =	shalt  }
0x85: {  	_ =	shalt  }
0x86: {  	_ =	shalt  }
0x87: {  	_ =	shalt  }
.Lfunc_end0:
.L_simem_size_0:
called_computation.3_lowered:
.L_overlay_start_0:
0x88: {  	s2 =	sld [smem:$0x3FD9]  }
0x89: {  	s3 =	sld [smem:$0x3FFE];
	_ =	sdelay $0x1  }
0x8a: {  	s1 =	srdreg.scid  }
0x8b: {  	s0 =	sand.u32 $0x1, s1  }
0x8c: {  	s16 =	sshll.u32 s0, $0xA;
	s2 =	sadd.s32 s3, s2  }
0x8d: {  	s2 =	sadd.s32 s2, s16  }
0x8e: {  	[smem:$0x3FB8] =	sst s2  }
0x8f: {  	_ = 	snop  }
0x90: {  	(tm) =	ssettm $0x1  }
0x91: {  	s17 =	sld [smem:$0x3FFB];
	_ =	sdelay $0x3  }
0x92: {  	_ =	strace s17  }
0x93: {  	s2 =	sld [smem:$0x3FFC];
	_ =	sdelay $0x3  }
0x94: {  	_ =	strace s2  }
0x95: {  	s2 =	sld [smem:$0x3FFD];
	_ =	sdelay $0x3  }
0x96: {  	_ =	strace s2  }
0x97: {  	_ =	strace $0x8FFFFFFF  }
0x98: {  	s18 =	sld [smem:$0x3FDB];
	_ =	sdelay $0x1  }
0x99: {  	s19 =	simm.s32 $_scs_section_size  }
0x9a: {  	s4 =	simm.s32 $_size__tile_overlayer_lowered;
	s5 =	simm.s32 $_tile_overlayer_lowered  }
0x9b: {  	s22 =	simm.s32 $0x1BFF;
	s21 =	sshll.u32 s5, $0x1;
	s2 =	sadd.s32 s19, s18  }
0x9c: {  	s6 =	simm.s32 $0x0;
	s20 =	sshll.u32 s4, $0x1;
	s4 =	sadd.s32 s21, s2  }
0x9d: {  	[timem:s6], [sflag:s22] =	dma.local [hbm:s4], s20  }
0x9e: {  	_ =	swait.ge [sflag:s22], s20  }
0x9f: {  	s3 =	ssub.s32 $0x0, s20;
	[sflag:s22] =	ssyncset.done $0x0  }
0xa0: {  	[sflag:s22] =	ssyncadd.s32 s3;
	_ =	sdelay $0x1  }
0xa1: {  	s23 =	simm.s32 $0x1B8B  }
0xa2: {  	_ =	swait.ge [sflag:s23], $0x1  }
0xa3: {  	[sflag:s23] =	ssyncset.done $0x0  }
0xa4: {  	s25 =	simm.s32 $0x1B8E;
	s24 =	sld [smem:$0x3FFE];
	[sflag:s23] =	ssyncadd.s32 $0xFFFFFFFF  }
0xa5: {  	s26 =	simm.s32 $execute0_lowered;
	[smem:$0x3FD2] =	sst s25  }
0xa6: {  	s4 =	sshll.u32 s26, $0x1;
	_ =	strace $0x8000004F;
	[dreg:$0x1] =	wrdreg $0xFFFFFFFF  }
0xa7: {  	s28 =	simm.s32 $_size_execute0_lowered;
	s2 =	sadd.s32 s2, s4;
	[dreg:$0x0] =	wrdreg $0x0  }
0xa8: {  	s4 =	sshll.u32 s28, $0x1;
	[dreg:$0x2] =	wrdreg s2  }
0xa9: {  	[dreg:$0x3] =	wrdreg s4  }
0xaa: {  	[dreg:$0x4] =	wrdreg $0xC0  }
0xab: {  	_ =	task [dreg:s6], $0x5FFFF  }
0xac: {  	[dreg:$0x1] =	wrdreg $0xFFFFFFFF  }
0xad: {  	[dreg:$0x0] =	wrdreg $0x60  }
0xae: {  	[dreg:$0x2] =	wrdreg s24  }
0xaf: {  	[dreg:$0x3] =	wrdreg $0x0  }
0xb0: {  	[dreg:$0x4] =	wrdreg $0x9  }
0xb1: {  	_ =	task.clear_ibuf [dreg:s6], $0x5FFFF;
	_ =	strace $0x9000004F  }
0xb2: {  	s29 =	simm.s32 $0x9;
	_ =	strace $0x80000051  }
0xb3: {  	_ =	swait.ge [sflag:s29], $0x1  }
0xb4: {  	[sflag:s29] =	ssyncadd.s32 $0xFFFFFFFF  }
0xb5: {  	_ =	strace $0x90000051  }
0xb6: {  	_ =	sfence  }
0xb7: {  	s30 =	sld [smem:$0x0];
	_ =	sdelay $0x2  }
0xb8: {  	s31 =	sshll.u32 s1, $0xD;
	s1 =	sshrl.u32 s1, $0x2  }
0xb9: {  	s3 =	sand.u32 $0x4000, s31;
	s1 =	sadd.s32 s1, s30  }
0xba: {  	s0 =	sor.u32 s3, s0;
	s1 =	sshll.u32 s1, $0x11  }
0xbb: {  	s0 =	sor.u32 s1, s0  }
0xbc: {  	s0 =	sadd.s32 $0x8F2B, s0  }
0xbd: {  	[sflag:s0] =	ssyncadd.remote.s32 $0x1  }
0xbe: {  	_ =	sfence.sel $0xFFFF  }
0xbf: {  	[dreg:$0x0] =	wrdreg $0xFFFFFFFF;
	(pc) =	sbr.abs _section_cstart, $3  }
0xc0: {  	[dreg:$0x1] =	wrdreg $0xFFFFFFFF  }
0xc1: {  	_ =	task.clear_ibuf [dreg:s6], $0x2FFFF;
	_ =	strace $0x9FFFFFFF  }
0xc2: {  	(tm) =	ssettm $0x7FFFFFFF  }
0xc3: {  	_ =	shalt  }
tec
execute0_lowered:
.L_overlay_start_1:
0x0: {  	(tag) =	ssettag $0x1  }
0x1: {  	s0 =	rddreg [dreg:$0x0]  }
0x2: {  	s2 =	rddreg [dreg:$0x1];
	s3 =	simm.s32 $0x0;
	s13 =	stileid.u32  }
0x3: {  	s1 =	srdreg.scid;
	s18 =	simm.s32 $0x13A00;
	s19 =	simm.s32 $0x4  }
0x4: {  	s20 =	simm.s32 $0x13880;
	s28 =	simm.s32 $0x17B80;
	s29 =	simm.s32 $0x1BB80  }
0x5: {  	s30 =	simm.s32 $0x1BC00;
	s31 =	simm.s32 $0x1BC80;
	[smem:$0x7FF] =	sst s3  }
0x6: {  	s5 =	smul.u32 $0x4E000, s13;
	s4 =	sadd.s32 $0xB3C00, s0;
	s6 =	sadd.s32 $0x3C00, s0  }
0x7: {  	s7 =	sand.u32 $0x1, s1;
	s21 =	sadd.s32 $0xDA00, s0;
	s11 =	smul.u32 $0x13800, s13  }
0x8: {  	s0 =	sadd.s32 $0x101E00, s0;
	s24 =	sshll.u32 s13, $0x4;
	s17 =	smul.u32 $0x9C0, s13  }
0x9: {  	p0 =	sne.s32 s13, $0xF;
	p1 =	sgt.u32 s13, $0x3;
	s1 =	simm.s32 $0x1  }
0xa: {  	_ =	strace $0x80000050;
	s8 =	ssub.s32 $0x2, s7;
	s23 =	smul.u32 $0x138800, s7  }
0xb: {  	s26 =	sor.u32 $0x9C00, s24;
	s24 =	simm.s32 $0x17A00;
	v0 =	vmov s7;
	s7 =	simm.s32 $0x3  }
0xc: {  	s5 =	sshrl.u32 s5, $0x2;
	s9 =	sshrl.u32 s8, $0x1;
	s14 =	sadd.s32 s6, s26  }
0xd: {  	s16 =	sadd.s32 s17, s21;
	s17 =	sadd.s32 s17, s6;
	s6 =	simm.s32 $0x2  }
0xe: {  	s5 =	sadd.s32 s5, s2;
	s8 =	ssub.s32 s8, s9;
	[dreg:$0x7] =	wrdreg s14  }
0xf: {  	s11 =	sadd.s32 s11, s23;
	s9 =	sshrl.u32 s23, $0x3;
	s22 =	sadd.s32 $0x4000, s5  }
0x10: {  	s23 =	simm.s32 $0x13980;
	s10 =	sadd.s32 $0x8000, s5;
	[dreg:$0x3] =	wrdreg s22  }
0x11: {  	s12 =	sadd.s32 $0xC000, s5;
	s25 =	sadd.s32 $0x10000, s5;
	[dreg:$0x4] =	wrdreg s10  }
0x12: {  	s11 =	sshrl.u32 s11, $0x3;
	s15 =	smax.u32 s8, $0x1;
	[dreg:$0x5] =	wrdreg s12  }
0x13: {  	s8 =	simm.s32 $0x0;
	[dreg:$0x6] =	wrdreg s25;
	s10 =	sadd.s32 $0x138000, s2  }
0x14: {  	s12 =	sadd.s32 s21, s26;
	s11 =	sadd.s32 s0, s11;
	s0 =	sadd.s32 s0, s9  }
0x15: {  	s21 =	simm.s32 $0x13900;
	s22 =	simm.s32 $0x80;
	[dreg:$0x8] =	wrdreg s12  }
0x16: {  	s25 =	simm.s32 $0x17A80;
	[dreg:$0x9] =	wrdreg s11;
	s0 =	sadd.s32 $0x27000, s0  }
0x17: {  	v1 =	vimm.f32 $0.0e+00;
	s26 =	simm.s32 $0x17B00;
	[dreg:$0xa] =	wrdreg s0;
	s0 =	simm.s32 $0x1BD00  }
.LBB2_1:
0x18: {  	s9 =	simm.s32 $0x0;
	s11 =	simm.s32 $0x200  }
.LBB2_2:
0x19: {  	p2 =	sne.s32 s11, $0xFE00;
	[tilespmem:s9+$0x13A70] =	vst v1  }
0x1a: {  	[tilespmem:s9+$0x13A00] =	vst v1  }
0x1b: {  	[tilespmem:s9+$0x13A10] =	vst v1  }
.Ltmp0:
0x1c: {  	[tilespmem:s9+$0x13A20] =	vst v1;
	(pc) =	sbr.rel @p2 .LBB2_2-.Ltmp0, $4  }
0x1d: {  	[tilespmem:s9+$0x13A30] =	vst v1  }
0x1e: {  	[tilespmem:s9+$0x13A40] =	vst v1  }
0x1f: {  	[tilespmem:s9+$0x13A50] =	vst v1  }
0x20: {  	[tilespmem:s9+$0x13A60] =	vst v1;
	s9 =	sshra.s32 s11, $0x2;
	s11 =	sadd.s32 $0x200, s11  }
0x21: {  	[tilespmem:s9+$0x13A70] =	vst v1  }
0x22: {  	[tilespmem:s9+$0x13A00] =	vst v1  }
0x23: {  	[tilespmem:s9+$0x13A10] =	vst v1  }
0x24: {  	[tilespmem:s9+$0x13A20] =	vst v1  }
0x25: {  	[tilespmem:s9+$0x13A30] =	vst v1  }
0x26: {  	[tilespmem:s9+$0x13A40] =	vst v1  }
0x27: {  	[tilespmem:s9+$0x13A50] =	vst v1  }
0x28: {  	[tilespmem:s9+$0x13A60] =	vst v1  }
0x29: {  	[spmem:s5] =	stream.linear.scatter [tilespmem:s18], [sflag:$0x4], $0x4000, $0x38;
	[tilespmem:$0x1FD00] =	vst v63  }
0x2a: {  	_ =	swait.ge [sflag:s19], $0x4000  }
0x2b: {  	[sflag:s19] =	ssyncset.done $0x0  }
0x2c: {  	s14 =	rddreg [dreg:$0x3];
	[sflag:s19] =	ssyncadd.s32 $0xFFFFC000  }
0x2d: {  	[spmem:s14] =	stream.linear.scatter [tilespmem:s18], [sflag:$0x4], $0x4000, $0x38;
	[tilespmem:$0x1FD00] =	vst v63  }
0x2e: {  	_ =	swait.ge [sflag:s19], $0x4000  }
0x2f: {  	[sflag:s19] =	ssyncset.done $0x0  }
0x30: {  	s11 =	rddreg [dreg:$0x4];
	[sflag:s19] =	ssyncadd.s32 $0xFFFFC000  }
0x31: {  	[spmem:s11] =	stream.linear.scatter [tilespmem:s18], [sflag:$0x4], $0x4000, $0x38;
	[tilespmem:$0x1FD00] =	vst v63  }
0x32: {  	_ =	swait.ge [sflag:s19], $0x4000  }
0x33: {  	[sflag:s19] =	ssyncset.done $0x0  }
0x34: {  	s12 =	rddreg [dreg:$0x5];
	[sflag:s19] =	ssyncadd.s32 $0xFFFFC000  }
0x35: {  	[spmem:s12] =	stream.linear.scatter [tilespmem:s18], [sflag:$0x4], $0x4000, $0x38;
	[tilespmem:$0x1FD00] =	vst v63  }
0x36: {  	_ =	swait.ge [sflag:s19], $0x4000  }
0x37: {  	[sflag:s19] =	ssyncset.done $0x0  }
0x38: {  	s13 =	rddreg [dreg:$0x6];
	[sflag:s19] =	ssyncadd.s32 $0xFFFFC000  }
0x39: {  	[spmem:s13] =	stream.linear.scatter [tilespmem:s18], [sflag:$0x4], $0x3800, $0x38;
	[tilespmem:$0x1FD00] =	vst v63  }
0x3a: {  	_ =	swait.ge [sflag:s19], $0x3800  }
0x3b: {  	[sflag:s19] =	ssyncset.done $0x0  }
0x3c: {  	s9 =	simm.s32 @!p0 $0x13A00;
	[sflag:s19] =	ssyncadd.s32 $0xFFFFC800  }
0x3d: {  	[spmem:s10] =	stream.linear.scatter @!p0 [tilespmem:s9], [sflag:$0x4], $0x800, $0x38;
	[tilespmem:$0x1FD00] =	vst v63  }
0x3e: {  	s9 =	simm.s32 @!p0 $0x4  }
0x3f: {  	_ =	swait.ge @!p0 [sflag:s9], $0x800  }
0x40: {  	[sflag:s9] =	ssyncset.done @!p0 $0x0  }
0x41: {  	[sflag:s9] =	ssyncadd.s32 @!p0 $0xFFFFF800  }
0x42: {  	s14 =	sadd.s32 $0x0, s17;
	[bflag:$0x0] =	sbarrier.arrive $0xFFFF  }
0x43: {  	[tilespmem:s20], [sflag:$0x4] =	stream.linear.gather [hbm4b:s14+s3], $0x80, $0x38;
	[tilespmem:$0x1FD00] =	vst v63  }
0x44: {  	_ =	swait.ge [sflag:s19], $0x80  }
0x45: {  	[sflag:s19] =	ssyncset.done $0x0  }
0x46: {  	s11 =	sadd.s32 $0x0, s16;
	[sflag:s19] =	ssyncadd.s32 $0xFFFFFF80  }
0x47: {  	[tilespmem:s21], [sflag:$0x4] =	stream.linear.gather [hbm4b:s11+s3], $0x80, $0x38;
	[tilespmem:$0x1FD00] =	vst v63  }
0x48: {  	_ =	swait.ge [sflag:s19], $0x80  }
0x49: {  	[sflag:s19] =	ssyncset.done $0x0  }
0x4a: {  	[sflag:s19] =	ssyncadd.s32 $0xFFFFFF80  }
0x4b: {  	v2 =	vld [tilespmem:$0x138E0]  }
0x4c: {  	v3 =	vld [tilespmem:$0x138B0]  }
0x4d: {  	v4 =	vld [tilespmem:$0x138C0]  }
0x4e: {  	v5 =	vld [tilespmem:$0x138D0]  }
0x4f: {  	v6 =	vld [tilespmem:$0x13880]  }
0x50: {  	v7 =	vld [tilespmem:$0x138A0];
	v2 =	vshll.u32 v2, $0x1  }
0x51: {  	v8 =	vld [tilespmem:$0x138F0];
	v3 =	vshll.u32 v3, $0x1;
	v2 =	vor.u32 v0, v2  }
0x52: {  	v4 =	vshll.u32 v4, $0x1;
	v3 =	vor.u32 v0, v3;
	[tilespmem:$0x139E0] =	vst v2;
	v2 =	vld [tilespmem:$0x13890]  }
0x53: {  	v5 =	vshll.u32 v5, $0x1;
	[tilespmem:$0x139B0] =	vst v3;
	v3 =	vor.u32 v0, v4  }
0x54: {  	v4 =	vor.u32 v0, v5;
	v5 =	vshll.u32 v6, $0x1;
	[tilespmem:$0x139C0] =	vst v3  }
0x55: {  	v3 =	vor.u32 v0, v5;
	v5 =	vshll.u32 v7, $0x1;
	[tilespmem:$0x139D0] =	vst v4  }
0x56: {  	v4 =	vshll.u32 v8, $0x1;
	[tilespmem:$0x13980] =	vst v3;
	v3 =	vor.u32 v0, v5  }
0x57: {  	[tilespmem:$0x139A0] =	vst v3;
	v3 =	vor.u32 v0, v4;
	v2 =	vshll.u32 v2, $0x1  }
0x58: {  	[tilespmem:$0x139F0] =	vst v3;
	v2 =	vor.u32 v0, v2  }
0x59: {  	[tilespmem:$0x13990] =	vst v2  }
0x5a: {  	[tilespmem:s18], [sflag:$0x1] =	stream.indirect.gather [hbm4b:s4+s22], $0x80, s23, s22, $0xb8;
	[tilespmem:$0x1FD00] =	vst v63  }
0x5b: {  	s12 =	sadd.s32 $0x10, s14  }
0x5c: {  	[tilespmem:s24], [sflag:$0x4] =	stream.linear.gather [hbm4b:s12+s3], $0x80, $0x38;
	[tilespmem:$0x1FD00] =	vst v63  }
0x5d: {  	_ =	swait.ge [sflag:s19], $0x80  }
0x5e: {  	[sflag:s19] =	ssyncset.done $0x0  }
0x5f: {  	s13 =	sadd.s32 $0x10, s11;
	[sflag:s19] =	ssyncadd.s32 $0xFFFFFF80  }
0x60: {  	[tilespmem:s25], [sflag:$0x4] =	stream.linear.gather [hbm4b:s13+s3], $0x80, $0x38;
	[tilespmem:$0x1FD00] =	vst v63  }
0x61: {  	_ =	swait.ge [sflag:s19], $0x80  }
0x62: {  	[sflag:s19] =	ssyncset.done $0x0  }
0x63: {  	[sflag:s19] =	ssyncadd.s32 $0xFFFFFF80  }
0x64: {  	v2 =	vld [tilespmem:$0x17A00]  }
0x65: {  	v3 =	vld [tilespmem:$0x17A50]  }
0x66: {  	v4 =	vld [tilespmem:$0x17A20]  }
0x67: {  	v5 =	vld [tilespmem:$0x17A30]  }
0x68: {  	v58 =	vld [tilespmem:$0x17A10]  }
0x69: {  	v59 =	vld [tilespmem:$0x17A40];
	v2 =	vshll.u32 v2, $0x1  }
0x6a: {  	v60 =	vld [tilespmem:$0x17A70];
	v3 =	vshll.u32 v3, $0x1;
	v2 =	vor.u32 v0, v2  }
0x6b: {  	v3 =	vor.u32 v0, v3;
	[tilespmem:$0x17B00] =	vst v2;
	v2 =	vshll.u32 v4, $0x1;
	v4 =	vld [tilespmem:$0x17A60]  }
0x6c: {  	v5 =	vshll.u32 v5, $0x1;
	[tilespmem:$0x17B50] =	vst v3;
	v2 =	vor.u32 v0, v2  }
0x6d: {  	v3 =	vshll.u32 v58, $0x1;
	[tilespmem:$0x17B20] =	vst v2;
	v2 =	vor.u32 v0, v5  }
0x6e: {  	v3 =	vor.u32 v0, v3;
	[tilespmem:$0x17B30] =	vst v2;
	v2 =	vshll.u32 v59, $0x1  }
0x6f: {  	[tilespmem:$0x17B10] =	vst v3;
	v3 =	vshll.u32 v60, $0x1;
	v2 =	vor.u32 v0, v2  }
0x70: {  	v3 =	vor.u32 v0, v3;
	[tilespmem:$0x17B40] =	vst v2;
	v2 =	vshll.u32 v4, $0x1  }
0x71: {  	[tilespmem:$0x17B70] =	vst v3;
	v2 =	vor.u32 v0, v2  }
0x72: {  	[tilespmem:$0x17B60] =	vst v2  }
0x73: {  	[tilespmem:s28], [sflag:$0x2] =	stream.indirect.gather [hbm4b:s4+s22], $0x80, s26, s22, $0xb8;
	[tilespmem:$0x1FD00] =	vst v63  }
0x74: {  	s9 =	sadd.s32 $0x20, s14  }
0x75: {  	[tilespmem:s29], [sflag:$0x4] =	stream.linear.gather [hbm4b:s9+s3], $0x80, $0x38;
	[tilespmem:$0x1FD00] =	vst v63  }
0x76: {  	_ =	swait.ge [sflag:s19], $0x80  }
0x77: {  	[sflag:s19] =	ssyncset.done $0x0  }
0x78: {  	s14 =	sadd.s32 $0x20, s11;
	[sflag:s19] =	ssyncadd.s32 $0xFFFFFF80  }
0x79: {  	[tilespmem:s30], [sflag:$0x4] =	stream.linear.gather [hbm4b:s14+s3], $0x80, $0x38;
	[tilespmem:$0x1FD00] =	vst v63  }
0x7a: {  	_ =	swait.ge [sflag:s19], $0x80  }
0x7b: {  	[sflag:s19] =	ssyncset.done $0x0  }
0x7c: {  	[sflag:s19] =	ssyncadd.s32 $0xFFFFFF80  }
0x7d: {  	v2 =	vld [tilespmem:$0x1BB80]  }
0x7e: {  	v3 =	vld [tilespmem:$0x1BB90]  }
0x7f: {  	v4 =	vld [tilespmem:$0x1BBA0]  }
0x80: {  	v5 =	vld [tilespmem:$0x1BBB0]  }
0x81: {  	v61 =	vld [tilespmem:$0x1BBC0]  }
0x82: {  	v62 =	vld [tilespmem:$0x1BBD0];
	v2 =	vshll.u32 v2, $0x1  }
0x83: {  	v63 =	vld [tilespmem:$0x1BBE0];
	v3 =	vshll.u32 v3, $0x1;
	v2 =	vor.u32 v0, v2  }
0x84: {  	[tilespmem:$0x1BC80] =	vst v2;
	v2 =	vor.u32 v0, v3;
	v3 =	vshll.u32 v4, $0x1;
	v4 =	vld [tilespmem:$0x1BBF0]  }
0x85: {  	[tilespmem:$0x1BC90] =	vst v2;
	v2 =	vor.u32 v0, v3;
	v3 =	vshll.u32 v5, $0x1  }
0x86: {  	[tilespmem:$0x1BCA0] =	vst v2;
	v2 =	vor.u32 v0, v3;
	v3 =	vshll.u32 v61, $0x1  }
0x87: {  	[tilespmem:$0x1BCB0] =	vst v2;
	v2 =	vor.u32 v0, v3;
	v3 =	vshll.u32 v62, $0x1  }
0x88: {  	[tilespmem:$0x1BCC0] =	vst v2;
	v2 =	vor.u32 v0, v3;
	v3 =	vshll.u32 v63, $0x1  }
0x89: {  	s9 =	simm.s32 $0x30;
	[tilespmem:$0x1BCD0] =	vst v2;
	v2 =	vor.u32 v0, v3;
	v3 =	vshll.u32 v4, $0x1  }
.LBB2_4:
0x8a: {  	p2 =	sne.s32 s9, $0x990;
	[tilespmem:$0x1BCE0] =	vst v2;
	v2 =	vor.u32 v0, v3;
	s12 =	smov.u32 s9;
	s9 =	sadd.s32 $0x30, s9  }
0x8b: {  	[tilespmem:$0x1BCF0] =	vst v2  }
0x8c: {  	[tilespmem:s0], [sflag:$0x3] =	stream.indirect.gather [hbm4b:s4+s22], $0x80, s31, s22, $0xb8;
	[tilespmem:$0x1FD00] =	vst v63  }
0x8d: {  	_ =	swait.ge [sflag:s1], $0x4000  }
0x8e: {  	[sflag:s1] =	ssyncset.done $0x0  }
0x8f: {  	[sflag:s1] =	ssyncadd.s32 $0xFFFFC000  }
0x90: {  	[spmem:s2] =	stream.indirect.scatter.add.f32 [tilespmem:s18], [sflag:$0x4], $0x80, s21, s22, $0xb8;
	[tilespmem:$0x1FD00] =	vst v63  }
0x91: {  	_ =	swait.ge [sflag:s19], $0x4000  }
0x92: {  	[sflag:s19] =	ssyncset.done $0x0  }
0x93: {  	[sflag:s19] =	ssyncadd.s32 $0xFFFFC000  }
0x94: {  	_ =	swait.ge [sflag:s6], $0x4000  }
0x95: {  	[sflag:s6] =	ssyncset.done $0x0  }
0x96: {  	[sflag:s6] =	ssyncadd.s32 $0xFFFFC000  }
0x97: {  	[spmem:s2] =	stream.indirect.scatter.add.f32 [tilespmem:s28], [sflag:$0x4], $0x80, s25, s22, $0xb8;
	[tilespmem:$0x1FD00] =	vst v63  }
0x98: {  	_ =	swait.ge [sflag:s19], $0x4000  }
0x99: {  	[sflag:s19] =	ssyncset.done $0x0  }
0x9a: {  	[sflag:s19] =	ssyncadd.s32 $0xFFFFC000  }
0x9b: {  	_ =	swait.ge [sflag:s7], $0x4000  }
0x9c: {  	[sflag:s7] =	ssyncset.done $0x0  }
0x9d: {  	[sflag:s7] =	ssyncadd.s32 $0xFFFFC000  }
0x9e: {  	[spmem:s2] =	stream.indirect.scatter.add.f32 [tilespmem:s0], [sflag:$0x4], $0x80, s30, s22, $0xb8;
	[tilespmem:$0x1FD00] =	vst v63  }
0x9f: {  	_ =	swait.ge [sflag:s19], $0x4000  }
0xa0: {  	s11 =	sadd.s32 s12, s17;
	[sflag:s19] =	ssyncset.done $0x0  }
0xa1: {  	[sflag:s19] =	ssyncadd.s32 $0xFFFFC000  }
0xa2: {  	[tilespmem:s20], [sflag:$0x4] =	stream.linear.gather [hbm4b:s11+s3], $0x80, $0x38;
	[tilespmem:$0x1FD00] =	vst v63  }
0xa3: {  	_ =	swait.ge [sflag:s19], $0x80  }
0xa4: {  	[sflag:s19] =	ssyncset.done $0x0  }
0xa5: {  	s12 =	sadd.s32 s12, s16;
	[sflag:s19] =	ssyncadd.s32 $0xFFFFFF80  }
0xa6: {  	[tilespmem:s21], [sflag:$0x4] =	stream.linear.gather [hbm4b:s12+s3], $0x80, $0x38;
	[tilespmem:$0x1FD00] =	vst v63  }
0xa7: {  	_ =	swait.ge [sflag:s19], $0x80  }
0xa8: {  	[sflag:s19] =	ssyncset.done $0x0  }
0xa9: {  	[sflag:s19] =	ssyncadd.s32 $0xFFFFFF80  }
0xaa: {  	v2 =	vld [tilespmem:$0x138E0]  }
0xab: {  	v3 =	vld [tilespmem:$0x138B0]  }
0xac: {  	v4 =	vld [tilespmem:$0x138D0]  }
0xad: {  	v5 =	vld [tilespmem:$0x138C0]  }
0xae: {  	v6 =	vld [tilespmem:$0x13890]  }
0xaf: {  	v7 =	vld [tilespmem:$0x13880];
	v2 =	vshll.u32 v2, $0x1  }
0xb0: {  	v8 =	vld [tilespmem:$0x138A0];
	v3 =	vshll.u32 v3, $0x1;
	v2 =	vor.u32 v0, v2  }
0xb1: {  	v3 =	vor.u32 v0, v3;
	v4 =	vshll.u32 v4, $0x1;
	[tilespmem:$0x139E0] =	vst v2;
	v2 =	vld [tilespmem:$0x138F0]  }
0xb2: {  	[tilespmem:$0x139B0] =	vst v3;
	v3 =	vshll.u32 v5, $0x1  }
0xb3: {  	v4 =	vor.u32 v0, v4;
	v5 =	vshll.u32 v6, $0x1;
	v3 =	vor.u32 v0, v3  }
0xb4: {  	v6 =	vshll.u32 v7, $0x1;
	v5 =	vor.u32 v0, v5;
	[tilespmem:$0x139C0] =	vst v3  }
0xb5: {  	v3 =	vor.u32 v0, v6;
	v6 =	vshll.u32 v8, $0x1;
	[tilespmem:$0x139D0] =	vst v4  }
0xb6: {  	[tilespmem:$0x13980] =	vst v3;
	v3 =	vor.u32 v0, v6;
	v2 =	vshll.u32 v2, $0x1  }
0xb7: {  	[tilespmem:$0x139A0] =	vst v3;
	v2 =	vor.u32 v0, v2  }
0xb8: {  	[tilespmem:$0x139F0] =	vst v2  }
0xb9: {  	[tilespmem:$0x13990] =	vst v5  }
0xba: {  	[tilespmem:s18], [sflag:$0x1] =	stream.indirect.gather [hbm4b:s4+s22], $0x80, s23, s22, $0xb8;
	[tilespmem:$0x1FD00] =	vst v63  }
0xbb: {  	s13 =	sadd.s32 $0x10, s11  }
0xbc: {  	[tilespmem:s24], [sflag:$0x4] =	stream.linear.gather [hbm4b:s13+s3], $0x80, $0x38;
	[tilespmem:$0x1FD00] =	vst v63  }
0xbd: {  	_ =	swait.ge [sflag:s19], $0x80  }
0xbe: {  	[sflag:s19] =	ssyncset.done $0x0  }
0xbf: {  	s13 =	sadd.s32 $0x10, s12;
	[sflag:s19] =	ssyncadd.s32 $0xFFFFFF80  }
0xc0: {  	[tilespmem:s25], [sflag:$0x4] =	stream.linear.gather [hbm4b:s13+s3], $0x80, $0x38;
	[tilespmem:$0x1FD00] =	vst v63  }
0xc1: {  	_ =	swait.ge [sflag:s19], $0x80  }
0xc2: {  	[sflag:s19] =	ssyncset.done $0x0  }
0xc3: {  	[sflag:s19] =	ssyncadd.s32 $0xFFFFFF80  }
0xc4: {  	v2 =	vld [tilespmem:$0x17A00]  }
0xc5: {  	v3 =	vld [tilespmem:$0x17A50]  }
0xc6: {  	v4 =	vld [tilespmem:$0x17A20]  }
0xc7: {  	v5 =	vld [tilespmem:$0x17A30]  }
0xc8: {  	v6 =	vld [tilespmem:$0x17A10]  }
0xc9: {  	v2 =	vshll.u32 v2, $0x1;
	v7 =	vld [tilespmem:$0x17A40]  }
0xca: {  	v2 =	vor.u32 v0, v2;
	v3 =	vshll.u32 v3, $0x1;
	v8 =	vld [tilespmem:$0x17A70]  }
0xcb: {  	[tilespmem:$0x17B00] =	vst v2;
	v2 =	vshll.u32 v4, $0x1;
	v3 =	vor.u32 v0, v3;
	v4 =	vld [tilespmem:$0x17A60]  }
0xcc: {  	v2 =	vor.u32 v0, v2;
	v5 =	vshll.u32 v5, $0x1;
	[tilespmem:$0x17B50] =	vst v3  }
0xcd: {  	v3 =	vshll.u32 v6, $0x1;
	[tilespmem:$0x17B20] =	vst v2;
	v2 =	vor.u32 v0, v5  }
0xce: {  	v3 =	vor.u32 v0, v3;
	[tilespmem:$0x17B30] =	vst v2;
	v2 =	vshll.u32 v7, $0x1  }
0xcf: {  	[tilespmem:$0x17B10] =	vst v3;
	v2 =	vor.u32 v0, v2;
	v3 =	vshll.u32 v8, $0x1  }
0xd0: {  	[tilespmem:$0x17B40] =	vst v2;
	v2 =	vshll.u32 v4, $0x1;
	v3 =	vor.u32 v0, v3  }
0xd1: {  	v2 =	vor.u32 v0, v2;
	[tilespmem:$0x17B70] =	vst v3  }
0xd2: {  	[tilespmem:$0x17B60] =	vst v2  }
0xd3: {  	[tilespmem:s28], [sflag:$0x2] =	stream.indirect.gather [hbm4b:s4+s22], $0x80, s26, s22, $0xb8;
	[tilespmem:$0x1FD00] =	vst v63  }
0xd4: {  	s11 =	sadd.s32 $0x20, s11  }
0xd5: {  	[tilespmem:s29], [sflag:$0x4] =	stream.linear.gather [hbm4b:s11+s3], $0x80, $0x38;
	[tilespmem:$0x1FD00] =	vst v63  }
0xd6: {  	_ =	swait.ge [sflag:s19], $0x80  }
0xd7: {  	[sflag:s19] =	ssyncset.done $0x0  }
0xd8: {  	s11 =	sadd.s32 $0x20, s12;
	[sflag:s19] =	ssyncadd.s32 $0xFFFFFF80  }
0xd9: {  	[tilespmem:s30], [sflag:$0x4] =	stream.linear.gather [hbm4b:s11+s3], $0x80, $0x38;
	[tilespmem:$0x1FD00] =	vst v63  }
0xda: {  	_ =	swait.ge [sflag:s19], $0x80  }
0xdb: {  	[sflag:s19] =	ssyncset.done $0x0  }
0xdc: {  	[sflag:s19] =	ssyncadd.s32 $0xFFFFFF80  }
0xdd: {  	v2 =	vld [tilespmem:$0x1BB80]  }
0xde: {  	v3 =	vld [tilespmem:$0x1BB90]  }
0xdf: {  	v4 =	vld [tilespmem:$0x1BBA0]  }
0xe0: {  	v5 =	vld [tilespmem:$0x1BBB0]  }
0xe1: {  	v6 =	vld [tilespmem:$0x1BBC0]  }
0xe2: {  	v2 =	vshll.u32 v2, $0x1;
	v7 =	vld [tilespmem:$0x1BBD0]  }
0xe3: {  	v2 =	vor.u32 v0, v2;
	v3 =	vshll.u32 v3, $0x1;
	v8 =	vld [tilespmem:$0x1BBE0]  }
0xe4: {  	[tilespmem:$0x1BC80] =	vst v2;
	v2 =	vor.u32 v0, v3;
	v3 =	vshll.u32 v4, $0x1;
	v4 =	vld [tilespmem:$0x1BBF0]  }
.Ltmp1:
0xe5: {  	[tilespmem:$0x1BC90] =	vst v2;
	v2 =	vor.u32 v0, v3;
	v3 =	vshll.u32 v5, $0x1;
	(pc) =	sbr.rel @p2 .LBB2_4-.Ltmp1, $4  }
0xe6: {  	[tilespmem:$0x1BCA0] =	vst v2;
	v2 =	vor.u32 v0, v3;
	v3 =	vshll.u32 v6, $0x1  }
0xe7: {  	[tilespmem:$0x1BCB0] =	vst v2;
	v2 =	vor.u32 v0, v3;
	v3 =	vshll.u32 v7, $0x1  }
0xe8: {  	[tilespmem:$0x1BCC0] =	vst v2;
	v2 =	vor.u32 v0, v3;
	v3 =	vshll.u32 v8, $0x1  }
0xe9: {  	[tilespmem:$0x1BCD0] =	vst v2;
	v2 =	vor.u32 v0, v3;
	v3 =	vshll.u32 v4, $0x1  }
0xea: {  	[tilespmem:$0x1BCE0] =	vst v2;
	v2 =	vor.u32 v0, v3  }
0xeb: {  	[tilespmem:$0x1BCF0] =	vst v2  }
0xec: {  	[tilespmem:s0], [sflag:$0x3] =	stream.indirect.gather [hbm4b:s4+s22], $0x80, s31, s22, $0xb8;
	[tilespmem:$0x1FD00] =	vst v63  }
0xed: {  	_ =	swait.ge [sflag:s1], $0x4000  }
0xee: {  	[sflag:s1] =	ssyncset.done $0x0  }
0xef: {  	[sflag:s1] =	ssyncadd.s32 $0xFFFFC000  }
0xf0: {  	[spmem:s2] =	stream.indirect.scatter.add.f32 [tilespmem:s18], [sflag:$0x4], $0x80, s21, s22, $0xb8;
	[tilespmem:$0x1FD00] =	vst v63  }
0xf1: {  	_ =	swait.ge [sflag:s19], $0x4000  }
0xf2: {  	[sflag:s19] =	ssyncset.done $0x0  }
0xf3: {  	[sflag:s19] =	ssyncadd.s32 $0xFFFFC000  }
0xf4: {  	_ =	swait.ge [sflag:s6], $0x4000  }
0xf5: {  	[sflag:s6] =	ssyncset.done $0x0  }
0xf6: {  	[sflag:s6] =	ssyncadd.s32 $0xFFFFC000  }
0xf7: {  	[spmem:s2] =	stream.indirect.scatter.add.f32 [tilespmem:s28], [sflag:$0x4], $0x80, s25, s22, $0xb8;
	[tilespmem:$0x1FD00] =	vst v63  }
0xf8: {  	_ =	swait.ge [sflag:s19], $0x4000  }
0xf9: {  	[sflag:s19] =	ssyncset.done $0x0  }
0xfa: {  	[sflag:s19] =	ssyncadd.s32 $0xFFFFC000  }
0xfb: {  	_ =	swait.ge [sflag:s7], $0x4000  }
0xfc: {  	[sflag:s7] =	ssyncset.done $0x0  }
0xfd: {  	[sflag:s7] =	ssyncadd.s32 $0xFFFFC000  }
0xfe: {  	[spmem:s2] =	stream.indirect.scatter.add.f32 [tilespmem:s0], [sflag:$0x4], $0x80, s30, s22, $0xb8;
	[tilespmem:$0x1FD00] =	vst v63  }
0xff: {  	_ =	swait.ge [sflag:s19], $0x4000  }
0x100: {  	s9 =	simm.s32 @!p1 $0x0;
	[sflag:s19] =	ssyncset.done $0x0  }
0x101: {  	s11 =	simm.s32 @!p1 $0x13880;
	s12 =	rddreg [dreg:$0x7];
	[sflag:s19] =	ssyncadd.s32 $0xFFFFC000  }
0x102: {  	[tilespmem:s11], [sflag:$0x4] =	stream.linear.gather @!p1 [hbm4b:s12+s9], $0x80, $0x38;
	[tilespmem:$0x1FD00] =	vst v63  }
0x103: {  	s11 =	simm.s32 @!p1 $0x4  }
0x104: {  	_ =	swait.ge @!p1 [sflag:s11], $0x80  }
0x105: {  	[sflag:s11] =	ssyncset.done @!p1 $0x0  }
0x106: {  	s12 =	simm.s32 @!p1 $0x13900;
	s13 =	rddreg [dreg:$0x8];
	[sflag:s11] =	ssyncadd.s32 @!p1 $0xFFFFFF80  }
0x107: {  	[tilespmem:s12], [sflag:$0x4] =	stream.linear.gather @!p1 [hbm4b:s13+s9], $0x80, $0x38;
	[tilespmem:$0x1FD00] =	vst v63  }
0x108: {  	_ =	swait.ge @!p1 [sflag:s11], $0x80  }
0x109: {  	[sflag:s11] =	ssyncset.done @!p1 $0x0  }
0x10a: {  	[sflag:s11] =	ssyncadd.s32 @!p1 $0xFFFFFF80  }
0x10b: {  	v2 =	vld @!p1 [tilespmem:$0x13880]  }
0x10c: {  	v3 =	vld @!p1 [tilespmem:$0x13890]  }
0x10d: {  	v4 =	vld @!p1 [tilespmem:$0x138A0]  }
0x10e: {  	v5 =	vld @!p1 [tilespmem:$0x138B0]  }
0x10f: {  	v6 =	vld @!p1 [tilespmem:$0x138C0]  }
0x110: {  	v7 =	vld @!p1 [tilespmem:$0x138D0];
	v2 =	vshll.u32 @!p1 v2, $0x1  }
0x111: {  	v8 =	vld @!p1 [tilespmem:$0x138E0];
	v3 =	vshll.u32 @!p1 v3, $0x1;
	v2 =	vor.u32 @!p1 v0, v2  }
0x112: {  	[tilespmem:$0x13980] =	vst @!p1 v2;
	v2 =	vor.u32 @!p1 v0, v3;
	v3 =	vshll.u32 @!p1 v4, $0x1;
	v4 =	vld @!p1 [tilespmem:$0x138F0]  }
0x113: {  	[tilespmem:$0x13990] =	vst @!p1 v2;
	v2 =	vor.u32 @!p1 v0, v3;
	v3 =	vshll.u32 @!p1 v5, $0x1  }
0x114: {  	[tilespmem:$0x139A0] =	vst @!p1 v2;
	v2 =	vor.u32 @!p1 v0, v3;
	v3 =	vshll.u32 @!p1 v6, $0x1  }
0x115: {  	[tilespmem:$0x139B0] =	vst @!p1 v2;
	v2 =	vor.u32 @!p1 v0, v3;
	v3 =	vshll.u32 @!p1 v7, $0x1  }
0x116: {  	[tilespmem:$0x139C0] =	vst @!p1 v2;
	v2 =	vor.u32 @!p1 v0, v3;
	v3 =	vshll.u32 @!p1 v8, $0x1  }
0x117: {  	[tilespmem:$0x139D0] =	vst @!p1 v2;
	v2 =	vor.u32 @!p1 v0, v3;
	v3 =	vshll.u32 @!p1 v4, $0x1  }
0x118: {  	[tilespmem:$0x139E0] =	vst @!p1 v2;
	v2 =	vor.u32 @!p1 v0, v3  }
0x119: {  	s14 =	simm.s32 @!p1 $0x13A00;
	s9 =	simm.s32 @!p1 $0x80;
	s13 =	simm.s32 @!p1 $0x13980;
	[tilespmem:$0x139F0] =	vst @!p1 v2  }
0x11a: {  	[tilespmem:s14], [sflag:$0x1] =	stream.indirect.gather @!p1 [hbm4b:s4+s9], $0x80, s13, s9, $0xb8;
	[tilespmem:$0x1FD00] =	vst v63  }
0x11b: {  	s13 =	simm.s32 @!p1 $0x1  }
0x11c: {  	_ =	swait.ge @!p1 [sflag:s13], $0x4000  }
0x11d: {  	[sflag:s13] =	ssyncset.done @!p1 $0x0  }
0x11e: {  	[sflag:s13] =	ssyncadd.s32 @!p1 $0xFFFFC000  }
0x11f: {  	[spmem:s2] =	stream.indirect.scatter.add.f32 @!p1 [tilespmem:s14], [sflag:$0x4], $0x80, s12, s9, $0xb8;
	[tilespmem:$0x1FD00] =	vst v63  }
0x120: {  	_ =	swait.ge @!p1 [sflag:s11], $0x4000  }
0x121: {  	[sflag:s11] =	ssyncset.done @!p1 $0x0  }
0x122: {  	s12 =	stileid.u32;
	[sflag:s11] =	ssyncadd.s32 @!p1 $0xFFFFC000  }
0x123: {  	s9 =	sshll.u32 s12, $0x6;
	[bflag:$0x0] =	sbarrier.arrive $0xFFFF  }
0x124: {  	s13 =	sshrl.u32 s5, $0x3;
	s9 =	sor.u32 $0x1C04, s9;
	s14 =	rddreg [dreg:$0x9]  }
0x125: {  	[hbm:s14], [sflag:s9] =	dma.local [spmem:s13], $0x2700  }
0x126: {  	s8 =	sadd.s32 $0x1, s8;
	_ =	swait.ge [sflag:s19], $0x2700  }
0x127: {  	p2 =	sne.s32 s8, s15;
	[sflag:s19] =	ssyncset.done $0x0  }
0x128: {  	s11 =	sshrl.u32 @!p0 s10, $0x3;
	s12 =	rddreg [dreg:$0xa];
	[sflag:s19] =	ssyncadd.s32 $0xFFFFD900  }
0x129: {  	[hbm:s12], [sflag:s9] =	dma.local @!p0 [spmem:s11], $0x100  }
.Ltmp2:
0x12a: {  	_ = 	snop;
	(pc) =	sbr.rel @p2 .LBB2_1-.Ltmp2, $4  }
0x12b: {  	s9 =	simm.s32 @!p0 $0x4  }
0x12c: {  	_ =	swait.ge @!p0 [sflag:s9], $0x100  }
0x12d: {  	[sflag:s9] =	ssyncset.done @!p0 $0x0  }
0x12e: {  	[sflag:s9] =	ssyncadd.s32 @!p0 $0xFFFFFF00  }
0x12f: {  	_ =	sfence.sel $0x180000  }
0x130: {  	[bflag:$0x0] =	sbarrier.arrive $0xFFFF  }
0x131: {  	_ =	strace $0x90000050  }
0x132: {  	s0 =	stileid.u32;
	[bflag:$0x2] =	sbarrier.arrive $0xFFFF  }
0x133: {  	p0 =	sne.s32 s0, $0x0;
	s0 =	rddreg [dreg:$0x2]  }
0x134: {  	s0 =	sadd.s32 @!p0 $0x100000, s0  }
0x135: {  	[sflag:s0] =	ssyncadd.tile.s32 @!p0 $0x1;
	_ =	shalt  }
.Lfunc_end2:
_tile_overlayer_lowered:
.L_overlay_start_2:
0x136: {  	(tag) =	ssettag $0x2  }
0x137: {  	s0 =	rddreg [dreg:$0x0];
	s2 =	stileid.u32  }
0x138: {  	s1 =	rddreg [dreg:$0x1];
	p0 =	sne.s32 s2, $0x0  }
0x139: {  	s3 =	rddreg [dreg:$0x2];
	[bflag:$0x3] =	sbarrier.arrive $0xFFFF;
	s2 =	simm.s32 @!p0 $0x1C04  }
0x13a: {  	[timem:s3], [sflag:s2] =	dma.local @!p0 [hbm:s0], s1  }
0x13b: {  	s0 =	simm.s32 @!p0 $0x4  }
0x13c: {  	_ =	swait.ge @!p0 [sflag:s0], s1  }
0x13d: {  	s1 =	ssub.s32 @!p0 $0x0, s1;
	[sflag:s0] =	ssyncset.done @!p0 $0x0  }
0x13e: {  	[sflag:s0] =	ssyncadd.s32 @!p0 s1  }
0x13f: {  	[bflag:$0x3] =	sbarrier.arrive $0xFFFF  }
0x140: {  	_ =	shalt  }

</sc_bundles>
